<compile_context>
chip_gen: v7x
topology: tpu7x:2x2x1
jax: 0.10.2.dev20260603
libtpu: 0.0.44.dev20260713+nightly
codegen_flags: <defaults>
</compile_context>

<pallas_src>
import jax
import jax.numpy as jnp
from jax import lax
from jax.experimental import pallas as pl
from jax.experimental.pallas import tpu as pltpu
from jax.experimental.pallas import tpu_sc as plsc

N = 10000
E = 320000
EREAL = E + N
D_IN = 128
HID = 32
NH1 = 4
OUT = 64
NEG = 0.2

NC = 2
NS = 16
NW = NC * NS
C = 112
NCHUNK = 94
PERW = C * NCHUNK
EPAD = NW * PERW
ESZ = EPAD + 2 * C
NPAD = 10240
ROWS = NPAD // NS
SB = 80


TDW = 16


def _make_edge_kernel(H, D, HP, TW):
    HD = H * D
    LOG_HP = HP.bit_length() - 1
    J = HD // 16
    DJ = D // 16
    mesh = plsc.VectorSubcoreMesh(core_axis_name="c", subcore_axis_name="s")

    assert TW % 16 == 0 and TW >= HD + HP
    zcols = list(range(0, TW - 15, 16))

    def body(src_hbm, dst_hbm, t_hbm, td_hbm, acc_hbm,
             src0, src1, dst0, dst1, buf0, buf1, tdv0, tdv1, acc_sp,
             gsem0, gsem1):
        srcs = [src0, src1]
        dsts = [dst0, dst1]
        bufs = [buf0, buf1]
        tdvs = [tdv0, tdv1]
        gsems = [gsem0, gsem1]
        c = lax.axis_index("c")
        s = lax.axis_index("s")
        wid = c * NS + s
        r0 = s * ROWS
        zero16 = jnp.zeros((16,), jnp.float32)

        def zrow(e, carry):
            for col in zcols:
                buf0[e, pl.ds(col, 16)] = zero16
            return carry

        lax.fori_loop(0, SB, zrow, 0)
        for blk in range(ROWS // SB):
            pltpu.sync_copy(buf0.at[pl.ds(0, SB)],
                            acc_sp.at[pl.ds(r0 + blk * SB, SB)])
        plsc.subcore_barrier()
        base0 = wid * PERW
        iota = lax.iota(jnp.int32, 16)

        def lin(k, b):
            base = base0 + k * C
            pltpu.sync_copy(src_hbm.at[pl.ds(base, C)], srcs[b])
            pltpu.sync_copy(dst_hbm.at[pl.ds(base, C)], dsts[b])

        def gat_start(b):
            pltpu.async_copy(t_hbm.at[srcs[b]], bufs[b], gsems[b])
            pltpu.async_copy(td_hbm.at[dsts[b]], tdvs[b], gsems[b])

        def gat_wait(b):
            pltpu.make_async_copy(t_hbm.at[srcs[b]], bufs[b], gsems[b]).wait()
            pltpu.make_async_copy(td_hbm.at[dsts[b]], tdvs[b],
                                  gsems[b]).wait()

        def compute(k, b):
            base = base0 + k * C
            buf_v = bufs[b]
            td_v = tdvs[b]
            dst_v = dsts[b]

            def wbody(i, carry2):
                p = i * 16 + iota
                r = p >> LOG_HP
                q = p & (HP - 1)
                a_s = plsc.load_gather(buf_v, [r, HD + q])
                a_d = plsc.load_gather(td_v, [r, q])
                off = plsc.load_gather(td_v, [r, HP + q])
                z = a_s + a_d
                z = jnp.where(z > 0.0, z, NEG * z)
                w = jnp.exp(z - off)
                valid = (q < H) & ((base + r) < EREAL)
                w = jnp.where(valid, w, 0.0)
                plsc.store_scatter(buf_v, [r, HD + q], w)
                return carry2

            lax.fori_loop(0, C * HP // 16, wbody, 0, unroll=2)

            def ebody(e, carry2):
                e16 = jnp.full((16,), e, jnp.int32)
                wv = [plsc.load_gather(
                          buf_v, [e16, jnp.full((16,), HD + h, jnp.int32)])
                      for h in range(H)]
                for j in range(J):
                    sl = pl.ds(j * 16, 16)
                    buf_v[e, sl] = buf_v[e, sl] * wv[j // DJ]
                return carry2

            lax.fori_loop(0, C, ebody, 0, unroll=4)

        def scat(b):
            pltpu.sync_copy(bufs[b], acc_sp.at[dsts[b]], add=True)

        lin(0, 0)
        gat_start(0)
        lin(1, 1)

        def pair(kk, carry):
            a = 2 * kk
            gat_start(1)
            gat_wait(0)
            compute(a, 0)
            scat(0)
            lin(a + 2, 0)
            gat_start(0)
            gat_wait(1)
            compute(a + 1, 1)
            scat(1)
            lin(a + 3, 1)
            return carry

        lax.fori_loop(0, NCHUNK // 2, pair, 0)
        gat_wait(0)
        plsc.subcore_barrier()
        for blk in range(ROWS // SB):
            pltpu.sync_copy(acc_sp.at[pl.ds(r0 + blk * SB, SB)],
                            buf0.at[pl.ds(0, SB)])
            pltpu.sync_copy(buf0.at[pl.ds(0, SB)],
                            acc_hbm.at[c, pl.ds(r0 + blk * SB, SB)])

    return pl.kernel(
        body,
        mesh=mesh,
        compiler_params=pltpu.CompilerParams(
            use_tc_tiling_on_sc=False, needs_layout_passes=False),
        out_type=jax.ShapeDtypeStruct((NC, NPAD, TW), jnp.float32),
        scratch_types=[
            pltpu.VMEM((C,), jnp.int32),
            pltpu.VMEM((C,), jnp.int32),
            pltpu.VMEM((C,), jnp.int32),
            pltpu.VMEM((C,), jnp.int32),
            pltpu.VMEM((C, TW), jnp.float32),
            pltpu.VMEM((C, TW), jnp.float32),
            pltpu.VMEM((C, TDW), jnp.float32),
            pltpu.VMEM((C, TDW), jnp.float32),
            pltpu.VMEM_SHARED((NPAD, TW), jnp.float32),
            pltpu.SemaphoreType.DMA,
            pltpu.SemaphoreType.DMA,
        ],
    )


_edge1 = _make_edge_kernel(NH1, HID, 4, 144)
_edge2 = _make_edge_kernel(1, OUT, 2, 80)


BLK = 1280
NBLK = NPAD // BLK


def _prep_a_body(x_ref, w1_ref, asrc_ref, adst_ref, h_ref, as_ref, ad_ref,
                 m_ref):
    i = pl.program_id(0)
    h = jnp.dot(x_ref[...], w1_ref[...], preferred_element_type=jnp.float32)
    a_s = jnp.dot(h, asrc_ref[...], preferred_element_type=jnp.float32)
    a_d = jnp.dot(h, adst_ref[...], preferred_element_type=jnp.float32)
    h_ref[...] = h
    as_ref[...] = a_s
    ad_ref[...] = a_d
    bm = jnp.max(a_s, axis=0, keepdims=True)

    @pl.when(i == 0)
    def _():
        m_ref[...] = bm

    @pl.when(i > 0)
    def _():
        m_ref[...] = jnp.maximum(m_ref[...], bm)


def _make_prep_a(hw, nh):
    return pl.pallas_call(
        _prep_a_body,
        grid=(NBLK,),
        in_specs=[pl.BlockSpec((BLK, hw), lambda i: (i, 0)),
                  pl.BlockSpec((hw, hw), lambda i: (0, 0)),
                  pl.BlockSpec((hw, nh), lambda i: (0, 0)),
                  pl.BlockSpec((hw, nh), lambda i: (0, 0))],
        out_specs=(pl.BlockSpec((BLK, hw), lambda i: (i, 0)),
                   pl.BlockSpec((BLK, nh), lambda i: (i, 0)),
                   pl.BlockSpec((BLK, nh), lambda i: (i, 0)),
                   pl.BlockSpec((1, nh), lambda i: (0, 0))),
        out_shape=(jax.ShapeDtypeStruct((NPAD, hw), jnp.float32),
                   jax.ShapeDtypeStruct((NPAD, nh), jnp.float32),
                   jax.ShapeDtypeStruct((NPAD, nh), jnp.float32),
                   jax.ShapeDtypeStruct((1, nh), jnp.float32)))


_prep_a1 = _make_prep_a(D_IN, NH1)


def _make_prep_b(hw, nh, hp, tw):
    pad_t = tw - hw - nh
    pad_mid = hp - nh
    pad_d = TDW - hp - nh

    def body(h_ref, as_ref, ad_ref, m_ref, t_ref, td_ref):
        a_d = ad_ref[...]
        zz = m_ref[...] + a_d
        off = jnp.where(zz > 0.0, zz, NEG * zz)
        zp = jnp.zeros((BLK, pad_t), jnp.float32)
        t_ref[...] = jnp.concatenate([h_ref[...], as_ref[...], zp], axis=1)
        zd = jnp.zeros((BLK, pad_d), jnp.float32)
        parts = ([a_d, off, zd] if pad_mid == 0 else
                 [a_d, jnp.zeros((BLK, pad_mid), jnp.float32), off, zd])
        td_ref[...] = jnp.concatenate(parts, axis=1)

    return pl.pallas_call(
        body,
        grid=(NBLK,),
        in_specs=[pl.BlockSpec((BLK, hw), lambda i: (i, 0)),
                  pl.BlockSpec((BLK, nh), lambda i: (i, 0)),
                  pl.BlockSpec((BLK, nh), lambda i: (i, 0)),
                  pl.BlockSpec((1, nh), lambda i: (0, 0))],
        out_specs=(pl.BlockSpec((BLK, tw), lambda i: (i, 0)),
                   pl.BlockSpec((BLK, TDW), lambda i: (i, 0))),
        out_shape=(jax.ShapeDtypeStruct((NPAD, tw), jnp.float32),
                   jax.ShapeDtypeStruct((NPAD, TDW), jnp.float32)))


_prep_b1 = _make_prep_b(D_IN, NH1, 4, 144)
_prep_b2 = _make_prep_b(OUT, 1, 2, 80)


def _mid_a_body(ad_ref, b1_ref, e1_ref, w2_ref, asrc_ref, adst_ref,
                h2_ref, as_ref, adst_out_ref, m_ref):
    i = pl.program_id(0)
    acc = ad_ref[0, :, :128] + ad_ref[1, :, :128]
    den = ad_ref[0, :, 128:132] + ad_ref[1, :, 128:132] + 1e-16
    dexp = jnp.dot(den, e1_ref[...], preferred_element_type=jnp.float32)
    hh = acc / dexp + b1_ref[...]
    hh = jnp.where(hh > 0.0, hh, jnp.exp(hh) - 1.0)
    h2 = jnp.dot(hh, w2_ref[...], preferred_element_type=jnp.float32)
    a_s = jnp.dot(h2, asrc_ref[...], preferred_element_type=jnp.float32)
    a_d = jnp.dot(h2, adst_ref[...], preferred_element_type=jnp.float32)
    h2_ref[...] = h2
    as_ref[...] = a_s
    adst_out_ref[...] = a_d
    bm = jnp.max(a_s, axis=0, keepdims=True)

    @pl.when(i == 0)
    def _():
        m_ref[...] = bm

    @pl.when(i > 0)
    def _():
        m_ref[...] = jnp.maximum(m_ref[...], bm)


_mid_a = pl.pallas_call(
    _mid_a_body,
    grid=(NBLK,),
    in_specs=[pl.BlockSpec((2, BLK, 144), lambda i: (0, i, 0)),
              pl.BlockSpec((1, 128), lambda i: (0, 0)),
              pl.BlockSpec((NH1, 128), lambda i: (0, 0)),
              pl.BlockSpec((128, OUT), lambda i: (0, 0)),
              pl.BlockSpec((OUT, 1), lambda i: (0, 0)),
              pl.BlockSpec((OUT, 1), lambda i: (0, 0))],
    out_specs=(pl.BlockSpec((BLK, OUT), lambda i: (i, 0)),
               pl.BlockSpec((BLK, 1), lambda i: (i, 0)),
               pl.BlockSpec((BLK, 1), lambda i: (i, 0)),
               pl.BlockSpec((1, 1), lambda i: (0, 0))),
    out_shape=(jax.ShapeDtypeStruct((NPAD, OUT), jnp.float32),
               jax.ShapeDtypeStruct((NPAD, 1), jnp.float32),
               jax.ShapeDtypeStruct((NPAD, 1), jnp.float32),
               jax.ShapeDtypeStruct((1, 1), jnp.float32)))


FBLK = 2000


def _final_body(ad_ref, b2_ref, o_ref):
    acc = ad_ref[0, :, :OUT] + ad_ref[1, :, :OUT]
    den = ad_ref[0, :, OUT:OUT + 1] + ad_ref[1, :, OUT:OUT + 1] + 1e-16
    o_ref[...] = acc / den + b2_ref[...]


_final = pl.pallas_call(
    _final_body,
    grid=(N // FBLK,),
    in_specs=[pl.BlockSpec((2, FBLK, 80), lambda i: (0, i, 0)),
              pl.BlockSpec((1, OUT), lambda i: (0, 0))],
    out_specs=pl.BlockSpec((FBLK, OUT), lambda i: (i, 0)),
    out_shape=jax.ShapeDtypeStruct((N, OUT), jnp.float32))


def kernel(x, g, W1, a_src1, a_dst1, b1, W2, a_src2, a_dst2, b2):
    loops = jnp.arange(N, dtype=g.dtype)
    zpad = jnp.zeros((ESZ - EREAL,), g.dtype)
    src = jnp.concatenate([g[0], loops, zpad])
    dst = jnp.concatenate([g[1], loops, zpad])
    e1 = jnp.repeat(jnp.eye(NH1, dtype=jnp.float32), HID, axis=1)
    a1s = a_src1.reshape(D_IN)[:, None] * e1.T
    a1d = a_dst1.reshape(D_IN)[:, None] * e1.T
    a2s = a_src2.reshape(OUT, 1)
    a2d = a_dst2.reshape(OUT, 1)
    xp = jnp.concatenate([x, jnp.zeros((NPAD - N, D_IN), x.dtype)])
    h1, as1, ad1n, m1 = _prep_a1(xp, W1, a1s, a1d)
    t1, td1 = _prep_b1(h1, as1, ad1n, m1)
    acc1 = _edge1(src, dst, t1, td1)
    h2, as2, ad2n, m2 = _mid_a(acc1, b1[None, :], e1, W2, a2s, a2d)
    t2, td2 = _prep_b2(h2, as2, ad2n, m2)
    acc2 = _edge2(src, dst, t2, td2)
    return _final(acc2, b2[None, :])

# --- scband reference (transcript-rebuilt; emitter-appended) ---
"""Pipeline reference for scband-gat-14491219657202 (READ-ONLY COPY).

The authoritative reference and input builder live on the scoring server;
editing this copy changes nothing except your own understanding.
"""

import jax, jax.numpy as jnp
import numpy as np

N = 10000
E = 320000
D_IN = 128
HID = 32
H1 = 4
OUT = 64
H2 = 1
NEG_SLOPE = 0.2


def _gat_conv(x, edge_index, W, att_src, att_dst, bias, heads, out_ch, concat):
    n = x.shape[0]
    loops = jnp.arange(n, dtype=edge_index.dtype)
    ei = jnp.concatenate([edge_index, jnp.stack([loops, loops])], axis=1)
    src, dst = ei[0], ei[1]
    h = (x @ W).reshape(n, heads, out_ch)
    a_src = jnp.sum(h * att_src, axis=-1)  # [n, H]
    a_dst = jnp.sum(h * att_dst, axis=-1)  # [n, H]
    alpha = a_src[src] + a_dst[dst]  # [E', H]
    alpha = jax.nn.leaky_relu(alpha, NEG_SLOPE)
    amax = jax.ops.segment_max(alpha, dst, num_segments=n)
    amax = jnp.where(jnp.isfinite(amax), amax, 0.0)
    alpha = jnp.exp(alpha - amax[dst])
    denom = jax.ops.segment_sum(alpha, dst, num_segments=n)
    alpha = alpha / (denom[dst] + 1e-16)
    msg = h[src] * alpha[:, :, None]
    out = jax.ops.segment_sum(msg, dst, num_segments=n)
    if concat:
        out = out.reshape(n, heads * out_ch)
    else:
        out = out.mean(axis=1)
    return out + bias


def setup_inputs(seed: int = 0):
    key = jax.random.key(seed)
    ks = jax.random.split(key, 10)
    x = jax.random.normal(ks[0], (N, D_IN), dtype=jnp.float32)
    g = jax.random.randint(ks[1], (2, E), 0, N, dtype=jnp.int32)
    s1 = 1.0 / np.sqrt(D_IN)
    s2 = 1.0 / np.sqrt(H1 * HID)
    W1 = jax.random.normal(ks[2], (D_IN, H1 * HID), dtype=jnp.float32) * s1
    a_src1 = jax.random.normal(ks[3], (1, H1, HID), dtype=jnp.float32) * (1.0 / np.sqrt(HID))
    a_dst1 = jax.random.normal(ks[4], (1, H1, HID), dtype=jnp.float32) * (1.0 / np.sqrt(HID))
    b1 = jnp.zeros((H1 * HID,), dtype=jnp.float32)
    W2 = jax.random.normal(ks[5], (H1 * HID, H2 * OUT), dtype=jnp.float32) * s2
    a_src2 = jax.random.normal(ks[6], (1, H2, OUT), dtype=jnp.float32) * (1.0 / np.sqrt(OUT))
    a_dst2 = jax.random.normal(ks[7], (1, H2, OUT), dtype=jnp.float32) * (1.0 / np.sqrt(OUT))
    b2 = jnp.zeros((OUT,), dtype=jnp.float32)
    return {"x": x, "g": g, "W1": W1, "a_src1": a_src1, "a_dst1": a_dst1, "b1": b1,
            "W2": W2, "a_src2": a_src2, "a_dst2": a_dst2, "b2": b2}


def reference(x, g, W1, a_src1, a_dst1, b1, W2, a_src2, a_dst2, b2):
    # eval mode: dropout layers are identity
    h = _gat_conv(x, g, W1, a_src1, a_dst1, b1, H1, HID, True)
    h = jax.nn.elu(h)
    out = _gat_conv(h, g, W2, a_src2, a_dst2, b2, H2, OUT, False)
    return out

if __name__ == "__main__":
    import jax
    _d = setup_inputs()
    print(jax.jit(kernel)(*tuple(_d.values())))

</pallas_src>

<mosaic_0001>
#map = affine_map<(d0, d1) -> (0)>
#map1 = affine_map<(d0, d1) -> (0, 0)>
#map2 = affine_map<(d0, d1) -> (0, 0, 0)>
module attributes {stable_mosaic.version = 14 : i64} {
  func.func @body(%arg0: i32, %arg1: i32, %arg2: memref<337120xi32, #tpu.memory_space<hbm>>, %arg3: memref<337120xi32, #tpu.memory_space<hbm>>, %arg4: memref<10240x144xf32, #tpu.memory_space<hbm>>, %arg5: memref<10240x16xf32, #tpu.memory_space<hbm>>, %arg6: memref<2x10240x144xf32, #tpu.memory_space<hbm>>, %arg7: memref<112xi32, #tpu.memory_space<vmem>>, %arg8: memref<112xi32, #tpu.memory_space<vmem>>, %arg9: memref<112xi32, #tpu.memory_space<vmem>>, %arg10: memref<112xi32, #tpu.memory_space<vmem>>, %arg11: memref<112x144xf32, #tpu.memory_space<vmem>>, %arg12: memref<112x144xf32, #tpu.memory_space<vmem>>, %arg13: memref<112x16xf32, #tpu.memory_space<vmem>>, %arg14: memref<112x16xf32, #tpu.memory_space<vmem>>, %arg15: memref<10240x144xf32, #tpu.memory_space<vmem_shared>>, %arg16: memref<!tpu.dma_semaphore, #tpu.memory_space<semaphore_mem>>, %arg17: memref<!tpu.dma_semaphore, #tpu.memory_space<semaphore_mem>>) attributes {dimension_semantics = [#tpu.dimension_semantics<core_parallel>, #tpu.dimension_semantics<subcore_parallel>], iteration_bounds = array<i64: 2, 16>, scalar_prefetch = 0 : i64, scratch_operands = 11 : i64, tpu.core_type = #tpu.core_type<sc_vector_subcore>, window_params = [{transform_indices = #map}, {transform_indices = #map}, {transform_indices = #map1}, {transform_indices = #map1}, {transform_indices = #map2}]} {
    %mul3A = arith.constant 16 : i32
    %mul3A_0 = arith.muli %arg0, %mul3A : i32
    %add3A = arith.addi %mul3A_0, %arg1 : i32
    %mul3A_1 = arith.constant 640 : i32
    %mul3A_2 = arith.muli %arg1, %mul3A_1 : i32
    %broadcast_in_dim3A = arith.constant 0.000000e+00 : f32
    %broadcast_in_dim3A_3 = vector.broadcast %broadcast_in_dim3A : f32 to vector<16xf32>
    %scan3A = arith.constant 0 : i32
    %scan3A_4 = arith.constant 0 : i32
    %scan3A_5 = arith.constant 80 : i32
    %scan3A_6 = arith.addi %scan3A_4, %scan3A_5 : i32
    %scan3A_7 = arith.constant 1 : i32
    scf.for %scan3A_80 = %scan3A_4 to %scan3A_6 step %scan3A_7  : i32 {
      %swap3A = arith.index_cast %scan3A_80 : i32 to index
      %swap3A_81 = arith.constant 0 : index
      %swap3A_82 = tpu.vector_load %arg11[%swap3A, %swap3A_81] {strides = array<i32>} : memref<112x144xf32, #tpu.memory_space<vmem>>, vector<16xf32>,
      tpu.vector_store %arg11[%swap3A, %swap3A_81], %broadcast_in_dim3A_3 {strides = array<i32>} : memref<112x144xf32, #tpu.memory_space<vmem>>, vector<16xf32>,
      %swap3A_83 = arith.index_cast %scan3A_80 : i32 to index
      %swap3A_84 = arith.constant 16 : index
      %swap3A_85 = tpu.vector_load %arg11[%swap3A_83, %swap3A_84] {strides = array<i32>} : memref<112x144xf32, #tpu.memory_space<vmem>>, vector<16xf32>,
      tpu.vector_store %arg11[%swap3A_83, %swap3A_84], %broadcast_in_dim3A_3 {strides = array<i32>} : memref<112x144xf32, #tpu.memory_space<vmem>>, vector<16xf32>,
      %swap3A_86 = arith.index_cast %scan3A_80 : i32 to index
      %swap3A_87 = arith.constant 32 : index
      %swap3A_88 = tpu.vector_load %arg11[%swap3A_86, %swap3A_87] {strides = array<i32>} : memref<112x144xf32, #tpu.memory_space<vmem>>, vector<16xf32>,
      tpu.vector_store %arg11[%swap3A_86, %swap3A_87], %broadcast_in_dim3A_3 {strides = array<i32>} : memref<112x144xf32, #tpu.memory_space<vmem>>, vector<16xf32>,
      %swap3A_89 = arith.index_cast %scan3A_80 : i32 to index
      %swap3A_90 = arith.constant 48 : index
      %swap3A_91 = tpu.vector_load %arg11[%swap3A_89, %swap3A_90] {strides = array<i32>} : memref<112x144xf32, #tpu.memory_space<vmem>>, vector<16xf32>,
      tpu.vector_store %arg11[%swap3A_89, %swap3A_90], %broadcast_in_dim3A_3 {strides = array<i32>} : memref<112x144xf32, #tpu.memory_space<vmem>>, vector<16xf32>,
      %swap3A_92 = arith.index_cast %scan3A_80 : i32 to index
      %swap3A_93 = arith.constant 64 : index
      %swap3A_94 = tpu.vector_load %arg11[%swap3A_92, %swap3A_93] {strides = array<i32>} : memref<112x144xf32, #tpu.memory_space<vmem>>, vector<16xf32>,
      tpu.vector_store %arg11[%swap3A_92, %swap3A_93], %broadcast_in_dim3A_3 {strides = array<i32>} : memref<112x144xf32, #tpu.memory_space<vmem>>, vector<16xf32>,
      %swap3A_95 = arith.index_cast %scan3A_80 : i32 to index
      %swap3A_96 = arith.constant 80 : index
      %swap3A_97 = tpu.vector_load %arg11[%swap3A_95, %swap3A_96] {strides = array<i32>} : memref<112x144xf32, #tpu.memory_space<vmem>>, vector<16xf32>,
      tpu.vector_store %arg11[%swap3A_95, %swap3A_96], %broadcast_in_dim3A_3 {strides = array<i32>} : memref<112x144xf32, #tpu.memory_space<vmem>>, vector<16xf32>,
      %swap3A_98 = arith.index_cast %scan3A_80 : i32 to index
      %swap3A_99 = arith.constant 96 : index
      %swap3A_100 = tpu.vector_load %arg11[%swap3A_98, %swap3A_99] {strides = array<i32>} : memref<112x144xf32, #tpu.memory_space<vmem>>, vector<16xf32>,
      tpu.vector_store %arg11[%swap3A_98, %swap3A_99], %broadcast_in_dim3A_3 {strides = array<i32>} : memref<112x144xf32, #tpu.memory_space<vmem>>, vector<16xf32>,
      %swap3A_101 = arith.index_cast %scan3A_80 : i32 to index
      %swap3A_102 = arith.constant 112 : index
      %swap3A_103 = tpu.vector_load %arg11[%swap3A_101, %swap3A_102] {strides = array<i32>} : memref<112x144xf32, #tpu.memory_space<vmem>>, vector<16xf32>,
      tpu.vector_store %arg11[%swap3A_101, %swap3A_102], %broadcast_in_dim3A_3 {strides = array<i32>} : memref<112x144xf32, #tpu.memory_space<vmem>>, vector<16xf32>,
      %swap3A_104 = arith.index_cast %scan3A_80 : i32 to index
      %swap3A_105 = arith.constant 128 : index
      %swap3A_106 = tpu.vector_load %arg11[%swap3A_104, %swap3A_105] {strides = array<i32>} : memref<112x144xf32, #tpu.memory_space<vmem>>, vector<16xf32>,
      tpu.vector_store %arg11[%swap3A_104, %swap3A_105], %broadcast_in_dim3A_3 {strides = array<i32>} : memref<112x144xf32, #tpu.memory_space<vmem>>, vector<16xf32>,
    }
    %scan3A_8 = arith.constant 80 : i32
    %add3A_9 = arith.constant 0 : i32
    %add3A_10 = arith.addi %mul3A_2, %add3A_9 : i32
    "tpu.region"() ({
      %run_scoped3A = tpu.sem_alloc : memref<!tpu.dma_semaphore, #tpu.memory_space<semaphore_mem>>
      %dma_start3A_80 = arith.constant 0 : i32
      %dma_start3A_81 = arith.constant 0 : i32
      %dma_start3A_82 = tpu.memref_slice %arg11[%dma_start3A_80, %dma_start3A_81] : memref<112x144xf32, #tpu.memory_space<vmem>> -> memref<80x144xf32, #tpu.memory_space<vmem>>
      %dma_start3A_83 = arith.constant 0 : i32
      %dma_start3A_84 = tpu.memref_slice %arg15[%add3A_10, %dma_start3A_83] : memref<10240x144xf32, #tpu.memory_space<vmem_shared>> -> memref<80x144xf32, #tpu.memory_space<vmem_shared>>
      %dma_start3A_85 = arith.constant 0 : i32
      %dma_start3A_86 = tpu.memref_slice %arg15[%add3A_10, %dma_start3A_85] : memref<10240x144xf32, #tpu.memory_space<vmem_shared>> -> memref<80x144xf32, #tpu.memory_space<vmem_shared>>
      %dma_start3A_87 = arith.constant 0 : i32
      %dma_start3A_88 = arith.constant 0 : i32
      %dma_start3A_89 = tpu.memref_slice %arg11[%dma_start3A_87, %dma_start3A_88] : memref<112x144xf32, #tpu.memory_space<vmem>> -> memref<80x144xf32, #tpu.memory_space<vmem>>
      tpu.enqueue_dma source(%dma_start3A_89 : memref<80x144xf32, #tpu.memory_space<vmem>>) target(%dma_start3A_86 : memref<80x144xf32, #tpu.memory_space<vmem_shared>>) target_semaphore(%run_scoped3A : memref<!tpu.dma_semaphore, #tpu.memory_space<semaphore_mem>>)
      %dma_wait3A_90 = arith.constant 0 : i32
      %dma_wait3A_91 = arith.constant 0 : i32
      %dma_wait3A_92 = tpu.memref_slice %arg11[%dma_wait3A_90, %dma_wait3A_91] : memref<112x144xf32, #tpu.memory_space<vmem>> -> memref<80x144xf32, #tpu.memory_space<vmem>>
      %dma_wait3A_93 = arith.constant 0 : i32
      %dma_wait3A_94 = tpu.memref_slice %arg15[%add3A_10, %dma_wait3A_93] : memref<10240x144xf32, #tpu.memory_space<vmem_shared>> -> memref<80x144xf32, #tpu.memory_space<vmem_shared>>
      %dma_wait3A_95 = arith.constant 0 : i32
      %dma_wait3A_96 = tpu.memref_slice %arg15[%add3A_10, %dma_wait3A_95] : memref<10240x144xf32, #tpu.memory_space<vmem_shared>> -> memref<80x144xf32, #tpu.memory_space<vmem_shared>>
      %dma_wait3A_97 = arith.constant 0 : i32
      %dma_wait3A_98 = arith.constant 0 : i32
      %dma_wait3A_99 = tpu.memref_slice %arg11[%dma_wait3A_97, %dma_wait3A_98] : memref<112x144xf32, #tpu.memory_space<vmem>> -> memref<80x144xf32, #tpu.memory_space<vmem>>
      tpu.wait_dma2 semaphore(%run_scoped3A : memref<!tpu.dma_semaphore, #tpu.memory_space<semaphore_mem>>) src(%dma_wait3A_99 : memref<80x144xf32, #tpu.memory_space<vmem>>) dst(%dma_wait3A_96 : memref<80x144xf32, #tpu.memory_space<vmem_shared>>)
      tpu.yield
    }) : () -> ()
    %add3A_11 = arith.constant 80 : i32
    %add3A_12 = arith.addi %mul3A_2, %add3A_11 : i32
    "tpu.region"() ({
      %run_scoped3A = tpu.sem_alloc : memref<!tpu.dma_semaphore, #tpu.memory_space<semaphore_mem>>
      %dma_start3A_80 = arith.constant 0 : i32
      %dma_start3A_81 = arith.constant 0 : i32
      %dma_start3A_82 = tpu.memref_slice %arg11[%dma_start3A_80, %dma_start3A_81] : memref<112x144xf32, #tpu.memory_space<vmem>> -> memref<80x144xf32, #tpu.memory_space<vmem>>
      %dma_start3A_83 = arith.constant 0 : i32
      %dma_start3A_84 = tpu.memref_slice %arg15[%add3A_12, %dma_start3A_83] : memref<10240x144xf32, #tpu.memory_space<vmem_shared>> -> memref<80x144xf32, #tpu.memory_space<vmem_shared>>
      %dma_start3A_85 = arith.constant 0 : i32
      %dma_start3A_86 = tpu.memref_slice %arg15[%add3A_12, %dma_start3A_85] : memref<10240x144xf32, #tpu.memory_space<vmem_shared>> -> memref<80x144xf32, #tpu.memory_space<vmem_shared>>
      %dma_start3A_87 = arith.constant 0 : i32
      %dma_start3A_88 = arith.constant 0 : i32
      %dma_start3A_89 = tpu.memref_slice %arg11[%dma_start3A_87, %dma_start3A_88] : memref<112x144xf32, #tpu.memory_space<vmem>> -> memref<80x144xf32, #tpu.memory_space<vmem>>
      tpu.enqueue_dma source(%dma_start3A_89 : memref<80x144xf32, #tpu.memory_space<vmem>>) target(%dma_start3A_86 : memref<80x144xf32, #tpu.memory_space<vmem_shared>>) target_semaphore(%run_scoped3A : memref<!tpu.dma_semaphore, #tpu.memory_space<semaphore_mem>>)
      %dma_wait3A_90 = arith.constant 0 : i32
      %dma_wait3A_91 = arith.constant 0 : i32
      %dma_wait3A_92 = tpu.memref_slice %arg11[%dma_wait3A_90, %dma_wait3A_91] : memref<112x144xf32, #tpu.memory_space<vmem>> -> memref<80x144xf32, #tpu.memory_space<vmem>>
      %dma_wait3A_93 = arith.constant 0 : i32
      %dma_wait3A_94 = tpu.memref_slice %arg15[%add3A_12, %dma_wait3A_93] : memref<10240x144xf32, #tpu.memory_space<vmem_shared>> -> memref<80x144xf32, #tpu.memory_space<vmem_shared>>
      %dma_wait3A_95 = arith.constant 0 : i32
      %dma_wait3A_96 = tpu.memref_slice %arg15[%add3A_12, %dma_wait3A_95] : memref<10240x144xf32, #tpu.memory_space<vmem_shared>> -> memref<80x144xf32, #tpu.memory_space<vmem_shared>>
      %dma_wait3A_97 = arith.constant 0 : i32
      %dma_wait3A_98 = arith.constant 0 : i32
      %dma_wait3A_99 = tpu.memref_slice %arg11[%dma_wait3A_97, %dma_wait3A_98] : memref<112x144xf32, #tpu.memory_space<vmem>> -> memref<80x144xf32, #tpu.memory_space<vmem>>
      tpu.wait_dma2 semaphore(%run_scoped3A : memref<!tpu.dma_semaphore, #tpu.memory_space<semaphore_mem>>) src(%dma_wait3A_99 : memref<80x144xf32, #tpu.memory_space<vmem>>) dst(%dma_wait3A_96 : memref<80x144xf32, #tpu.memory_space<vmem_shared>>)
      tpu.yield
    }) : () -> ()
    %add3A_13 = arith.constant 160 : i32
    %add3A_14 = arith.addi %mul3A_2, %add3A_13 : i32
    "tpu.region"() ({
      %run_scoped3A = tpu.sem_alloc : memref<!tpu.dma_semaphore, #tpu.memory_space<semaphore_mem>>
      %dma_start3A_80 = arith.constant 0 : i32
      %dma_start3A_81 = arith.constant 0 : i32
      %dma_start3A_82 = tpu.memref_slice %arg11[%dma_start3A_80, %dma_start3A_81] : memref<112x144xf32, #tpu.memory_space<vmem>> -> memref<80x144xf32, #tpu.memory_space<vmem>>
      %dma_start3A_83 = arith.constant 0 : i32
      %dma_start3A_84 = tpu.memref_slice %arg15[%add3A_14, %dma_start3A_83] : memref<10240x144xf32, #tpu.memory_space<vmem_shared>> -> memref<80x144xf32, #tpu.memory_space<vmem_shared>>
      %dma_start3A_85 = arith.constant 0 : i32
      %dma_start3A_86 = tpu.memref_slice %arg15[%add3A_14, %dma_start3A_85] : memref<10240x144xf32, #tpu.memory_space<vmem_shared>> -> memref<80x144xf32, #tpu.memory_space<vmem_shared>>
      %dma_start3A_87 = arith.constant 0 : i32
      %dma_start3A_88 = arith.constant 0 : i32
      %dma_start3A_89 = tpu.memref_slice %arg11[%dma_start3A_87, %dma_start3A_88] : memref<112x144xf32, #tpu.memory_space<vmem>> -> memref<80x144xf32, #tpu.memory_space<vmem>>
      tpu.enqueue_dma source(%dma_start3A_89 : memref<80x144xf32, #tpu.memory_space<vmem>>) target(%dma_start3A_86 : memref<80x144xf32, #tpu.memory_space<vmem_shared>>) target_semaphore(%run_scoped3A : memref<!tpu.dma_semaphore, #tpu.memory_space<semaphore_mem>>)
      %dma_wait3A_90 = arith.constant 0 : i32
      %dma_wait3A_91 = arith.constant 0 : i32
      %dma_wait3A_92 = tpu.memref_slice %arg11[%dma_wait3A_90, %dma_wait3A_91] : memref<112x144xf32, #tpu.memory_space<vmem>> -> memref<80x144xf32, #tpu.memory_space<vmem>>
      %dma_wait3A_93 = arith.constant 0 : i32
      %dma_wait3A_94 = tpu.memref_slice %arg15[%add3A_14, %dma_wait3A_93] : memref<10240x144xf32, #tpu.memory_space<vmem_shared>> -> memref<80x144xf32, #tpu.memory_space<vmem_shared>>
      %dma_wait3A_95 = arith.constant 0 : i32
      %dma_wait3A_96 = tpu.memref_slice %arg15[%add3A_14, %dma_wait3A_95] : memref<10240x144xf32, #tpu.memory_space<vmem_shared>> -> memref<80x144xf32, #tpu.memory_space<vmem_shared>>
      %dma_wait3A_97 = arith.constant 0 : i32
      %dma_wait3A_98 = arith.constant 0 : i32
      %dma_wait3A_99 = tpu.memref_slice %arg11[%dma_wait3A_97, %dma_wait3A_98] : memref<112x144xf32, #tpu.memory_space<vmem>> -> memref<80x144xf32, #tpu.memory_space<vmem>>
      tpu.wait_dma2 semaphore(%run_scoped3A : memref<!tpu.dma_semaphore, #tpu.memory_space<semaphore_mem>>) src(%dma_wait3A_99 : memref<80x144xf32, #tpu.memory_space<vmem>>) dst(%dma_wait3A_96 : memref<80x144xf32, #tpu.memory_space<vmem_shared>>)
      tpu.yield
    }) : () -> ()
    %add3A_15 = arith.constant 240 : i32
    %add3A_16 = arith.addi %mul3A_2, %add3A_15 : i32
    "tpu.region"() ({
      %run_scoped3A = tpu.sem_alloc : memref<!tpu.dma_semaphore, #tpu.memory_space<semaphore_mem>>
      %dma_start3A_80 = arith.constant 0 : i32
      %dma_start3A_81 = arith.constant 0 : i32
      %dma_start3A_82 = tpu.memref_slice %arg11[%dma_start3A_80, %dma_start3A_81] : memref<112x144xf32, #tpu.memory_space<vmem>> -> memref<80x144xf32, #tpu.memory_space<vmem>>
      %dma_start3A_83 = arith.constant 0 : i32
      %dma_start3A_84 = tpu.memref_slice %arg15[%add3A_16, %dma_start3A_83] : memref<10240x144xf32, #tpu.memory_space<vmem_shared>> -> memref<80x144xf32, #tpu.memory_space<vmem_shared>>
      %dma_start3A_85 = arith.constant 0 : i32
      %dma_start3A_86 = tpu.memref_slice %arg15[%add3A_16, %dma_start3A_85] : memref<10240x144xf32, #tpu.memory_space<vmem_shared>> -> memref<80x144xf32, #tpu.memory_space<vmem_shared>>
      %dma_start3A_87 = arith.constant 0 : i32
      %dma_start3A_88 = arith.constant 0 : i32
      %dma_start3A_89 = tpu.memref_slice %arg11[%dma_start3A_87, %dma_start3A_88] : memref<112x144xf32, #tpu.memory_space<vmem>> -> memref<80x144xf32, #tpu.memory_space<vmem>>
      tpu.enqueue_dma source(%dma_start3A_89 : memref<80x144xf32, #tpu.memory_space<vmem>>) target(%dma_start3A_86 : memref<80x144xf32, #tpu.memory_space<vmem_shared>>) target_semaphore(%run_scoped3A : memref<!tpu.dma_semaphore, #tpu.memory_space<semaphore_mem>>)
      %dma_wait3A_90 = arith.constant 0 : i32
      %dma_wait3A_91 = arith.constant 0 : i32
      %dma_wait3A_92 = tpu.memref_slice %arg11[%dma_wait3A_90, %dma_wait3A_91] : memref<112x144xf32, #tpu.memory_space<vmem>> -> memref<80x144xf32, #tpu.memory_space<vmem>>
      %dma_wait3A_93 = arith.constant 0 : i32
      %dma_wait3A_94 = tpu.memref_slice %arg15[%add3A_16, %dma_wait3A_93] : memref<10240x144xf32, #tpu.memory_space<vmem_shared>> -> memref<80x144xf32, #tpu.memory_space<vmem_shared>>
      %dma_wait3A_95 = arith.constant 0 : i32
      %dma_wait3A_96 = tpu.memref_slice %arg15[%add3A_16, %dma_wait3A_95] : memref<10240x144xf32, #tpu.memory_space<vmem_shared>> -> memref<80x144xf32, #tpu.memory_space<vmem_shared>>
      %dma_wait3A_97 = arith.constant 0 : i32
      %dma_wait3A_98 = arith.constant 0 : i32
      %dma_wait3A_99 = tpu.memref_slice %arg11[%dma_wait3A_97, %dma_wait3A_98] : memref<112x144xf32, #tpu.memory_space<vmem>> -> memref<80x144xf32, #tpu.memory_space<vmem>>
      tpu.wait_dma2 semaphore(%run_scoped3A : memref<!tpu.dma_semaphore, #tpu.memory_space<semaphore_mem>>) src(%dma_wait3A_99 : memref<80x144xf32, #tpu.memory_space<vmem>>) dst(%dma_wait3A_96 : memref<80x144xf32, #tpu.memory_space<vmem_shared>>)
      tpu.yield
    }) : () -> ()
    %add3A_17 = arith.constant 320 : i32
    %add3A_18 = arith.addi %mul3A_2, %add3A_17 : i32
    "tpu.region"() ({
      %run_scoped3A = tpu.sem_alloc : memref<!tpu.dma_semaphore, #tpu.memory_space<semaphore_mem>>
      %dma_start3A_80 = arith.constant 0 : i32
      %dma_start3A_81 = arith.constant 0 : i32
      %dma_start3A_82 = tpu.memref_slice %arg11[%dma_start3A_80, %dma_start3A_81] : memref<112x144xf32, #tpu.memory_space<vmem>> -> memref<80x144xf32, #tpu.memory_space<vmem>>
      %dma_start3A_83 = arith.constant 0 : i32
      %dma_start3A_84 = tpu.memref_slice %arg15[%add3A_18, %dma_start3A_83] : memref<10240x144xf32, #tpu.memory_space<vmem_shared>> -> memref<80x144xf32, #tpu.memory_space<vmem_shared>>
      %dma_start3A_85 = arith.constant 0 : i32
      %dma_start3A_86 = tpu.memref_slice %arg15[%add3A_18, %dma_start3A_85] : memref<10240x144xf32, #tpu.memory_space<vmem_shared>> -> memref<80x144xf32, #tpu.memory_space<vmem_shared>>
      %dma_start3A_87 = arith.constant 0 : i32
      %dma_start3A_88 = arith.constant 0 : i32
      %dma_start3A_89 = tpu.memref_slice %arg11[%dma_start3A_87, %dma_start3A_88] : memref<112x144xf32, #tpu.memory_space<vmem>> -> memref<80x144xf32, #tpu.memory_space<vmem>>
      tpu.enqueue_dma source(%dma_start3A_89 : memref<80x144xf32, #tpu.memory_space<vmem>>) target(%dma_start3A_86 : memref<80x144xf32, #tpu.memory_space<vmem_shared>>) target_semaphore(%run_scoped3A : memref<!tpu.dma_semaphore, #tpu.memory_space<semaphore_mem>>)
      %dma_wait3A_90 = arith.constant 0 : i32
      %dma_wait3A_91 = arith.constant 0 : i32
      %dma_wait3A_92 = tpu.memref_slice %arg11[%dma_wait3A_90, %dma_wait3A_91] : memref<112x144xf32, #tpu.memory_space<vmem>> -> memref<80x144xf32, #tpu.memory_space<vmem>>
      %dma_wait3A_93 = arith.constant 0 : i32
      %dma_wait3A_94 = tpu.memref_slice %arg15[%add3A_18, %dma_wait3A_93] : memref<10240x144xf32, #tpu.memory_space<vmem_shared>> -> memref<80x144xf32, #tpu.memory_space<vmem_shared>>
      %dma_wait3A_95 = arith.constant 0 : i32
      %dma_wait3A_96 = tpu.memref_slice %arg15[%add3A_18, %dma_wait3A_95] : memref<10240x144xf32, #tpu.memory_space<vmem_shared>> -> memref<80x144xf32, #tpu.memory_space<vmem_shared>>
      %dma_wait3A_97 = arith.constant 0 : i32
      %dma_wait3A_98 = arith.constant 0 : i32
      %dma_wait3A_99 = tpu.memref_slice %arg11[%dma_wait3A_97, %dma_wait3A_98] : memref<112x144xf32, #tpu.memory_space<vmem>> -> memref<80x144xf32, #tpu.memory_space<vmem>>
      tpu.wait_dma2 semaphore(%run_scoped3A : memref<!tpu.dma_semaphore, #tpu.memory_space<semaphore_mem>>) src(%dma_wait3A_99 : memref<80x144xf32, #tpu.memory_space<vmem>>) dst(%dma_wait3A_96 : memref<80x144xf32, #tpu.memory_space<vmem_shared>>)
      tpu.yield
    }) : () -> ()
    %add3A_19 = arith.constant 400 : i32
    %add3A_20 = arith.addi %mul3A_2, %add3A_19 : i32
    "tpu.region"() ({
      %run_scoped3A = tpu.sem_alloc : memref<!tpu.dma_semaphore, #tpu.memory_space<semaphore_mem>>
      %dma_start3A_80 = arith.constant 0 : i32
      %dma_start3A_81 = arith.constant 0 : i32
      %dma_start3A_82 = tpu.memref_slice %arg11[%dma_start3A_80, %dma_start3A_81] : memref<112x144xf32, #tpu.memory_space<vmem>> -> memref<80x144xf32, #tpu.memory_space<vmem>>
      %dma_start3A_83 = arith.constant 0 : i32
      %dma_start3A_84 = tpu.memref_slice %arg15[%add3A_20, %dma_start3A_83] : memref<10240x144xf32, #tpu.memory_space<vmem_shared>> -> memref<80x144xf32, #tpu.memory_space<vmem_shared>>
      %dma_start3A_85 = arith.constant 0 : i32
      %dma_start3A_86 = tpu.memref_slice %arg15[%add3A_20, %dma_start3A_85] : memref<10240x144xf32, #tpu.memory_space<vmem_shared>> -> memref<80x144xf32, #tpu.memory_space<vmem_shared>>
      %dma_start3A_87 = arith.constant 0 : i32
      %dma_start3A_88 = arith.constant 0 : i32
      %dma_start3A_89 = tpu.memref_slice %arg11[%dma_start3A_87, %dma_start3A_88] : memref<112x144xf32, #tpu.memory_space<vmem>> -> memref<80x144xf32, #tpu.memory_space<vmem>>
      tpu.enqueue_dma source(%dma_start3A_89 : memref<80x144xf32, #tpu.memory_space<vmem>>) target(%dma_start3A_86 : memref<80x144xf32, #tpu.memory_space<vmem_shared>>) target_semaphore(%run_scoped3A : memref<!tpu.dma_semaphore, #tpu.memory_space<semaphore_mem>>)
      %dma_wait3A_90 = arith.constant 0 : i32
      %dma_wait3A_91 = arith.constant 0 : i32
      %dma_wait3A_92 = tpu.memref_slice %arg11[%dma_wait3A_90, %dma_wait3A_91] : memref<112x144xf32, #tpu.memory_space<vmem>> -> memref<80x144xf32, #tpu.memory_space<vmem>>
      %dma_wait3A_93 = arith.constant 0 : i32
      %dma_wait3A_94 = tpu.memref_slice %arg15[%add3A_20, %dma_wait3A_93] : memref<10240x144xf32, #tpu.memory_space<vmem_shared>> -> memref<80x144xf32, #tpu.memory_space<vmem_shared>>
      %dma_wait3A_95 = arith.constant 0 : i32
      %dma_wait3A_96 = tpu.memref_slice %arg15[%add3A_20, %dma_wait3A_95] : memref<10240x144xf32, #tpu.memory_space<vmem_shared>> -> memref<80x144xf32, #tpu.memory_space<vmem_shared>>
      %dma_wait3A_97 = arith.constant 0 : i32
      %dma_wait3A_98 = arith.constant 0 : i32
      %dma_wait3A_99 = tpu.memref_slice %arg11[%dma_wait3A_97, %dma_wait3A_98] : memref<112x144xf32, #tpu.memory_space<vmem>> -> memref<80x144xf32, #tpu.memory_space<vmem>>
      tpu.wait_dma2 semaphore(%run_scoped3A : memref<!tpu.dma_semaphore, #tpu.memory_space<semaphore_mem>>) src(%dma_wait3A_99 : memref<80x144xf32, #tpu.memory_space<vmem>>) dst(%dma_wait3A_96 : memref<80x144xf32, #tpu.memory_space<vmem_shared>>)
      tpu.yield
    }) : () -> ()
    %add3A_21 = arith.constant 480 : i32
    %add3A_22 = arith.addi %mul3A_2, %add3A_21 : i32
    "tpu.region"() ({
      %run_scoped3A = tpu.sem_alloc : memref<!tpu.dma_semaphore, #tpu.memory_space<semaphore_mem>>
      %dma_start3A_80 = arith.constant 0 : i32
      %dma_start3A_81 = arith.constant 0 : i32
      %dma_start3A_82 = tpu.memref_slice %arg11[%dma_start3A_80, %dma_start3A_81] : memref<112x144xf32, #tpu.memory_space<vmem>> -> memref<80x144xf32, #tpu.memory_space<vmem>>
      %dma_start3A_83 = arith.constant 0 : i32
      %dma_start3A_84 = tpu.memref_slice %arg15[%add3A_22, %dma_start3A_83] : memref<10240x144xf32, #tpu.memory_space<vmem_shared>> -> memref<80x144xf32, #tpu.memory_space<vmem_shared>>
      %dma_start3A_85 = arith.constant 0 : i32
      %dma_start3A_86 = tpu.memref_slice %arg15[%add3A_22, %dma_start3A_85] : memref<10240x144xf32, #tpu.memory_space<vmem_shared>> -> memref<80x144xf32, #tpu.memory_space<vmem_shared>>
      %dma_start3A_87 = arith.constant 0 : i32
      %dma_start3A_88 = arith.constant 0 : i32
      %dma_start3A_89 = tpu.memref_slice %arg11[%dma_start3A_87, %dma_start3A_88] : memref<112x144xf32, #tpu.memory_space<vmem>> -> memref<80x144xf32, #tpu.memory_space<vmem>>
      tpu.enqueue_dma source(%dma_start3A_89 : memref<80x144xf32, #tpu.memory_space<vmem>>) target(%dma_start3A_86 : memref<80x144xf32, #tpu.memory_space<vmem_shared>>) target_semaphore(%run_scoped3A : memref<!tpu.dma_semaphore, #tpu.memory_space<semaphore_mem>>)
      %dma_wait3A_90 = arith.constant 0 : i32
      %dma_wait3A_91 = arith.constant 0 : i32
      %dma_wait3A_92 = tpu.memref_slice %arg11[%dma_wait3A_90, %dma_wait3A_91] : memref<112x144xf32, #tpu.memory_space<vmem>> -> memref<80x144xf32, #tpu.memory_space<vmem>>
      %dma_wait3A_93 = arith.constant 0 : i32
      %dma_wait3A_94 = tpu.memref_slice %arg15[%add3A_22, %dma_wait3A_93] : memref<10240x144xf32, #tpu.memory_space<vmem_shared>> -> memref<80x144xf32, #tpu.memory_space<vmem_shared>>
      %dma_wait3A_95 = arith.constant 0 : i32
      %dma_wait3A_96 = tpu.memref_slice %arg15[%add3A_22, %dma_wait3A_95] : memref<10240x144xf32, #tpu.memory_space<vmem_shared>> -> memref<80x144xf32, #tpu.memory_space<vmem_shared>>
      %dma_wait3A_97 = arith.constant 0 : i32
      %dma_wait3A_98 = arith.constant 0 : i32
      %dma_wait3A_99 = tpu.memref_slice %arg11[%dma_wait3A_97, %dma_wait3A_98] : memref<112x144xf32, #tpu.memory_space<vmem>> -> memref<80x144xf32, #tpu.memory_space<vmem>>
      tpu.wait_dma2 semaphore(%run_scoped3A : memref<!tpu.dma_semaphore, #tpu.memory_space<semaphore_mem>>) src(%dma_wait3A_99 : memref<80x144xf32, #tpu.memory_space<vmem>>) dst(%dma_wait3A_96 : memref<80x144xf32, #tpu.memory_space<vmem_shared>>)
      tpu.yield
    }) : () -> ()
    %add3A_23 = arith.constant 560 : i32
    %add3A_24 = arith.addi %mul3A_2, %add3A_23 : i32
    "tpu.region"() ({
      %run_scoped3A = tpu.sem_alloc : memref<!tpu.dma_semaphore, #tpu.memory_space<semaphore_mem>>
      %dma_start3A_80 = arith.constant 0 : i32
      %dma_start3A_81 = arith.constant 0 : i32
      %dma_start3A_82 = tpu.memref_slice %arg11[%dma_start3A_80, %dma_start3A_81] : memref<112x144xf32, #tpu.memory_space<vmem>> -> memref<80x144xf32, #tpu.memory_space<vmem>>
      %dma_start3A_83 = arith.constant 0 : i32
      %dma_start3A_84 = tpu.memref_slice %arg15[%add3A_24, %dma_start3A_83] : memref<10240x144xf32, #tpu.memory_space<vmem_shared>> -> memref<80x144xf32, #tpu.memory_space<vmem_shared>>
      %dma_start3A_85 = arith.constant 0 : i32
      %dma_start3A_86 = tpu.memref_slice %arg15[%add3A_24, %dma_start3A_85] : memref<10240x144xf32, #tpu.memory_space<vmem_shared>> -> memref<80x144xf32, #tpu.memory_space<vmem_shared>>
      %dma_start3A_87 = arith.constant 0 : i32
      %dma_start3A_88 = arith.constant 0 : i32
      %dma_start3A_89 = tpu.memref_slice %arg11[%dma_start3A_87, %dma_start3A_88] : memref<112x144xf32, #tpu.memory_space<vmem>> -> memref<80x144xf32, #tpu.memory_space<vmem>>
      tpu.enqueue_dma source(%dma_start3A_89 : memref<80x144xf32, #tpu.memory_space<vmem>>) target(%dma_start3A_86 : memref<80x144xf32, #tpu.memory_space<vmem_shared>>) target_semaphore(%run_scoped3A : memref<!tpu.dma_semaphore, #tpu.memory_space<semaphore_mem>>)
      %dma_wait3A_90 = arith.constant 0 : i32
      %dma_wait3A_91 = arith.constant 0 : i32
      %dma_wait3A_92 = tpu.memref_slice %arg11[%dma_wait3A_90, %dma_wait3A_91] : memref<112x144xf32, #tpu.memory_space<vmem>> -> memref<80x144xf32, #tpu.memory_space<vmem>>
      %dma_wait3A_93 = arith.constant 0 : i32
      %dma_wait3A_94 = tpu.memref_slice %arg15[%add3A_24, %dma_wait3A_93] : memref<10240x144xf32, #tpu.memory_space<vmem_shared>> -> memref<80x144xf32, #tpu.memory_space<vmem_shared>>
      %dma_wait3A_95 = arith.constant 0 : i32
      %dma_wait3A_96 = tpu.memref_slice %arg15[%add3A_24, %dma_wait3A_95] : memref<10240x144xf32, #tpu.memory_space<vmem_shared>> -> memref<80x144xf32, #tpu.memory_space<vmem_shared>>
      %dma_wait3A_97 = arith.constant 0 : i32
      %dma_wait3A_98 = arith.constant 0 : i32
      %dma_wait3A_99 = tpu.memref_slice %arg11[%dma_wait3A_97, %dma_wait3A_98] : memref<112x144xf32, #tpu.memory_space<vmem>> -> memref<80x144xf32, #tpu.memory_space<vmem>>
      tpu.wait_dma2 semaphore(%run_scoped3A : memref<!tpu.dma_semaphore, #tpu.memory_space<semaphore_mem>>) src(%dma_wait3A_99 : memref<80x144xf32, #tpu.memory_space<vmem>>) dst(%dma_wait3A_96 : memref<80x144xf32, #tpu.memory_space<vmem_shared>>)
      tpu.yield
    }) : () -> ()
    %barrier3A = arith.constant 0 : index
    tpu.barrier barrier_id(%barrier3A)
    %mul3A_25 = arith.constant 10528 : i32
    %mul3A_26 = arith.muli %add3A, %mul3A_25 : i32
    %iota3A = tpu.iota {dimensions = array<i32: 0>} : vector<16xi32>
    %add3A_27 = arith.constant 0 : i32
    %add3A_28 = arith.addi %mul3A_26, %add3A_27 : i32
    "tpu.region"() ({
      %run_scoped3A = tpu.sem_alloc : memref<!tpu.dma_semaphore, #tpu.memory_space<semaphore_mem>>
      %dma_start3A_80 = tpu.memref_slice %arg2[%add3A_28] : memref<337120xi32, #tpu.memory_space<hbm>> -> memref<112xi32, #tpu.memory_space<hbm>>
      %dma_start3A_81 = tpu.memref_slice %arg2[%add3A_28] : memref<337120xi32, #tpu.memory_space<hbm>> -> memref<112xi32, #tpu.memory_space<hbm>>
      tpu.enqueue_dma source(%dma_start3A_81 : memref<112xi32, #tpu.memory_space<hbm>>) target(%arg7 : memref<112xi32, #tpu.memory_space<vmem>>) target_semaphore(%run_scoped3A : memref<!tpu.dma_semaphore, #tpu.memory_space<semaphore_mem>>)
      %dma_wait3A_82 = tpu.memref_slice %arg2[%add3A_28] : memref<337120xi32, #tpu.memory_space<hbm>> -> memref<112xi32, #tpu.memory_space<hbm>>
      %dma_wait3A_83 = tpu.memref_slice %arg2[%add3A_28] : memref<337120xi32, #tpu.memory_space<hbm>> -> memref<112xi32, #tpu.memory_space<hbm>>
      tpu.wait_dma2 semaphore(%run_scoped3A : memref<!tpu.dma_semaphore, #tpu.memory_space<semaphore_mem>>) src(%dma_wait3A_83 : memref<112xi32, #tpu.memory_space<hbm>>) dst(%arg7 : memref<112xi32, #tpu.memory_space<vmem>>)
      tpu.yield
    }) : () -> ()
    "tpu.region"() ({
      %run_scoped3A = tpu.sem_alloc : memref<!tpu.dma_semaphore, #tpu.memory_space<semaphore_mem>>
      %dma_start3A_80 = tpu.memref_slice %arg3[%add3A_28] : memref<337120xi32, #tpu.memory_space<hbm>> -> memref<112xi32, #tpu.memory_space<hbm>>
      %dma_start3A_81 = tpu.memref_slice %arg3[%add3A_28] : memref<337120xi32, #tpu.memory_space<hbm>> -> memref<112xi32, #tpu.memory_space<hbm>>
      tpu.enqueue_dma source(%dma_start3A_81 : memref<112xi32, #tpu.memory_space<hbm>>) target(%arg9 : memref<112xi32, #tpu.memory_space<vmem>>) target_semaphore(%run_scoped3A : memref<!tpu.dma_semaphore, #tpu.memory_space<semaphore_mem>>)
      %dma_wait3A_82 = tpu.memref_slice %arg3[%add3A_28] : memref<337120xi32, #tpu.memory_space<hbm>> -> memref<112xi32, #tpu.memory_space<hbm>>
      %dma_wait3A_83 = tpu.memref_slice %arg3[%add3A_28] : memref<337120xi32, #tpu.memory_space<hbm>> -> memref<112xi32, #tpu.memory_space<hbm>>
      tpu.wait_dma2 semaphore(%run_scoped3A : memref<!tpu.dma_semaphore, #tpu.memory_space<semaphore_mem>>) src(%dma_wait3A_83 : memref<112xi32, #tpu.memory_space<hbm>>) dst(%arg9 : memref<112xi32, #tpu.memory_space<vmem>>)
      tpu.yield
    }) : () -> ()
    %dma_start3A = arith.constant 0 : i32
    %dma_start3A_29 = arith.constant 0 : i32
    %dma_start3A_30 = tpu.memref_slice %arg4[%dma_start3A, %dma_start3A_29] : memref<10240x144xf32, #tpu.memory_space<hbm>> -> memref<10240x144xf32, #tpu.memory_space<hbm>>
    tpu.enqueue_indirect_dma source(%dma_start3A_30 : memref<10240x144xf32, #tpu.memory_space<hbm>>) target(%arg11 : memref<112x144xf32, #tpu.memory_space<vmem>>) offsets(%arg7 : memref<112xi32, #tpu.memory_space<vmem>>) semaphore(%arg16 : memref<!tpu.dma_semaphore, #tpu.memory_space<semaphore_mem>>)
    %dma_start3A_31 = arith.constant 0 : i32
    %dma_start3A_32 = arith.constant 0 : i32
    %dma_start3A_33 = tpu.memref_slice %arg5[%dma_start3A_31, %dma_start3A_32] : memref<10240x16xf32, #tpu.memory_space<hbm>> -> memref<10240x16xf32, #tpu.memory_space<hbm>>
    tpu.enqueue_indirect_dma source(%dma_start3A_33 : memref<10240x16xf32, #tpu.memory_space<hbm>>) target(%arg13 : memref<112x16xf32, #tpu.memory_space<vmem>>) offsets(%arg9 : memref<112xi32, #tpu.memory_space<vmem>>) semaphore(%arg16 : memref<!tpu.dma_semaphore, #tpu.memory_space<semaphore_mem>>)
    %add3A_34 = arith.constant 112 : i32
    %add3A_35 = arith.addi %mul3A_26, %add3A_34 : i32
    "tpu.region"() ({
      %run_scoped3A = tpu.sem_alloc : memref<!tpu.dma_semaphore, #tpu.memory_space<semaphore_mem>>
      %dma_start3A_80 = tpu.memref_slice %arg2[%add3A_35] : memref<337120xi32, #tpu.memory_space<hbm>> -> memref<112xi32, #tpu.memory_space<hbm>>
      %dma_start3A_81 = tpu.memref_slice %arg2[%add3A_35] : memref<337120xi32, #tpu.memory_space<hbm>> -> memref<112xi32, #tpu.memory_space<hbm>>
      tpu.enqueue_dma source(%dma_start3A_81 : memref<112xi32, #tpu.memory_space<hbm>>) target(%arg8 : memref<112xi32, #tpu.memory_space<vmem>>) target_semaphore(%run_scoped3A : memref<!tpu.dma_semaphore, #tpu.memory_space<semaphore_mem>>)
      %dma_wait3A_82 = tpu.memref_slice %arg2[%add3A_35] : memref<337120xi32, #tpu.memory_space<hbm>> -> memref<112xi32, #tpu.memory_space<hbm>>
      %dma_wait3A_83 = tpu.memref_slice %arg2[%add3A_35] : memref<337120xi32, #tpu.memory_space<hbm>> -> memref<112xi32, #tpu.memory_space<hbm>>
      tpu.wait_dma2 semaphore(%run_scoped3A : memref<!tpu.dma_semaphore, #tpu.memory_space<semaphore_mem>>) src(%dma_wait3A_83 : memref<112xi32, #tpu.memory_space<hbm>>) dst(%arg8 : memref<112xi32, #tpu.memory_space<vmem>>)
      tpu.yield
    }) : () -> ()
    "tpu.region"() ({
      %run_scoped3A = tpu.sem_alloc : memref<!tpu.dma_semaphore, #tpu.memory_space<semaphore_mem>>
      %dma_start3A_80 = tpu.memref_slice %arg3[%add3A_35] : memref<337120xi32, #tpu.memory_space<hbm>> -> memref<112xi32, #tpu.memory_space<hbm>>
      %dma_start3A_81 = tpu.memref_slice %arg3[%add3A_35] : memref<337120xi32, #tpu.memory_space<hbm>> -> memref<112xi32, #tpu.memory_space<hbm>>
      tpu.enqueue_dma source(%dma_start3A_81 : memref<112xi32, #tpu.memory_space<hbm>>) target(%arg10 : memref<112xi32, #tpu.memory_space<vmem>>) target_semaphore(%run_scoped3A : memref<!tpu.dma_semaphore, #tpu.memory_space<semaphore_mem>>)
      %dma_wait3A_82 = tpu.memref_slice %arg3[%add3A_35] : memref<337120xi32, #tpu.memory_space<hbm>> -> memref<112xi32, #tpu.memory_space<hbm>>
      %dma_wait3A_83 = tpu.memref_slice %arg3[%add3A_35] : memref<337120xi32, #tpu.memory_space<hbm>> -> memref<112xi32, #tpu.memory_space<hbm>>
      tpu.wait_dma2 semaphore(%run_scoped3A : memref<!tpu.dma_semaphore, #tpu.memory_space<semaphore_mem>>) src(%dma_wait3A_83 : memref<112xi32, #tpu.memory_space<hbm>>) dst(%arg10 : memref<112xi32, #tpu.memory_space<vmem>>)
      tpu.yield
    }) : () -> ()
    %scan3A_36 = arith.constant 0 : i32
    %scan3A_37 = arith.constant 0 : i32
    %scan3A_38 = arith.constant 47 : i32
    %scan3A_39 = arith.addi %scan3A_37, %scan3A_38 : i32
    %scan3A_40 = arith.constant 1 : i32
    scf.for %scan3A_80 = %scan3A_37 to %scan3A_39 step %scan3A_40  : i32 {
      %mul3A_81 = arith.constant 2 : i32
      %mul3A_82 = arith.muli %mul3A_81, %scan3A_80 : i32
      %dma_start3A_83 = arith.constant 0 : i32
      %dma_start3A_84 = arith.constant 0 : i32
      %dma_start3A_85 = tpu.memref_slice %arg4[%dma_start3A_83, %dma_start3A_84] : memref<10240x144xf32, #tpu.memory_space<hbm>> -> memref<10240x144xf32, #tpu.memory_space<hbm>>
      tpu.enqueue_indirect_dma source(%dma_start3A_85 : memref<10240x144xf32, #tpu.memory_space<hbm>>) target(%arg12 : memref<112x144xf32, #tpu.memory_space<vmem>>) offsets(%arg8 : memref<112xi32, #tpu.memory_space<vmem>>) semaphore(%arg17 : memref<!tpu.dma_semaphore, #tpu.memory_space<semaphore_mem>>)
      %dma_start3A_86 = arith.constant 0 : i32
      %dma_start3A_87 = arith.constant 0 : i32
      %dma_start3A_88 = tpu.memref_slice %arg5[%dma_start3A_86, %dma_start3A_87] : memref<10240x16xf32, #tpu.memory_space<hbm>> -> memref<10240x16xf32, #tpu.memory_space<hbm>>
      tpu.enqueue_indirect_dma source(%dma_start3A_88 : memref<10240x16xf32, #tpu.memory_space<hbm>>) target(%arg14 : memref<112x16xf32, #tpu.memory_space<vmem>>) offsets(%arg10 : memref<112xi32, #tpu.memory_space<vmem>>) semaphore(%arg17 : memref<!tpu.dma_semaphore, #tpu.memory_space<semaphore_mem>>)
      %dma_wait3A_89 = arith.constant 0 : i32
      %dma_wait3A_90 = arith.constant 0 : i32
      %dma_wait3A_91 = tpu.memref_slice %arg4[%dma_wait3A_89, %dma_wait3A_90] : memref<10240x144xf32, #tpu.memory_space<hbm>> -> memref<10240x144xf32, #tpu.memory_space<hbm>>
      tpu.wait_indirect_dma semaphore(%arg16 : memref<!tpu.dma_semaphore, #tpu.memory_space<semaphore_mem>>) src(%dma_wait3A_91 : memref<10240x144xf32, #tpu.memory_space<hbm>>) dst(%arg11 : memref<112x144xf32, #tpu.memory_space<vmem>>)
      %dma_wait3A_92 = arith.constant 0 : i32
      %dma_wait3A_93 = arith.constant 0 : i32
      %dma_wait3A_94 = tpu.memref_slice %arg5[%dma_wait3A_92, %dma_wait3A_93] : memref<10240x16xf32, #tpu.memory_space<hbm>> -> memref<10240x16xf32, #tpu.memory_space<hbm>>
      tpu.wait_indirect_dma semaphore(%arg16 : memref<!tpu.dma_semaphore, #tpu.memory_space<semaphore_mem>>) src(%dma_wait3A_94 : memref<10240x16xf32, #tpu.memory_space<hbm>>) dst(%arg13 : memref<112x16xf32, #tpu.memory_space<vmem>>)
      %mul3A_95 = arith.constant 112 : i32
      %mul3A_96 = arith.muli %mul3A_82, %mul3A_95 : i32
      %add3A_97 = arith.addi %mul3A_26, %mul3A_96 : i32
      %scan3A_98 = arith.constant 0 : i32
      %scan3A_99 = arith.constant 0 : i32
      %scan3A_100 = arith.constant 28 : i32
      %scan3A_101 = arith.addi %scan3A_99, %scan3A_100 : i32
      %scan3A_102 = arith.constant 2 : i32
      scf.for %scan3A_149 = %scan3A_99 to %scan3A_101 step %scan3A_102  : i32 {
        %mul3A_150 = arith.constant 16 : i32
        %mul3A_151 = arith.muli %scan3A_149, %mul3A_150 : i32
        %add3A_152 = vector.broadcast %mul3A_151 : i32 to vector<16xi32>
        %add3A_153 = arith.addi %add3A_152, %iota3A : vector<16xi32>
        %shift_right_arithmetic3A = arith.constant 2 : i32
        %shift_right_arithmetic3A_154 = vector.broadcast %shift_right_arithmetic3A : i32 to vector<16xi32>
        %shift_right_arithmetic3A_155 = arith.shrsi %add3A_153, %shift_right_arithmetic3A_154 : vector<16xi32>
        %and3A = arith.constant 3 : i32
        %and3A_156 = vector.broadcast %and3A : i32 to vector<16xi32>
        %and3A_157 = arith.andi %add3A_153, %and3A_156 : vector<16xi32>
        %add3A_158 = arith.constant 128 : i32
        %add3A_159 = vector.broadcast %add3A_158 : i32 to vector<16xi32>
        %add3A_160 = arith.addi %add3A_159, %and3A_157 : vector<16xi32>
        %gather3A = tpu.vector_load_idx %arg11[%shift_right_arithmetic3A_155, %add3A_160] : memref<112x144xf32, #tpu.memory_space<vmem>>[vector<16xi32>, vector<16xi32>], vector<16xf32>,
        %gather3A_161 = tpu.vector_load_idx %arg13[%shift_right_arithmetic3A_155, %and3A_157] : memref<112x16xf32, #tpu.memory_space<vmem>>[vector<16xi32>, vector<16xi32>], vector<16xf32>,
        %add3A_162 = arith.constant 4 : i32
        %add3A_163 = vector.broadcast %add3A_162 : i32 to vector<16xi32>
        %add3A_164 = arith.addi %add3A_163, %and3A_157 : vector<16xi32>
        %gather3A_165 = tpu.vector_load_idx %arg13[%shift_right_arithmetic3A_155, %add3A_164] : memref<112x16xf32, #tpu.memory_space<vmem>>[vector<16xi32>, vector<16xi32>], vector<16xf32>,
        %add3A_166 = arith.addf %gather3A, %gather3A_161 : vector<16xf32>
        %gt3A = arith.constant 0.000000e+00 : f32
        %gt3A_167 = vector.broadcast %gt3A : f32 to vector<16xf32>
        %gt3A_168 = arith.cmpf ogt, %add3A_166, %gt3A_167 : vector<16xf32>
        %mul3A_169 = arith.constant 2.000000e-01 : f32
        %mul3A_170 = vector.broadcast %mul3A_169 : f32 to vector<16xf32>
        %mul3A_171 = arith.mulf %mul3A_170, %add3A_166 : vector<16xf32>
        %select_n3A = arith.select %gt3A_168, %add3A_166, %mul3A_171 : vector<16xi1>, vector<16xf32>
        %sub3A = arith.subf %select_n3A, %gather3A_165 : vector<16xf32>
        %exp3A = math.exp %sub3A : vector<16xf32>
        %lt3A = arith.constant 4 : i32
        %lt3A_172 = vector.broadcast %lt3A : i32 to vector<16xi32>
        %lt3A_173 = arith.cmpi slt, %and3A_157, %lt3A_172 : vector<16xi32>
        %add3A_174 = vector.broadcast %add3A_97 : i32 to vector<16xi32>
        %add3A_175 = arith.addi %add3A_174, %shift_right_arithmetic3A_155 : vector<16xi32>
        %lt3A_176 = arith.constant 330000 : i32
        %lt3A_177 = vector.broadcast %lt3A_176 : i32 to vector<16xi32>
        %lt3A_178 = arith.cmpi slt, %add3A_175, %lt3A_177 : vector<16xi32>
        %and3A_179 = arith.andi %lt3A_173, %lt3A_178 : vector<16xi1>
        %jit3A = arith.constant 0.000000e+00 : f32
        %broadcast_in_dim3A_180 = vector.broadcast %jit3A : f32 to vector<16xf32>
        %select_n3A_181 = arith.select %and3A_179, %exp3A, %broadcast_in_dim3A_180 : vector<16xi1>, vector<16xf32>
        %add3A_182 = arith.constant 128 : i32
        %add3A_183 = vector.broadcast %add3A_182 : i32 to vector<16xi32>
        %add3A_184 = arith.addi %add3A_183, %and3A_157 : vector<16xi32>
        tpu.vector_store_idx %arg11[%shift_right_arithmetic3A_155, %add3A_184], %select_n3A_181 : memref<112x144xf32, #tpu.memory_space<vmem>>[vector<16xi32>, vector<16xi32>], vector<16xf32>,
        %scan3A_185 = arith.constant 1 : i32
        %scan3A_186 = arith.addi %scan3A_149, %scan3A_185 : i32
        %mul3A_187 = arith.constant 16 : i32
        %mul3A_188 = arith.muli %scan3A_186, %mul3A_187 : i32
        %add3A_189 = vector.broadcast %mul3A_188 : i32 to vector<16xi32>
        %add3A_190 = arith.addi %add3A_189, %iota3A : vector<16xi32>
        %shift_right_arithmetic3A_191 = arith.constant 2 : i32
        %shift_right_arithmetic3A_192 = vector.broadcast %shift_right_arithmetic3A_191 : i32 to vector<16xi32>
        %shift_right_arithmetic3A_193 = arith.shrsi %add3A_190, %shift_right_arithmetic3A_192 : vector<16xi32>
        %and3A_194 = arith.constant 3 : i32
        %and3A_195 = vector.broadcast %and3A_194 : i32 to vector<16xi32>
        %and3A_196 = arith.andi %add3A_190, %and3A_195 : vector<16xi32>
        %add3A_197 = arith.constant 128 : i32
        %add3A_198 = vector.broadcast %add3A_197 : i32 to vector<16xi32>
        %add3A_199 = arith.addi %add3A_198, %and3A_196 : vector<16xi32>
        %gather3A_200 = tpu.vector_load_idx %arg11[%shift_right_arithmetic3A_193, %add3A_199] : memref<112x144xf32, #tpu.memory_space<vmem>>[vector<16xi32>, vector<16xi32>], vector<16xf32>,
        %gather3A_201 = tpu.vector_load_idx %arg13[%shift_right_arithmetic3A_193, %and3A_196] : memref<112x16xf32, #tpu.memory_space<vmem>>[vector<16xi32>, vector<16xi32>], vector<16xf32>,
        %add3A_202 = arith.constant 4 : i32
        %add3A_203 = vector.broadcast %add3A_202 : i32 to vector<16xi32>
        %add3A_204 = arith.addi %add3A_203, %and3A_196 : vector<16xi32>
        %gather3A_205 = tpu.vector_load_idx %arg13[%shift_right_arithmetic3A_193, %add3A_204] : memref<112x16xf32, #tpu.memory_space<vmem>>[vector<16xi32>, vector<16xi32>], vector<16xf32>,
        %add3A_206 = arith.addf %gather3A_200, %gather3A_201 : vector<16xf32>
        %gt3A_207 = arith.constant 0.000000e+00 : f32
        %gt3A_208 = vector.broadcast %gt3A_207 : f32 to vector<16xf32>
        %gt3A_209 = arith.cmpf ogt, %add3A_206, %gt3A_208 : vector<16xf32>
        %mul3A_210 = arith.constant 2.000000e-01 : f32
        %mul3A_211 = vector.broadcast %mul3A_210 : f32 to vector<16xf32>
        %mul3A_212 = arith.mulf %mul3A_211, %add3A_206 : vector<16xf32>
        %select_n3A_213 = arith.select %gt3A_209, %add3A_206, %mul3A_212 : vector<16xi1>, vector<16xf32>
        %sub3A_214 = arith.subf %select_n3A_213, %gather3A_205 : vector<16xf32>
        %exp3A_215 = math.exp %sub3A_214 : vector<16xf32>
        %lt3A_216 = arith.constant 4 : i32
        %lt3A_217 = vector.broadcast %lt3A_216 : i32 to vector<16xi32>
        %lt3A_218 = arith.cmpi slt, %and3A_196, %lt3A_217 : vector<16xi32>
        %add3A_219 = vector.broadcast %add3A_97 : i32 to vector<16xi32>
        %add3A_220 = arith.addi %add3A_219, %shift_right_arithmetic3A_193 : vector<16xi32>
        %lt3A_221 = arith.constant 330000 : i32
        %lt3A_222 = vector.broadcast %lt3A_221 : i32 to vector<16xi32>
        %lt3A_223 = arith.cmpi slt, %add3A_220, %lt3A_222 : vector<16xi32>
        %and3A_224 = arith.andi %lt3A_218, %lt3A_223 : vector<16xi1>
        %jit3A_225 = arith.constant 0.000000e+00 : f32
        %broadcast_in_dim3A_226 = vector.broadcast %jit3A_225 : f32 to vector<16xf32>
        %select_n3A_227 = arith.select %and3A_224, %exp3A_215, %broadcast_in_dim3A_226 : vector<16xi1>, vector<16xf32>
        %add3A_228 = arith.constant 128 : i32
        %add3A_229 = vector.broadcast %add3A_228 : i32 to vector<16xi32>
        %add3A_230 = arith.addi %add3A_229, %and3A_196 : vector<16xi32>
        tpu.vector_store_idx %arg11[%shift_right_arithmetic3A_193, %add3A_230], %select_n3A_227 : memref<112x144xf32, #tpu.memory_space<vmem>>[vector<16xi32>, vector<16xi32>], vector<16xf32>,
      }
      %scan3A_103 = arith.constant 28 : i32
      %scan3A_104 = arith.constant 0 : i32
      %scan3A_105 = arith.constant 0 : i32
      %scan3A_106 = arith.constant 112 : i32
      %scan3A_107 = arith.addi %scan3A_105, %scan3A_106 : i32
      %scan3A_108 = arith.constant 4 : i32
      scf.for %scan3A_149 = %scan3A_105 to %scan3A_107 step %scan3A_108  : i32 {
        %broadcast_in_dim3A_150 = vector.broadcast %scan3A_149 : i32 to vector<16xi32>
        %broadcast_in_dim3A_151 = arith.constant 128 : i32
        %broadcast_in_dim3A_152 = vector.broadcast %broadcast_in_dim3A_151 : i32 to vector<16xi32>
        %gather3A = tpu.vector_load_idx %arg11[%broadcast_in_dim3A_150, %broadcast_in_dim3A_152] : memref<112x144xf32, #tpu.memory_space<vmem>>[vector<16xi32>, vector<16xi32>], vector<16xf32>,
        %broadcast_in_dim3A_153 = arith.constant 129 : i32
        %broadcast_in_dim3A_154 = vector.broadcast %broadcast_in_dim3A_153 : i32 to vector<16xi32>
        %gather3A_155 = tpu.vector_load_idx %arg11[%broadcast_in_dim3A_150, %broadcast_in_dim3A_154] : memref<112x144xf32, #tpu.memory_space<vmem>>[vector<16xi32>, vector<16xi32>], vector<16xf32>,
        %broadcast_in_dim3A_156 = arith.constant 130 : i32
        %broadcast_in_dim3A_157 = vector.broadcast %broadcast_in_dim3A_156 : i32 to vector<16xi32>
        %gather3A_158 = tpu.vector_load_idx %arg11[%broadcast_in_dim3A_150, %broadcast_in_dim3A_157] : memref<112x144xf32, #tpu.memory_space<vmem>>[vector<16xi32>, vector<16xi32>], vector<16xf32>,
        %broadcast_in_dim3A_159 = arith.constant 131 : i32
        %broadcast_in_dim3A_160 = vector.broadcast %broadcast_in_dim3A_159 : i32 to vector<16xi32>
        %gather3A_161 = tpu.vector_load_idx %arg11[%broadcast_in_dim3A_150, %broadcast_in_dim3A_160] : memref<112x144xf32, #tpu.memory_space<vmem>>[vector<16xi32>, vector<16xi32>], vector<16xf32>,
        %get3A = arith.index_cast %scan3A_149 : i32 to index
        %get3A_162 = arith.constant 0 : index
        %get3A_163 = tpu.vector_load %arg11[%get3A, %get3A_162] {strides = array<i32>} : memref<112x144xf32, #tpu.memory_space<vmem>>, vector<16xf32>,
        %mul3A_164 = arith.mulf %get3A_163, %gather3A : vector<16xf32>
        %swap3A = arith.index_cast %scan3A_149 : i32 to index
        %swap3A_165 = arith.constant 0 : index
        %swap3A_166 = tpu.vector_load %arg11[%swap3A, %swap3A_165] {strides = array<i32>} : memref<112x144xf32, #tpu.memory_space<vmem>>, vector<16xf32>,
        tpu.vector_store %arg11[%swap3A, %swap3A_165], %mul3A_164 {strides = array<i32>} : memref<112x144xf32, #tpu.memory_space<vmem>>, vector<16xf32>,
        %get3A_167 = arith.index_cast %scan3A_149 : i32 to index
        %get3A_168 = arith.constant 16 : index
        %get3A_169 = tpu.vector_load %arg11[%get3A_167, %get3A_168] {strides = array<i32>} : memref<112x144xf32, #tpu.memory_space<vmem>>, vector<16xf32>,
        %mul3A_170 = arith.mulf %get3A_169, %gather3A : vector<16xf32>
        %swap3A_171 = arith.index_cast %scan3A_149 : i32 to index
        %swap3A_172 = arith.constant 16 : index
        %swap3A_173 = tpu.vector_load %arg11[%swap3A_171, %swap3A_172] {strides = array<i32>} : memref<112x144xf32, #tpu.memory_space<vmem>>, vector<16xf32>,
        tpu.vector_store %arg11[%swap3A_171, %swap3A_172], %mul3A_170 {strides = array<i32>} : memref<112x144xf32, #tpu.memory_space<vmem>>, vector<16xf32>,
        %get3A_174 = arith.index_cast %scan3A_149 : i32 to index
        %get3A_175 = arith.constant 32 : index
        %get3A_176 = tpu.vector_load %arg11[%get3A_174, %get3A_175] {strides = array<i32>} : memref<112x144xf32, #tpu.memory_space<vmem>>, vector<16xf32>,
        %mul3A_177 = arith.mulf %get3A_176, %gather3A_155 : vector<16xf32>
        %swap3A_178 = arith.index_cast %scan3A_149 : i32 to index
        %swap3A_179 = arith.constant 32 : index
        %swap3A_180 = tpu.vector_load %arg11[%swap3A_178, %swap3A_179] {strides = array<i32>} : memref<112x144xf32, #tpu.memory_space<vmem>>, vector<16xf32>,
        tpu.vector_store %arg11[%swap3A_178, %swap3A_179], %mul3A_177 {strides = array<i32>} : memref<112x144xf32, #tpu.memory_space<vmem>>, vector<16xf32>,
        %get3A_181 = arith.index_cast %scan3A_149 : i32 to index
        %get3A_182 = arith.constant 48 : index
        %get3A_183 = tpu.vector_load %arg11[%get3A_181, %get3A_182] {strides = array<i32>} : memref<112x144xf32, #tpu.memory_space<vmem>>, vector<16xf32>,
        %mul3A_184 = arith.mulf %get3A_183, %gather3A_155 : vector<16xf32>
        %swap3A_185 = arith.index_cast %scan3A_149 : i32 to index
        %swap3A_186 = arith.constant 48 : index
        %swap3A_187 = tpu.vector_load %arg11[%swap3A_185, %swap3A_186] {strides = array<i32>} : memref<112x144xf32, #tpu.memory_space<vmem>>, vector<16xf32>,
        tpu.vector_store %arg11[%swap3A_185, %swap3A_186], %mul3A_184 {strides = array<i32>} : memref<112x144xf32, #tpu.memory_space<vmem>>, vector<16xf32>,
        %get3A_188 = arith.index_cast %scan3A_149 : i32 to index
        %get3A_189 = arith.constant 64 : index
        %get3A_190 = tpu.vector_load %arg11[%get3A_188, %get3A_189] {strides = array<i32>} : memref<112x144xf32, #tpu.memory_space<vmem>>, vector<16xf32>,
        %mul3A_191 = arith.mulf %get3A_190, %gather3A_158 : vector<16xf32>
        %swap3A_192 = arith.index_cast %scan3A_149 : i32 to index
        %swap3A_193 = arith.constant 64 : index
        %swap3A_194 = tpu.vector_load %arg11[%swap3A_192, %swap3A_193] {strides = array<i32>} : memref<112x144xf32, #tpu.memory_space<vmem>>, vector<16xf32>,
        tpu.vector_store %arg11[%swap3A_192, %swap3A_193], %mul3A_191 {strides = array<i32>} : memref<112x144xf32, #tpu.memory_space<vmem>>, vector<16xf32>,
        %get3A_195 = arith.index_cast %scan3A_149 : i32 to index
        %get3A_196 = arith.constant 80 : index
        %get3A_197 = tpu.vector_load %arg11[%get3A_195, %get3A_196] {strides = array<i32>} : memref<112x144xf32, #tpu.memory_space<vmem>>, vector<16xf32>,
        %mul3A_198 = arith.mulf %get3A_197, %gather3A_158 : vector<16xf32>
        %swap3A_199 = arith.index_cast %scan3A_149 : i32 to index
        %swap3A_200 = arith.constant 80 : index
        %swap3A_201 = tpu.vector_load %arg11[%swap3A_199, %swap3A_200] {strides = array<i32>} : memref<112x144xf32, #tpu.memory_space<vmem>>, vector<16xf32>,
        tpu.vector_store %arg11[%swap3A_199, %swap3A_200], %mul3A_198 {strides = array<i32>} : memref<112x144xf32, #tpu.memory_space<vmem>>, vector<16xf32>,
        %get3A_202 = arith.index_cast %scan3A_149 : i32 to index
        %get3A_203 = arith.constant 96 : index
        %get3A_204 = tpu.vector_load %arg11[%get3A_202, %get3A_203] {strides = array<i32>} : memref<112x144xf32, #tpu.memory_space<vmem>>, vector<16xf32>,
        %mul3A_205 = arith.mulf %get3A_204, %gather3A_161 : vector<16xf32>
        %swap3A_206 = arith.index_cast %scan3A_149 : i32 to index
        %swap3A_207 = arith.constant 96 : index
        %swap3A_208 = tpu.vector_load %arg11[%swap3A_206, %swap3A_207] {strides = array<i32>} : memref<112x144xf32, #tpu.memory_space<vmem>>, vector<16xf32>,
        tpu.vector_store %arg11[%swap3A_206, %swap3A_207], %mul3A_205 {strides = array<i32>} : memref<112x144xf32, #tpu.memory_space<vmem>>, vector<16xf32>,
        %get3A_209 = arith.index_cast %scan3A_149 : i32 to index
        %get3A_210 = arith.constant 112 : index
        %get3A_211 = tpu.vector_load %arg11[%get3A_209, %get3A_210] {strides = array<i32>} : memref<112x144xf32, #tpu.memory_space<vmem>>, vector<16xf32>,
        %mul3A_212 = arith.mulf %get3A_211, %gather3A_161 : vector<16xf32>
        %swap3A_213 = arith.index_cast %scan3A_149 : i32 to index
        %swap3A_214 = arith.constant 112 : index
        %swap3A_215 = tpu.vector_load %arg11[%swap3A_213, %swap3A_214] {strides = array<i32>} : memref<112x144xf32, #tpu.memory_space<vmem>>, vector<16xf32>,
        tpu.vector_store %arg11[%swap3A_213, %swap3A_214], %mul3A_212 {strides = array<i32>} : memref<112x144xf32, #tpu.memory_space<vmem>>, vector<16xf32>,
        %scan3A_216 = arith.constant 1 : i32
        %scan3A_217 = arith.addi %scan3A_149, %scan3A_216 : i32
        %broadcast_in_dim3A_218 = vector.broadcast %scan3A_217 : i32 to vector<16xi32>
        %broadcast_in_dim3A_219 = arith.constant 128 : i32
        %broadcast_in_dim3A_220 = vector.broadcast %broadcast_in_dim3A_219 : i32 to vector<16xi32>
        %gather3A_221 = tpu.vector_load_idx %arg11[%broadcast_in_dim3A_218, %broadcast_in_dim3A_220] : memref<112x144xf32, #tpu.memory_space<vmem>>[vector<16xi32>, vector<16xi32>], vector<16xf32>,
        %broadcast_in_dim3A_222 = arith.constant 129 : i32
        %broadcast_in_dim3A_223 = vector.broadcast %broadcast_in_dim3A_222 : i32 to vector<16xi32>
        %gather3A_224 = tpu.vector_load_idx %arg11[%broadcast_in_dim3A_218, %broadcast_in_dim3A_223] : memref<112x144xf32, #tpu.memory_space<vmem>>[vector<16xi32>, vector<16xi32>], vector<16xf32>,
        %broadcast_in_dim3A_225 = arith.constant 130 : i32
        %broadcast_in_dim3A_226 = vector.broadcast %broadcast_in_dim3A_225 : i32 to vector<16xi32>
        %gather3A_227 = tpu.vector_load_idx %arg11[%broadcast_in_dim3A_218, %broadcast_in_dim3A_226] : memref<112x144xf32, #tpu.memory_space<vmem>>[vector<16xi32>, vector<16xi32>], vector<16xf32>,
        %broadcast_in_dim3A_228 = arith.constant 131 : i32
        %broadcast_in_dim3A_229 = vector.broadcast %broadcast_in_dim3A_228 : i32 to vector<16xi32>
        %gather3A_230 = tpu.vector_load_idx %arg11[%broadcast_in_dim3A_218, %broadcast_in_dim3A_229] : memref<112x144xf32, #tpu.memory_space<vmem>>[vector<16xi32>, vector<16xi32>], vector<16xf32>,
        %get3A_231 = arith.index_cast %scan3A_217 : i32 to index
        %get3A_232 = arith.constant 0 : index
        %get3A_233 = tpu.vector_load %arg11[%get3A_231, %get3A_232] {strides = array<i32>} : memref<112x144xf32, #tpu.memory_space<vmem>>, vector<16xf32>,
        %mul3A_234 = arith.mulf %get3A_233, %gather3A_221 : vector<16xf32>
        %swap3A_235 = arith.index_cast %scan3A_217 : i32 to index
        %swap3A_236 = arith.constant 0 : index
        %swap3A_237 = tpu.vector_load %arg11[%swap3A_235, %swap3A_236] {strides = array<i32>} : memref<112x144xf32, #tpu.memory_space<vmem>>, vector<16xf32>,
        tpu.vector_store %arg11[%swap3A_235, %swap3A_236], %mul3A_234 {strides = array<i32>} : memref<112x144xf32, #tpu.memory_space<vmem>>, vector<16xf32>,
        %get3A_238 = arith.index_cast %scan3A_217 : i32 to index
        %get3A_239 = arith.constant 16 : index
        %get3A_240 = tpu.vector_load %arg11[%get3A_238, %get3A_239] {strides = array<i32>} : memref<112x144xf32, #tpu.memory_space<vmem>>, vector<16xf32>,
        %mul3A_241 = arith.mulf %get3A_240, %gather3A_221 : vector<16xf32>
        %swap3A_242 = arith.index_cast %scan3A_217 : i32 to index
        %swap3A_243 = arith.constant 16 : index
        %swap3A_244 = tpu.vector_load %arg11[%swap3A_242, %swap3A_243] {strides = array<i32>} : memref<112x144xf32, #tpu.memory_space<vmem>>, vector<16xf32>,
        tpu.vector_store %arg11[%swap3A_242, %swap3A_243], %mul3A_241 {strides = array<i32>} : memref<112x144xf32, #tpu.memory_space<vmem>>, vector<16xf32>,
        %get3A_245 = arith.index_cast %scan3A_217 : i32 to index
        %get3A_246 = arith.constant 32 : index
        %get3A_247 = tpu.vector_load %arg11[%get3A_245, %get3A_246] {strides = array<i32>} : memref<112x144xf32, #tpu.memory_space<vmem>>, vector<16xf32>,
        %mul3A_248 = arith.mulf %get3A_247, %gather3A_224 : vector<16xf32>
        %swap3A_249 = arith.index_cast %scan3A_217 : i32 to index
        %swap3A_250 = arith.constant 32 : index
        %swap3A_251 = tpu.vector_load %arg11[%swap3A_249, %swap3A_250] {strides = array<i32>} : memref<112x144xf32, #tpu.memory_space<vmem>>, vector<16xf32>,
        tpu.vector_store %arg11[%swap3A_249, %swap3A_250], %mul3A_248 {strides = array<i32>} : memref<112x144xf32, #tpu.memory_space<vmem>>, vector<16xf32>,
        %get3A_252 = arith.index_cast %scan3A_217 : i32 to index
        %get3A_253 = arith.constant 48 : index
        %get3A_254 = tpu.vector_load %arg11[%get3A_252, %get3A_253] {strides = array<i32>} : memref<112x144xf32, #tpu.memory_space<vmem>>, vector<16xf32>,
        %mul3A_255 = arith.mulf %get3A_254, %gather3A_224 : vector<16xf32>
        %swap3A_256 = arith.index_cast %scan3A_217 : i32 to index
        %swap3A_257 = arith.constant 48 : index
        %swap3A_258 = tpu.vector_load %arg11[%swap3A_256, %swap3A_257] {strides = array<i32>} : memref<112x144xf32, #tpu.memory_space<vmem>>, vector<16xf32>,
        tpu.vector_store %arg11[%swap3A_256, %swap3A_257], %mul3A_255 {strides = array<i32>} : memref<112x144xf32, #tpu.memory_space<vmem>>, vector<16xf32>,
        %get3A_259 = arith.index_cast %scan3A_217 : i32 to index
        %get3A_260 = arith.constant 64 : index
        %get3A_261 = tpu.vector_load %arg11[%get3A_259, %get3A_260] {strides = array<i32>} : memref<112x144xf32, #tpu.memory_space<vmem>>, vector<16xf32>,
        %mul3A_262 = arith.mulf %get3A_261, %gather3A_227 : vector<16xf32>
        %swap3A_263 = arith.index_cast %scan3A_217 : i32 to index
        %swap3A_264 = arith.constant 64 : index
        %swap3A_265 = tpu.vector_load %arg11[%swap3A_263, %swap3A_264] {strides = array<i32>} : memref<112x144xf32, #tpu.memory_space<vmem>>, vector<16xf32>,
        tpu.vector_store %arg11[%swap3A_263, %swap3A_264], %mul3A_262 {strides = array<i32>} : memref<112x144xf32, #tpu.memory_space<vmem>>, vector<16xf32>,
        %get3A_266 = arith.index_cast %scan3A_217 : i32 to index
        %get3A_267 = arith.constant 80 : index
        %get3A_268 = tpu.vector_load %arg11[%get3A_266, %get3A_267] {strides = array<i32>} : memref<112x144xf32, #tpu.memory_space<vmem>>, vector<16xf32>,
        %mul3A_269 = arith.mulf %get3A_268, %gather3A_227 : vector<16xf32>
        %swap3A_270 = arith.index_cast %scan3A_217 : i32 to index
        %swap3A_271 = arith.constant 80 : index
        %swap3A_272 = tpu.vector_load %arg11[%swap3A_270, %swap3A_271] {strides = array<i32>} : memref<112x144xf32, #tpu.memory_space<vmem>>, vector<16xf32>,
        tpu.vector_store %arg11[%swap3A_270, %swap3A_271], %mul3A_269 {strides = array<i32>} : memref<112x144xf32, #tpu.memory_space<vmem>>, vector<16xf32>,
        %get3A_273 = arith.index_cast %scan3A_217 : i32 to index
        %get3A_274 = arith.constant 96 : index
        %get3A_275 = tpu.vector_load %arg11[%get3A_273, %get3A_274] {strides = array<i32>} : memref<112x144xf32, #tpu.memory_space<vmem>>, vector<16xf32>,
        %mul3A_276 = arith.mulf %get3A_275, %gather3A_230 : vector<16xf32>
        %swap3A_277 = arith.index_cast %scan3A_217 : i32 to index
        %swap3A_278 = arith.constant 96 : index
        %swap3A_279 = tpu.vector_load %arg11[%swap3A_277, %swap3A_278] {strides = array<i32>} : memref<112x144xf32, #tpu.memory_space<vmem>>, vector<16xf32>,
        tpu.vector_store %arg11[%swap3A_277, %swap3A_278], %mul3A_276 {strides = array<i32>} : memref<112x144xf32, #tpu.memory_space<vmem>>, vector<16xf32>,
        %get3A_280 = arith.index_cast %scan3A_217 : i32 to index
        %get3A_281 = arith.constant 112 : index
        %get3A_282 = tpu.vector_load %arg11[%get3A_280, %get3A_281] {strides = array<i32>} : memref<112x144xf32, #tpu.memory_space<vmem>>, vector<16xf32>,
        %mul3A_283 = arith.mulf %get3A_282, %gather3A_230 : vector<16xf32>
        %swap3A_284 = arith.index_cast %scan3A_217 : i32 to index
        %swap3A_285 = arith.constant 112 : index
        %swap3A_286 = tpu.vector_load %arg11[%swap3A_284, %swap3A_285] {strides = array<i32>} : memref<112x144xf32, #tpu.memory_space<vmem>>, vector<16xf32>,
        tpu.vector_store %arg11[%swap3A_284, %swap3A_285], %mul3A_283 {strides = array<i32>} : memref<112x144xf32, #tpu.memory_space<vmem>>, vector<16xf32>,
        %scan3A_287 = arith.constant 2 : i32
        %scan3A_288 = arith.addi %scan3A_149, %scan3A_287 : i32
        %broadcast_in_dim3A_289 = vector.broadcast %scan3A_288 : i32 to vector<16xi32>
        %broadcast_in_dim3A_290 = arith.constant 128 : i32
        %broadcast_in_dim3A_291 = vector.broadcast %broadcast_in_dim3A_290 : i32 to vector<16xi32>
        %gather3A_292 = tpu.vector_load_idx %arg11[%broadcast_in_dim3A_289, %broadcast_in_dim3A_291] : memref<112x144xf32, #tpu.memory_space<vmem>>[vector<16xi32>, vector<16xi32>], vector<16xf32>,
        %broadcast_in_dim3A_293 = arith.constant 129 : i32
        %broadcast_in_dim3A_294 = vector.broadcast %broadcast_in_dim3A_293 : i32 to vector<16xi32>
        %gather3A_295 = tpu.vector_load_idx %arg11[%broadcast_in_dim3A_289, %broadcast_in_dim3A_294] : memref<112x144xf32, #tpu.memory_space<vmem>>[vector<16xi32>, vector<16xi32>], vector<16xf32>,
        %broadcast_in_dim3A_296 = arith.constant 130 : i32
        %broadcast_in_dim3A_297 = vector.broadcast %broadcast_in_dim3A_296 : i32 to vector<16xi32>
        %gather3A_298 = tpu.vector_load_idx %arg11[%broadcast_in_dim3A_289, %broadcast_in_dim3A_297] : memref<112x144xf32, #tpu.memory_space<vmem>>[vector<16xi32>, vector<16xi32>], vector<16xf32>,
        %broadcast_in_dim3A_299 = arith.constant 131 : i32
        %broadcast_in_dim3A_300 = vector.broadcast %broadcast_in_dim3A_299 : i32 to vector<16xi32>
        %gather3A_301 = tpu.vector_load_idx %arg11[%broadcast_in_dim3A_289, %broadcast_in_dim3A_300] : memref<112x144xf32, #tpu.memory_space<vmem>>[vector<16xi32>, vector<16xi32>], vector<16xf32>,
        %get3A_302 = arith.index_cast %scan3A_288 : i32 to index
        %get3A_303 = arith.constant 0 : index
        %get3A_304 = tpu.vector_load %arg11[%get3A_302, %get3A_303] {strides = array<i32>} : memref<112x144xf32, #tpu.memory_space<vmem>>, vector<16xf32>,
        %mul3A_305 = arith.mulf %get3A_304, %gather3A_292 : vector<16xf32>
        %swap3A_306 = arith.index_cast %scan3A_288 : i32 to index
        %swap3A_307 = arith.constant 0 : index
        %swap3A_308 = tpu.vector_load %arg11[%swap3A_306, %swap3A_307] {strides = array<i32>} : memref<112x144xf32, #tpu.memory_space<vmem>>, vector<16xf32>,
        tpu.vector_store %arg11[%swap3A_306, %swap3A_307], %mul3A_305 {strides = array<i32>} : memref<112x144xf32, #tpu.memory_space<vmem>>, vector<16xf32>,
        %get3A_309 = arith.index_cast %scan3A_288 : i32 to index
        %get3A_310 = arith.constant 16 : index
        %get3A_311 = tpu.vector_load %arg11[%get3A_309, %get3A_310] {strides = array<i32>} : memref<112x144xf32, #tpu.memory_space<vmem>>, vector<16xf32>,
        %mul3A_312 = arith.mulf %get3A_311, %gather3A_292 : vector<16xf32>
        %swap3A_313 = arith.index_cast %scan3A_288 : i32 to index
        %swap3A_314 = arith.constant 16 : index
        %swap3A_315 = tpu.vector_load %arg11[%swap3A_313, %swap3A_314] {strides = array<i32>} : memref<112x144xf32, #tpu.memory_space<vmem>>, vector<16xf32>,
        tpu.vector_store %arg11[%swap3A_313, %swap3A_314], %mul3A_312 {strides = array<i32>} : memref<112x144xf32, #tpu.memory_space<vmem>>, vector<16xf32>,
        %get3A_316 = arith.index_cast %scan3A_288 : i32 to index
        %get3A_317 = arith.constant 32 : index
        %get3A_318 = tpu.vector_load %arg11[%get3A_316, %get3A_317] {strides = array<i32>} : memref<112x144xf32, #tpu.memory_space<vmem>>, vector<16xf32>,
        %mul3A_319 = arith.mulf %get3A_318, %gather3A_295 : vector<16xf32>
        %swap3A_320 = arith.index_cast %scan3A_288 : i32 to index
        %swap3A_321 = arith.constant 32 : index
        %swap3A_322 = tpu.vector_load %arg11[%swap3A_320, %swap3A_321] {strides = array<i32>} : memref<112x144xf32, #tpu.memory_space<vmem>>, vector<16xf32>,
        tpu.vector_store %arg11[%swap3A_320, %swap3A_321], %mul3A_319 {strides = array<i32>} : memref<112x144xf32, #tpu.memory_space<vmem>>, vector<16xf32>,
        %get3A_323 = arith.index_cast %scan3A_288 : i32 to index
        %get3A_324 = arith.constant 48 : index
        %get3A_325 = tpu.vector_load %arg11[%get3A_323, %get3A_324] {strides = array<i32>} : memref<112x144xf32, #tpu.memory_space<vmem>>, vector<16xf32>,
        %mul3A_326 = arith.mulf %get3A_325, %gather3A_295 : vector<16xf32>
        %swap3A_327 = arith.index_cast %scan3A_288 : i32 to index
        %swap3A_328 = arith.constant 48 : index
        %swap3A_329 = tpu.vector_load %arg11[%swap3A_327, %swap3A_328] {strides = array<i32>} : memref<112x144xf32, #tpu.memory_space<vmem>>, vector<16xf32>,
        tpu.vector_store %arg11[%swap3A_327, %swap3A_328], %mul3A_326 {strides = array<i32>} : memref<112x144xf32, #tpu.memory_space<vmem>>, vector<16xf32>,
        %get3A_330 = arith.index_cast %scan3A_288 : i32 to index
        %get3A_331 = arith.constant 64 : index
        %get3A_332 = tpu.vector_load %arg11[%get3A_330, %get3A_331] {strides = array<i32>} : memref<112x144xf32, #tpu.memory_space<vmem>>, vector<16xf32>,
        %mul3A_333 = arith.mulf %get3A_332, %gather3A_298 : vector<16xf32>
        %swap3A_334 = arith.index_cast %scan3A_288 : i32 to index
        %swap3A_335 = arith.constant 64 : index
        %swap3A_336 = tpu.vector_load %arg11[%swap3A_334, %swap3A_335] {strides = array<i32>} : memref<112x144xf32, #tpu.memory_space<vmem>>, vector<16xf32>,
        tpu.vector_store %arg11[%swap3A_334, %swap3A_335], %mul3A_333 {strides = array<i32>} : memref<112x144xf32, #tpu.memory_space<vmem>>, vector<16xf32>,
        %get3A_337 = arith.index_cast %scan3A_288 : i32 to index
        %get3A_338 = arith.constant 80 : index
        %get3A_339 = tpu.vector_load %arg11[%get3A_337, %get3A_338] {strides = array<i32>} : memref<112x144xf32, #tpu.memory_space<vmem>>, vector<16xf32>,
        %mul3A_340 = arith.mulf %get3A_339, %gather3A_298 : vector<16xf32>
        %swap3A_341 = arith.index_cast %scan3A_288 : i32 to index
        %swap3A_342 = arith.constant 80 : index
        %swap3A_343 = tpu.vector_load %arg11[%swap3A_341, %swap3A_342] {strides = array<i32>} : memref<112x144xf32, #tpu.memory_space<vmem>>, vector<16xf32>,
        tpu.vector_store %arg11[%swap3A_341, %swap3A_342], %mul3A_340 {strides = array<i32>} : memref<112x144xf32, #tpu.memory_space<vmem>>, vector<16xf32>,
        %get3A_344 = arith.index_cast %scan3A_288 : i32 to index
        %get3A_345 = arith.constant 96 : index
        %get3A_346 = tpu.vector_load %arg11[%get3A_344, %get3A_345] {strides = array<i32>} : memref<112x144xf32, #tpu.memory_space<vmem>>, vector<16xf32>,
        %mul3A_347 = arith.mulf %get3A_346, %gather3A_301 : vector<16xf32>
        %swap3A_348 = arith.index_cast %scan3A_288 : i32 to index
        %swap3A_349 = arith.constant 96 : index
        %swap3A_350 = tpu.vector_load %arg11[%swap3A_348, %swap3A_349] {strides = array<i32>} : memref<112x144xf32, #tpu.memory_space<vmem>>, vector<16xf32>,
        tpu.vector_store %arg11[%swap3A_348, %swap3A_349], %mul3A_347 {strides = array<i32>} : memref<112x144xf32, #tpu.memory_space<vmem>>, vector<16xf32>,
        %get3A_351 = arith.index_cast %scan3A_288 : i32 to index
        %get3A_352 = arith.constant 112 : index
        %get3A_353 = tpu.vector_load %arg11[%get3A_351, %get3A_352] {strides = array<i32>} : memref<112x144xf32, #tpu.memory_space<vmem>>, vector<16xf32>,
        %mul3A_354 = arith.mulf %get3A_353, %gather3A_301 : vector<16xf32>
        %swap3A_355 = arith.index_cast %scan3A_288 : i32 to index
        %swap3A_356 = arith.constant 112 : index
        %swap3A_357 = tpu.vector_load %arg11[%swap3A_355, %swap3A_356] {strides = array<i32>} : memref<112x144xf32, #tpu.memory_space<vmem>>, vector<16xf32>,
        tpu.vector_store %arg11[%swap3A_355, %swap3A_356], %mul3A_354 {strides = array<i32>} : memref<112x144xf32, #tpu.memory_space<vmem>>, vector<16xf32>,
        %scan3A_358 = arith.constant 3 : i32
        %scan3A_359 = arith.addi %scan3A_149, %scan3A_358 : i32
        %broadcast_in_dim3A_360 = vector.broadcast %scan3A_359 : i32 to vector<16xi32>
        %broadcast_in_dim3A_361 = arith.constant 128 : i32
        %broadcast_in_dim3A_362 = vector.broadcast %broadcast_in_dim3A_361 : i32 to vector<16xi32>
        %gather3A_363 = tpu.vector_load_idx %arg11[%broadcast_in_dim3A_360, %broadcast_in_dim3A_362] : memref<112x144xf32, #tpu.memory_space<vmem>>[vector<16xi32>, vector<16xi32>], vector<16xf32>,
        %broadcast_in_dim3A_364 = arith.constant 129 : i32
        %broadcast_in_dim3A_365 = vector.broadcast %broadcast_in_dim3A_364 : i32 to vector<16xi32>
        %gather3A_366 = tpu.vector_load_idx %arg11[%broadcast_in_dim3A_360, %broadcast_in_dim3A_365] : memref<112x144xf32, #tpu.memory_space<vmem>>[vector<16xi32>, vector<16xi32>], vector<16xf32>,
        %broadcast_in_dim3A_367 = arith.constant 130 : i32
        %broadcast_in_dim3A_368 = vector.broadcast %broadcast_in_dim3A_367 : i32 to vector<16xi32>
        %gather3A_369 = tpu.vector_load_idx %arg11[%broadcast_in_dim3A_360, %broadcast_in_dim3A_368] : memref<112x144xf32, #tpu.memory_space<vmem>>[vector<16xi32>, vector<16xi32>], vector<16xf32>,
        %broadcast_in_dim3A_370 = arith.constant 131 : i32
        %broadcast_in_dim3A_371 = vector.broadcast %broadcast_in_dim3A_370 : i32 to vector<16xi32>
        %gather3A_372 = tpu.vector_load_idx %arg11[%broadcast_in_dim3A_360, %broadcast_in_dim3A_371] : memref<112x144xf32, #tpu.memory_space<vmem>>[vector<16xi32>, vector<16xi32>], vector<16xf32>,
        %get3A_373 = arith.index_cast %scan3A_359 : i32 to index
        %get3A_374 = arith.constant 0 : index
        %get3A_375 = tpu.vector_load %arg11[%get3A_373, %get3A_374] {strides = array<i32>} : memref<112x144xf32, #tpu.memory_space<vmem>>, vector<16xf32>,
        %mul3A_376 = arith.mulf %get3A_375, %gather3A_363 : vector<16xf32>
        %swap3A_377 = arith.index_cast %scan3A_359 : i32 to index
        %swap3A_378 = arith.constant 0 : index
        %swap3A_379 = tpu.vector_load %arg11[%swap3A_377, %swap3A_378] {strides = array<i32>} : memref<112x144xf32, #tpu.memory_space<vmem>>, vector<16xf32>,
        tpu.vector_store %arg11[%swap3A_377, %swap3A_378], %mul3A_376 {strides = array<i32>} : memref<112x144xf32, #tpu.memory_space<vmem>>, vector<16xf32>,
        %get3A_380 = arith.index_cast %scan3A_359 : i32 to index
        %get3A_381 = arith.constant 16 : index
        %get3A_382 = tpu.vector_load %arg11[%get3A_380, %get3A_381] {strides = array<i32>} : memref<112x144xf32, #tpu.memory_space<vmem>>, vector<16xf32>,
        %mul3A_383 = arith.mulf %get3A_382, %gather3A_363 : vector<16xf32>
        %swap3A_384 = arith.index_cast %scan3A_359 : i32 to index
        %swap3A_385 = arith.constant 16 : index
        %swap3A_386 = tpu.vector_load %arg11[%swap3A_384, %swap3A_385] {strides = array<i32>} : memref<112x144xf32, #tpu.memory_space<vmem>>, vector<16xf32>,
        tpu.vector_store %arg11[%swap3A_384, %swap3A_385], %mul3A_383 {strides = array<i32>} : memref<112x144xf32, #tpu.memory_space<vmem>>, vector<16xf32>,
        %get3A_387 = arith.index_cast %scan3A_359 : i32 to index
        %get3A_388 = arith.constant 32 : index
        %get3A_389 = tpu.vector_load %arg11[%get3A_387, %get3A_388] {strides = array<i32>} : memref<112x144xf32, #tpu.memory_space<vmem>>, vector<16xf32>,
        %mul3A_390 = arith.mulf %get3A_389, %gather3A_366 : vector<16xf32>
        %swap3A_391 = arith.index_cast %scan3A_359 : i32 to index
        %swap3A_392 = arith.constant 32 : index
        %swap3A_393 = tpu.vector_load %arg11[%swap3A_391, %swap3A_392] {strides = array<i32>} : memref<112x144xf32, #tpu.memory_space<vmem>>, vector<16xf32>,
        tpu.vector_store %arg11[%swap3A_391, %swap3A_392], %mul3A_390 {strides = array<i32>} : memref<112x144xf32, #tpu.memory_space<vmem>>, vector<16xf32>,
        %get3A_394 = arith.index_cast %scan3A_359 : i32 to index
        %get3A_395 = arith.constant 48 : index
        %get3A_396 = tpu.vector_load %arg11[%get3A_394, %get3A_395] {strides = array<i32>} : memref<112x144xf32, #tpu.memory_space<vmem>>, vector<16xf32>,
        %mul3A_397 = arith.mulf %get3A_396, %gather3A_366 : vector<16xf32>
        %swap3A_398 = arith.index_cast %scan3A_359 : i32 to index
        %swap3A_399 = arith.constant 48 : index
        %swap3A_400 = tpu.vector_load %arg11[%swap3A_398, %swap3A_399] {strides = array<i32>} : memref<112x144xf32, #tpu.memory_space<vmem>>, vector<16xf32>,
        tpu.vector_store %arg11[%swap3A_398, %swap3A_399], %mul3A_397 {strides = array<i32>} : memref<112x144xf32, #tpu.memory_space<vmem>>, vector<16xf32>,
        %get3A_401 = arith.index_cast %scan3A_359 : i32 to index
        %get3A_402 = arith.constant 64 : index
        %get3A_403 = tpu.vector_load %arg11[%get3A_401, %get3A_402] {strides = array<i32>} : memref<112x144xf32, #tpu.memory_space<vmem>>, vector<16xf32>,
        %mul3A_404 = arith.mulf %get3A_403, %gather3A_369 : vector<16xf32>
        %swap3A_405 = arith.index_cast %scan3A_359 : i32 to index
        %swap3A_406 = arith.constant 64 : index
        %swap3A_407 = tpu.vector_load %arg11[%swap3A_405, %swap3A_406] {strides = array<i32>} : memref<112x144xf32, #tpu.memory_space<vmem>>, vector<16xf32>,
        tpu.vector_store %arg11[%swap3A_405, %swap3A_406], %mul3A_404 {strides = array<i32>} : memref<112x144xf32, #tpu.memory_space<vmem>>, vector<16xf32>,
        %get3A_408 = arith.index_cast %scan3A_359 : i32 to index
        %get3A_409 = arith.constant 80 : index
        %get3A_410 = tpu.vector_load %arg11[%get3A_408, %get3A_409] {strides = array<i32>} : memref<112x144xf32, #tpu.memory_space<vmem>>, vector<16xf32>,
        %mul3A_411 = arith.mulf %get3A_410, %gather3A_369 : vector<16xf32>
        %swap3A_412 = arith.index_cast %scan3A_359 : i32 to index
        %swap3A_413 = arith.constant 80 : index
        %swap3A_414 = tpu.vector_load %arg11[%swap3A_412, %swap3A_413] {strides = array<i32>} : memref<112x144xf32, #tpu.memory_space<vmem>>, vector<16xf32>,
        tpu.vector_store %arg11[%swap3A_412, %swap3A_413], %mul3A_411 {strides = array<i32>} : memref<112x144xf32, #tpu.memory_space<vmem>>, vector<16xf32>,
        %get3A_415 = arith.index_cast %scan3A_359 : i32 to index
        %get3A_416 = arith.constant 96 : index
        %get3A_417 = tpu.vector_load %arg11[%get3A_415, %get3A_416] {strides = array<i32>} : memref<112x144xf32, #tpu.memory_space<vmem>>, vector<16xf32>,
        %mul3A_418 = arith.mulf %get3A_417, %gather3A_372 : vector<16xf32>
        %swap3A_419 = arith.index_cast %scan3A_359 : i32 to index
        %swap3A_420 = arith.constant 96 : index
        %swap3A_421 = tpu.vector_load %arg11[%swap3A_419, %swap3A_420] {strides = array<i32>} : memref<112x144xf32, #tpu.memory_space<vmem>>, vector<16xf32>,
        tpu.vector_store %arg11[%swap3A_419, %swap3A_420], %mul3A_418 {strides = array<i32>} : memref<112x144xf32, #tpu.memory_space<vmem>>, vector<16xf32>,
        %get3A_422 = arith.index_cast %scan3A_359 : i32 to index
        %get3A_423 = arith.constant 112 : index
        %get3A_424 = tpu.vector_load %arg11[%get3A_422, %get3A_423] {strides = array<i32>} : memref<112x144xf32, #tpu.memory_space<vmem>>, vector<16xf32>,
        %mul3A_425 = arith.mulf %get3A_424, %gather3A_372 : vector<16xf32>
        %swap3A_426 = arith.index_cast %scan3A_359 : i32 to index
        %swap3A_427 = arith.constant 112 : index
        %swap3A_428 = tpu.vector_load %arg11[%swap3A_426, %swap3A_427] {strides = array<i32>} : memref<112x144xf32, #tpu.memory_space<vmem>>, vector<16xf32>,
        tpu.vector_store %arg11[%swap3A_426, %swap3A_427], %mul3A_425 {strides = array<i32>} : memref<112x144xf32, #tpu.memory_space<vmem>>, vector<16xf32>,
      }
      %scan3A_109 = arith.constant 112 : i32
      "tpu.region"() ({
        %run_scoped3A = tpu.sem_alloc : memref<!tpu.dma_semaphore, #tpu.memory_space<semaphore_mem>>
        %dma_start3A_149 = arith.constant 0 : i32
        %dma_start3A_150 = arith.constant 0 : i32
        %dma_start3A_151 = tpu.memref_slice %arg15[%dma_start3A_149, %dma_start3A_150] : memref<10240x144xf32, #tpu.memory_space<vmem_shared>> -> memref<10240x144xf32, #tpu.memory_space<vmem_shared>>
        tpu.enqueue_indirect_dma source(%arg11 : memref<112x144xf32, #tpu.memory_space<vmem>>) target(%dma_start3A_151 : memref<10240x144xf32, #tpu.memory_space<vmem_shared>>) offsets(%arg9 : memref<112xi32, #tpu.memory_space<vmem>>) semaphore(%run_scoped3A : memref<!tpu.dma_semaphore, #tpu.memory_space<semaphore_mem>>) {add = true}
        %dma_wait3A_152 = arith.constant 0 : i32
        %dma_wait3A_153 = arith.constant 0 : i32
        %dma_wait3A_154 = tpu.memref_slice %arg15[%dma_wait3A_152, %dma_wait3A_153] : memref<10240x144xf32, #tpu.memory_space<vmem_shared>> -> memref<10240x144xf32, #tpu.memory_space<vmem_shared>>
        tpu.wait_indirect_dma semaphore(%run_scoped3A : memref<!tpu.dma_semaphore, #tpu.memory_space<semaphore_mem>>) src(%arg11 : memref<112x144xf32, #tpu.memory_space<vmem>>) dst(%dma_wait3A_154 : memref<10240x144xf32, #tpu.memory_space<vmem_shared>>)
        tpu.yield
      }) : () -> ()
      %add3A_110 = arith.constant 2 : i32
      %add3A_111 = arith.addi %mul3A_82, %add3A_110 : i32
      %mul3A_112 = arith.constant 112 : i32
      %mul3A_113 = arith.muli %add3A_111, %mul3A_112 : i32
      %add3A_114 = arith.addi %mul3A_26, %mul3A_113 : i32
      "tpu.region"() ({
        %run_scoped3A = tpu.sem_alloc : memref<!tpu.dma_semaphore, #tpu.memory_space<semaphore_mem>>
        %dma_start3A_149 = tpu.memref_slice %arg2[%add3A_114] : memref<337120xi32, #tpu.memory_space<hbm>> -> memref<112xi32, #tpu.memory_space<hbm>>
        %dma_start3A_150 = tpu.memref_slice %arg2[%add3A_114] : memref<337120xi32, #tpu.memory_space<hbm>> -> memref<112xi32, #tpu.memory_space<hbm>>
        tpu.enqueue_dma source(%dma_start3A_150 : memref<112xi32, #tpu.memory_space<hbm>>) target(%arg7 : memref<112xi32, #tpu.memory_space<vmem>>) target_semaphore(%run_scoped3A : memref<!tpu.dma_semaphore, #tpu.memory_space<semaphore_mem>>)
        %dma_wait3A_151 = tpu.memref_slice %arg2[%add3A_114] : memref<337120xi32, #tpu.memory_space<hbm>> -> memref<112xi32, #tpu.memory_space<hbm>>
        %dma_wait3A_152 = tpu.memref_slice %arg2[%add3A_114] : memref<337120xi32, #tpu.memory_space<hbm>> -> memref<112xi32, #tpu.memory_space<hbm>>
        tpu.wait_dma2 semaphore(%run_scoped3A : memref<!tpu.dma_semaphore, #tpu.memory_space<semaphore_mem>>) src(%dma_wait3A_152 : memref<112xi32, #tpu.memory_space<hbm>>) dst(%arg7 : memref<112xi32, #tpu.memory_space<vmem>>)
        tpu.yield
      }) : () -> ()
      "tpu.region"() ({
        %run_scoped3A = tpu.sem_alloc : memref<!tpu.dma_semaphore, #tpu.memory_space<semaphore_mem>>
        %dma_start3A_149 = tpu.memref_slice %arg3[%add3A_114] : memref<337120xi32, #tpu.memory_space<hbm>> -> memref<112xi32, #tpu.memory_space<hbm>>
        %dma_start3A_150 = tpu.memref_slice %arg3[%add3A_114] : memref<337120xi32, #tpu.memory_space<hbm>> -> memref<112xi32, #tpu.memory_space<hbm>>
        tpu.enqueue_dma source(%dma_start3A_150 : memref<112xi32, #tpu.memory_space<hbm>>) target(%arg9 : memref<112xi32, #tpu.memory_space<vmem>>) target_semaphore(%run_scoped3A : memref<!tpu.dma_semaphore, #tpu.memory_space<semaphore_mem>>)
        %dma_wait3A_151 = tpu.memref_slice %arg3[%add3A_114] : memref<337120xi32, #tpu.memory_space<hbm>> -> memref<112xi32, #tpu.memory_space<hbm>>
        %dma_wait3A_152 = tpu.memref_slice %arg3[%add3A_114] : memref<337120xi32, #tpu.memory_space<hbm>> -> memref<112xi32, #tpu.memory_space<hbm>>
        tpu.wait_dma2 semaphore(%run_scoped3A : memref<!tpu.dma_semaphore, #tpu.memory_space<semaphore_mem>>) src(%dma_wait3A_152 : memref<112xi32, #tpu.memory_space<hbm>>) dst(%arg9 : memref<112xi32, #tpu.memory_space<vmem>>)
        tpu.yield
      }) : () -> ()
      %dma_start3A_115 = arith.constant 0 : i32
      %dma_start3A_116 = arith.constant 0 : i32
      %dma_start3A_117 = tpu.memref_slice %arg4[%dma_start3A_115, %dma_start3A_116] : memref<10240x144xf32, #tpu.memory_space<hbm>> -> memref<10240x144xf32, #tpu.memory_space<hbm>>
      tpu.enqueue_indirect_dma source(%dma_start3A_117 : memref<10240x144xf32, #tpu.memory_space<hbm>>) target(%arg11 : memref<112x144xf32, #tpu.memory_space<vmem>>) offsets(%arg7 : memref<112xi32, #tpu.memory_space<vmem>>) semaphore(%arg16 : memref<!tpu.dma_semaphore, #tpu.memory_space<semaphore_mem>>)
      %dma_start3A_118 = arith.constant 0 : i32
      %dma_start3A_119 = arith.constant 0 : i32
      %dma_start3A_120 = tpu.memref_slice %arg5[%dma_start3A_118, %dma_start3A_119] : memref<10240x16xf32, #tpu.memory_space<hbm>> -> memref<10240x16xf32, #tpu.memory_space<hbm>>
      tpu.enqueue_indirect_dma source(%dma_start3A_120 : memref<10240x16xf32, #tpu.memory_space<hbm>>) target(%arg13 : memref<112x16xf32, #tpu.memory_space<vmem>>) offsets(%arg9 : memref<112xi32, #tpu.memory_space<vmem>>) semaphore(%arg16 : memref<!tpu.dma_semaphore, #tpu.memory_space<semaphore_mem>>)
      %dma_wait3A_121 = arith.constant 0 : i32
      %dma_wait3A_122 = arith.constant 0 : i32
      %dma_wait3A_123 = tpu.memref_slice %arg4[%dma_wait3A_121, %dma_wait3A_122] : memref<10240x144xf32, #tpu.memory_space<hbm>> -> memref<10240x144xf32, #tpu.memory_space<hbm>>
      tpu.wait_indirect_dma semaphore(%arg17 : memref<!tpu.dma_semaphore, #tpu.memory_space<semaphore_mem>>) src(%dma_wait3A_123 : memref<10240x144xf32, #tpu.memory_space<hbm>>) dst(%arg12 : memref<112x144xf32, #tpu.memory_space<vmem>>)
      %dma_wait3A_124 = arith.constant 0 : i32
      %dma_wait3A_125 = arith.constant 0 : i32
      %dma_wait3A_126 = tpu.memref_slice %arg5[%dma_wait3A_124, %dma_wait3A_125] : memref<10240x16xf32, #tpu.memory_space<hbm>> -> memref<10240x16xf32, #tpu.memory_space<hbm>>
      tpu.wait_indirect_dma semaphore(%arg17 : memref<!tpu.dma_semaphore, #tpu.memory_space<semaphore_mem>>) src(%dma_wait3A_126 : memref<10240x16xf32, #tpu.memory_space<hbm>>) dst(%arg14 : memref<112x16xf32, #tpu.memory_space<vmem>>)
      %add3A_127 = arith.constant 1 : i32
      %add3A_128 = arith.addi %mul3A_82, %add3A_127 : i32
      %mul3A_129 = arith.constant 112 : i32
      %mul3A_130 = arith.muli %add3A_128, %mul3A_129 : i32
      %add3A_131 = arith.addi %mul3A_26, %mul3A_130 : i32
      %scan3A_132 = arith.constant 0 : i32
      %scan3A_133 = arith.constant 0 : i32
      %scan3A_134 = arith.constant 28 : i32
      %scan3A_135 = arith.addi %scan3A_133, %scan3A_134 : i32
      %scan3A_136 = arith.constant 2 : i32
      scf.for %scan3A_149 = %scan3A_133 to %scan3A_135 step %scan3A_136  : i32 {
        %mul3A_150 = arith.constant 16 : i32
        %mul3A_151 = arith.muli %scan3A_149, %mul3A_150 : i32
        %add3A_152 = vector.broadcast %mul3A_151 : i32 to vector<16xi32>
        %add3A_153 = arith.addi %add3A_152, %iota3A : vector<16xi32>
        %shift_right_arithmetic3A = arith.constant 2 : i32
        %shift_right_arithmetic3A_154 = vector.broadcast %shift_right_arithmetic3A : i32 to vector<16xi32>
        %shift_right_arithmetic3A_155 = arith.shrsi %add3A_153, %shift_right_arithmetic3A_154 : vector<16xi32>
        %and3A = arith.constant 3 : i32
        %and3A_156 = vector.broadcast %and3A : i32 to vector<16xi32>
        %and3A_157 = arith.andi %add3A_153, %and3A_156 : vector<16xi32>
        %add3A_158 = arith.constant 128 : i32
        %add3A_159 = vector.broadcast %add3A_158 : i32 to vector<16xi32>
        %add3A_160 = arith.addi %add3A_159, %and3A_157 : vector<16xi32>
        %gather3A = tpu.vector_load_idx %arg12[%shift_right_arithmetic3A_155, %add3A_160] : memref<112x144xf32, #tpu.memory_space<vmem>>[vector<16xi32>, vector<16xi32>], vector<16xf32>,
        %gather3A_161 = tpu.vector_load_idx %arg14[%shift_right_arithmetic3A_155, %and3A_157] : memref<112x16xf32, #tpu.memory_space<vmem>>[vector<16xi32>, vector<16xi32>], vector<16xf32>,
        %add3A_162 = arith.constant 4 : i32
        %add3A_163 = vector.broadcast %add3A_162 : i32 to vector<16xi32>
        %add3A_164 = arith.addi %add3A_163, %and3A_157 : vector<16xi32>
        %gather3A_165 = tpu.vector_load_idx %arg14[%shift_right_arithmetic3A_155, %add3A_164] : memref<112x16xf32, #tpu.memory_space<vmem>>[vector<16xi32>, vector<16xi32>], vector<16xf32>,
        %add3A_166 = arith.addf %gather3A, %gather3A_161 : vector<16xf32>
        %gt3A = arith.constant 0.000000e+00 : f32
        %gt3A_167 = vector.broadcast %gt3A : f32 to vector<16xf32>
        %gt3A_168 = arith.cmpf ogt, %add3A_166, %gt3A_167 : vector<16xf32>
        %mul3A_169 = arith.constant 2.000000e-01 : f32
        %mul3A_170 = vector.broadcast %mul3A_169 : f32 to vector<16xf32>
        %mul3A_171 = arith.mulf %mul3A_170, %add3A_166 : vector<16xf32>
        %select_n3A = arith.select %gt3A_168, %add3A_166, %mul3A_171 : vector<16xi1>, vector<16xf32>
        %sub3A = arith.subf %select_n3A, %gather3A_165 : vector<16xf32>
        %exp3A = math.exp %sub3A : vector<16xf32>
        %lt3A = arith.constant 4 : i32
        %lt3A_172 = vector.broadcast %lt3A : i32 to vector<16xi32>
        %lt3A_173 = arith.cmpi slt, %and3A_157, %lt3A_172 : vector<16xi32>
        %add3A_174 = vector.broadcast %add3A_131 : i32 to vector<16xi32>
        %add3A_175 = arith.addi %add3A_174, %shift_right_arithmetic3A_155 : vector<16xi32>
        %lt3A_176 = arith.constant 330000 : i32
        %lt3A_177 = vector.broadcast %lt3A_176 : i32 to vector<16xi32>
        %lt3A_178 = arith.cmpi slt, %add3A_175, %lt3A_177 : vector<16xi32>
        %and3A_179 = arith.andi %lt3A_173, %lt3A_178 : vector<16xi1>
        %jit3A = arith.constant 0.000000e+00 : f32
        %broadcast_in_dim3A_180 = vector.broadcast %jit3A : f32 to vector<16xf32>
        %select_n3A_181 = arith.select %and3A_179, %exp3A, %broadcast_in_dim3A_180 : vector<16xi1>, vector<16xf32>
        %add3A_182 = arith.constant 128 : i32
        %add3A_183 = vector.broadcast %add3A_182 : i32 to vector<16xi32>
        %add3A_184 = arith.addi %add3A_183, %and3A_157 : vector<16xi32>
        tpu.vector_store_idx %arg12[%shift_right_arithmetic3A_155, %add3A_184], %select_n3A_181 : memref<112x144xf32, #tpu.memory_space<vmem>>[vector<16xi32>, vector<16xi32>], vector<16xf32>,
        %scan3A_185 = arith.constant 1 : i32
        %scan3A_186 = arith.addi %scan3A_149, %scan3A_185 : i32
        %mul3A_187 = arith.constant 16 : i32
        %mul3A_188 = arith.muli %scan3A_186, %mul3A_187 : i32
        %add3A_189 = vector.broadcast %mul3A_188 : i32 to vector<16xi32>
        %add3A_190 = arith.addi %add3A_189, %iota3A : vector<16xi32>
        %shift_right_arithmetic3A_191 = arith.constant 2 : i32
        %shift_right_arithmetic3A_192 = vector.broadcast %shift_right_arithmetic3A_191 : i32 to vector<16xi32>
        %shift_right_arithmetic3A_193 = arith.shrsi %add3A_190, %shift_right_arithmetic3A_192 : vector<16xi32>
        %and3A_194 = arith.constant 3 : i32
        %and3A_195 = vector.broadcast %and3A_194 : i32 to vector<16xi32>
        %and3A_196 = arith.andi %add3A_190, %and3A_195 : vector<16xi32>
        %add3A_197 = arith.constant 128 : i32
        %add3A_198 = vector.broadcast %add3A_197 : i32 to vector<16xi32>
        %add3A_199 = arith.addi %add3A_198, %and3A_196 : vector<16xi32>
        %gather3A_200 = tpu.vector_load_idx %arg12[%shift_right_arithmetic3A_193, %add3A_199] : memref<112x144xf32, #tpu.memory_space<vmem>>[vector<16xi32>, vector<16xi32>], vector<16xf32>,
        %gather3A_201 = tpu.vector_load_idx %arg14[%shift_right_arithmetic3A_193, %and3A_196] : memref<112x16xf32, #tpu.memory_space<vmem>>[vector<16xi32>, vector<16xi32>], vector<16xf32>,
        %add3A_202 = arith.constant 4 : i32
        %add3A_203 = vector.broadcast %add3A_202 : i32 to vector<16xi32>
        %add3A_204 = arith.addi %add3A_203, %and3A_196 : vector<16xi32>
        %gather3A_205 = tpu.vector_load_idx %arg14[%shift_right_arithmetic3A_193, %add3A_204] : memref<112x16xf32, #tpu.memory_space<vmem>>[vector<16xi32>, vector<16xi32>], vector<16xf32>,
        %add3A_206 = arith.addf %gather3A_200, %gather3A_201 : vector<16xf32>
        %gt3A_207 = arith.constant 0.000000e+00 : f32
        %gt3A_208 = vector.broadcast %gt3A_207 : f32 to vector<16xf32>
        %gt3A_209 = arith.cmpf ogt, %add3A_206, %gt3A_208 : vector<16xf32>
        %mul3A_210 = arith.constant 2.000000e-01 : f32
        %mul3A_211 = vector.broadcast %mul3A_210 : f32 to vector<16xf32>
        %mul3A_212 = arith.mulf %mul3A_211, %add3A_206 : vector<16xf32>
        %select_n3A_213 = arith.select %gt3A_209, %add3A_206, %mul3A_212 : vector<16xi1>, vector<16xf32>
        %sub3A_214 = arith.subf %select_n3A_213, %gather3A_205 : vector<16xf32>
        %exp3A_215 = math.exp %sub3A_214 : vector<16xf32>
        %lt3A_216 = arith.constant 4 : i32
        %lt3A_217 = vector.broadcast %lt3A_216 : i32 to vector<16xi32>
        %lt3A_218 = arith.cmpi slt, %and3A_196, %lt3A_217 : vector<16xi32>
        %add3A_219 = vector.broadcast %add3A_131 : i32 to vector<16xi32>
        %add3A_220 = arith.addi %add3A_219, %shift_right_arithmetic3A_193 : vector<16xi32>
        %lt3A_221 = arith.constant 330000 : i32
        %lt3A_222 = vector.broadcast %lt3A_221 : i32 to vector<16xi32>
        %lt3A_223 = arith.cmpi slt, %add3A_220, %lt3A_222 : vector<16xi32>
        %and3A_224 = arith.andi %lt3A_218, %lt3A_223 : vector<16xi1>
        %jit3A_225 = arith.constant 0.000000e+00 : f32
        %broadcast_in_dim3A_226 = vector.broadcast %jit3A_225 : f32 to vector<16xf32>
        %select_n3A_227 = arith.select %and3A_224, %exp3A_215, %broadcast_in_dim3A_226 : vector<16xi1>, vector<16xf32>
        %add3A_228 = arith.constant 128 : i32
        %add3A_229 = vector.broadcast %add3A_228 : i32 to vector<16xi32>
        %add3A_230 = arith.addi %add3A_229, %and3A_196 : vector<16xi32>
        tpu.vector_store_idx %arg12[%shift_right_arithmetic3A_193, %add3A_230], %select_n3A_227 : memref<112x144xf32, #tpu.memory_space<vmem>>[vector<16xi32>, vector<16xi32>], vector<16xf32>,
      }
      %scan3A_137 = arith.constant 28 : i32
      %scan3A_138 = arith.constant 0 : i32
      %scan3A_139 = arith.constant 0 : i32
      %scan3A_140 = arith.constant 112 : i32
      %scan3A_141 = arith.addi %scan3A_139, %scan3A_140 : i32
      %scan3A_142 = arith.constant 4 : i32
      scf.for %scan3A_149 = %scan3A_139 to %scan3A_141 step %scan3A_142  : i32 {
        %broadcast_in_dim3A_150 = vector.broadcast %scan3A_149 : i32 to vector<16xi32>
        %broadcast_in_dim3A_151 = arith.constant 128 : i32
        %broadcast_in_dim3A_152 = vector.broadcast %broadcast_in_dim3A_151 : i32 to vector<16xi32>
        %gather3A = tpu.vector_load_idx %arg12[%broadcast_in_dim3A_150, %broadcast_in_dim3A_152] : memref<112x144xf32, #tpu.memory_space<vmem>>[vector<16xi32>, vector<16xi32>], vector<16xf32>,
        %broadcast_in_dim3A_153 = arith.constant 129 : i32
        %broadcast_in_dim3A_154 = vector.broadcast %broadcast_in_dim3A_153 : i32 to vector<16xi32>
        %gather3A_155 = tpu.vector_load_idx %arg12[%broadcast_in_dim3A_150, %broadcast_in_dim3A_154] : memref<112x144xf32, #tpu.memory_space<vmem>>[vector<16xi32>, vector<16xi32>], vector<16xf32>,
        %broadcast_in_dim3A_156 = arith.constant 130 : i32
        %broadcast_in_dim3A_157 = vector.broadcast %broadcast_in_dim3A_156 : i32 to vector<16xi32>
        %gather3A_158 = tpu.vector_load_idx %arg12[%broadcast_in_dim3A_150, %broadcast_in_dim3A_157] : memref<112x144xf32, #tpu.memory_space<vmem>>[vector<16xi32>, vector<16xi32>], vector<16xf32>,
        %broadcast_in_dim3A_159 = arith.constant 131 : i32
        %broadcast_in_dim3A_160 = vector.broadcast %broadcast_in_dim3A_159 : i32 to vector<16xi32>
        %gather3A_161 = tpu.vector_load_idx %arg12[%broadcast_in_dim3A_150, %broadcast_in_dim3A_160] : memref<112x144xf32, #tpu.memory_space<vmem>>[vector<16xi32>, vector<16xi32>], vector<16xf32>,
        %get3A = arith.index_cast %scan3A_149 : i32 to index
        %get3A_162 = arith.constant 0 : index
        %get3A_163 = tpu.vector_load %arg12[%get3A, %get3A_162] {strides = array<i32>} : memref<112x144xf32, #tpu.memory_space<vmem>>, vector<16xf32>,
        %mul3A_164 = arith.mulf %get3A_163, %gather3A : vector<16xf32>
        %swap3A = arith.index_cast %scan3A_149 : i32 to index
        %swap3A_165 = arith.constant 0 : index
        %swap3A_166 = tpu.vector_load %arg12[%swap3A, %swap3A_165] {strides = array<i32>} : memref<112x144xf32, #tpu.memory_space<vmem>>, vector<16xf32>,
        tpu.vector_store %arg12[%swap3A, %swap3A_165], %mul3A_164 {strides = array<i32>} : memref<112x144xf32, #tpu.memory_space<vmem>>, vector<16xf32>,
        %get3A_167 = arith.index_cast %scan3A_149 : i32 to index
        %get3A_168 = arith.constant 16 : index
        %get3A_169 = tpu.vector_load %arg12[%get3A_167, %get3A_168] {strides = array<i32>} : memref<112x144xf32, #tpu.memory_space<vmem>>, vector<16xf32>,
        %mul3A_170 = arith.mulf %get3A_169, %gather3A : vector<16xf32>
        %swap3A_171 = arith.index_cast %scan3A_149 : i32 to index
        %swap3A_172 = arith.constant 16 : index
        %swap3A_173 = tpu.vector_load %arg12[%swap3A_171, %swap3A_172] {strides = array<i32>} : memref<112x144xf32, #tpu.memory_space<vmem>>, vector<16xf32>,
        tpu.vector_store %arg12[%swap3A_171, %swap3A_172], %mul3A_170 {strides = array<i32>} : memref<112x144xf32, #tpu.memory_space<vmem>>, vector<16xf32>,
        %get3A_174 = arith.index_cast %scan3A_149 : i32 to index
        %get3A_175 = arith.constant 32 : index
        %get3A_176 = tpu.vector_load %arg12[%get3A_174, %get3A_175] {strides = array<i32>} : memref<112x144xf32, #tpu.memory_space<vmem>>, vector<16xf32>,
        %mul3A_177 = arith.mulf %get3A_176, %gather3A_155 : vector<16xf32>
        %swap3A_178 = arith.index_cast %scan3A_149 : i32 to index
        %swap3A_179 = arith.constant 32 : index
        %swap3A_180 = tpu.vector_load %arg12[%swap3A_178, %swap3A_179] {strides = array<i32>} : memref<112x144xf32, #tpu.memory_space<vmem>>, vector<16xf32>,
        tpu.vector_store %arg12[%swap3A_178, %swap3A_179], %mul3A_177 {strides = array<i32>} : memref<112x144xf32, #tpu.memory_space<vmem>>, vector<16xf32>,
        %get3A_181 = arith.index_cast %scan3A_149 : i32 to index
        %get3A_182 = arith.constant 48 : index
        %get3A_183 = tpu.vector_load %arg12[%get3A_181, %get3A_182] {strides = array<i32>} : memref<112x144xf32, #tpu.memory_space<vmem>>, vector<16xf32>,
        %mul3A_184 = arith.mulf %get3A_183, %gather3A_155 : vector<16xf32>
        %swap3A_185 = arith.index_cast %scan3A_149 : i32 to index
        %swap3A_186 = arith.constant 48 : index
        %swap3A_187 = tpu.vector_load %arg12[%swap3A_185, %swap3A_186] {strides = array<i32>} : memref<112x144xf32, #tpu.memory_space<vmem>>, vector<16xf32>,
        tpu.vector_store %arg12[%swap3A_185, %swap3A_186], %mul3A_184 {strides = array<i32>} : memref<112x144xf32, #tpu.memory_space<vmem>>, vector<16xf32>,
        %get3A_188 = arith.index_cast %scan3A_149 : i32 to index
        %get3A_189 = arith.constant 64 : index
        %get3A_190 = tpu.vector_load %arg12[%get3A_188, %get3A_189] {strides = array<i32>} : memref<112x144xf32, #tpu.memory_space<vmem>>, vector<16xf32>,
        %mul3A_191 = arith.mulf %get3A_190, %gather3A_158 : vector<16xf32>
        %swap3A_192 = arith.index_cast %scan3A_149 : i32 to index
        %swap3A_193 = arith.constant 64 : index
        %swap3A_194 = tpu.vector_load %arg12[%swap3A_192, %swap3A_193] {strides = array<i32>} : memref<112x144xf32, #tpu.memory_space<vmem>>, vector<16xf32>,
        tpu.vector_store %arg12[%swap3A_192, %swap3A_193], %mul3A_191 {strides = array<i32>} : memref<112x144xf32, #tpu.memory_space<vmem>>, vector<16xf32>,
        %get3A_195 = arith.index_cast %scan3A_149 : i32 to index
        %get3A_196 = arith.constant 80 : index
        %get3A_197 = tpu.vector_load %arg12[%get3A_195, %get3A_196] {strides = array<i32>} : memref<112x144xf32, #tpu.memory_space<vmem>>, vector<16xf32>,
        %mul3A_198 = arith.mulf %get3A_197, %gather3A_158 : vector<16xf32>
        %swap3A_199 = arith.index_cast %scan3A_149 : i32 to index
        %swap3A_200 = arith.constant 80 : index
        %swap3A_201 = tpu.vector_load %arg12[%swap3A_199, %swap3A_200] {strides = array<i32>} : memref<112x144xf32, #tpu.memory_space<vmem>>, vector<16xf32>,
        tpu.vector_store %arg12[%swap3A_199, %swap3A_200], %mul3A_198 {strides = array<i32>} : memref<112x144xf32, #tpu.memory_space<vmem>>, vector<16xf32>,
        %get3A_202 = arith.index_cast %scan3A_149 : i32 to index
        %get3A_203 = arith.constant 96 : index
        %get3A_204 = tpu.vector_load %arg12[%get3A_202, %get3A_203] {strides = array<i32>} : memref<112x144xf32, #tpu.memory_space<vmem>>, vector<16xf32>,
        %mul3A_205 = arith.mulf %get3A_204, %gather3A_161 : vector<16xf32>
        %swap3A_206 = arith.index_cast %scan3A_149 : i32 to index
        %swap3A_207 = arith.constant 96 : index
        %swap3A_208 = tpu.vector_load %arg12[%swap3A_206, %swap3A_207] {strides = array<i32>} : memref<112x144xf32, #tpu.memory_space<vmem>>, vector<16xf32>,
        tpu.vector_store %arg12[%swap3A_206, %swap3A_207], %mul3A_205 {strides = array<i32>} : memref<112x144xf32, #tpu.memory_space<vmem>>, vector<16xf32>,
        %get3A_209 = arith.index_cast %scan3A_149 : i32 to index
        %get3A_210 = arith.constant 112 : index
        %get3A_211 = tpu.vector_load %arg12[%get3A_209, %get3A_210] {strides = array<i32>} : memref<112x144xf32, #tpu.memory_space<vmem>>, vector<16xf32>,
        %mul3A_212 = arith.mulf %get3A_211, %gather3A_161 : vector<16xf32>
        %swap3A_213 = arith.index_cast %scan3A_149 : i32 to index
        %swap3A_214 = arith.constant 112 : index
        %swap3A_215 = tpu.vector_load %arg12[%swap3A_213, %swap3A_214] {strides = array<i32>} : memref<112x144xf32, #tpu.memory_space<vmem>>, vector<16xf32>,
        tpu.vector_store %arg12[%swap3A_213, %swap3A_214], %mul3A_212 {strides = array<i32>} : memref<112x144xf32, #tpu.memory_space<vmem>>, vector<16xf32>,
        %scan3A_216 = arith.constant 1 : i32
        %scan3A_217 = arith.addi %scan3A_149, %scan3A_216 : i32
        %broadcast_in_dim3A_218 = vector.broadcast %scan3A_217 : i32 to vector<16xi32>
        %broadcast_in_dim3A_219 = arith.constant 128 : i32
        %broadcast_in_dim3A_220 = vector.broadcast %broadcast_in_dim3A_219 : i32 to vector<16xi32>
        %gather3A_221 = tpu.vector_load_idx %arg12[%broadcast_in_dim3A_218, %broadcast_in_dim3A_220] : memref<112x144xf32, #tpu.memory_space<vmem>>[vector<16xi32>, vector<16xi32>], vector<16xf32>,
        %broadcast_in_dim3A_222 = arith.constant 129 : i32
        %broadcast_in_dim3A_223 = vector.broadcast %broadcast_in_dim3A_222 : i32 to vector<16xi32>
        %gather3A_224 = tpu.vector_load_idx %arg12[%broadcast_in_dim3A_218, %broadcast_in_dim3A_223] : memref<112x144xf32, #tpu.memory_space<vmem>>[vector<16xi32>, vector<16xi32>], vector<16xf32>,
        %broadcast_in_dim3A_225 = arith.constant 130 : i32
        %broadcast_in_dim3A_226 = vector.broadcast %broadcast_in_dim3A_225 : i32 to vector<16xi32>
        %gather3A_227 = tpu.vector_load_idx %arg12[%broadcast_in_dim3A_218, %broadcast_in_dim3A_226] : memref<112x144xf32, #tpu.memory_space<vmem>>[vector<16xi32>, vector<16xi32>], vector<16xf32>,
        %broadcast_in_dim3A_228 = arith.constant 131 : i32
        %broadcast_in_dim3A_229 = vector.broadcast %broadcast_in_dim3A_228 : i32 to vector<16xi32>
        %gather3A_230 = tpu.vector_load_idx %arg12[%broadcast_in_dim3A_218, %broadcast_in_dim3A_229] : memref<112x144xf32, #tpu.memory_space<vmem>>[vector<16xi32>, vector<16xi32>], vector<16xf32>,
        %get3A_231 = arith.index_cast %scan3A_217 : i32 to index
        %get3A_232 = arith.constant 0 : index
        %get3A_233 = tpu.vector_load %arg12[%get3A_231, %get3A_232] {strides = array<i32>} : memref<112x144xf32, #tpu.memory_space<vmem>>, vector<16xf32>,
        %mul3A_234 = arith.mulf %get3A_233, %gather3A_221 : vector<16xf32>
        %swap3A_235 = arith.index_cast %scan3A_217 : i32 to index
        %swap3A_236 = arith.constant 0 : index
        %swap3A_237 = tpu.vector_load %arg12[%swap3A_235, %swap3A_236] {strides = array<i32>} : memref<112x144xf32, #tpu.memory_space<vmem>>, vector<16xf32>,
        tpu.vector_store %arg12[%swap3A_235, %swap3A_236], %mul3A_234 {strides = array<i32>} : memref<112x144xf32, #tpu.memory_space<vmem>>, vector<16xf32>,
        %get3A_238 = arith.index_cast %scan3A_217 : i32 to index
        %get3A_239 = arith.constant 16 : index
        %get3A_240 = tpu.vector_load %arg12[%get3A_238, %get3A_239] {strides = array<i32>} : memref<112x144xf32, #tpu.memory_space<vmem>>, vector<16xf32>,
        %mul3A_241 = arith.mulf %get3A_240, %gather3A_221 : vector<16xf32>
        %swap3A_242 = arith.index_cast %scan3A_217 : i32 to index
        %swap3A_243 = arith.constant 16 : index
        %swap3A_244 = tpu.vector_load %arg12[%swap3A_242, %swap3A_243] {strides = array<i32>} : memref<112x144xf32, #tpu.memory_space<vmem>>, vector<16xf32>,
        tpu.vector_store %arg12[%swap3A_242, %swap3A_243], %mul3A_241 {strides = array<i32>} : memref<112x144xf32, #tpu.memory_space<vmem>>, vector<16xf32>,
        %get3A_245 = arith.index_cast %scan3A_217 : i32 to index
        %get3A_246 = arith.constant 32 : index
        %get3A_247 = tpu.vector_load %arg12[%get3A_245, %get3A_246] {strides = array<i32>} : memref<112x144xf32, #tpu.memory_space<vmem>>, vector<16xf32>,
        %mul3A_248 = arith.mulf %get3A_247, %gather3A_224 : vector<16xf32>
        %swap3A_249 = arith.index_cast %scan3A_217 : i32 to index
        %swap3A_250 = arith.constant 32 : index
        %swap3A_251 = tpu.vector_load %arg12[%swap3A_249, %swap3A_250] {strides = array<i32>} : memref<112x144xf32, #tpu.memory_space<vmem>>, vector<16xf32>,
        tpu.vector_store %arg12[%swap3A_249, %swap3A_250], %mul3A_248 {strides = array<i32>} : memref<112x144xf32, #tpu.memory_space<vmem>>, vector<16xf32>,
        %get3A_252 = arith.index_cast %scan3A_217 : i32 to index
        %get3A_253 = arith.constant 48 : index
        %get3A_254 = tpu.vector_load %arg12[%get3A_252, %get3A_253] {strides = array<i32>} : memref<112x144xf32, #tpu.memory_space<vmem>>, vector<16xf32>,
        %mul3A_255 = arith.mulf %get3A_254, %gather3A_224 : vector<16xf32>
        %swap3A_256 = arith.index_cast %scan3A_217 : i32 to index
        %swap3A_257 = arith.constant 48 : index
        %swap3A_258 = tpu.vector_load %arg12[%swap3A_256, %swap3A_257] {strides = array<i32>} : memref<112x144xf32, #tpu.memory_space<vmem>>, vector<16xf32>,
        tpu.vector_store %arg12[%swap3A_256, %swap3A_257], %mul3A_255 {strides = array<i32>} : memref<112x144xf32, #tpu.memory_space<vmem>>, vector<16xf32>,
        %get3A_259 = arith.index_cast %scan3A_217 : i32 to index
        %get3A_260 = arith.constant 64 : index
        %get3A_261 = tpu.vector_load %arg12[%get3A_259, %get3A_260] {strides = array<i32>} : memref<112x144xf32, #tpu.memory_space<vmem>>, vector<16xf32>,
        %mul3A_262 = arith.mulf %get3A_261, %gather3A_227 : vector<16xf32>
        %swap3A_263 = arith.index_cast %scan3A_217 : i32 to index
        %swap3A_264 = arith.constant 64 : index
        %swap3A_265 = tpu.vector_load %arg12[%swap3A_263, %swap3A_264] {strides = array<i32>} : memref<112x144xf32, #tpu.memory_space<vmem>>, vector<16xf32>,
        tpu.vector_store %arg12[%swap3A_263, %swap3A_264], %mul3A_262 {strides = array<i32>} : memref<112x144xf32, #tpu.memory_space<vmem>>, vector<16xf32>,
        %get3A_266 = arith.index_cast %scan3A_217 : i32 to index
        %get3A_267 = arith.constant 80 : index
        %get3A_268 = tpu.vector_load %arg12[%get3A_266, %get3A_267] {strides = array<i32>} : memref<112x144xf32, #tpu.memory_space<vmem>>, vector<16xf32>,
        %mul3A_269 = arith.mulf %get3A_268, %gather3A_227 : vector<16xf32>
        %swap3A_270 = arith.index_cast %scan3A_217 : i32 to index
        %swap3A_271 = arith.constant 80 : index
        %swap3A_272 = tpu.vector_load %arg12[%swap3A_270, %swap3A_271] {strides = array<i32>} : memref<112x144xf32, #tpu.memory_space<vmem>>, vector<16xf32>,
        tpu.vector_store %arg12[%swap3A_270, %swap3A_271], %mul3A_269 {strides = array<i32>} : memref<112x144xf32, #tpu.memory_space<vmem>>, vector<16xf32>,
        %get3A_273 = arith.index_cast %scan3A_217 : i32 to index
        %get3A_274 = arith.constant 96 : index
        %get3A_275 = tpu.vector_load %arg12[%get3A_273, %get3A_274] {strides = array<i32>} : memref<112x144xf32, #tpu.memory_space<vmem>>, vector<16xf32>,
        %mul3A_276 = arith.mulf %get3A_275, %gather3A_230 : vector<16xf32>
        %swap3A_277 = arith.index_cast %scan3A_217 : i32 to index
        %swap3A_278 = arith.constant 96 : index
        %swap3A_279 = tpu.vector_load %arg12[%swap3A_277, %swap3A_278] {strides = array<i32>} : memref<112x144xf32, #tpu.memory_space<vmem>>, vector<16xf32>,
        tpu.vector_store %arg12[%swap3A_277, %swap3A_278], %mul3A_276 {strides = array<i32>} : memref<112x144xf32, #tpu.memory_space<vmem>>, vector<16xf32>,
        %get3A_280 = arith.index_cast %scan3A_217 : i32 to index
        %get3A_281 = arith.constant 112 : index
        %get3A_282 = tpu.vector_load %arg12[%get3A_280, %get3A_281] {strides = array<i32>} : memref<112x144xf32, #tpu.memory_space<vmem>>, vector<16xf32>,
        %mul3A_283 = arith.mulf %get3A_282, %gather3A_230 : vector<16xf32>
        %swap3A_284 = arith.index_cast %scan3A_217 : i32 to index
        %swap3A_285 = arith.constant 112 : index
        %swap3A_286 = tpu.vector_load %arg12[%swap3A_284, %swap3A_285] {strides = array<i32>} : memref<112x144xf32, #tpu.memory_space<vmem>>, vector<16xf32>,
        tpu.vector_store %arg12[%swap3A_284, %swap3A_285], %mul3A_283 {strides = array<i32>} : memref<112x144xf32, #tpu.memory_space<vmem>>, vector<16xf32>,
        %scan3A_287 = arith.constant 2 : i32
        %scan3A_288 = arith.addi %scan3A_149, %scan3A_287 : i32
        %broadcast_in_dim3A_289 = vector.broadcast %scan3A_288 : i32 to vector<16xi32>
        %broadcast_in_dim3A_290 = arith.constant 128 : i32
        %broadcast_in_dim3A_291 = vector.broadcast %broadcast_in_dim3A_290 : i32 to vector<16xi32>
        %gather3A_292 = tpu.vector_load_idx %arg12[%broadcast_in_dim3A_289, %broadcast_in_dim3A_291] : memref<112x144xf32, #tpu.memory_space<vmem>>[vector<16xi32>, vector<16xi32>], vector<16xf32>,
        %broadcast_in_dim3A_293 = arith.constant 129 : i32
        %broadcast_in_dim3A_294 = vector.broadcast %broadcast_in_dim3A_293 : i32 to vector<16xi32>
        %gather3A_295 = tpu.vector_load_idx %arg12[%broadcast_in_dim3A_289, %broadcast_in_dim3A_294] : memref<112x144xf32, #tpu.memory_space<vmem>>[vector<16xi32>, vector<16xi32>], vector<16xf32>,
        %broadcast_in_dim3A_296 = arith.constant 130 : i32
        %broadcast_in_dim3A_297 = vector.broadcast %broadcast_in_dim3A_296 : i32 to vector<16xi32>
        %gather3A_298 = tpu.vector_load_idx %arg12[%broadcast_in_dim3A_289, %broadcast_in_dim3A_297] : memref<112x144xf32, #tpu.memory_space<vmem>>[vector<16xi32>, vector<16xi32>], vector<16xf32>,
        %broadcast_in_dim3A_299 = arith.constant 131 : i32
        %broadcast_in_dim3A_300 = vector.broadcast %broadcast_in_dim3A_299 : i32 to vector<16xi32>
        %gather3A_301 = tpu.vector_load_idx %arg12[%broadcast_in_dim3A_289, %broadcast_in_dim3A_300] : memref<112x144xf32, #tpu.memory_space<vmem>>[vector<16xi32>, vector<16xi32>], vector<16xf32>,
        %get3A_302 = arith.index_cast %scan3A_288 : i32 to index
        %get3A_303 = arith.constant 0 : index
        %get3A_304 = tpu.vector_load %arg12[%get3A_302, %get3A_303] {strides = array<i32>} : memref<112x144xf32, #tpu.memory_space<vmem>>, vector<16xf32>,
        %mul3A_305 = arith.mulf %get3A_304, %gather3A_292 : vector<16xf32>
        %swap3A_306 = arith.index_cast %scan3A_288 : i32 to index
        %swap3A_307 = arith.constant 0 : index
        %swap3A_308 = tpu.vector_load %arg12[%swap3A_306, %swap3A_307] {strides = array<i32>} : memref<112x144xf32, #tpu.memory_space<vmem>>, vector<16xf32>,
        tpu.vector_store %arg12[%swap3A_306, %swap3A_307], %mul3A_305 {strides = array<i32>} : memref<112x144xf32, #tpu.memory_space<vmem>>, vector<16xf32>,
        %get3A_309 = arith.index_cast %scan3A_288 : i32 to index
        %get3A_310 = arith.constant 16 : index
        %get3A_311 = tpu.vector_load %arg12[%get3A_309, %get3A_310] {strides = array<i32>} : memref<112x144xf32, #tpu.memory_space<vmem>>, vector<16xf32>,
        %mul3A_312 = arith.mulf %get3A_311, %gather3A_292 : vector<16xf32>
        %swap3A_313 = arith.index_cast %scan3A_288 : i32 to index
        %swap3A_314 = arith.constant 16 : index
        %swap3A_315 = tpu.vector_load %arg12[%swap3A_313, %swap3A_314] {strides = array<i32>} : memref<112x144xf32, #tpu.memory_space<vmem>>, vector<16xf32>,
        tpu.vector_store %arg12[%swap3A_313, %swap3A_314], %mul3A_312 {strides = array<i32>} : memref<112x144xf32, #tpu.memory_space<vmem>>, vector<16xf32>,
        %get3A_316 = arith.index_cast %scan3A_288 : i32 to index
        %get3A_317 = arith.constant 32 : index
        %get3A_318 = tpu.vector_load %arg12[%get3A_316, %get3A_317] {strides = array<i32>} : memref<112x144xf32, #tpu.memory_space<vmem>>, vector<16xf32>,
        %mul3A_319 = arith.mulf %get3A_318, %gather3A_295 : vector<16xf32>
        %swap3A_320 = arith.index_cast %scan3A_288 : i32 to index
        %swap3A_321 = arith.constant 32 : index
        %swap3A_322 = tpu.vector_load %arg12[%swap3A_320, %swap3A_321] {strides = array<i32>} : memref<112x144xf32, #tpu.memory_space<vmem>>, vector<16xf32>,
        tpu.vector_store %arg12[%swap3A_320, %swap3A_321], %mul3A_319 {strides = array<i32>} : memref<112x144xf32, #tpu.memory_space<vmem>>, vector<16xf32>,
        %get3A_323 = arith.index_cast %scan3A_288 : i32 to index
        %get3A_324 = arith.constant 48 : index
        %get3A_325 = tpu.vector_load %arg12[%get3A_323, %get3A_324] {strides = array<i32>} : memref<112x144xf32, #tpu.memory_space<vmem>>, vector<16xf32>,
        %mul3A_326 = arith.mulf %get3A_325, %gather3A_295 : vector<16xf32>
        %swap3A_327 = arith.index_cast %scan3A_288 : i32 to index
        %swap3A_328 = arith.constant 48 : index
        %swap3A_329 = tpu.vector_load %arg12[%swap3A_327, %swap3A_328] {strides = array<i32>} : memref<112x144xf32, #tpu.memory_space<vmem>>, vector<16xf32>,
        tpu.vector_store %arg12[%swap3A_327, %swap3A_328], %mul3A_326 {strides = array<i32>} : memref<112x144xf32, #tpu.memory_space<vmem>>, vector<16xf32>,
        %get3A_330 = arith.index_cast %scan3A_288 : i32 to index
        %get3A_331 = arith.constant 64 : index
        %get3A_332 = tpu.vector_load %arg12[%get3A_330, %get3A_331] {strides = array<i32>} : memref<112x144xf32, #tpu.memory_space<vmem>>, vector<16xf32>,
        %mul3A_333 = arith.mulf %get3A_332, %gather3A_298 : vector<16xf32>
        %swap3A_334 = arith.index_cast %scan3A_288 : i32 to index
        %swap3A_335 = arith.constant 64 : index
        %swap3A_336 = tpu.vector_load %arg12[%swap3A_334, %swap3A_335] {strides = array<i32>} : memref<112x144xf32, #tpu.memory_space<vmem>>, vector<16xf32>,
        tpu.vector_store %arg12[%swap3A_334, %swap3A_335], %mul3A_333 {strides = array<i32>} : memref<112x144xf32, #tpu.memory_space<vmem>>, vector<16xf32>,
        %get3A_337 = arith.index_cast %scan3A_288 : i32 to index
        %get3A_338 = arith.constant 80 : index
        %get3A_339 = tpu.vector_load %arg12[%get3A_337, %get3A_338] {strides = array<i32>} : memref<112x144xf32, #tpu.memory_space<vmem>>, vector<16xf32>,
        %mul3A_340 = arith.mulf %get3A_339, %gather3A_298 : vector<16xf32>
        %swap3A_341 = arith.index_cast %scan3A_288 : i32 to index
        %swap3A_342 = arith.constant 80 : index
        %swap3A_343 = tpu.vector_load %arg12[%swap3A_341, %swap3A_342] {strides = array<i32>} : memref<112x144xf32, #tpu.memory_space<vmem>>, vector<16xf32>,
        tpu.vector_store %arg12[%swap3A_341, %swap3A_342], %mul3A_340 {strides = array<i32>} : memref<112x144xf32, #tpu.memory_space<vmem>>, vector<16xf32>,
        %get3A_344 = arith.index_cast %scan3A_288 : i32 to index
        %get3A_345 = arith.constant 96 : index
        %get3A_346 = tpu.vector_load %arg12[%get3A_344, %get3A_345] {strides = array<i32>} : memref<112x144xf32, #tpu.memory_space<vmem>>, vector<16xf32>,
        %mul3A_347 = arith.mulf %get3A_346, %gather3A_301 : vector<16xf32>
        %swap3A_348 = arith.index_cast %scan3A_288 : i32 to index
        %swap3A_349 = arith.constant 96 : index
        %swap3A_350 = tpu.vector_load %arg12[%swap3A_348, %swap3A_349] {strides = array<i32>} : memref<112x144xf32, #tpu.memory_space<vmem>>, vector<16xf32>,
        tpu.vector_store %arg12[%swap3A_348, %swap3A_349], %mul3A_347 {strides = array<i32>} : memref<112x144xf32, #tpu.memory_space<vmem>>, vector<16xf32>,
        %get3A_351 = arith.index_cast %scan3A_288 : i32 to index
        %get3A_352 = arith.constant 112 : index
        %get3A_353 = tpu.vector_load %arg12[%get3A_351, %get3A_352] {strides = array<i32>} : memref<112x144xf32, #tpu.memory_space<vmem>>, vector<16xf32>,
        %mul3A_354 = arith.mulf %get3A_353, %gather3A_301 : vector<16xf32>
        %swap3A_355 = arith.index_cast %scan3A_288 : i32 to index
        %swap3A_356 = arith.constant 112 : index
        %swap3A_357 = tpu.vector_load %arg12[%swap3A_355, %swap3A_356] {strides = array<i32>} : memref<112x144xf32, #tpu.memory_space<vmem>>, vector<16xf32>,
        tpu.vector_store %arg12[%swap3A_355, %swap3A_356], %mul3A_354 {strides = array<i32>} : memref<112x144xf32, #tpu.memory_space<vmem>>, vector<16xf32>,
        %scan3A_358 = arith.constant 3 : i32
        %scan3A_359 = arith.addi %scan3A_149, %scan3A_358 : i32
        %broadcast_in_dim3A_360 = vector.broadcast %scan3A_359 : i32 to vector<16xi32>
        %broadcast_in_dim3A_361 = arith.constant 128 : i32
        %broadcast_in_dim3A_362 = vector.broadcast %broadcast_in_dim3A_361 : i32 to vector<16xi32>
        %gather3A_363 = tpu.vector_load_idx %arg12[%broadcast_in_dim3A_360, %broadcast_in_dim3A_362] : memref<112x144xf32, #tpu.memory_space<vmem>>[vector<16xi32>, vector<16xi32>], vector<16xf32>,
        %broadcast_in_dim3A_364 = arith.constant 129 : i32
        %broadcast_in_dim3A_365 = vector.broadcast %broadcast_in_dim3A_364 : i32 to vector<16xi32>
        %gather3A_366 = tpu.vector_load_idx %arg12[%broadcast_in_dim3A_360, %broadcast_in_dim3A_365] : memref<112x144xf32, #tpu.memory_space<vmem>>[vector<16xi32>, vector<16xi32>], vector<16xf32>,
        %broadcast_in_dim3A_367 = arith.constant 130 : i32
        %broadcast_in_dim3A_368 = vector.broadcast %broadcast_in_dim3A_367 : i32 to vector<16xi32>
        %gather3A_369 = tpu.vector_load_idx %arg12[%broadcast_in_dim3A_360, %broadcast_in_dim3A_368] : memref<112x144xf32, #tpu.memory_space<vmem>>[vector<16xi32>, vector<16xi32>], vector<16xf32>,
        %broadcast_in_dim3A_370 = arith.constant 131 : i32
        %broadcast_in_dim3A_371 = vector.broadcast %broadcast_in_dim3A_370 : i32 to vector<16xi32>
        %gather3A_372 = tpu.vector_load_idx %arg12[%broadcast_in_dim3A_360, %broadcast_in_dim3A_371] : memref<112x144xf32, #tpu.memory_space<vmem>>[vector<16xi32>, vector<16xi32>], vector<16xf32>,
        %get3A_373 = arith.index_cast %scan3A_359 : i32 to index
        %get3A_374 = arith.constant 0 : index
        %get3A_375 = tpu.vector_load %arg12[%get3A_373, %get3A_374] {strides = array<i32>} : memref<112x144xf32, #tpu.memory_space<vmem>>, vector<16xf32>,
        %mul3A_376 = arith.mulf %get3A_375, %gather3A_363 : vector<16xf32>
        %swap3A_377 = arith.index_cast %scan3A_359 : i32 to index
        %swap3A_378 = arith.constant 0 : index
        %swap3A_379 = tpu.vector_load %arg12[%swap3A_377, %swap3A_378] {strides = array<i32>} : memref<112x144xf32, #tpu.memory_space<vmem>>, vector<16xf32>,
        tpu.vector_store %arg12[%swap3A_377, %swap3A_378], %mul3A_376 {strides = array<i32>} : memref<112x144xf32, #tpu.memory_space<vmem>>, vector<16xf32>,
        %get3A_380 = arith.index_cast %scan3A_359 : i32 to index
        %get3A_381 = arith.constant 16 : index
        %get3A_382 = tpu.vector_load %arg12[%get3A_380, %get3A_381] {strides = array<i32>} : memref<112x144xf32, #tpu.memory_space<vmem>>, vector<16xf32>,
        %mul3A_383 = arith.mulf %get3A_382, %gather3A_363 : vector<16xf32>
        %swap3A_384 = arith.index_cast %scan3A_359 : i32 to index
        %swap3A_385 = arith.constant 16 : index
        %swap3A_386 = tpu.vector_load %arg12[%swap3A_384, %swap3A_385] {strides = array<i32>} : memref<112x144xf32, #tpu.memory_space<vmem>>, vector<16xf32>,
        tpu.vector_store %arg12[%swap3A_384, %swap3A_385], %mul3A_383 {strides = array<i32>} : memref<112x144xf32, #tpu.memory_space<vmem>>, vector<16xf32>,
        %get3A_387 = arith.index_cast %scan3A_359 : i32 to index
        %get3A_388 = arith.constant 32 : index
        %get3A_389 = tpu.vector_load %arg12[%get3A_387, %get3A_388] {strides = array<i32>} : memref<112x144xf32, #tpu.memory_space<vmem>>, vector<16xf32>,
        %mul3A_390 = arith.mulf %get3A_389, %gather3A_366 : vector<16xf32>
        %swap3A_391 = arith.index_cast %scan3A_359 : i32 to index
        %swap3A_392 = arith.constant 32 : index
        %swap3A_393 = tpu.vector_load %arg12[%swap3A_391, %swap3A_392] {strides = array<i32>} : memref<112x144xf32, #tpu.memory_space<vmem>>, vector<16xf32>,
        tpu.vector_store %arg12[%swap3A_391, %swap3A_392], %mul3A_390 {strides = array<i32>} : memref<112x144xf32, #tpu.memory_space<vmem>>, vector<16xf32>,
        %get3A_394 = arith.index_cast %scan3A_359 : i32 to index
        %get3A_395 = arith.constant 48 : index
        %get3A_396 = tpu.vector_load %arg12[%get3A_394, %get3A_395] {strides = array<i32>} : memref<112x144xf32, #tpu.memory_space<vmem>>, vector<16xf32>,
        %mul3A_397 = arith.mulf %get3A_396, %gather3A_366 : vector<16xf32>
        %swap3A_398 = arith.index_cast %scan3A_359 : i32 to index
        %swap3A_399 = arith.constant 48 : index
        %swap3A_400 = tpu.vector_load %arg12[%swap3A_398, %swap3A_399] {strides = array<i32>} : memref<112x144xf32, #tpu.memory_space<vmem>>, vector<16xf32>,
        tpu.vector_store %arg12[%swap3A_398, %swap3A_399], %mul3A_397 {strides = array<i32>} : memref<112x144xf32, #tpu.memory_space<vmem>>, vector<16xf32>,
        %get3A_401 = arith.index_cast %scan3A_359 : i32 to index
        %get3A_402 = arith.constant 64 : index
        %get3A_403 = tpu.vector_load %arg12[%get3A_401, %get3A_402] {strides = array<i32>} : memref<112x144xf32, #tpu.memory_space<vmem>>, vector<16xf32>,
        %mul3A_404 = arith.mulf %get3A_403, %gather3A_369 : vector<16xf32>
        %swap3A_405 = arith.index_cast %scan3A_359 : i32 to index
        %swap3A_406 = arith.constant 64 : index
        %swap3A_407 = tpu.vector_load %arg12[%swap3A_405, %swap3A_406] {strides = array<i32>} : memref<112x144xf32, #tpu.memory_space<vmem>>, vector<16xf32>,
        tpu.vector_store %arg12[%swap3A_405, %swap3A_406], %mul3A_404 {strides = array<i32>} : memref<112x144xf32, #tpu.memory_space<vmem>>, vector<16xf32>,
        %get3A_408 = arith.index_cast %scan3A_359 : i32 to index
        %get3A_409 = arith.constant 80 : index
        %get3A_410 = tpu.vector_load %arg12[%get3A_408, %get3A_409] {strides = array<i32>} : memref<112x144xf32, #tpu.memory_space<vmem>>, vector<16xf32>,
        %mul3A_411 = arith.mulf %get3A_410, %gather3A_369 : vector<16xf32>
        %swap3A_412 = arith.index_cast %scan3A_359 : i32 to index
        %swap3A_413 = arith.constant 80 : index
        %swap3A_414 = tpu.vector_load %arg12[%swap3A_412, %swap3A_413] {strides = array<i32>} : memref<112x144xf32, #tpu.memory_space<vmem>>, vector<16xf32>,
        tpu.vector_store %arg12[%swap3A_412, %swap3A_413], %mul3A_411 {strides = array<i32>} : memref<112x144xf32, #tpu.memory_space<vmem>>, vector<16xf32>,
        %get3A_415 = arith.index_cast %scan3A_359 : i32 to index
        %get3A_416 = arith.constant 96 : index
        %get3A_417 = tpu.vector_load %arg12[%get3A_415, %get3A_416] {strides = array<i32>} : memref<112x144xf32, #tpu.memory_space<vmem>>, vector<16xf32>,
        %mul3A_418 = arith.mulf %get3A_417, %gather3A_372 : vector<16xf32>
        %swap3A_419 = arith.index_cast %scan3A_359 : i32 to index
        %swap3A_420 = arith.constant 96 : index
        %swap3A_421 = tpu.vector_load %arg12[%swap3A_419, %swap3A_420] {strides = array<i32>} : memref<112x144xf32, #tpu.memory_space<vmem>>, vector<16xf32>,
        tpu.vector_store %arg12[%swap3A_419, %swap3A_420], %mul3A_418 {strides = array<i32>} : memref<112x144xf32, #tpu.memory_space<vmem>>, vector<16xf32>,
        %get3A_422 = arith.index_cast %scan3A_359 : i32 to index
        %get3A_423 = arith.constant 112 : index
        %get3A_424 = tpu.vector_load %arg12[%get3A_422, %get3A_423] {strides = array<i32>} : memref<112x144xf32, #tpu.memory_space<vmem>>, vector<16xf32>,
        %mul3A_425 = arith.mulf %get3A_424, %gather3A_372 : vector<16xf32>
        %swap3A_426 = arith.index_cast %scan3A_359 : i32 to index
        %swap3A_427 = arith.constant 112 : index
        %swap3A_428 = tpu.vector_load %arg12[%swap3A_426, %swap3A_427] {strides = array<i32>} : memref<112x144xf32, #tpu.memory_space<vmem>>, vector<16xf32>,
        tpu.vector_store %arg12[%swap3A_426, %swap3A_427], %mul3A_425 {strides = array<i32>} : memref<112x144xf32, #tpu.memory_space<vmem>>, vector<16xf32>,
      }
      %scan3A_143 = arith.constant 112 : i32
      "tpu.region"() ({
        %run_scoped3A = tpu.sem_alloc : memref<!tpu.dma_semaphore, #tpu.memory_space<semaphore_mem>>
        %dma_start3A_149 = arith.constant 0 : i32
        %dma_start3A_150 = arith.constant 0 : i32
        %dma_start3A_151 = tpu.memref_slice %arg15[%dma_start3A_149, %dma_start3A_150] : memref<10240x144xf32, #tpu.memory_space<vmem_shared>> -> memref<10240x144xf32, #tpu.memory_space<vmem_shared>>
        tpu.enqueue_indirect_dma source(%arg12 : memref<112x144xf32, #tpu.memory_space<vmem>>) target(%dma_start3A_151 : memref<10240x144xf32, #tpu.memory_space<vmem_shared>>) offsets(%arg10 : memref<112xi32, #tpu.memory_space<vmem>>) semaphore(%run_scoped3A : memref<!tpu.dma_semaphore, #tpu.memory_space<semaphore_mem>>) {add = true}
        %dma_wait3A_152 = arith.constant 0 : i32
        %dma_wait3A_153 = arith.constant 0 : i32
        %dma_wait3A_154 = tpu.memref_slice %arg15[%dma_wait3A_152, %dma_wait3A_153] : memref<10240x144xf32, #tpu.memory_space<vmem_shared>> -> memref<10240x144xf32, #tpu.memory_space<vmem_shared>>
        tpu.wait_indirect_dma semaphore(%run_scoped3A : memref<!tpu.dma_semaphore, #tpu.memory_space<semaphore_mem>>) src(%arg12 : memref<112x144xf32, #tpu.memory_space<vmem>>) dst(%dma_wait3A_154 : memref<10240x144xf32, #tpu.memory_space<vmem_shared>>)
        tpu.yield
      }) : () -> ()
      %add3A_144 = arith.constant 3 : i32
      %add3A_145 = arith.addi %mul3A_82, %add3A_144 : i32
      %mul3A_146 = arith.constant 112 : i32
      %mul3A_147 = arith.muli %add3A_145, %mul3A_146 : i32
      %add3A_148 = arith.addi %mul3A_26, %mul3A_147 : i32
      "tpu.region"() ({
        %run_scoped3A = tpu.sem_alloc : memref<!tpu.dma_semaphore, #tpu.memory_space<semaphore_mem>>
        %dma_start3A_149 = tpu.memref_slice %arg2[%add3A_148] : memref<337120xi32, #tpu.memory_space<hbm>> -> memref<112xi32, #tpu.memory_space<hbm>>
        %dma_start3A_150 = tpu.memref_slice %arg2[%add3A_148] : memref<337120xi32, #tpu.memory_space<hbm>> -> memref<112xi32, #tpu.memory_space<hbm>>
        tpu.enqueue_dma source(%dma_start3A_150 : memref<112xi32, #tpu.memory_space<hbm>>) target(%arg8 : memref<112xi32, #tpu.memory_space<vmem>>) target_semaphore(%run_scoped3A : memref<!tpu.dma_semaphore, #tpu.memory_space<semaphore_mem>>)
        %dma_wait3A_151 = tpu.memref_slice %arg2[%add3A_148] : memref<337120xi32, #tpu.memory_space<hbm>> -> memref<112xi32, #tpu.memory_space<hbm>>
        %dma_wait3A_152 = tpu.memref_slice %arg2[%add3A_148] : memref<337120xi32, #tpu.memory_space<hbm>> -> memref<112xi32, #tpu.memory_space<hbm>>
        tpu.wait_dma2 semaphore(%run_scoped3A : memref<!tpu.dma_semaphore, #tpu.memory_space<semaphore_mem>>) src(%dma_wait3A_152 : memref<112xi32, #tpu.memory_space<hbm>>) dst(%arg8 : memref<112xi32, #tpu.memory_space<vmem>>)
        tpu.yield
      }) : () -> ()
      "tpu.region"() ({
        %run_scoped3A = tpu.sem_alloc : memref<!tpu.dma_semaphore, #tpu.memory_space<semaphore_mem>>
        %dma_start3A_149 = tpu.memref_slice %arg3[%add3A_148] : memref<337120xi32, #tpu.memory_space<hbm>> -> memref<112xi32, #tpu.memory_space<hbm>>
        %dma_start3A_150 = tpu.memref_slice %arg3[%add3A_148] : memref<337120xi32, #tpu.memory_space<hbm>> -> memref<112xi32, #tpu.memory_space<hbm>>
        tpu.enqueue_dma source(%dma_start3A_150 : memref<112xi32, #tpu.memory_space<hbm>>) target(%arg10 : memref<112xi32, #tpu.memory_space<vmem>>) target_semaphore(%run_scoped3A : memref<!tpu.dma_semaphore, #tpu.memory_space<semaphore_mem>>)
        %dma_wait3A_151 = tpu.memref_slice %arg3[%add3A_148] : memref<337120xi32, #tpu.memory_space<hbm>> -> memref<112xi32, #tpu.memory_space<hbm>>
        %dma_wait3A_152 = tpu.memref_slice %arg3[%add3A_148] : memref<337120xi32, #tpu.memory_space<hbm>> -> memref<112xi32, #tpu.memory_space<hbm>>
        tpu.wait_dma2 semaphore(%run_scoped3A : memref<!tpu.dma_semaphore, #tpu.memory_space<semaphore_mem>>) src(%dma_wait3A_152 : memref<112xi32, #tpu.memory_space<hbm>>) dst(%arg10 : memref<112xi32, #tpu.memory_space<vmem>>)
        tpu.yield
      }) : () -> ()
    }
    %scan3A_41 = arith.constant 47 : i32
    %dma_wait3A = arith.constant 0 : i32
    %dma_wait3A_42 = arith.constant 0 : i32
    %dma_wait3A_43 = tpu.memref_slice %arg4[%dma_wait3A, %dma_wait3A_42] : memref<10240x144xf32, #tpu.memory_space<hbm>> -> memref<10240x144xf32, #tpu.memory_space<hbm>>
    tpu.wait_indirect_dma semaphore(%arg16 : memref<!tpu.dma_semaphore, #tpu.memory_space<semaphore_mem>>) src(%dma_wait3A_43 : memref<10240x144xf32, #tpu.memory_space<hbm>>) dst(%arg11 : memref<112x144xf32, #tpu.memory_space<vmem>>)
    %dma_wait3A_44 = arith.constant 0 : i32
    %dma_wait3A_45 = arith.constant 0 : i32
    %dma_wait3A_46 = tpu.memref_slice %arg5[%dma_wait3A_44, %dma_wait3A_45] : memref<10240x16xf32, #tpu.memory_space<hbm>> -> memref<10240x16xf32, #tpu.memory_space<hbm>>
    tpu.wait_indirect_dma semaphore(%arg16 : memref<!tpu.dma_semaphore, #tpu.memory_space<semaphore_mem>>) src(%dma_wait3A_46 : memref<10240x16xf32, #tpu.memory_space<hbm>>) dst(%arg13 : memref<112x16xf32, #tpu.memory_space<vmem>>)
    %barrier3A_47 = arith.constant 0 : index
    tpu.barrier barrier_id(%barrier3A_47)
    %add3A_48 = arith.constant 0 : i32
    %add3A_49 = arith.addi %mul3A_2, %add3A_48 : i32
    "tpu.region"() ({
      %run_scoped3A = tpu.sem_alloc : memref<!tpu.dma_semaphore, #tpu.memory_space<semaphore_mem>>
      %dma_start3A_80 = arith.constant 0 : i32
      %dma_start3A_81 = arith.constant 0 : i32
      %dma_start3A_82 = tpu.memref_slice %arg11[%dma_start3A_80, %dma_start3A_81] : memref<112x144xf32, #tpu.memory_space<vmem>> -> memref<80x144xf32, #tpu.memory_space<vmem>>
      %dma_start3A_83 = arith.constant 0 : i32
      %dma_start3A_84 = tpu.memref_slice %arg15[%add3A_49, %dma_start3A_83] : memref<10240x144xf32, #tpu.memory_space<vmem_shared>> -> memref<80x144xf32, #tpu.memory_space<vmem_shared>>
      %dma_start3A_85 = arith.constant 0 : i32
      %dma_start3A_86 = arith.constant 0 : i32
      %dma_start3A_87 = tpu.memref_slice %arg11[%dma_start3A_85, %dma_start3A_86] : memref<112x144xf32, #tpu.memory_space<vmem>> -> memref<80x144xf32, #tpu.memory_space<vmem>>
      %dma_start3A_88 = arith.constant 0 : i32
      %dma_start3A_89 = tpu.memref_slice %arg15[%add3A_49, %dma_start3A_88] : memref<10240x144xf32, #tpu.memory_space<vmem_shared>> -> memref<80x144xf32, #tpu.memory_space<vmem_shared>>
      tpu.enqueue_dma source(%dma_start3A_89 : memref<80x144xf32, #tpu.memory_space<vmem_shared>>) target(%dma_start3A_87 : memref<80x144xf32, #tpu.memory_space<vmem>>) target_semaphore(%run_scoped3A : memref<!tpu.dma_semaphore, #tpu.memory_space<semaphore_mem>>)
      %dma_wait3A_90 = arith.constant 0 : i32
      %dma_wait3A_91 = arith.constant 0 : i32
      %dma_wait3A_92 = tpu.memref_slice %arg11[%dma_wait3A_90, %dma_wait3A_91] : memref<112x144xf32, #tpu.memory_space<vmem>> -> memref<80x144xf32, #tpu.memory_space<vmem>>
      %dma_wait3A_93 = arith.constant 0 : i32
      %dma_wait3A_94 = tpu.memref_slice %arg15[%add3A_49, %dma_wait3A_93] : memref<10240x144xf32, #tpu.memory_space<vmem_shared>> -> memref<80x144xf32, #tpu.memory_space<vmem_shared>>
      %dma_wait3A_95 = arith.constant 0 : i32
      %dma_wait3A_96 = arith.constant 0 : i32
      %dma_wait3A_97 = tpu.memref_slice %arg11[%dma_wait3A_95, %dma_wait3A_96] : memref<112x144xf32, #tpu.memory_space<vmem>> -> memref<80x144xf32, #tpu.memory_space<vmem>>
      %dma_wait3A_98 = arith.constant 0 : i32
      %dma_wait3A_99 = tpu.memref_slice %arg15[%add3A_49, %dma_wait3A_98] : memref<10240x144xf32, #tpu.memory_space<vmem_shared>> -> memref<80x144xf32, #tpu.memory_space<vmem_shared>>
      tpu.wait_dma2 semaphore(%run_scoped3A : memref<!tpu.dma_semaphore, #tpu.memory_space<semaphore_mem>>) src(%dma_wait3A_99 : memref<80x144xf32, #tpu.memory_space<vmem_shared>>) dst(%dma_wait3A_97 : memref<80x144xf32, #tpu.memory_space<vmem>>)
      tpu.yield
    }) : () -> ()
    %add3A_50 = arith.constant 0 : i32
    %add3A_51 = arith.addi %mul3A_2, %add3A_50 : i32
    "tpu.region"() ({
      %run_scoped3A = tpu.sem_alloc : memref<!tpu.dma_semaphore, #tpu.memory_space<semaphore_mem>>
      %dma_start3A_80 = arith.constant 0 : i32
      %dma_start3A_81 = arith.constant 0 : i32
      %dma_start3A_82 = tpu.memref_slice %arg11[%dma_start3A_80, %dma_start3A_81] : memref<112x144xf32, #tpu.memory_space<vmem>> -> memref<80x144xf32, #tpu.memory_space<vmem>>
      %dma_start3A_83 = arith.constant 0 : i32
      %dma_start3A_84 = tpu.memref_slice %arg6[%arg0, %add3A_51, %dma_start3A_83] : memref<2x10240x144xf32, #tpu.memory_space<hbm>> -> memref<1x80x144xf32, #tpu.memory_space<hbm>>
      %dma_start3A_85 = tpu.memref_squeeze %dma_start3A_84 : memref<1x80x144xf32, #tpu.memory_space<hbm>> -> memref<80x144xf32, #tpu.memory_space<hbm>>
      %dma_start3A_86 = arith.constant 0 : i32
      %dma_start3A_87 = tpu.memref_slice %arg6[%arg0, %add3A_51, %dma_start3A_86] : memref<2x10240x144xf32, #tpu.memory_space<hbm>> -> memref<1x80x144xf32, #tpu.memory_space<hbm>>
      %dma_start3A_88 = tpu.memref_squeeze %dma_start3A_87 : memref<1x80x144xf32, #tpu.memory_space<hbm>> -> memref<80x144xf32, #tpu.memory_space<hbm>>
      %dma_start3A_89 = arith.constant 0 : i32
      %dma_start3A_90 = arith.constant 0 : i32
      %dma_start3A_91 = tpu.memref_slice %arg11[%dma_start3A_89, %dma_start3A_90] : memref<112x144xf32, #tpu.memory_space<vmem>> -> memref<80x144xf32, #tpu.memory_space<vmem>>
      tpu.enqueue_dma source(%dma_start3A_91 : memref<80x144xf32, #tpu.memory_space<vmem>>) target(%dma_start3A_88 : memref<80x144xf32, #tpu.memory_space<hbm>>) target_semaphore(%run_scoped3A : memref<!tpu.dma_semaphore, #tpu.memory_space<semaphore_mem>>)
      %dma_wait3A_92 = arith.constant 0 : i32
      %dma_wait3A_93 = arith.constant 0 : i32
      %dma_wait3A_94 = tpu.memref_slice %arg11[%dma_wait3A_92, %dma_wait3A_93] : memref<112x144xf32, #tpu.memory_space<vmem>> -> memref<80x144xf32, #tpu.memory_space<vmem>>
      %dma_wait3A_95 = arith.constant 0 : i32
      %dma_wait3A_96 = tpu.memref_slice %arg6[%arg0, %add3A_51, %dma_wait3A_95] : memref<2x10240x144xf32, #tpu.memory_space<hbm>> -> memref<1x80x144xf32, #tpu.memory_space<hbm>>
      %dma_wait3A_97 = tpu.memref_squeeze %dma_wait3A_96 : memref<1x80x144xf32, #tpu.memory_space<hbm>> -> memref<80x144xf32, #tpu.memory_space<hbm>>
      %dma_wait3A_98 = arith.constant 0 : i32
      %dma_wait3A_99 = tpu.memref_slice %arg6[%arg0, %add3A_51, %dma_wait3A_98] : memref<2x10240x144xf32, #tpu.memory_space<hbm>> -> memref<1x80x144xf32, #tpu.memory_space<hbm>>
      %dma_wait3A_100 = tpu.memref_squeeze %dma_wait3A_99 : memref<1x80x144xf32, #tpu.memory_space<hbm>> -> memref<80x144xf32, #tpu.memory_space<hbm>>
      %dma_wait3A_101 = arith.constant 0 : i32
      %dma_wait3A_102 = arith.constant 0 : i32
      %dma_wait3A_103 = tpu.memref_slice %arg11[%dma_wait3A_101, %dma_wait3A_102] : memref<112x144xf32, #tpu.memory_space<vmem>> -> memref<80x144xf32, #tpu.memory_space<vmem>>
      tpu.wait_dma2 semaphore(%run_scoped3A : memref<!tpu.dma_semaphore, #tpu.memory_space<semaphore_mem>>) src(%dma_wait3A_103 : memref<80x144xf32, #tpu.memory_space<vmem>>) dst(%dma_wait3A_100 : memref<80x144xf32, #tpu.memory_space<hbm>>)
      tpu.yield
    }) : () -> ()
    %add3A_52 = arith.constant 80 : i32
    %add3A_53 = arith.addi %mul3A_2, %add3A_52 : i32
    "tpu.region"() ({
      %run_scoped3A = tpu.sem_alloc : memref<!tpu.dma_semaphore, #tpu.memory_space<semaphore_mem>>
      %dma_start3A_80 = arith.constant 0 : i32
      %dma_start3A_81 = arith.constant 0 : i32
      %dma_start3A_82 = tpu.memref_slice %arg11[%dma_start3A_80, %dma_start3A_81] : memref<112x144xf32, #tpu.memory_space<vmem>> -> memref<80x144xf32, #tpu.memory_space<vmem>>
      %dma_start3A_83 = arith.constant 0 : i32
      %dma_start3A_84 = tpu.memref_slice %arg15[%add3A_53, %dma_start3A_83] : memref<10240x144xf32, #tpu.memory_space<vmem_shared>> -> memref<80x144xf32, #tpu.memory_space<vmem_shared>>
      %dma_start3A_85 = arith.constant 0 : i32
      %dma_start3A_86 = arith.constant 0 : i32
      %dma_start3A_87 = tpu.memref_slice %arg11[%dma_start3A_85, %dma_start3A_86] : memref<112x144xf32, #tpu.memory_space<vmem>> -> memref<80x144xf32, #tpu.memory_space<vmem>>
      %dma_start3A_88 = arith.constant 0 : i32
      %dma_start3A_89 = tpu.memref_slice %arg15[%add3A_53, %dma_start3A_88] : memref<10240x144xf32, #tpu.memory_space<vmem_shared>> -> memref<80x144xf32, #tpu.memory_space<vmem_shared>>
      tpu.enqueue_dma source(%dma_start3A_89 : memref<80x144xf32, #tpu.memory_space<vmem_shared>>) target(%dma_start3A_87 : memref<80x144xf32, #tpu.memory_space<vmem>>) target_semaphore(%run_scoped3A : memref<!tpu.dma_semaphore, #tpu.memory_space<semaphore_mem>>)
      %dma_wait3A_90 = arith.constant 0 : i32
      %dma_wait3A_91 = arith.constant 0 : i32
      %dma_wait3A_92 = tpu.memref_slice %arg11[%dma_wait3A_90, %dma_wait3A_91] : memref<112x144xf32, #tpu.memory_space<vmem>> -> memref<80x144xf32, #tpu.memory_space<vmem>>
      %dma_wait3A_93 = arith.constant 0 : i32
      %dma_wait3A_94 = tpu.memref_slice %arg15[%add3A_53, %dma_wait3A_93] : memref<10240x144xf32, #tpu.memory_space<vmem_shared>> -> memref<80x144xf32, #tpu.memory_space<vmem_shared>>
      %dma_wait3A_95 = arith.constant 0 : i32
      %dma_wait3A_96 = arith.constant 0 : i32
      %dma_wait3A_97 = tpu.memref_slice %arg11[%dma_wait3A_95, %dma_wait3A_96] : memref<112x144xf32, #tpu.memory_space<vmem>> -> memref<80x144xf32, #tpu.memory_space<vmem>>
      %dma_wait3A_98 = arith.constant 0 : i32
      %dma_wait3A_99 = tpu.memref_slice %arg15[%add3A_53, %dma_wait3A_98] : memref<10240x144xf32, #tpu.memory_space<vmem_shared>> -> memref<80x144xf32, #tpu.memory_space<vmem_shared>>
      tpu.wait_dma2 semaphore(%run_scoped3A : memref<!tpu.dma_semaphore, #tpu.memory_space<semaphore_mem>>) src(%dma_wait3A_99 : memref<80x144xf32, #tpu.memory_space<vmem_shared>>) dst(%dma_wait3A_97 : memref<80x144xf32, #tpu.memory_space<vmem>>)
      tpu.yield
    }) : () -> ()
    %add3A_54 = arith.constant 80 : i32
    %add3A_55 = arith.addi %mul3A_2, %add3A_54 : i32
    "tpu.region"() ({
      %run_scoped3A = tpu.sem_alloc : memref<!tpu.dma_semaphore, #tpu.memory_space<semaphore_mem>>
      %dma_start3A_80 = arith.constant 0 : i32
      %dma_start3A_81 = arith.constant 0 : i32
      %dma_start3A_82 = tpu.memref_slice %arg11[%dma_start3A_80, %dma_start3A_81] : memref<112x144xf32, #tpu.memory_space<vmem>> -> memref<80x144xf32, #tpu.memory_space<vmem>>
      %dma_start3A_83 = arith.constant 0 : i32
      %dma_start3A_84 = tpu.memref_slice %arg6[%arg0, %add3A_55, %dma_start3A_83] : memref<2x10240x144xf32, #tpu.memory_space<hbm>> -> memref<1x80x144xf32, #tpu.memory_space<hbm>>
      %dma_start3A_85 = tpu.memref_squeeze %dma_start3A_84 : memref<1x80x144xf32, #tpu.memory_space<hbm>> -> memref<80x144xf32, #tpu.memory_space<hbm>>
      %dma_start3A_86 = arith.constant 0 : i32
      %dma_start3A_87 = tpu.memref_slice %arg6[%arg0, %add3A_55, %dma_start3A_86] : memref<2x10240x144xf32, #tpu.memory_space<hbm>> -> memref<1x80x144xf32, #tpu.memory_space<hbm>>
      %dma_start3A_88 = tpu.memref_squeeze %dma_start3A_87 : memref<1x80x144xf32, #tpu.memory_space<hbm>> -> memref<80x144xf32, #tpu.memory_space<hbm>>
      %dma_start3A_89 = arith.constant 0 : i32
      %dma_start3A_90 = arith.constant 0 : i32
      %dma_start3A_91 = tpu.memref_slice %arg11[%dma_start3A_89, %dma_start3A_90] : memref<112x144xf32, #tpu.memory_space<vmem>> -> memref<80x144xf32, #tpu.memory_space<vmem>>
      tpu.enqueue_dma source(%dma_start3A_91 : memref<80x144xf32, #tpu.memory_space<vmem>>) target(%dma_start3A_88 : memref<80x144xf32, #tpu.memory_space<hbm>>) target_semaphore(%run_scoped3A : memref<!tpu.dma_semaphore, #tpu.memory_space<semaphore_mem>>)
      %dma_wait3A_92 = arith.constant 0 : i32
      %dma_wait3A_93 = arith.constant 0 : i32
      %dma_wait3A_94 = tpu.memref_slice %arg11[%dma_wait3A_92, %dma_wait3A_93] : memref<112x144xf32, #tpu.memory_space<vmem>> -> memref<80x144xf32, #tpu.memory_space<vmem>>
      %dma_wait3A_95 = arith.constant 0 : i32
      %dma_wait3A_96 = tpu.memref_slice %arg6[%arg0, %add3A_55, %dma_wait3A_95] : memref<2x10240x144xf32, #tpu.memory_space<hbm>> -> memref<1x80x144xf32, #tpu.memory_space<hbm>>
      %dma_wait3A_97 = tpu.memref_squeeze %dma_wait3A_96 : memref<1x80x144xf32, #tpu.memory_space<hbm>> -> memref<80x144xf32, #tpu.memory_space<hbm>>
      %dma_wait3A_98 = arith.constant 0 : i32
      %dma_wait3A_99 = tpu.memref_slice %arg6[%arg0, %add3A_55, %dma_wait3A_98] : memref<2x10240x144xf32, #tpu.memory_space<hbm>> -> memref<1x80x144xf32, #tpu.memory_space<hbm>>
      %dma_wait3A_100 = tpu.memref_squeeze %dma_wait3A_99 : memref<1x80x144xf32, #tpu.memory_space<hbm>> -> memref<80x144xf32, #tpu.memory_space<hbm>>
      %dma_wait3A_101 = arith.constant 0 : i32
      %dma_wait3A_102 = arith.constant 0 : i32
      %dma_wait3A_103 = tpu.memref_slice %arg11[%dma_wait3A_101, %dma_wait3A_102] : memref<112x144xf32, #tpu.memory_space<vmem>> -> memref<80x144xf32, #tpu.memory_space<vmem>>
      tpu.wait_dma2 semaphore(%run_scoped3A : memref<!tpu.dma_semaphore, #tpu.memory_space<semaphore_mem>>) src(%dma_wait3A_103 : memref<80x144xf32, #tpu.memory_space<vmem>>) dst(%dma_wait3A_100 : memref<80x144xf32, #tpu.memory_space<hbm>>)
      tpu.yield
    }) : () -> ()
    %add3A_56 = arith.constant 160 : i32
    %add3A_57 = arith.addi %mul3A_2, %add3A_56 : i32
    "tpu.region"() ({
      %run_scoped3A = tpu.sem_alloc : memref<!tpu.dma_semaphore, #tpu.memory_space<semaphore_mem>>
      %dma_start3A_80 = arith.constant 0 : i32
      %dma_start3A_81 = arith.constant 0 : i32
      %dma_start3A_82 = tpu.memref_slice %arg11[%dma_start3A_80, %dma_start3A_81] : memref<112x144xf32, #tpu.memory_space<vmem>> -> memref<80x144xf32, #tpu.memory_space<vmem>>
      %dma_start3A_83 = arith.constant 0 : i32
      %dma_start3A_84 = tpu.memref_slice %arg15[%add3A_57, %dma_start3A_83] : memref<10240x144xf32, #tpu.memory_space<vmem_shared>> -> memref<80x144xf32, #tpu.memory_space<vmem_shared>>
      %dma_start3A_85 = arith.constant 0 : i32
      %dma_start3A_86 = arith.constant 0 : i32
      %dma_start3A_87 = tpu.memref_slice %arg11[%dma_start3A_85, %dma_start3A_86] : memref<112x144xf32, #tpu.memory_space<vmem>> -> memref<80x144xf32, #tpu.memory_space<vmem>>
      %dma_start3A_88 = arith.constant 0 : i32
      %dma_start3A_89 = tpu.memref_slice %arg15[%add3A_57, %dma_start3A_88] : memref<10240x144xf32, #tpu.memory_space<vmem_shared>> -> memref<80x144xf32, #tpu.memory_space<vmem_shared>>
      tpu.enqueue_dma source(%dma_start3A_89 : memref<80x144xf32, #tpu.memory_space<vmem_shared>>) target(%dma_start3A_87 : memref<80x144xf32, #tpu.memory_space<vmem>>) target_semaphore(%run_scoped3A : memref<!tpu.dma_semaphore, #tpu.memory_space<semaphore_mem>>)
      %dma_wait3A_90 = arith.constant 0 : i32
      %dma_wait3A_91 = arith.constant 0 : i32
      %dma_wait3A_92 = tpu.memref_slice %arg11[%dma_wait3A_90, %dma_wait3A_91] : memref<112x144xf32, #tpu.memory_space<vmem>> -> memref<80x144xf32, #tpu.memory_space<vmem>>
      %dma_wait3A_93 = arith.constant 0 : i32
      %dma_wait3A_94 = tpu.memref_slice %arg15[%add3A_57, %dma_wait3A_93] : memref<10240x144xf32, #tpu.memory_space<vmem_shared>> -> memref<80x144xf32, #tpu.memory_space<vmem_shared>>
      %dma_wait3A_95 = arith.constant 0 : i32
      %dma_wait3A_96 = arith.constant 0 : i32
      %dma_wait3A_97 = tpu.memref_slice %arg11[%dma_wait3A_95, %dma_wait3A_96] : memref<112x144xf32, #tpu.memory_space<vmem>> -> memref<80x144xf32, #tpu.memory_space<vmem>>
      %dma_wait3A_98 = arith.constant 0 : i32
      %dma_wait3A_99 = tpu.memref_slice %arg15[%add3A_57, %dma_wait3A_98] : memref<10240x144xf32, #tpu.memory_space<vmem_shared>> -> memref<80x144xf32, #tpu.memory_space<vmem_shared>>
      tpu.wait_dma2 semaphore(%run_scoped3A : memref<!tpu.dma_semaphore, #tpu.memory_space<semaphore_mem>>) src(%dma_wait3A_99 : memref<80x144xf32, #tpu.memory_space<vmem_shared>>) dst(%dma_wait3A_97 : memref<80x144xf32, #tpu.memory_space<vmem>>)
      tpu.yield
    }) : () -> ()
    %add3A_58 = arith.constant 160 : i32
    %add3A_59 = arith.addi %mul3A_2, %add3A_58 : i32
    "tpu.region"() ({
      %run_scoped3A = tpu.sem_alloc : memref<!tpu.dma_semaphore, #tpu.memory_space<semaphore_mem>>
      %dma_start3A_80 = arith.constant 0 : i32
      %dma_start3A_81 = arith.constant 0 : i32
      %dma_start3A_82 = tpu.memref_slice %arg11[%dma_start3A_80, %dma_start3A_81] : memref<112x144xf32, #tpu.memory_space<vmem>> -> memref<80x144xf32, #tpu.memory_space<vmem>>
      %dma_start3A_83 = arith.constant 0 : i32
      %dma_start3A_84 = tpu.memref_slice %arg6[%arg0, %add3A_59, %dma_start3A_83] : memref<2x10240x144xf32, #tpu.memory_space<hbm>> -> memref<1x80x144xf32, #tpu.memory_space<hbm>>
      %dma_start3A_85 = tpu.memref_squeeze %dma_start3A_84 : memref<1x80x144xf32, #tpu.memory_space<hbm>> -> memref<80x144xf32, #tpu.memory_space<hbm>>
      %dma_start3A_86 = arith.constant 0 : i32
      %dma_start3A_87 = tpu.memref_slice %arg6[%arg0, %add3A_59, %dma_start3A_86] : memref<2x10240x144xf32, #tpu.memory_space<hbm>> -> memref<1x80x144xf32, #tpu.memory_space<hbm>>
      %dma_start3A_88 = tpu.memref_squeeze %dma_start3A_87 : memref<1x80x144xf32, #tpu.memory_space<hbm>> -> memref<80x144xf32, #tpu.memory_space<hbm>>
      %dma_start3A_89 = arith.constant 0 : i32
      %dma_start3A_90 = arith.constant 0 : i32
      %dma_start3A_91 = tpu.memref_slice %arg11[%dma_start3A_89, %dma_start3A_90] : memref<112x144xf32, #tpu.memory_space<vmem>> -> memref<80x144xf32, #tpu.memory_space<vmem>>
      tpu.enqueue_dma source(%dma_start3A_91 : memref<80x144xf32, #tpu.memory_space<vmem>>) target(%dma_start3A_88 : memref<80x144xf32, #tpu.memory_space<hbm>>) target_semaphore(%run_scoped3A : memref<!tpu.dma_semaphore, #tpu.memory_space<semaphore_mem>>)
      %dma_wait3A_92 = arith.constant 0 : i32
      %dma_wait3A_93 = arith.constant 0 : i32
      %dma_wait3A_94 = tpu.memref_slice %arg11[%dma_wait3A_92, %dma_wait3A_93] : memref<112x144xf32, #tpu.memory_space<vmem>> -> memref<80x144xf32, #tpu.memory_space<vmem>>
      %dma_wait3A_95 = arith.constant 0 : i32
      %dma_wait3A_96 = tpu.memref_slice %arg6[%arg0, %add3A_59, %dma_wait3A_95] : memref<2x10240x144xf32, #tpu.memory_space<hbm>> -> memref<1x80x144xf32, #tpu.memory_space<hbm>>
      %dma_wait3A_97 = tpu.memref_squeeze %dma_wait3A_96 : memref<1x80x144xf32, #tpu.memory_space<hbm>> -> memref<80x144xf32, #tpu.memory_space<hbm>>
      %dma_wait3A_98 = arith.constant 0 : i32
      %dma_wait3A_99 = tpu.memref_slice %arg6[%arg0, %add3A_59, %dma_wait3A_98] : memref<2x10240x144xf32, #tpu.memory_space<hbm>> -> memref<1x80x144xf32, #tpu.memory_space<hbm>>
      %dma_wait3A_100 = tpu.memref_squeeze %dma_wait3A_99 : memref<1x80x144xf32, #tpu.memory_space<hbm>> -> memref<80x144xf32, #tpu.memory_space<hbm>>
      %dma_wait3A_101 = arith.constant 0 : i32
      %dma_wait3A_102 = arith.constant 0 : i32
      %dma_wait3A_103 = tpu.memref_slice %arg11[%dma_wait3A_101, %dma_wait3A_102] : memref<112x144xf32, #tpu.memory_space<vmem>> -> memref<80x144xf32, #tpu.memory_space<vmem>>
      tpu.wait_dma2 semaphore(%run_scoped3A : memref<!tpu.dma_semaphore, #tpu.memory_space<semaphore_mem>>) src(%dma_wait3A_103 : memref<80x144xf32, #tpu.memory_space<vmem>>) dst(%dma_wait3A_100 : memref<80x144xf32, #tpu.memory_space<hbm>>)
      tpu.yield
    }) : () -> ()
    %add3A_60 = arith.constant 240 : i32
    %add3A_61 = arith.addi %mul3A_2, %add3A_60 : i32
    "tpu.region"() ({
      %run_scoped3A = tpu.sem_alloc : memref<!tpu.dma_semaphore, #tpu.memory_space<semaphore_mem>>
      %dma_start3A_80 = arith.constant 0 : i32
      %dma_start3A_81 = arith.constant 0 : i32
      %dma_start3A_82 = tpu.memref_slice %arg11[%dma_start3A_80, %dma_start3A_81] : memref<112x144xf32, #tpu.memory_space<vmem>> -> memref<80x144xf32, #tpu.memory_space<vmem>>
      %dma_start3A_83 = arith.constant 0 : i32
      %dma_start3A_84 = tpu.memref_slice %arg15[%add3A_61, %dma_start3A_83] : memref<10240x144xf32, #tpu.memory_space<vmem_shared>> -> memref<80x144xf32, #tpu.memory_space<vmem_shared>>
      %dma_start3A_85 = arith.constant 0 : i32
      %dma_start3A_86 = arith.constant 0 : i32
      %dma_start3A_87 = tpu.memref_slice %arg11[%dma_start3A_85, %dma_start3A_86] : memref<112x144xf32, #tpu.memory_space<vmem>> -> memref<80x144xf32, #tpu.memory_space<vmem>>
      %dma_start3A_88 = arith.constant 0 : i32
      %dma_start3A_89 = tpu.memref_slice %arg15[%add3A_61, %dma_start3A_88] : memref<10240x144xf32, #tpu.memory_space<vmem_shared>> -> memref<80x144xf32, #tpu.memory_space<vmem_shared>>
      tpu.enqueue_dma source(%dma_start3A_89 : memref<80x144xf32, #tpu.memory_space<vmem_shared>>) target(%dma_start3A_87 : memref<80x144xf32, #tpu.memory_space<vmem>>) target_semaphore(%run_scoped3A : memref<!tpu.dma_semaphore, #tpu.memory_space<semaphore_mem>>)
      %dma_wait3A_90 = arith.constant 0 : i32
      %dma_wait3A_91 = arith.constant 0 : i32
      %dma_wait3A_92 = tpu.memref_slice %arg11[%dma_wait3A_90, %dma_wait3A_91] : memref<112x144xf32, #tpu.memory_space<vmem>> -> memref<80x144xf32, #tpu.memory_space<vmem>>
      %dma_wait3A_93 = arith.constant 0 : i32
      %dma_wait3A_94 = tpu.memref_slice %arg15[%add3A_61, %dma_wait3A_93] : memref<10240x144xf32, #tpu.memory_space<vmem_shared>> -> memref<80x144xf32, #tpu.memory_space<vmem_shared>>
      %dma_wait3A_95 = arith.constant 0 : i32
      %dma_wait3A_96 = arith.constant 0 : i32
      %dma_wait3A_97 = tpu.memref_slice %arg11[%dma_wait3A_95, %dma_wait3A_96] : memref<112x144xf32, #tpu.memory_space<vmem>> -> memref<80x144xf32, #tpu.memory_space<vmem>>
      %dma_wait3A_98 = arith.constant 0 : i32
      %dma_wait3A_99 = tpu.memref_slice %arg15[%add3A_61, %dma_wait3A_98] : memref<10240x144xf32, #tpu.memory_space<vmem_shared>> -> memref<80x144xf32, #tpu.memory_space<vmem_shared>>
      tpu.wait_dma2 semaphore(%run_scoped3A : memref<!tpu.dma_semaphore, #tpu.memory_space<semaphore_mem>>) src(%dma_wait3A_99 : memref<80x144xf32, #tpu.memory_space<vmem_shared>>) dst(%dma_wait3A_97 : memref<80x144xf32, #tpu.memory_space<vmem>>)
      tpu.yield
    }) : () -> ()
    %add3A_62 = arith.constant 240 : i32
    %add3A_63 = arith.addi %mul3A_2, %add3A_62 : i32
    "tpu.region"() ({
      %run_scoped3A = tpu.sem_alloc : memref<!tpu.dma_semaphore, #tpu.memory_space<semaphore_mem>>
      %dma_start3A_80 = arith.constant 0 : i32
      %dma_start3A_81 = arith.constant 0 : i32
      %dma_start3A_82 = tpu.memref_slice %arg11[%dma_start3A_80, %dma_start3A_81] : memref<112x144xf32, #tpu.memory_space<vmem>> -> memref<80x144xf32, #tpu.memory_space<vmem>>
      %dma_start3A_83 = arith.constant 0 : i32
      %dma_start3A_84 = tpu.memref_slice %arg6[%arg0, %add3A_63, %dma_start3A_83] : memref<2x10240x144xf32, #tpu.memory_space<hbm>> -> memref<1x80x144xf32, #tpu.memory_space<hbm>>
      %dma_start3A_85 = tpu.memref_squeeze %dma_start3A_84 : memref<1x80x144xf32, #tpu.memory_space<hbm>> -> memref<80x144xf32, #tpu.memory_space<hbm>>
      %dma_start3A_86 = arith.constant 0 : i32
      %dma_start3A_87 = tpu.memref_slice %arg6[%arg0, %add3A_63, %dma_start3A_86] : memref<2x10240x144xf32, #tpu.memory_space<hbm>> -> memref<1x80x144xf32, #tpu.memory_space<hbm>>
      %dma_start3A_88 = tpu.memref_squeeze %dma_start3A_87 : memref<1x80x144xf32, #tpu.memory_space<hbm>> -> memref<80x144xf32, #tpu.memory_space<hbm>>
      %dma_start3A_89 = arith.constant 0 : i32
      %dma_start3A_90 = arith.constant 0 : i32
      %dma_start3A_91 = tpu.memref_slice %arg11[%dma_start3A_89, %dma_start3A_90] : memref<112x144xf32, #tpu.memory_space<vmem>> -> memref<80x144xf32, #tpu.memory_space<vmem>>
      tpu.enqueue_dma source(%dma_start3A_91 : memref<80x144xf32, #tpu.memory_space<vmem>>) target(%dma_start3A_88 : memref<80x144xf32, #tpu.memory_space<hbm>>) target_semaphore(%run_scoped3A : memref<!tpu.dma_semaphore, #tpu.memory_space<semaphore_mem>>)
      %dma_wait3A_92 = arith.constant 0 : i32
      %dma_wait3A_93 = arith.constant 0 : i32
      %dma_wait3A_94 = tpu.memref_slice %arg11[%dma_wait3A_92, %dma_wait3A_93] : memref<112x144xf32, #tpu.memory_space<vmem>> -> memref<80x144xf32, #tpu.memory_space<vmem>>
      %dma_wait3A_95 = arith.constant 0 : i32
      %dma_wait3A_96 = tpu.memref_slice %arg6[%arg0, %add3A_63, %dma_wait3A_95] : memref<2x10240x144xf32, #tpu.memory_space<hbm>> -> memref<1x80x144xf32, #tpu.memory_space<hbm>>
      %dma_wait3A_97 = tpu.memref_squeeze %dma_wait3A_96 : memref<1x80x144xf32, #tpu.memory_space<hbm>> -> memref<80x144xf32, #tpu.memory_space<hbm>>
      %dma_wait3A_98 = arith.constant 0 : i32
      %dma_wait3A_99 = tpu.memref_slice %arg6[%arg0, %add3A_63, %dma_wait3A_98] : memref<2x10240x144xf32, #tpu.memory_space<hbm>> -> memref<1x80x144xf32, #tpu.memory_space<hbm>>
      %dma_wait3A_100 = tpu.memref_squeeze %dma_wait3A_99 : memref<1x80x144xf32, #tpu.memory_space<hbm>> -> memref<80x144xf32, #tpu.memory_space<hbm>>
      %dma_wait3A_101 = arith.constant 0 : i32
      %dma_wait3A_102 = arith.constant 0 : i32
      %dma_wait3A_103 = tpu.memref_slice %arg11[%dma_wait3A_101, %dma_wait3A_102] : memref<112x144xf32, #tpu.memory_space<vmem>> -> memref<80x144xf32, #tpu.memory_space<vmem>>
      tpu.wait_dma2 semaphore(%run_scoped3A : memref<!tpu.dma_semaphore, #tpu.memory_space<semaphore_mem>>) src(%dma_wait3A_103 : memref<80x144xf32, #tpu.memory_space<vmem>>) dst(%dma_wait3A_100 : memref<80x144xf32, #tpu.memory_space<hbm>>)
      tpu.yield
    }) : () -> ()
    %add3A_64 = arith.constant 320 : i32
    %add3A_65 = arith.addi %mul3A_2, %add3A_64 : i32
    "tpu.region"() ({
      %run_scoped3A = tpu.sem_alloc : memref<!tpu.dma_semaphore, #tpu.memory_space<semaphore_mem>>
      %dma_start3A_80 = arith.constant 0 : i32
      %dma_start3A_81 = arith.constant 0 : i32
      %dma_start3A_82 = tpu.memref_slice %arg11[%dma_start3A_80, %dma_start3A_81] : memref<112x144xf32, #tpu.memory_space<vmem>> -> memref<80x144xf32, #tpu.memory_space<vmem>>
      %dma_start3A_83 = arith.constant 0 : i32
      %dma_start3A_84 = tpu.memref_slice %arg15[%add3A_65, %dma_start3A_83] : memref<10240x144xf32, #tpu.memory_space<vmem_shared>> -> memref<80x144xf32, #tpu.memory_space<vmem_shared>>
      %dma_start3A_85 = arith.constant 0 : i32
      %dma_start3A_86 = arith.constant 0 : i32
      %dma_start3A_87 = tpu.memref_slice %arg11[%dma_start3A_85, %dma_start3A_86] : memref<112x144xf32, #tpu.memory_space<vmem>> -> memref<80x144xf32, #tpu.memory_space<vmem>>
      %dma_start3A_88 = arith.constant 0 : i32
      %dma_start3A_89 = tpu.memref_slice %arg15[%add3A_65, %dma_start3A_88] : memref<10240x144xf32, #tpu.memory_space<vmem_shared>> -> memref<80x144xf32, #tpu.memory_space<vmem_shared>>
      tpu.enqueue_dma source(%dma_start3A_89 : memref<80x144xf32, #tpu.memory_space<vmem_shared>>) target(%dma_start3A_87 : memref<80x144xf32, #tpu.memory_space<vmem>>) target_semaphore(%run_scoped3A : memref<!tpu.dma_semaphore, #tpu.memory_space<semaphore_mem>>)
      %dma_wait3A_90 = arith.constant 0 : i32
      %dma_wait3A_91 = arith.constant 0 : i32
      %dma_wait3A_92 = tpu.memref_slice %arg11[%dma_wait3A_90, %dma_wait3A_91] : memref<112x144xf32, #tpu.memory_space<vmem>> -> memref<80x144xf32, #tpu.memory_space<vmem>>
      %dma_wait3A_93 = arith.constant 0 : i32
      %dma_wait3A_94 = tpu.memref_slice %arg15[%add3A_65, %dma_wait3A_93] : memref<10240x144xf32, #tpu.memory_space<vmem_shared>> -> memref<80x144xf32, #tpu.memory_space<vmem_shared>>
      %dma_wait3A_95 = arith.constant 0 : i32
      %dma_wait3A_96 = arith.constant 0 : i32
      %dma_wait3A_97 = tpu.memref_slice %arg11[%dma_wait3A_95, %dma_wait3A_96] : memref<112x144xf32, #tpu.memory_space<vmem>> -> memref<80x144xf32, #tpu.memory_space<vmem>>
      %dma_wait3A_98 = arith.constant 0 : i32
      %dma_wait3A_99 = tpu.memref_slice %arg15[%add3A_65, %dma_wait3A_98] : memref<10240x144xf32, #tpu.memory_space<vmem_shared>> -> memref<80x144xf32, #tpu.memory_space<vmem_shared>>
      tpu.wait_dma2 semaphore(%run_scoped3A : memref<!tpu.dma_semaphore, #tpu.memory_space<semaphore_mem>>) src(%dma_wait3A_99 : memref<80x144xf32, #tpu.memory_space<vmem_shared>>) dst(%dma_wait3A_97 : memref<80x144xf32, #tpu.memory_space<vmem>>)
      tpu.yield
    }) : () -> ()
    %add3A_66 = arith.constant 320 : i32
    %add3A_67 = arith.addi %mul3A_2, %add3A_66 : i32
    "tpu.region"() ({
      %run_scoped3A = tpu.sem_alloc : memref<!tpu.dma_semaphore, #tpu.memory_space<semaphore_mem>>
      %dma_start3A_80 = arith.constant 0 : i32
      %dma_start3A_81 = arith.constant 0 : i32
      %dma_start3A_82 = tpu.memref_slice %arg11[%dma_start3A_80, %dma_start3A_81] : memref<112x144xf32, #tpu.memory_space<vmem>> -> memref<80x144xf32, #tpu.memory_space<vmem>>
      %dma_start3A_83 = arith.constant 0 : i32
      %dma_start3A_84 = tpu.memref_slice %arg6[%arg0, %add3A_67, %dma_start3A_83] : memref<2x10240x144xf32, #tpu.memory_space<hbm>> -> memref<1x80x144xf32, #tpu.memory_space<hbm>>
      %dma_start3A_85 = tpu.memref_squeeze %dma_start3A_84 : memref<1x80x144xf32, #tpu.memory_space<hbm>> -> memref<80x144xf32, #tpu.memory_space<hbm>>
      %dma_start3A_86 = arith.constant 0 : i32
      %dma_start3A_87 = tpu.memref_slice %arg6[%arg0, %add3A_67, %dma_start3A_86] : memref<2x10240x144xf32, #tpu.memory_space<hbm>> -> memref<1x80x144xf32, #tpu.memory_space<hbm>>
      %dma_start3A_88 = tpu.memref_squeeze %dma_start3A_87 : memref<1x80x144xf32, #tpu.memory_space<hbm>> -> memref<80x144xf32, #tpu.memory_space<hbm>>
      %dma_start3A_89 = arith.constant 0 : i32
      %dma_start3A_90 = arith.constant 0 : i32
      %dma_start3A_91 = tpu.memref_slice %arg11[%dma_start3A_89, %dma_start3A_90] : memref<112x144xf32, #tpu.memory_space<vmem>> -> memref<80x144xf32, #tpu.memory_space<vmem>>
      tpu.enqueue_dma source(%dma_start3A_91 : memref<80x144xf32, #tpu.memory_space<vmem>>) target(%dma_start3A_88 : memref<80x144xf32, #tpu.memory_space<hbm>>) target_semaphore(%run_scoped3A : memref<!tpu.dma_semaphore, #tpu.memory_space<semaphore_mem>>)
      %dma_wait3A_92 = arith.constant 0 : i32
      %dma_wait3A_93 = arith.constant 0 : i32
      %dma_wait3A_94 = tpu.memref_slice %arg11[%dma_wait3A_92, %dma_wait3A_93] : memref<112x144xf32, #tpu.memory_space<vmem>> -> memref<80x144xf32, #tpu.memory_space<vmem>>
      %dma_wait3A_95 = arith.constant 0 : i32
      %dma_wait3A_96 = tpu.memref_slice %arg6[%arg0, %add3A_67, %dma_wait3A_95] : memref<2x10240x144xf32, #tpu.memory_space<hbm>> -> memref<1x80x144xf32, #tpu.memory_space<hbm>>
      %dma_wait3A_97 = tpu.memref_squeeze %dma_wait3A_96 : memref<1x80x144xf32, #tpu.memory_space<hbm>> -> memref<80x144xf32, #tpu.memory_space<hbm>>
      %dma_wait3A_98 = arith.constant 0 : i32
      %dma_wait3A_99 = tpu.memref_slice %arg6[%arg0, %add3A_67, %dma_wait3A_98] : memref<2x10240x144xf32, #tpu.memory_space<hbm>> -> memref<1x80x144xf32, #tpu.memory_space<hbm>>
      %dma_wait3A_100 = tpu.memref_squeeze %dma_wait3A_99 : memref<1x80x144xf32, #tpu.memory_space<hbm>> -> memref<80x144xf32, #tpu.memory_space<hbm>>
      %dma_wait3A_101 = arith.constant 0 : i32
      %dma_wait3A_102 = arith.constant 0 : i32
      %dma_wait3A_103 = tpu.memref_slice %arg11[%dma_wait3A_101, %dma_wait3A_102] : memref<112x144xf32, #tpu.memory_space<vmem>> -> memref<80x144xf32, #tpu.memory_space<vmem>>
      tpu.wait_dma2 semaphore(%run_scoped3A : memref<!tpu.dma_semaphore, #tpu.memory_space<semaphore_mem>>) src(%dma_wait3A_103 : memref<80x144xf32, #tpu.memory_space<vmem>>) dst(%dma_wait3A_100 : memref<80x144xf32, #tpu.memory_space<hbm>>)
      tpu.yield
    }) : () -> ()
    %add3A_68 = arith.constant 400 : i32
    %add3A_69 = arith.addi %mul3A_2, %add3A_68 : i32
    "tpu.region"() ({
      %run_scoped3A = tpu.sem_alloc : memref<!tpu.dma_semaphore, #tpu.memory_space<semaphore_mem>>
      %dma_start3A_80 = arith.constant 0 : i32
      %dma_start3A_81 = arith.constant 0 : i32
      %dma_start3A_82 = tpu.memref_slice %arg11[%dma_start3A_80, %dma_start3A_81] : memref<112x144xf32, #tpu.memory_space<vmem>> -> memref<80x144xf32, #tpu.memory_space<vmem>>
      %dma_start3A_83 = arith.constant 0 : i32
      %dma_start3A_84 = tpu.memref_slice %arg15[%add3A_69, %dma_start3A_83] : memref<10240x144xf32, #tpu.memory_space<vmem_shared>> -> memref<80x144xf32, #tpu.memory_space<vmem_shared>>
      %dma_start3A_85 = arith.constant 0 : i32
      %dma_start3A_86 = arith.constant 0 : i32
      %dma_start3A_87 = tpu.memref_slice %arg11[%dma_start3A_85, %dma_start3A_86] : memref<112x144xf32, #tpu.memory_space<vmem>> -> memref<80x144xf32, #tpu.memory_space<vmem>>
      %dma_start3A_88 = arith.constant 0 : i32
      %dma_start3A_89 = tpu.memref_slice %arg15[%add3A_69, %dma_start3A_88] : memref<10240x144xf32, #tpu.memory_space<vmem_shared>> -> memref<80x144xf32, #tpu.memory_space<vmem_shared>>
      tpu.enqueue_dma source(%dma_start3A_89 : memref<80x144xf32, #tpu.memory_space<vmem_shared>>) target(%dma_start3A_87 : memref<80x144xf32, #tpu.memory_space<vmem>>) target_semaphore(%run_scoped3A : memref<!tpu.dma_semaphore, #tpu.memory_space<semaphore_mem>>)
      %dma_wait3A_90 = arith.constant 0 : i32
      %dma_wait3A_91 = arith.constant 0 : i32
      %dma_wait3A_92 = tpu.memref_slice %arg11[%dma_wait3A_90, %dma_wait3A_91] : memref<112x144xf32, #tpu.memory_space<vmem>> -> memref<80x144xf32, #tpu.memory_space<vmem>>
      %dma_wait3A_93 = arith.constant 0 : i32
      %dma_wait3A_94 = tpu.memref_slice %arg15[%add3A_69, %dma_wait3A_93] : memref<10240x144xf32, #tpu.memory_space<vmem_shared>> -> memref<80x144xf32, #tpu.memory_space<vmem_shared>>
      %dma_wait3A_95 = arith.constant 0 : i32
      %dma_wait3A_96 = arith.constant 0 : i32
      %dma_wait3A_97 = tpu.memref_slice %arg11[%dma_wait3A_95, %dma_wait3A_96] : memref<112x144xf32, #tpu.memory_space<vmem>> -> memref<80x144xf32, #tpu.memory_space<vmem>>
      %dma_wait3A_98 = arith.constant 0 : i32
      %dma_wait3A_99 = tpu.memref_slice %arg15[%add3A_69, %dma_wait3A_98] : memref<10240x144xf32, #tpu.memory_space<vmem_shared>> -> memref<80x144xf32, #tpu.memory_space<vmem_shared>>
      tpu.wait_dma2 semaphore(%run_scoped3A : memref<!tpu.dma_semaphore, #tpu.memory_space<semaphore_mem>>) src(%dma_wait3A_99 : memref<80x144xf32, #tpu.memory_space<vmem_shared>>) dst(%dma_wait3A_97 : memref<80x144xf32, #tpu.memory_space<vmem>>)
      tpu.yield
    }) : () -> ()
    %add3A_70 = arith.constant 400 : i32
    %add3A_71 = arith.addi %mul3A_2, %add3A_70 : i32
    "tpu.region"() ({
      %run_scoped3A = tpu.sem_alloc : memref<!tpu.dma_semaphore, #tpu.memory_space<semaphore_mem>>
      %dma_start3A_80 = arith.constant 0 : i32
      %dma_start3A_81 = arith.constant 0 : i32
      %dma_start3A_82 = tpu.memref_slice %arg11[%dma_start3A_80, %dma_start3A_81] : memref<112x144xf32, #tpu.memory_space<vmem>> -> memref<80x144xf32, #tpu.memory_space<vmem>>
      %dma_start3A_83 = arith.constant 0 : i32
      %dma_start3A_84 = tpu.memref_slice %arg6[%arg0, %add3A_71, %dma_start3A_83] : memref<2x10240x144xf32, #tpu.memory_space<hbm>> -> memref<1x80x144xf32, #tpu.memory_space<hbm>>
      %dma_start3A_85 = tpu.memref_squeeze %dma_start3A_84 : memref<1x80x144xf32, #tpu.memory_space<hbm>> -> memref<80x144xf32, #tpu.memory_space<hbm>>
      %dma_start3A_86 = arith.constant 0 : i32
      %dma_start3A_87 = tpu.memref_slice %arg6[%arg0, %add3A_71, %dma_start3A_86] : memref<2x10240x144xf32, #tpu.memory_space<hbm>> -> memref<1x80x144xf32, #tpu.memory_space<hbm>>
      %dma_start3A_88 = tpu.memref_squeeze %dma_start3A_87 : memref<1x80x144xf32, #tpu.memory_space<hbm>> -> memref<80x144xf32, #tpu.memory_space<hbm>>
      %dma_start3A_89 = arith.constant 0 : i32
      %dma_start3A_90 = arith.constant 0 : i32
      %dma_start3A_91 = tpu.memref_slice %arg11[%dma_start3A_89, %dma_start3A_90] : memref<112x144xf32, #tpu.memory_space<vmem>> -> memref<80x144xf32, #tpu.memory_space<vmem>>
      tpu.enqueue_dma source(%dma_start3A_91 : memref<80x144xf32, #tpu.memory_space<vmem>>) target(%dma_start3A_88 : memref<80x144xf32, #tpu.memory_space<hbm>>) target_semaphore(%run_scoped3A : memref<!tpu.dma_semaphore, #tpu.memory_space<semaphore_mem>>)
      %dma_wait3A_92 = arith.constant 0 : i32
      %dma_wait3A_93 = arith.constant 0 : i32
      %dma_wait3A_94 = tpu.memref_slice %arg11[%dma_wait3A_92, %dma_wait3A_93] : memref<112x144xf32, #tpu.memory_space<vmem>> -> memref<80x144xf32, #tpu.memory_space<vmem>>
      %dma_wait3A_95 = arith.constant 0 : i32
      %dma_wait3A_96 = tpu.memref_slice %arg6[%arg0, %add3A_71, %dma_wait3A_95] : memref<2x10240x144xf32, #tpu.memory_space<hbm>> -> memref<1x80x144xf32, #tpu.memory_space<hbm>>
      %dma_wait3A_97 = tpu.memref_squeeze %dma_wait3A_96 : memref<1x80x144xf32, #tpu.memory_space<hbm>> -> memref<80x144xf32, #tpu.memory_space<hbm>>
      %dma_wait3A_98 = arith.constant 0 : i32
      %dma_wait3A_99 = tpu.memref_slice %arg6[%arg0, %add3A_71, %dma_wait3A_98] : memref<2x10240x144xf32, #tpu.memory_space<hbm>> -> memref<1x80x144xf32, #tpu.memory_space<hbm>>
      %dma_wait3A_100 = tpu.memref_squeeze %dma_wait3A_99 : memref<1x80x144xf32, #tpu.memory_space<hbm>> -> memref<80x144xf32, #tpu.memory_space<hbm>>
      %dma_wait3A_101 = arith.constant 0 : i32
      %dma_wait3A_102 = arith.constant 0 : i32
      %dma_wait3A_103 = tpu.memref_slice %arg11[%dma_wait3A_101, %dma_wait3A_102] : memref<112x144xf32, #tpu.memory_space<vmem>> -> memref<80x144xf32, #tpu.memory_space<vmem>>
      tpu.wait_dma2 semaphore(%run_scoped3A : memref<!tpu.dma_semaphore, #tpu.memory_space<semaphore_mem>>) src(%dma_wait3A_103 : memref<80x144xf32, #tpu.memory_space<vmem>>) dst(%dma_wait3A_100 : memref<80x144xf32, #tpu.memory_space<hbm>>)
      tpu.yield
    }) : () -> ()
    %add3A_72 = arith.constant 480 : i32
    %add3A_73 = arith.addi %mul3A_2, %add3A_72 : i32
    "tpu.region"() ({
      %run_scoped3A = tpu.sem_alloc : memref<!tpu.dma_semaphore, #tpu.memory_space<semaphore_mem>>
      %dma_start3A_80 = arith.constant 0 : i32
      %dma_start3A_81 = arith.constant 0 : i32
      %dma_start3A_82 = tpu.memref_slice %arg11[%dma_start3A_80, %dma_start3A_81] : memref<112x144xf32, #tpu.memory_space<vmem>> -> memref<80x144xf32, #tpu.memory_space<vmem>>
      %dma_start3A_83 = arith.constant 0 : i32
      %dma_start3A_84 = tpu.memref_slice %arg15[%add3A_73, %dma_start3A_83] : memref<10240x144xf32, #tpu.memory_space<vmem_shared>> -> memref<80x144xf32, #tpu.memory_space<vmem_shared>>
      %dma_start3A_85 = arith.constant 0 : i32
      %dma_start3A_86 = arith.constant 0 : i32
      %dma_start3A_87 = tpu.memref_slice %arg11[%dma_start3A_85, %dma_start3A_86] : memref<112x144xf32, #tpu.memory_space<vmem>> -> memref<80x144xf32, #tpu.memory_space<vmem>>
      %dma_start3A_88 = arith.constant 0 : i32
      %dma_start3A_89 = tpu.memref_slice %arg15[%add3A_73, %dma_start3A_88] : memref<10240x144xf32, #tpu.memory_space<vmem_shared>> -> memref<80x144xf32, #tpu.memory_space<vmem_shared>>
      tpu.enqueue_dma source(%dma_start3A_89 : memref<80x144xf32, #tpu.memory_space<vmem_shared>>) target(%dma_start3A_87 : memref<80x144xf32, #tpu.memory_space<vmem>>) target_semaphore(%run_scoped3A : memref<!tpu.dma_semaphore, #tpu.memory_space<semaphore_mem>>)
      %dma_wait3A_90 = arith.constant 0 : i32
      %dma_wait3A_91 = arith.constant 0 : i32
      %dma_wait3A_92 = tpu.memref_slice %arg11[%dma_wait3A_90, %dma_wait3A_91] : memref<112x144xf32, #tpu.memory_space<vmem>> -> memref<80x144xf32, #tpu.memory_space<vmem>>
      %dma_wait3A_93 = arith.constant 0 : i32
      %dma_wait3A_94 = tpu.memref_slice %arg15[%add3A_73, %dma_wait3A_93] : memref<10240x144xf32, #tpu.memory_space<vmem_shared>> -> memref<80x144xf32, #tpu.memory_space<vmem_shared>>
      %dma_wait3A_95 = arith.constant 0 : i32
      %dma_wait3A_96 = arith.constant 0 : i32
      %dma_wait3A_97 = tpu.memref_slice %arg11[%dma_wait3A_95, %dma_wait3A_96] : memref<112x144xf32, #tpu.memory_space<vmem>> -> memref<80x144xf32, #tpu.memory_space<vmem>>
      %dma_wait3A_98 = arith.constant 0 : i32
      %dma_wait3A_99 = tpu.memref_slice %arg15[%add3A_73, %dma_wait3A_98] : memref<10240x144xf32, #tpu.memory_space<vmem_shared>> -> memref<80x144xf32, #tpu.memory_space<vmem_shared>>
      tpu.wait_dma2 semaphore(%run_scoped3A : memref<!tpu.dma_semaphore, #tpu.memory_space<semaphore_mem>>) src(%dma_wait3A_99 : memref<80x144xf32, #tpu.memory_space<vmem_shared>>) dst(%dma_wait3A_97 : memref<80x144xf32, #tpu.memory_space<vmem>>)
      tpu.yield
    }) : () -> ()
    %add3A_74 = arith.constant 480 : i32
    %add3A_75 = arith.addi %mul3A_2, %add3A_74 : i32
    "tpu.region"() ({
      %run_scoped3A = tpu.sem_alloc : memref<!tpu.dma_semaphore, #tpu.memory_space<semaphore_mem>>
      %dma_start3A_80 = arith.constant 0 : i32
      %dma_start3A_81 = arith.constant 0 : i32
      %dma_start3A_82 = tpu.memref_slice %arg11[%dma_start3A_80, %dma_start3A_81] : memref<112x144xf32, #tpu.memory_space<vmem>> -> memref<80x144xf32, #tpu.memory_space<vmem>>
      %dma_start3A_83 = arith.constant 0 : i32
      %dma_start3A_84 = tpu.memref_slice %arg6[%arg0, %add3A_75, %dma_start3A_83] : memref<2x10240x144xf32, #tpu.memory_space<hbm>> -> memref<1x80x144xf32, #tpu.memory_space<hbm>>
      %dma_start3A_85 = tpu.memref_squeeze %dma_start3A_84 : memref<1x80x144xf32, #tpu.memory_space<hbm>> -> memref<80x144xf32, #tpu.memory_space<hbm>>
      %dma_start3A_86 = arith.constant 0 : i32
      %dma_start3A_87 = tpu.memref_slice %arg6[%arg0, %add3A_75, %dma_start3A_86] : memref<2x10240x144xf32, #tpu.memory_space<hbm>> -> memref<1x80x144xf32, #tpu.memory_space<hbm>>
      %dma_start3A_88 = tpu.memref_squeeze %dma_start3A_87 : memref<1x80x144xf32, #tpu.memory_space<hbm>> -> memref<80x144xf32, #tpu.memory_space<hbm>>
      %dma_start3A_89 = arith.constant 0 : i32
      %dma_start3A_90 = arith.constant 0 : i32
      %dma_start3A_91 = tpu.memref_slice %arg11[%dma_start3A_89, %dma_start3A_90] : memref<112x144xf32, #tpu.memory_space<vmem>> -> memref<80x144xf32, #tpu.memory_space<vmem>>
      tpu.enqueue_dma source(%dma_start3A_91 : memref<80x144xf32, #tpu.memory_space<vmem>>) target(%dma_start3A_88 : memref<80x144xf32, #tpu.memory_space<hbm>>) target_semaphore(%run_scoped3A : memref<!tpu.dma_semaphore, #tpu.memory_space<semaphore_mem>>)
      %dma_wait3A_92 = arith.constant 0 : i32
      %dma_wait3A_93 = arith.constant 0 : i32
      %dma_wait3A_94 = tpu.memref_slice %arg11[%dma_wait3A_92, %dma_wait3A_93] : memref<112x144xf32, #tpu.memory_space<vmem>> -> memref<80x144xf32, #tpu.memory_space<vmem>>
      %dma_wait3A_95 = arith.constant 0 : i32
      %dma_wait3A_96 = tpu.memref_slice %arg6[%arg0, %add3A_75, %dma_wait3A_95] : memref<2x10240x144xf32, #tpu.memory_space<hbm>> -> memref<1x80x144xf32, #tpu.memory_space<hbm>>
      %dma_wait3A_97 = tpu.memref_squeeze %dma_wait3A_96 : memref<1x80x144xf32, #tpu.memory_space<hbm>> -> memref<80x144xf32, #tpu.memory_space<hbm>>
      %dma_wait3A_98 = arith.constant 0 : i32
      %dma_wait3A_99 = tpu.memref_slice %arg6[%arg0, %add3A_75, %dma_wait3A_98] : memref<2x10240x144xf32, #tpu.memory_space<hbm>> -> memref<1x80x144xf32, #tpu.memory_space<hbm>>
      %dma_wait3A_100 = tpu.memref_squeeze %dma_wait3A_99 : memref<1x80x144xf32, #tpu.memory_space<hbm>> -> memref<80x144xf32, #tpu.memory_space<hbm>>
      %dma_wait3A_101 = arith.constant 0 : i32
      %dma_wait3A_102 = arith.constant 0 : i32
      %dma_wait3A_103 = tpu.memref_slice %arg11[%dma_wait3A_101, %dma_wait3A_102] : memref<112x144xf32, #tpu.memory_space<vmem>> -> memref<80x144xf32, #tpu.memory_space<vmem>>
      tpu.wait_dma2 semaphore(%run_scoped3A : memref<!tpu.dma_semaphore, #tpu.memory_space<semaphore_mem>>) src(%dma_wait3A_103 : memref<80x144xf32, #tpu.memory_space<vmem>>) dst(%dma_wait3A_100 : memref<80x144xf32, #tpu.memory_space<hbm>>)
      tpu.yield
    }) : () -> ()
    %add3A_76 = arith.constant 560 : i32
    %add3A_77 = arith.addi %mul3A_2, %add3A_76 : i32
    "tpu.region"() ({
      %run_scoped3A = tpu.sem_alloc : memref<!tpu.dma_semaphore, #tpu.memory_space<semaphore_mem>>
      %dma_start3A_80 = arith.constant 0 : i32
      %dma_start3A_81 = arith.constant 0 : i32
      %dma_start3A_82 = tpu.memref_slice %arg11[%dma_start3A_80, %dma_start3A_81] : memref<112x144xf32, #tpu.memory_space<vmem>> -> memref<80x144xf32, #tpu.memory_space<vmem>>
      %dma_start3A_83 = arith.constant 0 : i32
      %dma_start3A_84 = tpu.memref_slice %arg15[%add3A_77, %dma_start3A_83] : memref<10240x144xf32, #tpu.memory_space<vmem_shared>> -> memref<80x144xf32, #tpu.memory_space<vmem_shared>>
      %dma_start3A_85 = arith.constant 0 : i32
      %dma_start3A_86 = arith.constant 0 : i32
      %dma_start3A_87 = tpu.memref_slice %arg11[%dma_start3A_85, %dma_start3A_86] : memref<112x144xf32, #tpu.memory_space<vmem>> -> memref<80x144xf32, #tpu.memory_space<vmem>>
      %dma_start3A_88 = arith.constant 0 : i32
      %dma_start3A_89 = tpu.memref_slice %arg15[%add3A_77, %dma_start3A_88] : memref<10240x144xf32, #tpu.memory_space<vmem_shared>> -> memref<80x144xf32, #tpu.memory_space<vmem_shared>>
      tpu.enqueue_dma source(%dma_start3A_89 : memref<80x144xf32, #tpu.memory_space<vmem_shared>>) target(%dma_start3A_87 : memref<80x144xf32, #tpu.memory_space<vmem>>) target_semaphore(%run_scoped3A : memref<!tpu.dma_semaphore, #tpu.memory_space<semaphore_mem>>)
      %dma_wait3A_90 = arith.constant 0 : i32
      %dma_wait3A_91 = arith.constant 0 : i32
      %dma_wait3A_92 = tpu.memref_slice %arg11[%dma_wait3A_90, %dma_wait3A_91] : memref<112x144xf32, #tpu.memory_space<vmem>> -> memref<80x144xf32, #tpu.memory_space<vmem>>
      %dma_wait3A_93 = arith.constant 0 : i32
      %dma_wait3A_94 = tpu.memref_slice %arg15[%add3A_77, %dma_wait3A_93] : memref<10240x144xf32, #tpu.memory_space<vmem_shared>> -> memref<80x144xf32, #tpu.memory_space<vmem_shared>>
      %dma_wait3A_95 = arith.constant 0 : i32
      %dma_wait3A_96 = arith.constant 0 : i32
      %dma_wait3A_97 = tpu.memref_slice %arg11[%dma_wait3A_95, %dma_wait3A_96] : memref<112x144xf32, #tpu.memory_space<vmem>> -> memref<80x144xf32, #tpu.memory_space<vmem>>
      %dma_wait3A_98 = arith.constant 0 : i32
      %dma_wait3A_99 = tpu.memref_slice %arg15[%add3A_77, %dma_wait3A_98] : memref<10240x144xf32, #tpu.memory_space<vmem_shared>> -> memref<80x144xf32, #tpu.memory_space<vmem_shared>>
      tpu.wait_dma2 semaphore(%run_scoped3A : memref<!tpu.dma_semaphore, #tpu.memory_space<semaphore_mem>>) src(%dma_wait3A_99 : memref<80x144xf32, #tpu.memory_space<vmem_shared>>) dst(%dma_wait3A_97 : memref<80x144xf32, #tpu.memory_space<vmem>>)
      tpu.yield
    }) : () -> ()
    %add3A_78 = arith.constant 560 : i32
    %add3A_79 = arith.addi %mul3A_2, %add3A_78 : i32
    "tpu.region"() ({
      %run_scoped3A = tpu.sem_alloc : memref<!tpu.dma_semaphore, #tpu.memory_space<semaphore_mem>>
      %dma_start3A_80 = arith.constant 0 : i32
      %dma_start3A_81 = arith.constant 0 : i32
      %dma_start3A_82 = tpu.memref_slice %arg11[%dma_start3A_80, %dma_start3A_81] : memref<112x144xf32, #tpu.memory_space<vmem>> -> memref<80x144xf32, #tpu.memory_space<vmem>>
      %dma_start3A_83 = arith.constant 0 : i32
      %dma_start3A_84 = tpu.memref_slice %arg6[%arg0, %add3A_79, %dma_start3A_83] : memref<2x10240x144xf32, #tpu.memory_space<hbm>> -> memref<1x80x144xf32, #tpu.memory_space<hbm>>
      %dma_start3A_85 = tpu.memref_squeeze %dma_start3A_84 : memref<1x80x144xf32, #tpu.memory_space<hbm>> -> memref<80x144xf32, #tpu.memory_space<hbm>>
      %dma_start3A_86 = arith.constant 0 : i32
      %dma_start3A_87 = tpu.memref_slice %arg6[%arg0, %add3A_79, %dma_start3A_86] : memref<2x10240x144xf32, #tpu.memory_space<hbm>> -> memref<1x80x144xf32, #tpu.memory_space<hbm>>
      %dma_start3A_88 = tpu.memref_squeeze %dma_start3A_87 : memref<1x80x144xf32, #tpu.memory_space<hbm>> -> memref<80x144xf32, #tpu.memory_space<hbm>>
      %dma_start3A_89 = arith.constant 0 : i32
      %dma_start3A_90 = arith.constant 0 : i32
      %dma_start3A_91 = tpu.memref_slice %arg11[%dma_start3A_89, %dma_start3A_90] : memref<112x144xf32, #tpu.memory_space<vmem>> -> memref<80x144xf32, #tpu.memory_space<vmem>>
      tpu.enqueue_dma source(%dma_start3A_91 : memref<80x144xf32, #tpu.memory_space<vmem>>) target(%dma_start3A_88 : memref<80x144xf32, #tpu.memory_space<hbm>>) target_semaphore(%run_scoped3A : memref<!tpu.dma_semaphore, #tpu.memory_space<semaphore_mem>>)
      %dma_wait3A_92 = arith.constant 0 : i32
      %dma_wait3A_93 = arith.constant 0 : i32
      %dma_wait3A_94 = tpu.memref_slice %arg11[%dma_wait3A_92, %dma_wait3A_93] : memref<112x144xf32, #tpu.memory_space<vmem>> -> memref<80x144xf32, #tpu.memory_space<vmem>>
      %dma_wait3A_95 = arith.constant 0 : i32
      %dma_wait3A_96 = tpu.memref_slice %arg6[%arg0, %add3A_79, %dma_wait3A_95] : memref<2x10240x144xf32, #tpu.memory_space<hbm>> -> memref<1x80x144xf32, #tpu.memory_space<hbm>>
      %dma_wait3A_97 = tpu.memref_squeeze %dma_wait3A_96 : memref<1x80x144xf32, #tpu.memory_space<hbm>> -> memref<80x144xf32, #tpu.memory_space<hbm>>
      %dma_wait3A_98 = arith.constant 0 : i32
      %dma_wait3A_99 = tpu.memref_slice %arg6[%arg0, %add3A_79, %dma_wait3A_98] : memref<2x10240x144xf32, #tpu.memory_space<hbm>> -> memref<1x80x144xf32, #tpu.memory_space<hbm>>
      %dma_wait3A_100 = tpu.memref_squeeze %dma_wait3A_99 : memref<1x80x144xf32, #tpu.memory_space<hbm>> -> memref<80x144xf32, #tpu.memory_space<hbm>>
      %dma_wait3A_101 = arith.constant 0 : i32
      %dma_wait3A_102 = arith.constant 0 : i32
      %dma_wait3A_103 = tpu.memref_slice %arg11[%dma_wait3A_101, %dma_wait3A_102] : memref<112x144xf32, #tpu.memory_space<vmem>> -> memref<80x144xf32, #tpu.memory_space<vmem>>
      tpu.wait_dma2 semaphore(%run_scoped3A : memref<!tpu.dma_semaphore, #tpu.memory_space<semaphore_mem>>) src(%dma_wait3A_103 : memref<80x144xf32, #tpu.memory_space<vmem>>) dst(%dma_wait3A_100 : memref<80x144xf32, #tpu.memory_space<hbm>>)
      tpu.yield
    }) : () -> ()
    return
  }
}

#map = affine_map<(d0, d1) -> (0)>
#map1 = affine_map<(d0, d1) -> (0, 0)>
#map2 = affine_map<(d0, d1) -> (0, 0, 0)>
module attributes {stable_mosaic.version = 14 : i64} {
  func.func @body(%arg0: i32, %arg1: i32, %arg2: memref<337120xi32, #tpu.memory_space<hbm>>, %arg3: memref<337120xi32, #tpu.memory_space<hbm>>, %arg4: memref<10240x80xf32, #tpu.memory_space<hbm>>, %arg5: memref<10240x16xf32, #tpu.memory_space<hbm>>, %arg6: memref<2x10240x80xf32, #tpu.memory_space<hbm>>, %arg7: memref<112xi32, #tpu.memory_space<vmem>>, %arg8: memref<112xi32, #tpu.memory_space<vmem>>, %arg9: memref<112xi32, #tpu.memory_space<vmem>>, %arg10: memref<112xi32, #tpu.memory_space<vmem>>, %arg11: memref<112x80xf32, #tpu.memory_space<vmem>>, %arg12: memref<112x80xf32, #tpu.memory_space<vmem>>, %arg13: memref<112x16xf32, #tpu.memory_space<vmem>>, %arg14: memref<112x16xf32, #tpu.memory_space<vmem>>, %arg15: memref<10240x80xf32, #tpu.memory_space<vmem_shared>>, %arg16: memref<!tpu.dma_semaphore, #tpu.memory_space<semaphore_mem>>, %arg17: memref<!tpu.dma_semaphore, #tpu.memory_space<semaphore_mem>>) attributes {dimension_semantics = [#tpu.dimension_semantics<core_parallel>, #tpu.dimension_semantics<subcore_parallel>], iteration_bounds = array<i64: 2, 16>, scalar_prefetch = 0 : i64, scratch_operands = 11 : i64, tpu.core_type = #tpu.core_type<sc_vector_subcore>, window_params = [{transform_indices = #map}, {transform_indices = #map}, {transform_indices = #map1}, {transform_indices = #map1}, {transform_indices = #map2}]} {
    %mul3A = arith.constant 16 : i32
    %mul3A_0 = arith.muli %arg0, %mul3A : i32
    %add3A = arith.addi %mul3A_0, %arg1 : i32
    %mul3A_1 = arith.constant 640 : i32
    %mul3A_2 = arith.muli %arg1, %mul3A_1 : i32
    %broadcast_in_dim3A = arith.constant 0.000000e+00 : f32
    %broadcast_in_dim3A_3 = vector.broadcast %broadcast_in_dim3A : f32 to vector<16xf32>
    %scan3A = arith.constant 0 : i32
    %scan3A_4 = arith.constant 0 : i32
    %scan3A_5 = arith.constant 80 : i32
    %scan3A_6 = arith.addi %scan3A_4, %scan3A_5 : i32
    %scan3A_7 = arith.constant 1 : i32
    scf.for %scan3A_80 = %scan3A_4 to %scan3A_6 step %scan3A_7  : i32 {
      %swap3A = arith.index_cast %scan3A_80 : i32 to index
      %swap3A_81 = arith.constant 0 : index
      %swap3A_82 = tpu.vector_load %arg11[%swap3A, %swap3A_81] {strides = array<i32>} : memref<112x80xf32, #tpu.memory_space<vmem>>, vector<16xf32>,
      tpu.vector_store %arg11[%swap3A, %swap3A_81], %broadcast_in_dim3A_3 {strides = array<i32>} : memref<112x80xf32, #tpu.memory_space<vmem>>, vector<16xf32>,
      %swap3A_83 = arith.index_cast %scan3A_80 : i32 to index
      %swap3A_84 = arith.constant 16 : index
      %swap3A_85 = tpu.vector_load %arg11[%swap3A_83, %swap3A_84] {strides = array<i32>} : memref<112x80xf32, #tpu.memory_space<vmem>>, vector<16xf32>,
      tpu.vector_store %arg11[%swap3A_83, %swap3A_84], %broadcast_in_dim3A_3 {strides = array<i32>} : memref<112x80xf32, #tpu.memory_space<vmem>>, vector<16xf32>,
      %swap3A_86 = arith.index_cast %scan3A_80 : i32 to index
      %swap3A_87 = arith.constant 32 : index
      %swap3A_88 = tpu.vector_load %arg11[%swap3A_86, %swap3A_87] {strides = array<i32>} : memref<112x80xf32, #tpu.memory_space<vmem>>, vector<16xf32>,
      tpu.vector_store %arg11[%swap3A_86, %swap3A_87], %broadcast_in_dim3A_3 {strides = array<i32>} : memref<112x80xf32, #tpu.memory_space<vmem>>, vector<16xf32>,
      %swap3A_89 = arith.index_cast %scan3A_80 : i32 to index
      %swap3A_90 = arith.constant 48 : index
      %swap3A_91 = tpu.vector_load %arg11[%swap3A_89, %swap3A_90] {strides = array<i32>} : memref<112x80xf32, #tpu.memory_space<vmem>>, vector<16xf32>,
      tpu.vector_store %arg11[%swap3A_89, %swap3A_90], %broadcast_in_dim3A_3 {strides = array<i32>} : memref<112x80xf32, #tpu.memory_space<vmem>>, vector<16xf32>,
      %swap3A_92 = arith.index_cast %scan3A_80 : i32 to index
      %swap3A_93 = arith.constant 64 : index
      %swap3A_94 = tpu.vector_load %arg11[%swap3A_92, %swap3A_93] {strides = array<i32>} : memref<112x80xf32, #tpu.memory_space<vmem>>, vector<16xf32>,
      tpu.vector_store %arg11[%swap3A_92, %swap3A_93], %broadcast_in_dim3A_3 {strides = array<i32>} : memref<112x80xf32, #tpu.memory_space<vmem>>, vector<16xf32>,
    }
    %scan3A_8 = arith.constant 80 : i32
    %add3A_9 = arith.constant 0 : i32
    %add3A_10 = arith.addi %mul3A_2, %add3A_9 : i32
    "tpu.region"() ({
      %run_scoped3A = tpu.sem_alloc : memref<!tpu.dma_semaphore, #tpu.memory_space<semaphore_mem>>
      %dma_start3A_80 = arith.constant 0 : i32
      %dma_start3A_81 = arith.constant 0 : i32
      %dma_start3A_82 = tpu.memref_slice %arg11[%dma_start3A_80, %dma_start3A_81] : memref<112x80xf32, #tpu.memory_space<vmem>> -> memref<80x80xf32, #tpu.memory_space<vmem>>
      %dma_start3A_83 = arith.constant 0 : i32
      %dma_start3A_84 = tpu.memref_slice %arg15[%add3A_10, %dma_start3A_83] : memref<10240x80xf32, #tpu.memory_space<vmem_shared>> -> memref<80x80xf32, #tpu.memory_space<vmem_shared>>
      %dma_start3A_85 = arith.constant 0 : i32
      %dma_start3A_86 = tpu.memref_slice %arg15[%add3A_10, %dma_start3A_85] : memref<10240x80xf32, #tpu.memory_space<vmem_shared>> -> memref<80x80xf32, #tpu.memory_space<vmem_shared>>
      %dma_start3A_87 = arith.constant 0 : i32
      %dma_start3A_88 = arith.constant 0 : i32
      %dma_start3A_89 = tpu.memref_slice %arg11[%dma_start3A_87, %dma_start3A_88] : memref<112x80xf32, #tpu.memory_space<vmem>> -> memref<80x80xf32, #tpu.memory_space<vmem>>
      tpu.enqueue_dma source(%dma_start3A_89 : memref<80x80xf32, #tpu.memory_space<vmem>>) target(%dma_start3A_86 : memref<80x80xf32, #tpu.memory_space<vmem_shared>>) target_semaphore(%run_scoped3A : memref<!tpu.dma_semaphore, #tpu.memory_space<semaphore_mem>>)
      %dma_wait3A_90 = arith.constant 0 : i32
      %dma_wait3A_91 = arith.constant 0 : i32
      %dma_wait3A_92 = tpu.memref_slice %arg11[%dma_wait3A_90, %dma_wait3A_91] : memref<112x80xf32, #tpu.memory_space<vmem>> -> memref<80x80xf32, #tpu.memory_space<vmem>>
      %dma_wait3A_93 = arith.constant 0 : i32
      %dma_wait3A_94 = tpu.memref_slice %arg15[%add3A_10, %dma_wait3A_93] : memref<10240x80xf32, #tpu.memory_space<vmem_shared>> -> memref<80x80xf32, #tpu.memory_space<vmem_shared>>
      %dma_wait3A_95 = arith.constant 0 : i32
      %dma_wait3A_96 = tpu.memref_slice %arg15[%add3A_10, %dma_wait3A_95] : memref<10240x80xf32, #tpu.memory_space<vmem_shared>> -> memref<80x80xf32, #tpu.memory_space<vmem_shared>>
      %dma_wait3A_97 = arith.constant 0 : i32
      %dma_wait3A_98 = arith.constant 0 : i32
      %dma_wait3A_99 = tpu.memref_slice %arg11[%dma_wait3A_97, %dma_wait3A_98] : memref<112x80xf32, #tpu.memory_space<vmem>> -> memref<80x80xf32, #tpu.memory_space<vmem>>
      tpu.wait_dma2 semaphore(%run_scoped3A : memref<!tpu.dma_semaphore, #tpu.memory_space<semaphore_mem>>) src(%dma_wait3A_99 : memref<80x80xf32, #tpu.memory_space<vmem>>) dst(%dma_wait3A_96 : memref<80x80xf32, #tpu.memory_space<vmem_shared>>)
      tpu.yield
    }) : () -> ()
    %add3A_11 = arith.constant 80 : i32
    %add3A_12 = arith.addi %mul3A_2, %add3A_11 : i32
    "tpu.region"() ({
      %run_scoped3A = tpu.sem_alloc : memref<!tpu.dma_semaphore, #tpu.memory_space<semaphore_mem>>
      %dma_start3A_80 = arith.constant 0 : i32
      %dma_start3A_81 = arith.constant 0 : i32
      %dma_start3A_82 = tpu.memref_slice %arg11[%dma_start3A_80, %dma_start3A_81] : memref<112x80xf32, #tpu.memory_space<vmem>> -> memref<80x80xf32, #tpu.memory_space<vmem>>
      %dma_start3A_83 = arith.constant 0 : i32
      %dma_start3A_84 = tpu.memref_slice %arg15[%add3A_12, %dma_start3A_83] : memref<10240x80xf32, #tpu.memory_space<vmem_shared>> -> memref<80x80xf32, #tpu.memory_space<vmem_shared>>
      %dma_start3A_85 = arith.constant 0 : i32
      %dma_start3A_86 = tpu.memref_slice %arg15[%add3A_12, %dma_start3A_85] : memref<10240x80xf32, #tpu.memory_space<vmem_shared>> -> memref<80x80xf32, #tpu.memory_space<vmem_shared>>
      %dma_start3A_87 = arith.constant 0 : i32
      %dma_start3A_88 = arith.constant 0 : i32
      %dma_start3A_89 = tpu.memref_slice %arg11[%dma_start3A_87, %dma_start3A_88] : memref<112x80xf32, #tpu.memory_space<vmem>> -> memref<80x80xf32, #tpu.memory_space<vmem>>
      tpu.enqueue_dma source(%dma_start3A_89 : memref<80x80xf32, #tpu.memory_space<vmem>>) target(%dma_start3A_86 : memref<80x80xf32, #tpu.memory_space<vmem_shared>>) target_semaphore(%run_scoped3A : memref<!tpu.dma_semaphore, #tpu.memory_space<semaphore_mem>>)
      %dma_wait3A_90 = arith.constant 0 : i32
      %dma_wait3A_91 = arith.constant 0 : i32
      %dma_wait3A_92 = tpu.memref_slice %arg11[%dma_wait3A_90, %dma_wait3A_91] : memref<112x80xf32, #tpu.memory_space<vmem>> -> memref<80x80xf32, #tpu.memory_space<vmem>>
      %dma_wait3A_93 = arith.constant 0 : i32
      %dma_wait3A_94 = tpu.memref_slice %arg15[%add3A_12, %dma_wait3A_93] : memref<10240x80xf32, #tpu.memory_space<vmem_shared>> -> memref<80x80xf32, #tpu.memory_space<vmem_shared>>
      %dma_wait3A_95 = arith.constant 0 : i32
      %dma_wait3A_96 = tpu.memref_slice %arg15[%add3A_12, %dma_wait3A_95] : memref<10240x80xf32, #tpu.memory_space<vmem_shared>> -> memref<80x80xf32, #tpu.memory_space<vmem_shared>>
      %dma_wait3A_97 = arith.constant 0 : i32
      %dma_wait3A_98 = arith.constant 0 : i32
      %dma_wait3A_99 = tpu.memref_slice %arg11[%dma_wait3A_97, %dma_wait3A_98] : memref<112x80xf32, #tpu.memory_space<vmem>> -> memref<80x80xf32, #tpu.memory_space<vmem>>
      tpu.wait_dma2 semaphore(%run_scoped3A : memref<!tpu.dma_semaphore, #tpu.memory_space<semaphore_mem>>) src(%dma_wait3A_99 : memref<80x80xf32, #tpu.memory_space<vmem>>) dst(%dma_wait3A_96 : memref<80x80xf32, #tpu.memory_space<vmem_shared>>)
      tpu.yield
    }) : () -> ()
    %add3A_13 = arith.constant 160 : i32
    %add3A_14 = arith.addi %mul3A_2, %add3A_13 : i32
    "tpu.region"() ({
      %run_scoped3A = tpu.sem_alloc : memref<!tpu.dma_semaphore, #tpu.memory_space<semaphore_mem>>
      %dma_start3A_80 = arith.constant 0 : i32
      %dma_start3A_81 = arith.constant 0 : i32
      %dma_start3A_82 = tpu.memref_slice %arg11[%dma_start3A_80, %dma_start3A_81] : memref<112x80xf32, #tpu.memory_space<vmem>> -> memref<80x80xf32, #tpu.memory_space<vmem>>
      %dma_start3A_83 = arith.constant 0 : i32
      %dma_start3A_84 = tpu.memref_slice %arg15[%add3A_14, %dma_start3A_83] : memref<10240x80xf32, #tpu.memory_space<vmem_shared>> -> memref<80x80xf32, #tpu.memory_space<vmem_shared>>
      %dma_start3A_85 = arith.constant 0 : i32
      %dma_start3A_86 = tpu.memref_slice %arg15[%add3A_14, %dma_start3A_85] : memref<10240x80xf32, #tpu.memory_space<vmem_shared>> -> memref<80x80xf32, #tpu.memory_space<vmem_shared>>
      %dma_start3A_87 = arith.constant 0 : i32
      %dma_start3A_88 = arith.constant 0 : i32
      %dma_start3A_89 = tpu.memref_slice %arg11[%dma_start3A_87, %dma_start3A_88] : memref<112x80xf32, #tpu.memory_space<vmem>> -> memref<80x80xf32, #tpu.memory_space<vmem>>
      tpu.enqueue_dma source(%dma_start3A_89 : memref<80x80xf32, #tpu.memory_space<vmem>>) target(%dma_start3A_86 : memref<80x80xf32, #tpu.memory_space<vmem_shared>>) target_semaphore(%run_scoped3A : memref<!tpu.dma_semaphore, #tpu.memory_space<semaphore_mem>>)
      %dma_wait3A_90 = arith.constant 0 : i32
      %dma_wait3A_91 = arith.constant 0 : i32
      %dma_wait3A_92 = tpu.memref_slice %arg11[%dma_wait3A_90, %dma_wait3A_91] : memref<112x80xf32, #tpu.memory_space<vmem>> -> memref<80x80xf32, #tpu.memory_space<vmem>>
      %dma_wait3A_93 = arith.constant 0 : i32
      %dma_wait3A_94 = tpu.memref_slice %arg15[%add3A_14, %dma_wait3A_93] : memref<10240x80xf32, #tpu.memory_space<vmem_shared>> -> memref<80x80xf32, #tpu.memory_space<vmem_shared>>
      %dma_wait3A_95 = arith.constant 0 : i32
      %dma_wait3A_96 = tpu.memref_slice %arg15[%add3A_14, %dma_wait3A_95] : memref<10240x80xf32, #tpu.memory_space<vmem_shared>> -> memref<80x80xf32, #tpu.memory_space<vmem_shared>>
      %dma_wait3A_97 = arith.constant 0 : i32
      %dma_wait3A_98 = arith.constant 0 : i32
      %dma_wait3A_99 = tpu.memref_slice %arg11[%dma_wait3A_97, %dma_wait3A_98] : memref<112x80xf32, #tpu.memory_space<vmem>> -> memref<80x80xf32, #tpu.memory_space<vmem>>
      tpu.wait_dma2 semaphore(%run_scoped3A : memref<!tpu.dma_semaphore, #tpu.memory_space<semaphore_mem>>) src(%dma_wait3A_99 : memref<80x80xf32, #tpu.memory_space<vmem>>) dst(%dma_wait3A_96 : memref<80x80xf32, #tpu.memory_space<vmem_shared>>)
      tpu.yield
    }) : () -> ()
    %add3A_15 = arith.constant 240 : i32
    %add3A_16 = arith.addi %mul3A_2, %add3A_15 : i32
    "tpu.region"() ({
      %run_scoped3A = tpu.sem_alloc : memref<!tpu.dma_semaphore, #tpu.memory_space<semaphore_mem>>
      %dma_start3A_80 = arith.constant 0 : i32
      %dma_start3A_81 = arith.constant 0 : i32
      %dma_start3A_82 = tpu.memref_slice %arg11[%dma_start3A_80, %dma_start3A_81] : memref<112x80xf32, #tpu.memory_space<vmem>> -> memref<80x80xf32, #tpu.memory_space<vmem>>
      %dma_start3A_83 = arith.constant 0 : i32
      %dma_start3A_84 = tpu.memref_slice %arg15[%add3A_16, %dma_start3A_83] : memref<10240x80xf32, #tpu.memory_space<vmem_shared>> -> memref<80x80xf32, #tpu.memory_space<vmem_shared>>
      %dma_start3A_85 = arith.constant 0 : i32
      %dma_start3A_86 = tpu.memref_slice %arg15[%add3A_16, %dma_start3A_85] : memref<10240x80xf32, #tpu.memory_space<vmem_shared>> -> memref<80x80xf32, #tpu.memory_space<vmem_shared>>
      %dma_start3A_87 = arith.constant 0 : i32
      %dma_start3A_88 = arith.constant 0 : i32
      %dma_start3A_89 = tpu.memref_slice %arg11[%dma_start3A_87, %dma_start3A_88] : memref<112x80xf32, #tpu.memory_space<vmem>> -> memref<80x80xf32, #tpu.memory_space<vmem>>
      tpu.enqueue_dma source(%dma_start3A_89 : memref<80x80xf32, #tpu.memory_space<vmem>>) target(%dma_start3A_86 : memref<80x80xf32, #tpu.memory_space<vmem_shared>>) target_semaphore(%run_scoped3A : memref<!tpu.dma_semaphore, #tpu.memory_space<semaphore_mem>>)
      %dma_wait3A_90 = arith.constant 0 : i32
      %dma_wait3A_91 = arith.constant 0 : i32
      %dma_wait3A_92 = tpu.memref_slice %arg11[%dma_wait3A_90, %dma_wait3A_91] : memref<112x80xf32, #tpu.memory_space<vmem>> -> memref<80x80xf32, #tpu.memory_space<vmem>>
      %dma_wait3A_93 = arith.constant 0 : i32
      %dma_wait3A_94 = tpu.memref_slice %arg15[%add3A_16, %dma_wait3A_93] : memref<10240x80xf32, #tpu.memory_space<vmem_shared>> -> memref<80x80xf32, #tpu.memory_space<vmem_shared>>
      %dma_wait3A_95 = arith.constant 0 : i32
      %dma_wait3A_96 = tpu.memref_slice %arg15[%add3A_16, %dma_wait3A_95] : memref<10240x80xf32, #tpu.memory_space<vmem_shared>> -> memref<80x80xf32, #tpu.memory_space<vmem_shared>>
      %dma_wait3A_97 = arith.constant 0 : i32
      %dma_wait3A_98 = arith.constant 0 : i32
      %dma_wait3A_99 = tpu.memref_slice %arg11[%dma_wait3A_97, %dma_wait3A_98] : memref<112x80xf32, #tpu.memory_space<vmem>> -> memref<80x80xf32, #tpu.memory_space<vmem>>
      tpu.wait_dma2 semaphore(%run_scoped3A : memref<!tpu.dma_semaphore, #tpu.memory_space<semaphore_mem>>) src(%dma_wait3A_99 : memref<80x80xf32, #tpu.memory_space<vmem>>) dst(%dma_wait3A_96 : memref<80x80xf32, #tpu.memory_space<vmem_shared>>)
      tpu.yield
    }) : () -> ()
    %add3A_17 = arith.constant 320 : i32
    %add3A_18 = arith.addi %mul3A_2, %add3A_17 : i32
    "tpu.region"() ({
      %run_scoped3A = tpu.sem_alloc : memref<!tpu.dma_semaphore, #tpu.memory_space<semaphore_mem>>
      %dma_start3A_80 = arith.constant 0 : i32
      %dma_start3A_81 = arith.constant 0 : i32
      %dma_start3A_82 = tpu.memref_slice %arg11[%dma_start3A_80, %dma_start3A_81] : memref<112x80xf32, #tpu.memory_space<vmem>> -> memref<80x80xf32, #tpu.memory_space<vmem>>
      %dma_start3A_83 = arith.constant 0 : i32
      %dma_start3A_84 = tpu.memref_slice %arg15[%add3A_18, %dma_start3A_83] : memref<10240x80xf32, #tpu.memory_space<vmem_shared>> -> memref<80x80xf32, #tpu.memory_space<vmem_shared>>
      %dma_start3A_85 = arith.constant 0 : i32
      %dma_start3A_86 = tpu.memref_slice %arg15[%add3A_18, %dma_start3A_85] : memref<10240x80xf32, #tpu.memory_space<vmem_shared>> -> memref<80x80xf32, #tpu.memory_space<vmem_shared>>
      %dma_start3A_87 = arith.constant 0 : i32
      %dma_start3A_88 = arith.constant 0 : i32
      %dma_start3A_89 = tpu.memref_slice %arg11[%dma_start3A_87, %dma_start3A_88] : memref<112x80xf32, #tpu.memory_space<vmem>> -> memref<80x80xf32, #tpu.memory_space<vmem>>
      tpu.enqueue_dma source(%dma_start3A_89 : memref<80x80xf32, #tpu.memory_space<vmem>>) target(%dma_start3A_86 : memref<80x80xf32, #tpu.memory_space<vmem_shared>>) target_semaphore(%run_scoped3A : memref<!tpu.dma_semaphore, #tpu.memory_space<semaphore_mem>>)
      %dma_wait3A_90 = arith.constant 0 : i32
      %dma_wait3A_91 = arith.constant 0 : i32
      %dma_wait3A_92 = tpu.memref_slice %arg11[%dma_wait3A_90, %dma_wait3A_91] : memref<112x80xf32, #tpu.memory_space<vmem>> -> memref<80x80xf32, #tpu.memory_space<vmem>>
      %dma_wait3A_93 = arith.constant 0 : i32
      %dma_wait3A_94 = tpu.memref_slice %arg15[%add3A_18, %dma_wait3A_93] : memref<10240x80xf32, #tpu.memory_space<vmem_shared>> -> memref<80x80xf32, #tpu.memory_space<vmem_shared>>
      %dma_wait3A_95 = arith.constant 0 : i32
      %dma_wait3A_96 = tpu.memref_slice %arg15[%add3A_18, %dma_wait3A_95] : memref<10240x80xf32, #tpu.memory_space<vmem_shared>> -> memref<80x80xf32, #tpu.memory_space<vmem_shared>>
      %dma_wait3A_97 = arith.constant 0 : i32
      %dma_wait3A_98 = arith.constant 0 : i32
      %dma_wait3A_99 = tpu.memref_slice %arg11[%dma_wait3A_97, %dma_wait3A_98] : memref<112x80xf32, #tpu.memory_space<vmem>> -> memref<80x80xf32, #tpu.memory_space<vmem>>
      tpu.wait_dma2 semaphore(%run_scoped3A : memref<!tpu.dma_semaphore, #tpu.memory_space<semaphore_mem>>) src(%dma_wait3A_99 : memref<80x80xf32, #tpu.memory_space<vmem>>) dst(%dma_wait3A_96 : memref<80x80xf32, #tpu.memory_space<vmem_shared>>)
      tpu.yield
    }) : () -> ()
    %add3A_19 = arith.constant 400 : i32
    %add3A_20 = arith.addi %mul3A_2, %add3A_19 : i32
    "tpu.region"() ({
      %run_scoped3A = tpu.sem_alloc : memref<!tpu.dma_semaphore, #tpu.memory_space<semaphore_mem>>
      %dma_start3A_80 = arith.constant 0 : i32
      %dma_start3A_81 = arith.constant 0 : i32
      %dma_start3A_82 = tpu.memref_slice %arg11[%dma_start3A_80, %dma_start3A_81] : memref<112x80xf32, #tpu.memory_space<vmem>> -> memref<80x80xf32, #tpu.memory_space<vmem>>
      %dma_start3A_83 = arith.constant 0 : i32
      %dma_start3A_84 = tpu.memref_slice %arg15[%add3A_20, %dma_start3A_83] : memref<10240x80xf32, #tpu.memory_space<vmem_shared>> -> memref<80x80xf32, #tpu.memory_space<vmem_shared>>
      %dma_start3A_85 = arith.constant 0 : i32
      %dma_start3A_86 = tpu.memref_slice %arg15[%add3A_20, %dma_start3A_85] : memref<10240x80xf32, #tpu.memory_space<vmem_shared>> -> memref<80x80xf32, #tpu.memory_space<vmem_shared>>
      %dma_start3A_87 = arith.constant 0 : i32
      %dma_start3A_88 = arith.constant 0 : i32
      %dma_start3A_89 = tpu.memref_slice %arg11[%dma_start3A_87, %dma_start3A_88] : memref<112x80xf32, #tpu.memory_space<vmem>> -> memref<80x80xf32, #tpu.memory_space<vmem>>
      tpu.enqueue_dma source(%dma_start3A_89 : memref<80x80xf32, #tpu.memory_space<vmem>>) target(%dma_start3A_86 : memref<80x80xf32, #tpu.memory_space<vmem_shared>>) target_semaphore(%run_scoped3A : memref<!tpu.dma_semaphore, #tpu.memory_space<semaphore_mem>>)
      %dma_wait3A_90 = arith.constant 0 : i32
      %dma_wait3A_91 = arith.constant 0 : i32
      %dma_wait3A_92 = tpu.memref_slice %arg11[%dma_wait3A_90, %dma_wait3A_91] : memref<112x80xf32, #tpu.memory_space<vmem>> -> memref<80x80xf32, #tpu.memory_space<vmem>>
      %dma_wait3A_93 = arith.constant 0 : i32
      %dma_wait3A_94 = tpu.memref_slice %arg15[%add3A_20, %dma_wait3A_93] : memref<10240x80xf32, #tpu.memory_space<vmem_shared>> -> memref<80x80xf32, #tpu.memory_space<vmem_shared>>
      %dma_wait3A_95 = arith.constant 0 : i32
      %dma_wait3A_96 = tpu.memref_slice %arg15[%add3A_20, %dma_wait3A_95] : memref<10240x80xf32, #tpu.memory_space<vmem_shared>> -> memref<80x80xf32, #tpu.memory_space<vmem_shared>>
      %dma_wait3A_97 = arith.constant 0 : i32
      %dma_wait3A_98 = arith.constant 0 : i32
      %dma_wait3A_99 = tpu.memref_slice %arg11[%dma_wait3A_97, %dma_wait3A_98] : memref<112x80xf32, #tpu.memory_space<vmem>> -> memref<80x80xf32, #tpu.memory_space<vmem>>
      tpu.wait_dma2 semaphore(%run_scoped3A : memref<!tpu.dma_semaphore, #tpu.memory_space<semaphore_mem>>) src(%dma_wait3A_99 : memref<80x80xf32, #tpu.memory_space<vmem>>) dst(%dma_wait3A_96 : memref<80x80xf32, #tpu.memory_space<vmem_shared>>)
      tpu.yield
    }) : () -> ()
    %add3A_21 = arith.constant 480 : i32
    %add3A_22 = arith.addi %mul3A_2, %add3A_21 : i32
    "tpu.region"() ({
      %run_scoped3A = tpu.sem_alloc : memref<!tpu.dma_semaphore, #tpu.memory_space<semaphore_mem>>
      %dma_start3A_80 = arith.constant 0 : i32
      %dma_start3A_81 = arith.constant 0 : i32
      %dma_start3A_82 = tpu.memref_slice %arg11[%dma_start3A_80, %dma_start3A_81] : memref<112x80xf32, #tpu.memory_space<vmem>> -> memref<80x80xf32, #tpu.memory_space<vmem>>
      %dma_start3A_83 = arith.constant 0 : i32
      %dma_start3A_84 = tpu.memref_slice %arg15[%add3A_22, %dma_start3A_83] : memref<10240x80xf32, #tpu.memory_space<vmem_shared>> -> memref<80x80xf32, #tpu.memory_space<vmem_shared>>
      %dma_start3A_85 = arith.constant 0 : i32
      %dma_start3A_86 = tpu.memref_slice %arg15[%add3A_22, %dma_start3A_85] : memref<10240x80xf32, #tpu.memory_space<vmem_shared>> -> memref<80x80xf32, #tpu.memory_space<vmem_shared>>
      %dma_start3A_87 = arith.constant 0 : i32
      %dma_start3A_88 = arith.constant 0 : i32
      %dma_start3A_89 = tpu.memref_slice %arg11[%dma_start3A_87, %dma_start3A_88] : memref<112x80xf32, #tpu.memory_space<vmem>> -> memref<80x80xf32, #tpu.memory_space<vmem>>
      tpu.enqueue_dma source(%dma_start3A_89 : memref<80x80xf32, #tpu.memory_space<vmem>>) target(%dma_start3A_86 : memref<80x80xf32, #tpu.memory_space<vmem_shared>>) target_semaphore(%run_scoped3A : memref<!tpu.dma_semaphore, #tpu.memory_space<semaphore_mem>>)
      %dma_wait3A_90 = arith.constant 0 : i32
      %dma_wait3A_91 = arith.constant 0 : i32
      %dma_wait3A_92 = tpu.memref_slice %arg11[%dma_wait3A_90, %dma_wait3A_91] : memref<112x80xf32, #tpu.memory_space<vmem>> -> memref<80x80xf32, #tpu.memory_space<vmem>>
      %dma_wait3A_93 = arith.constant 0 : i32
      %dma_wait3A_94 = tpu.memref_slice %arg15[%add3A_22, %dma_wait3A_93] : memref<10240x80xf32, #tpu.memory_space<vmem_shared>> -> memref<80x80xf32, #tpu.memory_space<vmem_shared>>
      %dma_wait3A_95 = arith.constant 0 : i32
      %dma_wait3A_96 = tpu.memref_slice %arg15[%add3A_22, %dma_wait3A_95] : memref<10240x80xf32, #tpu.memory_space<vmem_shared>> -> memref<80x80xf32, #tpu.memory_space<vmem_shared>>
      %dma_wait3A_97 = arith.constant 0 : i32
      %dma_wait3A_98 = arith.constant 0 : i32
      %dma_wait3A_99 = tpu.memref_slice %arg11[%dma_wait3A_97, %dma_wait3A_98] : memref<112x80xf32, #tpu.memory_space<vmem>> -> memref<80x80xf32, #tpu.memory_space<vmem>>
      tpu.wait_dma2 semaphore(%run_scoped3A : memref<!tpu.dma_semaphore, #tpu.memory_space<semaphore_mem>>) src(%dma_wait3A_99 : memref<80x80xf32, #tpu.memory_space<vmem>>) dst(%dma_wait3A_96 : memref<80x80xf32, #tpu.memory_space<vmem_shared>>)
      tpu.yield
    }) : () -> ()
    %add3A_23 = arith.constant 560 : i32
    %add3A_24 = arith.addi %mul3A_2, %add3A_23 : i32
    "tpu.region"() ({
      %run_scoped3A = tpu.sem_alloc : memref<!tpu.dma_semaphore, #tpu.memory_space<semaphore_mem>>
      %dma_start3A_80 = arith.constant 0 : i32
      %dma_start3A_81 = arith.constant 0 : i32
      %dma_start3A_82 = tpu.memref_slice %arg11[%dma_start3A_80, %dma_start3A_81] : memref<112x80xf32, #tpu.memory_space<vmem>> -> memref<80x80xf32, #tpu.memory_space<vmem>>
      %dma_start3A_83 = arith.constant 0 : i32
      %dma_start3A_84 = tpu.memref_slice %arg15[%add3A_24, %dma_start3A_83] : memref<10240x80xf32, #tpu.memory_space<vmem_shared>> -> memref<80x80xf32, #tpu.memory_space<vmem_shared>>
      %dma_start3A_85 = arith.constant 0 : i32
      %dma_start3A_86 = tpu.memref_slice %arg15[%add3A_24, %dma_start3A_85] : memref<10240x80xf32, #tpu.memory_space<vmem_shared>> -> memref<80x80xf32, #tpu.memory_space<vmem_shared>>
      %dma_start3A_87 = arith.constant 0 : i32
      %dma_start3A_88 = arith.constant 0 : i32
      %dma_start3A_89 = tpu.memref_slice %arg11[%dma_start3A_87, %dma_start3A_88] : memref<112x80xf32, #tpu.memory_space<vmem>> -> memref<80x80xf32, #tpu.memory_space<vmem>>
      tpu.enqueue_dma source(%dma_start3A_89 : memref<80x80xf32, #tpu.memory_space<vmem>>) target(%dma_start3A_86 : memref<80x80xf32, #tpu.memory_space<vmem_shared>>) target_semaphore(%run_scoped3A : memref<!tpu.dma_semaphore, #tpu.memory_space<semaphore_mem>>)
      %dma_wait3A_90 = arith.constant 0 : i32
      %dma_wait3A_91 = arith.constant 0 : i32
      %dma_wait3A_92 = tpu.memref_slice %arg11[%dma_wait3A_90, %dma_wait3A_91] : memref<112x80xf32, #tpu.memory_space<vmem>> -> memref<80x80xf32, #tpu.memory_space<vmem>>
      %dma_wait3A_93 = arith.constant 0 : i32
      %dma_wait3A_94 = tpu.memref_slice %arg15[%add3A_24, %dma_wait3A_93] : memref<10240x80xf32, #tpu.memory_space<vmem_shared>> -> memref<80x80xf32, #tpu.memory_space<vmem_shared>>
      %dma_wait3A_95 = arith.constant 0 : i32
      %dma_wait3A_96 = tpu.memref_slice %arg15[%add3A_24, %dma_wait3A_95] : memref<10240x80xf32, #tpu.memory_space<vmem_shared>> -> memref<80x80xf32, #tpu.memory_space<vmem_shared>>
      %dma_wait3A_97 = arith.constant 0 : i32
      %dma_wait3A_98 = arith.constant 0 : i32
      %dma_wait3A_99 = tpu.memref_slice %arg11[%dma_wait3A_97, %dma_wait3A_98] : memref<112x80xf32, #tpu.memory_space<vmem>> -> memref<80x80xf32, #tpu.memory_space<vmem>>
      tpu.wait_dma2 semaphore(%run_scoped3A : memref<!tpu.dma_semaphore, #tpu.memory_space<semaphore_mem>>) src(%dma_wait3A_99 : memref<80x80xf32, #tpu.memory_space<vmem>>) dst(%dma_wait3A_96 : memref<80x80xf32, #tpu.memory_space<vmem_shared>>)
      tpu.yield
    }) : () -> ()
    %barrier3A = arith.constant 0 : index
    tpu.barrier barrier_id(%barrier3A)
    %mul3A_25 = arith.constant 10528 : i32
    %mul3A_26 = arith.muli %add3A, %mul3A_25 : i32
    %iota3A = tpu.iota {dimensions = array<i32: 0>} : vector<16xi32>
    %add3A_27 = arith.constant 0 : i32
    %add3A_28 = arith.addi %mul3A_26, %add3A_27 : i32
    "tpu.region"() ({
      %run_scoped3A = tpu.sem_alloc : memref<!tpu.dma_semaphore, #tpu.memory_space<semaphore_mem>>
      %dma_start3A_80 = tpu.memref_slice %arg2[%add3A_28] : memref<337120xi32, #tpu.memory_space<hbm>> -> memref<112xi32, #tpu.memory_space<hbm>>
      %dma_start3A_81 = tpu.memref_slice %arg2[%add3A_28] : memref<337120xi32, #tpu.memory_space<hbm>> -> memref<112xi32, #tpu.memory_space<hbm>>
      tpu.enqueue_dma source(%dma_start3A_81 : memref<112xi32, #tpu.memory_space<hbm>>) target(%arg7 : memref<112xi32, #tpu.memory_space<vmem>>) target_semaphore(%run_scoped3A : memref<!tpu.dma_semaphore, #tpu.memory_space<semaphore_mem>>)
      %dma_wait3A_82 = tpu.memref_slice %arg2[%add3A_28] : memref<337120xi32, #tpu.memory_space<hbm>> -> memref<112xi32, #tpu.memory_space<hbm>>
      %dma_wait3A_83 = tpu.memref_slice %arg2[%add3A_28] : memref<337120xi32, #tpu.memory_space<hbm>> -> memref<112xi32, #tpu.memory_space<hbm>>
      tpu.wait_dma2 semaphore(%run_scoped3A : memref<!tpu.dma_semaphore, #tpu.memory_space<semaphore_mem>>) src(%dma_wait3A_83 : memref<112xi32, #tpu.memory_space<hbm>>) dst(%arg7 : memref<112xi32, #tpu.memory_space<vmem>>)
      tpu.yield
    }) : () -> ()
    "tpu.region"() ({
      %run_scoped3A = tpu.sem_alloc : memref<!tpu.dma_semaphore, #tpu.memory_space<semaphore_mem>>
      %dma_start3A_80 = tpu.memref_slice %arg3[%add3A_28] : memref<337120xi32, #tpu.memory_space<hbm>> -> memref<112xi32, #tpu.memory_space<hbm>>
      %dma_start3A_81 = tpu.memref_slice %arg3[%add3A_28] : memref<337120xi32, #tpu.memory_space<hbm>> -> memref<112xi32, #tpu.memory_space<hbm>>
      tpu.enqueue_dma source(%dma_start3A_81 : memref<112xi32, #tpu.memory_space<hbm>>) target(%arg9 : memref<112xi32, #tpu.memory_space<vmem>>) target_semaphore(%run_scoped3A : memref<!tpu.dma_semaphore, #tpu.memory_space<semaphore_mem>>)
      %dma_wait3A_82 = tpu.memref_slice %arg3[%add3A_28] : memref<337120xi32, #tpu.memory_space<hbm>> -> memref<112xi32, #tpu.memory_space<hbm>>
      %dma_wait3A_83 = tpu.memref_slice %arg3[%add3A_28] : memref<337120xi32, #tpu.memory_space<hbm>> -> memref<112xi32, #tpu.memory_space<hbm>>
      tpu.wait_dma2 semaphore(%run_scoped3A : memref<!tpu.dma_semaphore, #tpu.memory_space<semaphore_mem>>) src(%dma_wait3A_83 : memref<112xi32, #tpu.memory_space<hbm>>) dst(%arg9 : memref<112xi32, #tpu.memory_space<vmem>>)
      tpu.yield
    }) : () -> ()
    %dma_start3A = arith.constant 0 : i32
    %dma_start3A_29 = arith.constant 0 : i32
    %dma_start3A_30 = tpu.memref_slice %arg4[%dma_start3A, %dma_start3A_29] : memref<10240x80xf32, #tpu.memory_space<hbm>> -> memref<10240x80xf32, #tpu.memory_space<hbm>>
    tpu.enqueue_indirect_dma source(%dma_start3A_30 : memref<10240x80xf32, #tpu.memory_space<hbm>>) target(%arg11 : memref<112x80xf32, #tpu.memory_space<vmem>>) offsets(%arg7 : memref<112xi32, #tpu.memory_space<vmem>>) semaphore(%arg16 : memref<!tpu.dma_semaphore, #tpu.memory_space<semaphore_mem>>)
    %dma_start3A_31 = arith.constant 0 : i32
    %dma_start3A_32 = arith.constant 0 : i32
    %dma_start3A_33 = tpu.memref_slice %arg5[%dma_start3A_31, %dma_start3A_32] : memref<10240x16xf32, #tpu.memory_space<hbm>> -> memref<10240x16xf32, #tpu.memory_space<hbm>>
    tpu.enqueue_indirect_dma source(%dma_start3A_33 : memref<10240x16xf32, #tpu.memory_space<hbm>>) target(%arg13 : memref<112x16xf32, #tpu.memory_space<vmem>>) offsets(%arg9 : memref<112xi32, #tpu.memory_space<vmem>>) semaphore(%arg16 : memref<!tpu.dma_semaphore, #tpu.memory_space<semaphore_mem>>)
    %add3A_34 = arith.constant 112 : i32
    %add3A_35 = arith.addi %mul3A_26, %add3A_34 : i32
    "tpu.region"() ({
      %run_scoped3A = tpu.sem_alloc : memref<!tpu.dma_semaphore, #tpu.memory_space<semaphore_mem>>
      %dma_start3A_80 = tpu.memref_slice %arg2[%add3A_35] : memref<337120xi32, #tpu.memory_space<hbm>> -> memref<112xi32, #tpu.memory_space<hbm>>
      %dma_start3A_81 = tpu.memref_slice %arg2[%add3A_35] : memref<337120xi32, #tpu.memory_space<hbm>> -> memref<112xi32, #tpu.memory_space<hbm>>
      tpu.enqueue_dma source(%dma_start3A_81 : memref<112xi32, #tpu.memory_space<hbm>>) target(%arg8 : memref<112xi32, #tpu.memory_space<vmem>>) target_semaphore(%run_scoped3A : memref<!tpu.dma_semaphore, #tpu.memory_space<semaphore_mem>>)
      %dma_wait3A_82 = tpu.memref_slice %arg2[%add3A_35] : memref<337120xi32, #tpu.memory_space<hbm>> -> memref<112xi32, #tpu.memory_space<hbm>>
      %dma_wait3A_83 = tpu.memref_slice %arg2[%add3A_35] : memref<337120xi32, #tpu.memory_space<hbm>> -> memref<112xi32, #tpu.memory_space<hbm>>
      tpu.wait_dma2 semaphore(%run_scoped3A : memref<!tpu.dma_semaphore, #tpu.memory_space<semaphore_mem>>) src(%dma_wait3A_83 : memref<112xi32, #tpu.memory_space<hbm>>) dst(%arg8 : memref<112xi32, #tpu.memory_space<vmem>>)
      tpu.yield
    }) : () -> ()
    "tpu.region"() ({
      %run_scoped3A = tpu.sem_alloc : memref<!tpu.dma_semaphore, #tpu.memory_space<semaphore_mem>>
      %dma_start3A_80 = tpu.memref_slice %arg3[%add3A_35] : memref<337120xi32, #tpu.memory_space<hbm>> -> memref<112xi32, #tpu.memory_space<hbm>>
      %dma_start3A_81 = tpu.memref_slice %arg3[%add3A_35] : memref<337120xi32, #tpu.memory_space<hbm>> -> memref<112xi32, #tpu.memory_space<hbm>>
      tpu.enqueue_dma source(%dma_start3A_81 : memref<112xi32, #tpu.memory_space<hbm>>) target(%arg10 : memref<112xi32, #tpu.memory_space<vmem>>) target_semaphore(%run_scoped3A : memref<!tpu.dma_semaphore, #tpu.memory_space<semaphore_mem>>)
      %dma_wait3A_82 = tpu.memref_slice %arg3[%add3A_35] : memref<337120xi32, #tpu.memory_space<hbm>> -> memref<112xi32, #tpu.memory_space<hbm>>
      %dma_wait3A_83 = tpu.memref_slice %arg3[%add3A_35] : memref<337120xi32, #tpu.memory_space<hbm>> -> memref<112xi32, #tpu.memory_space<hbm>>
      tpu.wait_dma2 semaphore(%run_scoped3A : memref<!tpu.dma_semaphore, #tpu.memory_space<semaphore_mem>>) src(%dma_wait3A_83 : memref<112xi32, #tpu.memory_space<hbm>>) dst(%arg10 : memref<112xi32, #tpu.memory_space<vmem>>)
      tpu.yield
    }) : () -> ()
    %scan3A_36 = arith.constant 0 : i32
    %scan3A_37 = arith.constant 0 : i32
    %scan3A_38 = arith.constant 47 : i32
    %scan3A_39 = arith.addi %scan3A_37, %scan3A_38 : i32
    %scan3A_40 = arith.constant 1 : i32
    scf.for %scan3A_80 = %scan3A_37 to %scan3A_39 step %scan3A_40  : i32 {
      %mul3A_81 = arith.constant 2 : i32
      %mul3A_82 = arith.muli %mul3A_81, %scan3A_80 : i32
      %dma_start3A_83 = arith.constant 0 : i32
      %dma_start3A_84 = arith.constant 0 : i32
      %dma_start3A_85 = tpu.memref_slice %arg4[%dma_start3A_83, %dma_start3A_84] : memref<10240x80xf32, #tpu.memory_space<hbm>> -> memref<10240x80xf32, #tpu.memory_space<hbm>>
      tpu.enqueue_indirect_dma source(%dma_start3A_85 : memref<10240x80xf32, #tpu.memory_space<hbm>>) target(%arg12 : memref<112x80xf32, #tpu.memory_space<vmem>>) offsets(%arg8 : memref<112xi32, #tpu.memory_space<vmem>>) semaphore(%arg17 : memref<!tpu.dma_semaphore, #tpu.memory_space<semaphore_mem>>)
      %dma_start3A_86 = arith.constant 0 : i32
      %dma_start3A_87 = arith.constant 0 : i32
      %dma_start3A_88 = tpu.memref_slice %arg5[%dma_start3A_86, %dma_start3A_87] : memref<10240x16xf32, #tpu.memory_space<hbm>> -> memref<10240x16xf32, #tpu.memory_space<hbm>>
      tpu.enqueue_indirect_dma source(%dma_start3A_88 : memref<10240x16xf32, #tpu.memory_space<hbm>>) target(%arg14 : memref<112x16xf32, #tpu.memory_space<vmem>>) offsets(%arg10 : memref<112xi32, #tpu.memory_space<vmem>>) semaphore(%arg17 : memref<!tpu.dma_semaphore, #tpu.memory_space<semaphore_mem>>)
      %dma_wait3A_89 = arith.constant 0 : i32
      %dma_wait3A_90 = arith.constant 0 : i32
      %dma_wait3A_91 = tpu.memref_slice %arg4[%dma_wait3A_89, %dma_wait3A_90] : memref<10240x80xf32, #tpu.memory_space<hbm>> -> memref<10240x80xf32, #tpu.memory_space<hbm>>
      tpu.wait_indirect_dma semaphore(%arg16 : memref<!tpu.dma_semaphore, #tpu.memory_space<semaphore_mem>>) src(%dma_wait3A_91 : memref<10240x80xf32, #tpu.memory_space<hbm>>) dst(%arg11 : memref<112x80xf32, #tpu.memory_space<vmem>>)
      %dma_wait3A_92 = arith.constant 0 : i32
      %dma_wait3A_93 = arith.constant 0 : i32
      %dma_wait3A_94 = tpu.memref_slice %arg5[%dma_wait3A_92, %dma_wait3A_93] : memref<10240x16xf32, #tpu.memory_space<hbm>> -> memref<10240x16xf32, #tpu.memory_space<hbm>>
      tpu.wait_indirect_dma semaphore(%arg16 : memref<!tpu.dma_semaphore, #tpu.memory_space<semaphore_mem>>) src(%dma_wait3A_94 : memref<10240x16xf32, #tpu.memory_space<hbm>>) dst(%arg13 : memref<112x16xf32, #tpu.memory_space<vmem>>)
      %mul3A_95 = arith.constant 112 : i32
      %mul3A_96 = arith.muli %mul3A_82, %mul3A_95 : i32
      %add3A_97 = arith.addi %mul3A_26, %mul3A_96 : i32
      %scan3A_98 = arith.constant 0 : i32
      %scan3A_99 = arith.constant 0 : i32
      %scan3A_100 = arith.constant 14 : i32
      %scan3A_101 = arith.addi %scan3A_99, %scan3A_100 : i32
      %scan3A_102 = arith.constant 2 : i32
      scf.for %scan3A_149 = %scan3A_99 to %scan3A_101 step %scan3A_102  : i32 {
        %mul3A_150 = arith.constant 16 : i32
        %mul3A_151 = arith.muli %scan3A_149, %mul3A_150 : i32
        %add3A_152 = vector.broadcast %mul3A_151 : i32 to vector<16xi32>
        %add3A_153 = arith.addi %add3A_152, %iota3A : vector<16xi32>
        %shift_right_arithmetic3A = arith.constant 1 : i32
        %shift_right_arithmetic3A_154 = vector.broadcast %shift_right_arithmetic3A : i32 to vector<16xi32>
        %shift_right_arithmetic3A_155 = arith.shrsi %add3A_153, %shift_right_arithmetic3A_154 : vector<16xi32>
        %and3A = arith.constant 1 : i32
        %and3A_156 = vector.broadcast %and3A : i32 to vector<16xi32>
        %and3A_157 = arith.andi %add3A_153, %and3A_156 : vector<16xi32>
        %add3A_158 = arith.constant 64 : i32
        %add3A_159 = vector.broadcast %add3A_158 : i32 to vector<16xi32>
        %add3A_160 = arith.addi %add3A_159, %and3A_157 : vector<16xi32>
        %gather3A = tpu.vector_load_idx %arg11[%shift_right_arithmetic3A_155, %add3A_160] : memref<112x80xf32, #tpu.memory_space<vmem>>[vector<16xi32>, vector<16xi32>], vector<16xf32>,
        %gather3A_161 = tpu.vector_load_idx %arg13[%shift_right_arithmetic3A_155, %and3A_157] : memref<112x16xf32, #tpu.memory_space<vmem>>[vector<16xi32>, vector<16xi32>], vector<16xf32>,
        %add3A_162 = arith.constant 2 : i32
        %add3A_163 = vector.broadcast %add3A_162 : i32 to vector<16xi32>
        %add3A_164 = arith.addi %add3A_163, %and3A_157 : vector<16xi32>
        %gather3A_165 = tpu.vector_load_idx %arg13[%shift_right_arithmetic3A_155, %add3A_164] : memref<112x16xf32, #tpu.memory_space<vmem>>[vector<16xi32>, vector<16xi32>], vector<16xf32>,
        %add3A_166 = arith.addf %gather3A, %gather3A_161 : vector<16xf32>
        %gt3A = arith.constant 0.000000e+00 : f32
        %gt3A_167 = vector.broadcast %gt3A : f32 to vector<16xf32>
        %gt3A_168 = arith.cmpf ogt, %add3A_166, %gt3A_167 : vector<16xf32>
        %mul3A_169 = arith.constant 2.000000e-01 : f32
        %mul3A_170 = vector.broadcast %mul3A_169 : f32 to vector<16xf32>
        %mul3A_171 = arith.mulf %mul3A_170, %add3A_166 : vector<16xf32>
        %select_n3A = arith.select %gt3A_168, %add3A_166, %mul3A_171 : vector<16xi1>, vector<16xf32>
        %sub3A = arith.subf %select_n3A, %gather3A_165 : vector<16xf32>
        %exp3A = math.exp %sub3A : vector<16xf32>
        %lt3A = arith.constant 1 : i32
        %lt3A_172 = vector.broadcast %lt3A : i32 to vector<16xi32>
        %lt3A_173 = arith.cmpi slt, %and3A_157, %lt3A_172 : vector<16xi32>
        %add3A_174 = vector.broadcast %add3A_97 : i32 to vector<16xi32>
        %add3A_175 = arith.addi %add3A_174, %shift_right_arithmetic3A_155 : vector<16xi32>
        %lt3A_176 = arith.constant 330000 : i32
        %lt3A_177 = vector.broadcast %lt3A_176 : i32 to vector<16xi32>
        %lt3A_178 = arith.cmpi slt, %add3A_175, %lt3A_177 : vector<16xi32>
        %and3A_179 = arith.andi %lt3A_173, %lt3A_178 : vector<16xi1>
        %jit3A = arith.constant 0.000000e+00 : f32
        %broadcast_in_dim3A_180 = vector.broadcast %jit3A : f32 to vector<16xf32>
        %select_n3A_181 = arith.select %and3A_179, %exp3A, %broadcast_in_dim3A_180 : vector<16xi1>, vector<16xf32>
        %add3A_182 = arith.constant 64 : i32
        %add3A_183 = vector.broadcast %add3A_182 : i32 to vector<16xi32>
        %add3A_184 = arith.addi %add3A_183, %and3A_157 : vector<16xi32>
        tpu.vector_store_idx %arg11[%shift_right_arithmetic3A_155, %add3A_184], %select_n3A_181 : memref<112x80xf32, #tpu.memory_space<vmem>>[vector<16xi32>, vector<16xi32>], vector<16xf32>,
        %scan3A_185 = arith.constant 1 : i32
        %scan3A_186 = arith.addi %scan3A_149, %scan3A_185 : i32
        %mul3A_187 = arith.constant 16 : i32
        %mul3A_188 = arith.muli %scan3A_186, %mul3A_187 : i32
        %add3A_189 = vector.broadcast %mul3A_188 : i32 to vector<16xi32>
        %add3A_190 = arith.addi %add3A_189, %iota3A : vector<16xi32>
        %shift_right_arithmetic3A_191 = arith.constant 1 : i32
        %shift_right_arithmetic3A_192 = vector.broadcast %shift_right_arithmetic3A_191 : i32 to vector<16xi32>
        %shift_right_arithmetic3A_193 = arith.shrsi %add3A_190, %shift_right_arithmetic3A_192 : vector<16xi32>
        %and3A_194 = arith.constant 1 : i32
        %and3A_195 = vector.broadcast %and3A_194 : i32 to vector<16xi32>
        %and3A_196 = arith.andi %add3A_190, %and3A_195 : vector<16xi32>
        %add3A_197 = arith.constant 64 : i32
        %add3A_198 = vector.broadcast %add3A_197 : i32 to vector<16xi32>
        %add3A_199 = arith.addi %add3A_198, %and3A_196 : vector<16xi32>
        %gather3A_200 = tpu.vector_load_idx %arg11[%shift_right_arithmetic3A_193, %add3A_199] : memref<112x80xf32, #tpu.memory_space<vmem>>[vector<16xi32>, vector<16xi32>], vector<16xf32>,
        %gather3A_201 = tpu.vector_load_idx %arg13[%shift_right_arithmetic3A_193, %and3A_196] : memref<112x16xf32, #tpu.memory_space<vmem>>[vector<16xi32>, vector<16xi32>], vector<16xf32>,
        %add3A_202 = arith.constant 2 : i32
        %add3A_203 = vector.broadcast %add3A_202 : i32 to vector<16xi32>
        %add3A_204 = arith.addi %add3A_203, %and3A_196 : vector<16xi32>
        %gather3A_205 = tpu.vector_load_idx %arg13[%shift_right_arithmetic3A_193, %add3A_204] : memref<112x16xf32, #tpu.memory_space<vmem>>[vector<16xi32>, vector<16xi32>], vector<16xf32>,
        %add3A_206 = arith.addf %gather3A_200, %gather3A_201 : vector<16xf32>
        %gt3A_207 = arith.constant 0.000000e+00 : f32
        %gt3A_208 = vector.broadcast %gt3A_207 : f32 to vector<16xf32>
        %gt3A_209 = arith.cmpf ogt, %add3A_206, %gt3A_208 : vector<16xf32>
        %mul3A_210 = arith.constant 2.000000e-01 : f32
        %mul3A_211 = vector.broadcast %mul3A_210 : f32 to vector<16xf32>
        %mul3A_212 = arith.mulf %mul3A_211, %add3A_206 : vector<16xf32>
        %select_n3A_213 = arith.select %gt3A_209, %add3A_206, %mul3A_212 : vector<16xi1>, vector<16xf32>
        %sub3A_214 = arith.subf %select_n3A_213, %gather3A_205 : vector<16xf32>
        %exp3A_215 = math.exp %sub3A_214 : vector<16xf32>
        %lt3A_216 = arith.constant 1 : i32
        %lt3A_217 = vector.broadcast %lt3A_216 : i32 to vector<16xi32>
        %lt3A_218 = arith.cmpi slt, %and3A_196, %lt3A_217 : vector<16xi32>
        %add3A_219 = vector.broadcast %add3A_97 : i32 to vector<16xi32>
        %add3A_220 = arith.addi %add3A_219, %shift_right_arithmetic3A_193 : vector<16xi32>
        %lt3A_221 = arith.constant 330000 : i32
        %lt3A_222 = vector.broadcast %lt3A_221 : i32 to vector<16xi32>
        %lt3A_223 = arith.cmpi slt, %add3A_220, %lt3A_222 : vector<16xi32>
        %and3A_224 = arith.andi %lt3A_218, %lt3A_223 : vector<16xi1>
        %jit3A_225 = arith.constant 0.000000e+00 : f32
        %broadcast_in_dim3A_226 = vector.broadcast %jit3A_225 : f32 to vector<16xf32>
        %select_n3A_227 = arith.select %and3A_224, %exp3A_215, %broadcast_in_dim3A_226 : vector<16xi1>, vector<16xf32>
        %add3A_228 = arith.constant 64 : i32
        %add3A_229 = vector.broadcast %add3A_228 : i32 to vector<16xi32>
        %add3A_230 = arith.addi %add3A_229, %and3A_196 : vector<16xi32>
        tpu.vector_store_idx %arg11[%shift_right_arithmetic3A_193, %add3A_230], %select_n3A_227 : memref<112x80xf32, #tpu.memory_space<vmem>>[vector<16xi32>, vector<16xi32>], vector<16xf32>,
      }
      %scan3A_103 = arith.constant 14 : i32
      %scan3A_104 = arith.constant 0 : i32
      %scan3A_105 = arith.constant 0 : i32
      %scan3A_106 = arith.constant 112 : i32
      %scan3A_107 = arith.addi %scan3A_105, %scan3A_106 : i32
      %scan3A_108 = arith.constant 4 : i32
      scf.for %scan3A_149 = %scan3A_105 to %scan3A_107 step %scan3A_108  : i32 {
        %broadcast_in_dim3A_150 = vector.broadcast %scan3A_149 : i32 to vector<16xi32>
        %broadcast_in_dim3A_151 = arith.constant 64 : i32
        %broadcast_in_dim3A_152 = vector.broadcast %broadcast_in_dim3A_151 : i32 to vector<16xi32>
        %gather3A = tpu.vector_load_idx %arg11[%broadcast_in_dim3A_150, %broadcast_in_dim3A_152] : memref<112x80xf32, #tpu.memory_space<vmem>>[vector<16xi32>, vector<16xi32>], vector<16xf32>,
        %get3A = arith.index_cast %scan3A_149 : i32 to index
        %get3A_153 = arith.constant 0 : index
        %get3A_154 = tpu.vector_load %arg11[%get3A, %get3A_153] {strides = array<i32>} : memref<112x80xf32, #tpu.memory_space<vmem>>, vector<16xf32>,
        %mul3A_155 = arith.mulf %get3A_154, %gather3A : vector<16xf32>
        %swap3A = arith.index_cast %scan3A_149 : i32 to index
        %swap3A_156 = arith.constant 0 : index
        %swap3A_157 = tpu.vector_load %arg11[%swap3A, %swap3A_156] {strides = array<i32>} : memref<112x80xf32, #tpu.memory_space<vmem>>, vector<16xf32>,
        tpu.vector_store %arg11[%swap3A, %swap3A_156], %mul3A_155 {strides = array<i32>} : memref<112x80xf32, #tpu.memory_space<vmem>>, vector<16xf32>,
        %get3A_158 = arith.index_cast %scan3A_149 : i32 to index
        %get3A_159 = arith.constant 16 : index
        %get3A_160 = tpu.vector_load %arg11[%get3A_158, %get3A_159] {strides = array<i32>} : memref<112x80xf32, #tpu.memory_space<vmem>>, vector<16xf32>,
        %mul3A_161 = arith.mulf %get3A_160, %gather3A : vector<16xf32>
        %swap3A_162 = arith.index_cast %scan3A_149 : i32 to index
        %swap3A_163 = arith.constant 16 : index
        %swap3A_164 = tpu.vector_load %arg11[%swap3A_162, %swap3A_163] {strides = array<i32>} : memref<112x80xf32, #tpu.memory_space<vmem>>, vector<16xf32>,
        tpu.vector_store %arg11[%swap3A_162, %swap3A_163], %mul3A_161 {strides = array<i32>} : memref<112x80xf32, #tpu.memory_space<vmem>>, vector<16xf32>,
        %get3A_165 = arith.index_cast %scan3A_149 : i32 to index
        %get3A_166 = arith.constant 32 : index
        %get3A_167 = tpu.vector_load %arg11[%get3A_165, %get3A_166] {strides = array<i32>} : memref<112x80xf32, #tpu.memory_space<vmem>>, vector<16xf32>,
        %mul3A_168 = arith.mulf %get3A_167, %gather3A : vector<16xf32>
        %swap3A_169 = arith.index_cast %scan3A_149 : i32 to index
        %swap3A_170 = arith.constant 32 : index
        %swap3A_171 = tpu.vector_load %arg11[%swap3A_169, %swap3A_170] {strides = array<i32>} : memref<112x80xf32, #tpu.memory_space<vmem>>, vector<16xf32>,
        tpu.vector_store %arg11[%swap3A_169, %swap3A_170], %mul3A_168 {strides = array<i32>} : memref<112x80xf32, #tpu.memory_space<vmem>>, vector<16xf32>,
        %get3A_172 = arith.index_cast %scan3A_149 : i32 to index
        %get3A_173 = arith.constant 48 : index
        %get3A_174 = tpu.vector_load %arg11[%get3A_172, %get3A_173] {strides = array<i32>} : memref<112x80xf32, #tpu.memory_space<vmem>>, vector<16xf32>,
        %mul3A_175 = arith.mulf %get3A_174, %gather3A : vector<16xf32>
        %swap3A_176 = arith.index_cast %scan3A_149 : i32 to index
        %swap3A_177 = arith.constant 48 : index
        %swap3A_178 = tpu.vector_load %arg11[%swap3A_176, %swap3A_177] {strides = array<i32>} : memref<112x80xf32, #tpu.memory_space<vmem>>, vector<16xf32>,
        tpu.vector_store %arg11[%swap3A_176, %swap3A_177], %mul3A_175 {strides = array<i32>} : memref<112x80xf32, #tpu.memory_space<vmem>>, vector<16xf32>,
        %scan3A_179 = arith.constant 1 : i32
        %scan3A_180 = arith.addi %scan3A_149, %scan3A_179 : i32
        %broadcast_in_dim3A_181 = vector.broadcast %scan3A_180 : i32 to vector<16xi32>
        %broadcast_in_dim3A_182 = arith.constant 64 : i32
        %broadcast_in_dim3A_183 = vector.broadcast %broadcast_in_dim3A_182 : i32 to vector<16xi32>
        %gather3A_184 = tpu.vector_load_idx %arg11[%broadcast_in_dim3A_181, %broadcast_in_dim3A_183] : memref<112x80xf32, #tpu.memory_space<vmem>>[vector<16xi32>, vector<16xi32>], vector<16xf32>,
        %get3A_185 = arith.index_cast %scan3A_180 : i32 to index
        %get3A_186 = arith.constant 0 : index
        %get3A_187 = tpu.vector_load %arg11[%get3A_185, %get3A_186] {strides = array<i32>} : memref<112x80xf32, #tpu.memory_space<vmem>>, vector<16xf32>,
        %mul3A_188 = arith.mulf %get3A_187, %gather3A_184 : vector<16xf32>
        %swap3A_189 = arith.index_cast %scan3A_180 : i32 to index
        %swap3A_190 = arith.constant 0 : index
        %swap3A_191 = tpu.vector_load %arg11[%swap3A_189, %swap3A_190] {strides = array<i32>} : memref<112x80xf32, #tpu.memory_space<vmem>>, vector<16xf32>,
        tpu.vector_store %arg11[%swap3A_189, %swap3A_190], %mul3A_188 {strides = array<i32>} : memref<112x80xf32, #tpu.memory_space<vmem>>, vector<16xf32>,
        %get3A_192 = arith.index_cast %scan3A_180 : i32 to index
        %get3A_193 = arith.constant 16 : index
        %get3A_194 = tpu.vector_load %arg11[%get3A_192, %get3A_193] {strides = array<i32>} : memref<112x80xf32, #tpu.memory_space<vmem>>, vector<16xf32>,
        %mul3A_195 = arith.mulf %get3A_194, %gather3A_184 : vector<16xf32>
        %swap3A_196 = arith.index_cast %scan3A_180 : i32 to index
        %swap3A_197 = arith.constant 16 : index
        %swap3A_198 = tpu.vector_load %arg11[%swap3A_196, %swap3A_197] {strides = array<i32>} : memref<112x80xf32, #tpu.memory_space<vmem>>, vector<16xf32>,
        tpu.vector_store %arg11[%swap3A_196, %swap3A_197], %mul3A_195 {strides = array<i32>} : memref<112x80xf32, #tpu.memory_space<vmem>>, vector<16xf32>,
        %get3A_199 = arith.index_cast %scan3A_180 : i32 to index
        %get3A_200 = arith.constant 32 : index
        %get3A_201 = tpu.vector_load %arg11[%get3A_199, %get3A_200] {strides = array<i32>} : memref<112x80xf32, #tpu.memory_space<vmem>>, vector<16xf32>,
        %mul3A_202 = arith.mulf %get3A_201, %gather3A_184 : vector<16xf32>
        %swap3A_203 = arith.index_cast %scan3A_180 : i32 to index
        %swap3A_204 = arith.constant 32 : index
        %swap3A_205 = tpu.vector_load %arg11[%swap3A_203, %swap3A_204] {strides = array<i32>} : memref<112x80xf32, #tpu.memory_space<vmem>>, vector<16xf32>,
        tpu.vector_store %arg11[%swap3A_203, %swap3A_204], %mul3A_202 {strides = array<i32>} : memref<112x80xf32, #tpu.memory_space<vmem>>, vector<16xf32>,
        %get3A_206 = arith.index_cast %scan3A_180 : i32 to index
        %get3A_207 = arith.constant 48 : index
        %get3A_208 = tpu.vector_load %arg11[%get3A_206, %get3A_207] {strides = array<i32>} : memref<112x80xf32, #tpu.memory_space<vmem>>, vector<16xf32>,
        %mul3A_209 = arith.mulf %get3A_208, %gather3A_184 : vector<16xf32>
        %swap3A_210 = arith.index_cast %scan3A_180 : i32 to index
        %swap3A_211 = arith.constant 48 : index
        %swap3A_212 = tpu.vector_load %arg11[%swap3A_210, %swap3A_211] {strides = array<i32>} : memref<112x80xf32, #tpu.memory_space<vmem>>, vector<16xf32>,
        tpu.vector_store %arg11[%swap3A_210, %swap3A_211], %mul3A_209 {strides = array<i32>} : memref<112x80xf32, #tpu.memory_space<vmem>>, vector<16xf32>,
        %scan3A_213 = arith.constant 2 : i32
        %scan3A_214 = arith.addi %scan3A_149, %scan3A_213 : i32
        %broadcast_in_dim3A_215 = vector.broadcast %scan3A_214 : i32 to vector<16xi32>
        %broadcast_in_dim3A_216 = arith.constant 64 : i32
        %broadcast_in_dim3A_217 = vector.broadcast %broadcast_in_dim3A_216 : i32 to vector<16xi32>
        %gather3A_218 = tpu.vector_load_idx %arg11[%broadcast_in_dim3A_215, %broadcast_in_dim3A_217] : memref<112x80xf32, #tpu.memory_space<vmem>>[vector<16xi32>, vector<16xi32>], vector<16xf32>,
        %get3A_219 = arith.index_cast %scan3A_214 : i32 to index
        %get3A_220 = arith.constant 0 : index
        %get3A_221 = tpu.vector_load %arg11[%get3A_219, %get3A_220] {strides = array<i32>} : memref<112x80xf32, #tpu.memory_space<vmem>>, vector<16xf32>,
        %mul3A_222 = arith.mulf %get3A_221, %gather3A_218 : vector<16xf32>
        %swap3A_223 = arith.index_cast %scan3A_214 : i32 to index
        %swap3A_224 = arith.constant 0 : index
        %swap3A_225 = tpu.vector_load %arg11[%swap3A_223, %swap3A_224] {strides = array<i32>} : memref<112x80xf32, #tpu.memory_space<vmem>>, vector<16xf32>,
        tpu.vector_store %arg11[%swap3A_223, %swap3A_224], %mul3A_222 {strides = array<i32>} : memref<112x80xf32, #tpu.memory_space<vmem>>, vector<16xf32>,
        %get3A_226 = arith.index_cast %scan3A_214 : i32 to index
        %get3A_227 = arith.constant 16 : index
        %get3A_228 = tpu.vector_load %arg11[%get3A_226, %get3A_227] {strides = array<i32>} : memref<112x80xf32, #tpu.memory_space<vmem>>, vector<16xf32>,
        %mul3A_229 = arith.mulf %get3A_228, %gather3A_218 : vector<16xf32>
        %swap3A_230 = arith.index_cast %scan3A_214 : i32 to index
        %swap3A_231 = arith.constant 16 : index
        %swap3A_232 = tpu.vector_load %arg11[%swap3A_230, %swap3A_231] {strides = array<i32>} : memref<112x80xf32, #tpu.memory_space<vmem>>, vector<16xf32>,
        tpu.vector_store %arg11[%swap3A_230, %swap3A_231], %mul3A_229 {strides = array<i32>} : memref<112x80xf32, #tpu.memory_space<vmem>>, vector<16xf32>,
        %get3A_233 = arith.index_cast %scan3A_214 : i32 to index
        %get3A_234 = arith.constant 32 : index
        %get3A_235 = tpu.vector_load %arg11[%get3A_233, %get3A_234] {strides = array<i32>} : memref<112x80xf32, #tpu.memory_space<vmem>>, vector<16xf32>,
        %mul3A_236 = arith.mulf %get3A_235, %gather3A_218 : vector<16xf32>
        %swap3A_237 = arith.index_cast %scan3A_214 : i32 to index
        %swap3A_238 = arith.constant 32 : index
        %swap3A_239 = tpu.vector_load %arg11[%swap3A_237, %swap3A_238] {strides = array<i32>} : memref<112x80xf32, #tpu.memory_space<vmem>>, vector<16xf32>,
        tpu.vector_store %arg11[%swap3A_237, %swap3A_238], %mul3A_236 {strides = array<i32>} : memref<112x80xf32, #tpu.memory_space<vmem>>, vector<16xf32>,
        %get3A_240 = arith.index_cast %scan3A_214 : i32 to index
        %get3A_241 = arith.constant 48 : index
        %get3A_242 = tpu.vector_load %arg11[%get3A_240, %get3A_241] {strides = array<i32>} : memref<112x80xf32, #tpu.memory_space<vmem>>, vector<16xf32>,
        %mul3A_243 = arith.mulf %get3A_242, %gather3A_218 : vector<16xf32>
        %swap3A_244 = arith.index_cast %scan3A_214 : i32 to index
        %swap3A_245 = arith.constant 48 : index
        %swap3A_246 = tpu.vector_load %arg11[%swap3A_244, %swap3A_245] {strides = array<i32>} : memref<112x80xf32, #tpu.memory_space<vmem>>, vector<16xf32>,
        tpu.vector_store %arg11[%swap3A_244, %swap3A_245], %mul3A_243 {strides = array<i32>} : memref<112x80xf32, #tpu.memory_space<vmem>>, vector<16xf32>,
        %scan3A_247 = arith.constant 3 : i32
        %scan3A_248 = arith.addi %scan3A_149, %scan3A_247 : i32
        %broadcast_in_dim3A_249 = vector.broadcast %scan3A_248 : i32 to vector<16xi32>
        %broadcast_in_dim3A_250 = arith.constant 64 : i32
        %broadcast_in_dim3A_251 = vector.broadcast %broadcast_in_dim3A_250 : i32 to vector<16xi32>
        %gather3A_252 = tpu.vector_load_idx %arg11[%broadcast_in_dim3A_249, %broadcast_in_dim3A_251] : memref<112x80xf32, #tpu.memory_space<vmem>>[vector<16xi32>, vector<16xi32>], vector<16xf32>,
        %get3A_253 = arith.index_cast %scan3A_248 : i32 to index
        %get3A_254 = arith.constant 0 : index
        %get3A_255 = tpu.vector_load %arg11[%get3A_253, %get3A_254] {strides = array<i32>} : memref<112x80xf32, #tpu.memory_space<vmem>>, vector<16xf32>,
        %mul3A_256 = arith.mulf %get3A_255, %gather3A_252 : vector<16xf32>
        %swap3A_257 = arith.index_cast %scan3A_248 : i32 to index
        %swap3A_258 = arith.constant 0 : index
        %swap3A_259 = tpu.vector_load %arg11[%swap3A_257, %swap3A_258] {strides = array<i32>} : memref<112x80xf32, #tpu.memory_space<vmem>>, vector<16xf32>,
        tpu.vector_store %arg11[%swap3A_257, %swap3A_258], %mul3A_256 {strides = array<i32>} : memref<112x80xf32, #tpu.memory_space<vmem>>, vector<16xf32>,
        %get3A_260 = arith.index_cast %scan3A_248 : i32 to index
        %get3A_261 = arith.constant 16 : index
        %get3A_262 = tpu.vector_load %arg11[%get3A_260, %get3A_261] {strides = array<i32>} : memref<112x80xf32, #tpu.memory_space<vmem>>, vector<16xf32>,
        %mul3A_263 = arith.mulf %get3A_262, %gather3A_252 : vector<16xf32>
        %swap3A_264 = arith.index_cast %scan3A_248 : i32 to index
        %swap3A_265 = arith.constant 16 : index
        %swap3A_266 = tpu.vector_load %arg11[%swap3A_264, %swap3A_265] {strides = array<i32>} : memref<112x80xf32, #tpu.memory_space<vmem>>, vector<16xf32>,
        tpu.vector_store %arg11[%swap3A_264, %swap3A_265], %mul3A_263 {strides = array<i32>} : memref<112x80xf32, #tpu.memory_space<vmem>>, vector<16xf32>,
        %get3A_267 = arith.index_cast %scan3A_248 : i32 to index
        %get3A_268 = arith.constant 32 : index
        %get3A_269 = tpu.vector_load %arg11[%get3A_267, %get3A_268] {strides = array<i32>} : memref<112x80xf32, #tpu.memory_space<vmem>>, vector<16xf32>,
        %mul3A_270 = arith.mulf %get3A_269, %gather3A_252 : vector<16xf32>
        %swap3A_271 = arith.index_cast %scan3A_248 : i32 to index
        %swap3A_272 = arith.constant 32 : index
        %swap3A_273 = tpu.vector_load %arg11[%swap3A_271, %swap3A_272] {strides = array<i32>} : memref<112x80xf32, #tpu.memory_space<vmem>>, vector<16xf32>,
        tpu.vector_store %arg11[%swap3A_271, %swap3A_272], %mul3A_270 {strides = array<i32>} : memref<112x80xf32, #tpu.memory_space<vmem>>, vector<16xf32>,
        %get3A_274 = arith.index_cast %scan3A_248 : i32 to index
        %get3A_275 = arith.constant 48 : index
        %get3A_276 = tpu.vector_load %arg11[%get3A_274, %get3A_275] {strides = array<i32>} : memref<112x80xf32, #tpu.memory_space<vmem>>, vector<16xf32>,
        %mul3A_277 = arith.mulf %get3A_276, %gather3A_252 : vector<16xf32>
        %swap3A_278 = arith.index_cast %scan3A_248 : i32 to index
        %swap3A_279 = arith.constant 48 : index
        %swap3A_280 = tpu.vector_load %arg11[%swap3A_278, %swap3A_279] {strides = array<i32>} : memref<112x80xf32, #tpu.memory_space<vmem>>, vector<16xf32>,
        tpu.vector_store %arg11[%swap3A_278, %swap3A_279], %mul3A_277 {strides = array<i32>} : memref<112x80xf32, #tpu.memory_space<vmem>>, vector<16xf32>,
      }
      %scan3A_109 = arith.constant 112 : i32
      "tpu.region"() ({
        %run_scoped3A = tpu.sem_alloc : memref<!tpu.dma_semaphore, #tpu.memory_space<semaphore_mem>>
        %dma_start3A_149 = arith.constant 0 : i32
        %dma_start3A_150 = arith.constant 0 : i32
        %dma_start3A_151 = tpu.memref_slice %arg15[%dma_start3A_149, %dma_start3A_150] : memref<10240x80xf32, #tpu.memory_space<vmem_shared>> -> memref<10240x80xf32, #tpu.memory_space<vmem_shared>>
        tpu.enqueue_indirect_dma source(%arg11 : memref<112x80xf32, #tpu.memory_space<vmem>>) target(%dma_start3A_151 : memref<10240x80xf32, #tpu.memory_space<vmem_shared>>) offsets(%arg9 : memref<112xi32, #tpu.memory_space<vmem>>) semaphore(%run_scoped3A : memref<!tpu.dma_semaphore, #tpu.memory_space<semaphore_mem>>) {add = true}
        %dma_wait3A_152 = arith.constant 0 : i32
        %dma_wait3A_153 = arith.constant 0 : i32
        %dma_wait3A_154 = tpu.memref_slice %arg15[%dma_wait3A_152, %dma_wait3A_153] : memref<10240x80xf32, #tpu.memory_space<vmem_shared>> -> memref<10240x80xf32, #tpu.memory_space<vmem_shared>>
        tpu.wait_indirect_dma semaphore(%run_scoped3A : memref<!tpu.dma_semaphore, #tpu.memory_space<semaphore_mem>>) src(%arg11 : memref<112x80xf32, #tpu.memory_space<vmem>>) dst(%dma_wait3A_154 : memref<10240x80xf32, #tpu.memory_space<vmem_shared>>)
        tpu.yield
      }) : () -> ()
      %add3A_110 = arith.constant 2 : i32
      %add3A_111 = arith.addi %mul3A_82, %add3A_110 : i32
      %mul3A_112 = arith.constant 112 : i32
      %mul3A_113 = arith.muli %add3A_111, %mul3A_112 : i32
      %add3A_114 = arith.addi %mul3A_26, %mul3A_113 : i32
      "tpu.region"() ({
        %run_scoped3A = tpu.sem_alloc : memref<!tpu.dma_semaphore, #tpu.memory_space<semaphore_mem>>
        %dma_start3A_149 = tpu.memref_slice %arg2[%add3A_114] : memref<337120xi32, #tpu.memory_space<hbm>> -> memref<112xi32, #tpu.memory_space<hbm>>
        %dma_start3A_150 = tpu.memref_slice %arg2[%add3A_114] : memref<337120xi32, #tpu.memory_space<hbm>> -> memref<112xi32, #tpu.memory_space<hbm>>
        tpu.enqueue_dma source(%dma_start3A_150 : memref<112xi32, #tpu.memory_space<hbm>>) target(%arg7 : memref<112xi32, #tpu.memory_space<vmem>>) target_semaphore(%run_scoped3A : memref<!tpu.dma_semaphore, #tpu.memory_space<semaphore_mem>>)
        %dma_wait3A_151 = tpu.memref_slice %arg2[%add3A_114] : memref<337120xi32, #tpu.memory_space<hbm>> -> memref<112xi32, #tpu.memory_space<hbm>>
        %dma_wait3A_152 = tpu.memref_slice %arg2[%add3A_114] : memref<337120xi32, #tpu.memory_space<hbm>> -> memref<112xi32, #tpu.memory_space<hbm>>
        tpu.wait_dma2 semaphore(%run_scoped3A : memref<!tpu.dma_semaphore, #tpu.memory_space<semaphore_mem>>) src(%dma_wait3A_152 : memref<112xi32, #tpu.memory_space<hbm>>) dst(%arg7 : memref<112xi32, #tpu.memory_space<vmem>>)
        tpu.yield
      }) : () -> ()
      "tpu.region"() ({
        %run_scoped3A = tpu.sem_alloc : memref<!tpu.dma_semaphore, #tpu.memory_space<semaphore_mem>>
        %dma_start3A_149 = tpu.memref_slice %arg3[%add3A_114] : memref<337120xi32, #tpu.memory_space<hbm>> -> memref<112xi32, #tpu.memory_space<hbm>>
        %dma_start3A_150 = tpu.memref_slice %arg3[%add3A_114] : memref<337120xi32, #tpu.memory_space<hbm>> -> memref<112xi32, #tpu.memory_space<hbm>>
        tpu.enqueue_dma source(%dma_start3A_150 : memref<112xi32, #tpu.memory_space<hbm>>) target(%arg9 : memref<112xi32, #tpu.memory_space<vmem>>) target_semaphore(%run_scoped3A : memref<!tpu.dma_semaphore, #tpu.memory_space<semaphore_mem>>)
        %dma_wait3A_151 = tpu.memref_slice %arg3[%add3A_114] : memref<337120xi32, #tpu.memory_space<hbm>> -> memref<112xi32, #tpu.memory_space<hbm>>
        %dma_wait3A_152 = tpu.memref_slice %arg3[%add3A_114] : memref<337120xi32, #tpu.memory_space<hbm>> -> memref<112xi32, #tpu.memory_space<hbm>>
        tpu.wait_dma2 semaphore(%run_scoped3A : memref<!tpu.dma_semaphore, #tpu.memory_space<semaphore_mem>>) src(%dma_wait3A_152 : memref<112xi32, #tpu.memory_space<hbm>>) dst(%arg9 : memref<112xi32, #tpu.memory_space<vmem>>)
        tpu.yield
      }) : () -> ()
      %dma_start3A_115 = arith.constant 0 : i32
      %dma_start3A_116 = arith.constant 0 : i32
      %dma_start3A_117 = tpu.memref_slice %arg4[%dma_start3A_115, %dma_start3A_116] : memref<10240x80xf32, #tpu.memory_space<hbm>> -> memref<10240x80xf32, #tpu.memory_space<hbm>>
      tpu.enqueue_indirect_dma source(%dma_start3A_117 : memref<10240x80xf32, #tpu.memory_space<hbm>>) target(%arg11 : memref<112x80xf32, #tpu.memory_space<vmem>>) offsets(%arg7 : memref<112xi32, #tpu.memory_space<vmem>>) semaphore(%arg16 : memref<!tpu.dma_semaphore, #tpu.memory_space<semaphore_mem>>)
      %dma_start3A_118 = arith.constant 0 : i32
      %dma_start3A_119 = arith.constant 0 : i32
      %dma_start3A_120 = tpu.memref_slice %arg5[%dma_start3A_118, %dma_start3A_119] : memref<10240x16xf32, #tpu.memory_space<hbm>> -> memref<10240x16xf32, #tpu.memory_space<hbm>>
      tpu.enqueue_indirect_dma source(%dma_start3A_120 : memref<10240x16xf32, #tpu.memory_space<hbm>>) target(%arg13 : memref<112x16xf32, #tpu.memory_space<vmem>>) offsets(%arg9 : memref<112xi32, #tpu.memory_space<vmem>>) semaphore(%arg16 : memref<!tpu.dma_semaphore, #tpu.memory_space<semaphore_mem>>)
      %dma_wait3A_121 = arith.constant 0 : i32
      %dma_wait3A_122 = arith.constant 0 : i32
      %dma_wait3A_123 = tpu.memref_slice %arg4[%dma_wait3A_121, %dma_wait3A_122] : memref<10240x80xf32, #tpu.memory_space<hbm>> -> memref<10240x80xf32, #tpu.memory_space<hbm>>
      tpu.wait_indirect_dma semaphore(%arg17 : memref<!tpu.dma_semaphore, #tpu.memory_space<semaphore_mem>>) src(%dma_wait3A_123 : memref<10240x80xf32, #tpu.memory_space<hbm>>) dst(%arg12 : memref<112x80xf32, #tpu.memory_space<vmem>>)
      %dma_wait3A_124 = arith.constant 0 : i32
      %dma_wait3A_125 = arith.constant 0 : i32
      %dma_wait3A_126 = tpu.memref_slice %arg5[%dma_wait3A_124, %dma_wait3A_125] : memref<10240x16xf32, #tpu.memory_space<hbm>> -> memref<10240x16xf32, #tpu.memory_space<hbm>>
      tpu.wait_indirect_dma semaphore(%arg17 : memref<!tpu.dma_semaphore, #tpu.memory_space<semaphore_mem>>) src(%dma_wait3A_126 : memref<10240x16xf32, #tpu.memory_space<hbm>>) dst(%arg14 : memref<112x16xf32, #tpu.memory_space<vmem>>)
      %add3A_127 = arith.constant 1 : i32
      %add3A_128 = arith.addi %mul3A_82, %add3A_127 : i32
      %mul3A_129 = arith.constant 112 : i32
      %mul3A_130 = arith.muli %add3A_128, %mul3A_129 : i32
      %add3A_131 = arith.addi %mul3A_26, %mul3A_130 : i32
      %scan3A_132 = arith.constant 0 : i32
      %scan3A_133 = arith.constant 0 : i32
      %scan3A_134 = arith.constant 14 : i32
      %scan3A_135 = arith.addi %scan3A_133, %scan3A_134 : i32
      %scan3A_136 = arith.constant 2 : i32
      scf.for %scan3A_149 = %scan3A_133 to %scan3A_135 step %scan3A_136  : i32 {
        %mul3A_150 = arith.constant 16 : i32
        %mul3A_151 = arith.muli %scan3A_149, %mul3A_150 : i32
        %add3A_152 = vector.broadcast %mul3A_151 : i32 to vector<16xi32>
        %add3A_153 = arith.addi %add3A_152, %iota3A : vector<16xi32>
        %shift_right_arithmetic3A = arith.constant 1 : i32
        %shift_right_arithmetic3A_154 = vector.broadcast %shift_right_arithmetic3A : i32 to vector<16xi32>
        %shift_right_arithmetic3A_155 = arith.shrsi %add3A_153, %shift_right_arithmetic3A_154 : vector<16xi32>
        %and3A = arith.constant 1 : i32
        %and3A_156 = vector.broadcast %and3A : i32 to vector<16xi32>
        %and3A_157 = arith.andi %add3A_153, %and3A_156 : vector<16xi32>
        %add3A_158 = arith.constant 64 : i32
        %add3A_159 = vector.broadcast %add3A_158 : i32 to vector<16xi32>
        %add3A_160 = arith.addi %add3A_159, %and3A_157 : vector<16xi32>
        %gather3A = tpu.vector_load_idx %arg12[%shift_right_arithmetic3A_155, %add3A_160] : memref<112x80xf32, #tpu.memory_space<vmem>>[vector<16xi32>, vector<16xi32>], vector<16xf32>,
        %gather3A_161 = tpu.vector_load_idx %arg14[%shift_right_arithmetic3A_155, %and3A_157] : memref<112x16xf32, #tpu.memory_space<vmem>>[vector<16xi32>, vector<16xi32>], vector<16xf32>,
        %add3A_162 = arith.constant 2 : i32
        %add3A_163 = vector.broadcast %add3A_162 : i32 to vector<16xi32>
        %add3A_164 = arith.addi %add3A_163, %and3A_157 : vector<16xi32>
        %gather3A_165 = tpu.vector_load_idx %arg14[%shift_right_arithmetic3A_155, %add3A_164] : memref<112x16xf32, #tpu.memory_space<vmem>>[vector<16xi32>, vector<16xi32>], vector<16xf32>,
        %add3A_166 = arith.addf %gather3A, %gather3A_161 : vector<16xf32>
        %gt3A = arith.constant 0.000000e+00 : f32
        %gt3A_167 = vector.broadcast %gt3A : f32 to vector<16xf32>
        %gt3A_168 = arith.cmpf ogt, %add3A_166, %gt3A_167 : vector<16xf32>
        %mul3A_169 = arith.constant 2.000000e-01 : f32
        %mul3A_170 = vector.broadcast %mul3A_169 : f32 to vector<16xf32>
        %mul3A_171 = arith.mulf %mul3A_170, %add3A_166 : vector<16xf32>
        %select_n3A = arith.select %gt3A_168, %add3A_166, %mul3A_171 : vector<16xi1>, vector<16xf32>
        %sub3A = arith.subf %select_n3A, %gather3A_165 : vector<16xf32>
        %exp3A = math.exp %sub3A : vector<16xf32>
        %lt3A = arith.constant 1 : i32
        %lt3A_172 = vector.broadcast %lt3A : i32 to vector<16xi32>
        %lt3A_173 = arith.cmpi slt, %and3A_157, %lt3A_172 : vector<16xi32>
        %add3A_174 = vector.broadcast %add3A_131 : i32 to vector<16xi32>
        %add3A_175 = arith.addi %add3A_174, %shift_right_arithmetic3A_155 : vector<16xi32>
        %lt3A_176 = arith.constant 330000 : i32
        %lt3A_177 = vector.broadcast %lt3A_176 : i32 to vector<16xi32>
        %lt3A_178 = arith.cmpi slt, %add3A_175, %lt3A_177 : vector<16xi32>
        %and3A_179 = arith.andi %lt3A_173, %lt3A_178 : vector<16xi1>
        %jit3A = arith.constant 0.000000e+00 : f32
        %broadcast_in_dim3A_180 = vector.broadcast %jit3A : f32 to vector<16xf32>
        %select_n3A_181 = arith.select %and3A_179, %exp3A, %broadcast_in_dim3A_180 : vector<16xi1>, vector<16xf32>
        %add3A_182 = arith.constant 64 : i32
        %add3A_183 = vector.broadcast %add3A_182 : i32 to vector<16xi32>
        %add3A_184 = arith.addi %add3A_183, %and3A_157 : vector<16xi32>
        tpu.vector_store_idx %arg12[%shift_right_arithmetic3A_155, %add3A_184], %select_n3A_181 : memref<112x80xf32, #tpu.memory_space<vmem>>[vector<16xi32>, vector<16xi32>], vector<16xf32>,
        %scan3A_185 = arith.constant 1 : i32
        %scan3A_186 = arith.addi %scan3A_149, %scan3A_185 : i32
        %mul3A_187 = arith.constant 16 : i32
        %mul3A_188 = arith.muli %scan3A_186, %mul3A_187 : i32
        %add3A_189 = vector.broadcast %mul3A_188 : i32 to vector<16xi32>
        %add3A_190 = arith.addi %add3A_189, %iota3A : vector<16xi32>
        %shift_right_arithmetic3A_191 = arith.constant 1 : i32
        %shift_right_arithmetic3A_192 = vector.broadcast %shift_right_arithmetic3A_191 : i32 to vector<16xi32>
        %shift_right_arithmetic3A_193 = arith.shrsi %add3A_190, %shift_right_arithmetic3A_192 : vector<16xi32>
        %and3A_194 = arith.constant 1 : i32
        %and3A_195 = vector.broadcast %and3A_194 : i32 to vector<16xi32>
        %and3A_196 = arith.andi %add3A_190, %and3A_195 : vector<16xi32>
        %add3A_197 = arith.constant 64 : i32
        %add3A_198 = vector.broadcast %add3A_197 : i32 to vector<16xi32>
        %add3A_199 = arith.addi %add3A_198, %and3A_196 : vector<16xi32>
        %gather3A_200 = tpu.vector_load_idx %arg12[%shift_right_arithmetic3A_193, %add3A_199] : memref<112x80xf32, #tpu.memory_space<vmem>>[vector<16xi32>, vector<16xi32>], vector<16xf32>,
        %gather3A_201 = tpu.vector_load_idx %arg14[%shift_right_arithmetic3A_193, %and3A_196] : memref<112x16xf32, #tpu.memory_space<vmem>>[vector<16xi32>, vector<16xi32>], vector<16xf32>,
        %add3A_202 = arith.constant 2 : i32
        %add3A_203 = vector.broadcast %add3A_202 : i32 to vector<16xi32>
        %add3A_204 = arith.addi %add3A_203, %and3A_196 : vector<16xi32>
        %gather3A_205 = tpu.vector_load_idx %arg14[%shift_right_arithmetic3A_193, %add3A_204] : memref<112x16xf32, #tpu.memory_space<vmem>>[vector<16xi32>, vector<16xi32>], vector<16xf32>,
        %add3A_206 = arith.addf %gather3A_200, %gather3A_201 : vector<16xf32>
        %gt3A_207 = arith.constant 0.000000e+00 : f32
        %gt3A_208 = vector.broadcast %gt3A_207 : f32 to vector<16xf32>
        %gt3A_209 = arith.cmpf ogt, %add3A_206, %gt3A_208 : vector<16xf32>
        %mul3A_210 = arith.constant 2.000000e-01 : f32
        %mul3A_211 = vector.broadcast %mul3A_210 : f32 to vector<16xf32>
        %mul3A_212 = arith.mulf %mul3A_211, %add3A_206 : vector<16xf32>
        %select_n3A_213 = arith.select %gt3A_209, %add3A_206, %mul3A_212 : vector<16xi1>, vector<16xf32>
        %sub3A_214 = arith.subf %select_n3A_213, %gather3A_205 : vector<16xf32>
        %exp3A_215 = math.exp %sub3A_214 : vector<16xf32>
        %lt3A_216 = arith.constant 1 : i32
        %lt3A_217 = vector.broadcast %lt3A_216 : i32 to vector<16xi32>
        %lt3A_218 = arith.cmpi slt, %and3A_196, %lt3A_217 : vector<16xi32>
        %add3A_219 = vector.broadcast %add3A_131 : i32 to vector<16xi32>
        %add3A_220 = arith.addi %add3A_219, %shift_right_arithmetic3A_193 : vector<16xi32>
        %lt3A_221 = arith.constant 330000 : i32
        %lt3A_222 = vector.broadcast %lt3A_221 : i32 to vector<16xi32>
        %lt3A_223 = arith.cmpi slt, %add3A_220, %lt3A_222 : vector<16xi32>
        %and3A_224 = arith.andi %lt3A_218, %lt3A_223 : vector<16xi1>
        %jit3A_225 = arith.constant 0.000000e+00 : f32
        %broadcast_in_dim3A_226 = vector.broadcast %jit3A_225 : f32 to vector<16xf32>
        %select_n3A_227 = arith.select %and3A_224, %exp3A_215, %broadcast_in_dim3A_226 : vector<16xi1>, vector<16xf32>
        %add3A_228 = arith.constant 64 : i32
        %add3A_229 = vector.broadcast %add3A_228 : i32 to vector<16xi32>
        %add3A_230 = arith.addi %add3A_229, %and3A_196 : vector<16xi32>
        tpu.vector_store_idx %arg12[%shift_right_arithmetic3A_193, %add3A_230], %select_n3A_227 : memref<112x80xf32, #tpu.memory_space<vmem>>[vector<16xi32>, vector<16xi32>], vector<16xf32>,
      }
      %scan3A_137 = arith.constant 14 : i32
      %scan3A_138 = arith.constant 0 : i32
      %scan3A_139 = arith.constant 0 : i32
      %scan3A_140 = arith.constant 112 : i32
      %scan3A_141 = arith.addi %scan3A_139, %scan3A_140 : i32
      %scan3A_142 = arith.constant 4 : i32
      scf.for %scan3A_149 = %scan3A_139 to %scan3A_141 step %scan3A_142  : i32 {
        %broadcast_in_dim3A_150 = vector.broadcast %scan3A_149 : i32 to vector<16xi32>
        %broadcast_in_dim3A_151 = arith.constant 64 : i32
        %broadcast_in_dim3A_152 = vector.broadcast %broadcast_in_dim3A_151 : i32 to vector<16xi32>
        %gather3A = tpu.vector_load_idx %arg12[%broadcast_in_dim3A_150, %broadcast_in_dim3A_152] : memref<112x80xf32, #tpu.memory_space<vmem>>[vector<16xi32>, vector<16xi32>], vector<16xf32>,
        %get3A = arith.index_cast %scan3A_149 : i32 to index
        %get3A_153 = arith.constant 0 : index
        %get3A_154 = tpu.vector_load %arg12[%get3A, %get3A_153] {strides = array<i32>} : memref<112x80xf32, #tpu.memory_space<vmem>>, vector<16xf32>,
        %mul3A_155 = arith.mulf %get3A_154, %gather3A : vector<16xf32>
        %swap3A = arith.index_cast %scan3A_149 : i32 to index
        %swap3A_156 = arith.constant 0 : index
        %swap3A_157 = tpu.vector_load %arg12[%swap3A, %swap3A_156] {strides = array<i32>} : memref<112x80xf32, #tpu.memory_space<vmem>>, vector<16xf32>,
        tpu.vector_store %arg12[%swap3A, %swap3A_156], %mul3A_155 {strides = array<i32>} : memref<112x80xf32, #tpu.memory_space<vmem>>, vector<16xf32>,
        %get3A_158 = arith.index_cast %scan3A_149 : i32 to index
        %get3A_159 = arith.constant 16 : index
        %get3A_160 = tpu.vector_load %arg12[%get3A_158, %get3A_159] {strides = array<i32>} : memref<112x80xf32, #tpu.memory_space<vmem>>, vector<16xf32>,
        %mul3A_161 = arith.mulf %get3A_160, %gather3A : vector<16xf32>
        %swap3A_162 = arith.index_cast %scan3A_149 : i32 to index
        %swap3A_163 = arith.constant 16 : index
        %swap3A_164 = tpu.vector_load %arg12[%swap3A_162, %swap3A_163] {strides = array<i32>} : memref<112x80xf32, #tpu.memory_space<vmem>>, vector<16xf32>,
        tpu.vector_store %arg12[%swap3A_162, %swap3A_163], %mul3A_161 {strides = array<i32>} : memref<112x80xf32, #tpu.memory_space<vmem>>, vector<16xf32>,
        %get3A_165 = arith.index_cast %scan3A_149 : i32 to index
        %get3A_166 = arith.constant 32 : index
        %get3A_167 = tpu.vector_load %arg12[%get3A_165, %get3A_166] {strides = array<i32>} : memref<112x80xf32, #tpu.memory_space<vmem>>, vector<16xf32>,
        %mul3A_168 = arith.mulf %get3A_167, %gather3A : vector<16xf32>
        %swap3A_169 = arith.index_cast %scan3A_149 : i32 to index
        %swap3A_170 = arith.constant 32 : index
        %swap3A_171 = tpu.vector_load %arg12[%swap3A_169, %swap3A_170] {strides = array<i32>} : memref<112x80xf32, #tpu.memory_space<vmem>>, vector<16xf32>,
        tpu.vector_store %arg12[%swap3A_169, %swap3A_170], %mul3A_168 {strides = array<i32>} : memref<112x80xf32, #tpu.memory_space<vmem>>, vector<16xf32>,
        %get3A_172 = arith.index_cast %scan3A_149 : i32 to index
        %get3A_173 = arith.constant 48 : index
        %get3A_174 = tpu.vector_load %arg12[%get3A_172, %get3A_173] {strides = array<i32>} : memref<112x80xf32, #tpu.memory_space<vmem>>, vector<16xf32>,
        %mul3A_175 = arith.mulf %get3A_174, %gather3A : vector<16xf32>
        %swap3A_176 = arith.index_cast %scan3A_149 : i32 to index
        %swap3A_177 = arith.constant 48 : index
        %swap3A_178 = tpu.vector_load %arg12[%swap3A_176, %swap3A_177] {strides = array<i32>} : memref<112x80xf32, #tpu.memory_space<vmem>>, vector<16xf32>,
        tpu.vector_store %arg12[%swap3A_176, %swap3A_177], %mul3A_175 {strides = array<i32>} : memref<112x80xf32, #tpu.memory_space<vmem>>, vector<16xf32>,
        %scan3A_179 = arith.constant 1 : i32
        %scan3A_180 = arith.addi %scan3A_149, %scan3A_179 : i32
        %broadcast_in_dim3A_181 = vector.broadcast %scan3A_180 : i32 to vector<16xi32>
        %broadcast_in_dim3A_182 = arith.constant 64 : i32
        %broadcast_in_dim3A_183 = vector.broadcast %broadcast_in_dim3A_182 : i32 to vector<16xi32>
        %gather3A_184 = tpu.vector_load_idx %arg12[%broadcast_in_dim3A_181, %broadcast_in_dim3A_183] : memref<112x80xf32, #tpu.memory_space<vmem>>[vector<16xi32>, vector<16xi32>], vector<16xf32>,
        %get3A_185 = arith.index_cast %scan3A_180 : i32 to index
        %get3A_186 = arith.constant 0 : index
        %get3A_187 = tpu.vector_load %arg12[%get3A_185, %get3A_186] {strides = array<i32>} : memref<112x80xf32, #tpu.memory_space<vmem>>, vector<16xf32>,
        %mul3A_188 = arith.mulf %get3A_187, %gather3A_184 : vector<16xf32>
        %swap3A_189 = arith.index_cast %scan3A_180 : i32 to index
        %swap3A_190 = arith.constant 0 : index
        %swap3A_191 = tpu.vector_load %arg12[%swap3A_189, %swap3A_190] {strides = array<i32>} : memref<112x80xf32, #tpu.memory_space<vmem>>, vector<16xf32>,
        tpu.vector_store %arg12[%swap3A_189, %swap3A_190], %mul3A_188 {strides = array<i32>} : memref<112x80xf32, #tpu.memory_space<vmem>>, vector<16xf32>,
        %get3A_192 = arith.index_cast %scan3A_180 : i32 to index
        %get3A_193 = arith.constant 16 : index
        %get3A_194 = tpu.vector_load %arg12[%get3A_192, %get3A_193] {strides = array<i32>} : memref<112x80xf32, #tpu.memory_space<vmem>>, vector<16xf32>,
        %mul3A_195 = arith.mulf %get3A_194, %gather3A_184 : vector<16xf32>
        %swap3A_196 = arith.index_cast %scan3A_180 : i32 to index
        %swap3A_197 = arith.constant 16 : index
        %swap3A_198 = tpu.vector_load %arg12[%swap3A_196, %swap3A_197] {strides = array<i32>} : memref<112x80xf32, #tpu.memory_space<vmem>>, vector<16xf32>,
        tpu.vector_store %arg12[%swap3A_196, %swap3A_197], %mul3A_195 {strides = array<i32>} : memref<112x80xf32, #tpu.memory_space<vmem>>, vector<16xf32>,
        %get3A_199 = arith.index_cast %scan3A_180 : i32 to index
        %get3A_200 = arith.constant 32 : index
        %get3A_201 = tpu.vector_load %arg12[%get3A_199, %get3A_200] {strides = array<i32>} : memref<112x80xf32, #tpu.memory_space<vmem>>, vector<16xf32>,
        %mul3A_202 = arith.mulf %get3A_201, %gather3A_184 : vector<16xf32>
        %swap3A_203 = arith.index_cast %scan3A_180 : i32 to index
        %swap3A_204 = arith.constant 32 : index
        %swap3A_205 = tpu.vector_load %arg12[%swap3A_203, %swap3A_204] {strides = array<i32>} : memref<112x80xf32, #tpu.memory_space<vmem>>, vector<16xf32>,
        tpu.vector_store %arg12[%swap3A_203, %swap3A_204], %mul3A_202 {strides = array<i32>} : memref<112x80xf32, #tpu.memory_space<vmem>>, vector<16xf32>,
        %get3A_206 = arith.index_cast %scan3A_180 : i32 to index
        %get3A_207 = arith.constant 48 : index
        %get3A_208 = tpu.vector_load %arg12[%get3A_206, %get3A_207] {strides = array<i32>} : memref<112x80xf32, #tpu.memory_space<vmem>>, vector<16xf32>,
        %mul3A_209 = arith.mulf %get3A_208, %gather3A_184 : vector<16xf32>
        %swap3A_210 = arith.index_cast %scan3A_180 : i32 to index
        %swap3A_211 = arith.constant 48 : index
        %swap3A_212 = tpu.vector_load %arg12[%swap3A_210, %swap3A_211] {strides = array<i32>} : memref<112x80xf32, #tpu.memory_space<vmem>>, vector<16xf32>,
        tpu.vector_store %arg12[%swap3A_210, %swap3A_211], %mul3A_209 {strides = array<i32>} : memref<112x80xf32, #tpu.memory_space<vmem>>, vector<16xf32>,
        %scan3A_213 = arith.constant 2 : i32
        %scan3A_214 = arith.addi %scan3A_149, %scan3A_213 : i32
        %broadcast_in_dim3A_215 = vector.broadcast %scan3A_214 : i32 to vector<16xi32>
        %broadcast_in_dim3A_216 = arith.constant 64 : i32
        %broadcast_in_dim3A_217 = vector.broadcast %broadcast_in_dim3A_216 : i32 to vector<16xi32>
        %gather3A_218 = tpu.vector_load_idx %arg12[%broadcast_in_dim3A_215, %broadcast_in_dim3A_217] : memref<112x80xf32, #tpu.memory_space<vmem>>[vector<16xi32>, vector<16xi32>], vector<16xf32>,
        %get3A_219 = arith.index_cast %scan3A_214 : i32 to index
        %get3A_220 = arith.constant 0 : index
        %get3A_221 = tpu.vector_load %arg12[%get3A_219, %get3A_220] {strides = array<i32>} : memref<112x80xf32, #tpu.memory_space<vmem>>, vector<16xf32>,
        %mul3A_222 = arith.mulf %get3A_221, %gather3A_218 : vector<16xf32>
        %swap3A_223 = arith.index_cast %scan3A_214 : i32 to index
        %swap3A_224 = arith.constant 0 : index
        %swap3A_225 = tpu.vector_load %arg12[%swap3A_223, %swap3A_224] {strides = array<i32>} : memref<112x80xf32, #tpu.memory_space<vmem>>, vector<16xf32>,
        tpu.vector_store %arg12[%swap3A_223, %swap3A_224], %mul3A_222 {strides = array<i32>} : memref<112x80xf32, #tpu.memory_space<vmem>>, vector<16xf32>,
        %get3A_226 = arith.index_cast %scan3A_214 : i32 to index
        %get3A_227 = arith.constant 16 : index
        %get3A_228 = tpu.vector_load %arg12[%get3A_226, %get3A_227] {strides = array<i32>} : memref<112x80xf32, #tpu.memory_space<vmem>>, vector<16xf32>,
        %mul3A_229 = arith.mulf %get3A_228, %gather3A_218 : vector<16xf32>
        %swap3A_230 = arith.index_cast %scan3A_214 : i32 to index
        %swap3A_231 = arith.constant 16 : index
        %swap3A_232 = tpu.vector_load %arg12[%swap3A_230, %swap3A_231] {strides = array<i32>} : memref<112x80xf32, #tpu.memory_space<vmem>>, vector<16xf32>,
        tpu.vector_store %arg12[%swap3A_230, %swap3A_231], %mul3A_229 {strides = array<i32>} : memref<112x80xf32, #tpu.memory_space<vmem>>, vector<16xf32>,
        %get3A_233 = arith.index_cast %scan3A_214 : i32 to index
        %get3A_234 = arith.constant 32 : index
        %get3A_235 = tpu.vector_load %arg12[%get3A_233, %get3A_234] {strides = array<i32>} : memref<112x80xf32, #tpu.memory_space<vmem>>, vector<16xf32>,
        %mul3A_236 = arith.mulf %get3A_235, %gather3A_218 : vector<16xf32>
        %swap3A_237 = arith.index_cast %scan3A_214 : i32 to index
        %swap3A_238 = arith.constant 32 : index
        %swap3A_239 = tpu.vector_load %arg12[%swap3A_237, %swap3A_238] {strides = array<i32>} : memref<112x80xf32, #tpu.memory_space<vmem>>, vector<16xf32>,
        tpu.vector_store %arg12[%swap3A_237, %swap3A_238], %mul3A_236 {strides = array<i32>} : memref<112x80xf32, #tpu.memory_space<vmem>>, vector<16xf32>,
        %get3A_240 = arith.index_cast %scan3A_214 : i32 to index
        %get3A_241 = arith.constant 48 : index
        %get3A_242 = tpu.vector_load %arg12[%get3A_240, %get3A_241] {strides = array<i32>} : memref<112x80xf32, #tpu.memory_space<vmem>>, vector<16xf32>,
        %mul3A_243 = arith.mulf %get3A_242, %gather3A_218 : vector<16xf32>
        %swap3A_244 = arith.index_cast %scan3A_214 : i32 to index
        %swap3A_245 = arith.constant 48 : index
        %swap3A_246 = tpu.vector_load %arg12[%swap3A_244, %swap3A_245] {strides = array<i32>} : memref<112x80xf32, #tpu.memory_space<vmem>>, vector<16xf32>,
        tpu.vector_store %arg12[%swap3A_244, %swap3A_245], %mul3A_243 {strides = array<i32>} : memref<112x80xf32, #tpu.memory_space<vmem>>, vector<16xf32>,
        %scan3A_247 = arith.constant 3 : i32
        %scan3A_248 = arith.addi %scan3A_149, %scan3A_247 : i32
        %broadcast_in_dim3A_249 = vector.broadcast %scan3A_248 : i32 to vector<16xi32>
        %broadcast_in_dim3A_250 = arith.constant 64 : i32
        %broadcast_in_dim3A_251 = vector.broadcast %broadcast_in_dim3A_250 : i32 to vector<16xi32>
        %gather3A_252 = tpu.vector_load_idx %arg12[%broadcast_in_dim3A_249, %broadcast_in_dim3A_251] : memref<112x80xf32, #tpu.memory_space<vmem>>[vector<16xi32>, vector<16xi32>], vector<16xf32>,
        %get3A_253 = arith.index_cast %scan3A_248 : i32 to index
        %get3A_254 = arith.constant 0 : index
        %get3A_255 = tpu.vector_load %arg12[%get3A_253, %get3A_254] {strides = array<i32>} : memref<112x80xf32, #tpu.memory_space<vmem>>, vector<16xf32>,
        %mul3A_256 = arith.mulf %get3A_255, %gather3A_252 : vector<16xf32>
        %swap3A_257 = arith.index_cast %scan3A_248 : i32 to index
        %swap3A_258 = arith.constant 0 : index
        %swap3A_259 = tpu.vector_load %arg12[%swap3A_257, %swap3A_258] {strides = array<i32>} : memref<112x80xf32, #tpu.memory_space<vmem>>, vector<16xf32>,
        tpu.vector_store %arg12[%swap3A_257, %swap3A_258], %mul3A_256 {strides = array<i32>} : memref<112x80xf32, #tpu.memory_space<vmem>>, vector<16xf32>,
        %get3A_260 = arith.index_cast %scan3A_248 : i32 to index
        %get3A_261 = arith.constant 16 : index
        %get3A_262 = tpu.vector_load %arg12[%get3A_260, %get3A_261] {strides = array<i32>} : memref<112x80xf32, #tpu.memory_space<vmem>>, vector<16xf32>,
        %mul3A_263 = arith.mulf %get3A_262, %gather3A_252 : vector<16xf32>
        %swap3A_264 = arith.index_cast %scan3A_248 : i32 to index
        %swap3A_265 = arith.constant 16 : index
        %swap3A_266 = tpu.vector_load %arg12[%swap3A_264, %swap3A_265] {strides = array<i32>} : memref<112x80xf32, #tpu.memory_space<vmem>>, vector<16xf32>,
        tpu.vector_store %arg12[%swap3A_264, %swap3A_265], %mul3A_263 {strides = array<i32>} : memref<112x80xf32, #tpu.memory_space<vmem>>, vector<16xf32>,
        %get3A_267 = arith.index_cast %scan3A_248 : i32 to index
        %get3A_268 = arith.constant 32 : index
        %get3A_269 = tpu.vector_load %arg12[%get3A_267, %get3A_268] {strides = array<i32>} : memref<112x80xf32, #tpu.memory_space<vmem>>, vector<16xf32>,
        %mul3A_270 = arith.mulf %get3A_269, %gather3A_252 : vector<16xf32>
        %swap3A_271 = arith.index_cast %scan3A_248 : i32 to index
        %swap3A_272 = arith.constant 32 : index
        %swap3A_273 = tpu.vector_load %arg12[%swap3A_271, %swap3A_272] {strides = array<i32>} : memref<112x80xf32, #tpu.memory_space<vmem>>, vector<16xf32>,
        tpu.vector_store %arg12[%swap3A_271, %swap3A_272], %mul3A_270 {strides = array<i32>} : memref<112x80xf32, #tpu.memory_space<vmem>>, vector<16xf32>,
        %get3A_274 = arith.index_cast %scan3A_248 : i32 to index
        %get3A_275 = arith.constant 48 : index
        %get3A_276 = tpu.vector_load %arg12[%get3A_274, %get3A_275] {strides = array<i32>} : memref<112x80xf32, #tpu.memory_space<vmem>>, vector<16xf32>,
        %mul3A_277 = arith.mulf %get3A_276, %gather3A_252 : vector<16xf32>
        %swap3A_278 = arith.index_cast %scan3A_248 : i32 to index
        %swap3A_279 = arith.constant 48 : index
        %swap3A_280 = tpu.vector_load %arg12[%swap3A_278, %swap3A_279] {strides = array<i32>} : memref<112x80xf32, #tpu.memory_space<vmem>>, vector<16xf32>,
        tpu.vector_store %arg12[%swap3A_278, %swap3A_279], %mul3A_277 {strides = array<i32>} : memref<112x80xf32, #tpu.memory_space<vmem>>, vector<16xf32>,
      }
      %scan3A_143 = arith.constant 112 : i32
      "tpu.region"() ({
        %run_scoped3A = tpu.sem_alloc : memref<!tpu.dma_semaphore, #tpu.memory_space<semaphore_mem>>
        %dma_start3A_149 = arith.constant 0 : i32
        %dma_start3A_150 = arith.constant 0 : i32
        %dma_start3A_151 = tpu.memref_slice %arg15[%dma_start3A_149, %dma_start3A_150] : memref<10240x80xf32, #tpu.memory_space<vmem_shared>> -> memref<10240x80xf32, #tpu.memory_space<vmem_shared>>
        tpu.enqueue_indirect_dma source(%arg12 : memref<112x80xf32, #tpu.memory_space<vmem>>) target(%dma_start3A_151 : memref<10240x80xf32, #tpu.memory_space<vmem_shared>>) offsets(%arg10 : memref<112xi32, #tpu.memory_space<vmem>>) semaphore(%run_scoped3A : memref<!tpu.dma_semaphore, #tpu.memory_space<semaphore_mem>>) {add = true}
        %dma_wait3A_152 = arith.constant 0 : i32
        %dma_wait3A_153 = arith.constant 0 : i32
        %dma_wait3A_154 = tpu.memref_slice %arg15[%dma_wait3A_152, %dma_wait3A_153] : memref<10240x80xf32, #tpu.memory_space<vmem_shared>> -> memref<10240x80xf32, #tpu.memory_space<vmem_shared>>
        tpu.wait_indirect_dma semaphore(%run_scoped3A : memref<!tpu.dma_semaphore, #tpu.memory_space<semaphore_mem>>) src(%arg12 : memref<112x80xf32, #tpu.memory_space<vmem>>) dst(%dma_wait3A_154 : memref<10240x80xf32, #tpu.memory_space<vmem_shared>>)
        tpu.yield
      }) : () -> ()
      %add3A_144 = arith.constant 3 : i32
      %add3A_145 = arith.addi %mul3A_82, %add3A_144 : i32
      %mul3A_146 = arith.constant 112 : i32
      %mul3A_147 = arith.muli %add3A_145, %mul3A_146 : i32
      %add3A_148 = arith.addi %mul3A_26, %mul3A_147 : i32
      "tpu.region"() ({
        %run_scoped3A = tpu.sem_alloc : memref<!tpu.dma_semaphore, #tpu.memory_space<semaphore_mem>>
        %dma_start3A_149 = tpu.memref_slice %arg2[%add3A_148] : memref<337120xi32, #tpu.memory_space<hbm>> -> memref<112xi32, #tpu.memory_space<hbm>>
        %dma_start3A_150 = tpu.memref_slice %arg2[%add3A_148] : memref<337120xi32, #tpu.memory_space<hbm>> -> memref<112xi32, #tpu.memory_space<hbm>>
        tpu.enqueue_dma source(%dma_start3A_150 : memref<112xi32, #tpu.memory_space<hbm>>) target(%arg8 : memref<112xi32, #tpu.memory_space<vmem>>) target_semaphore(%run_scoped3A : memref<!tpu.dma_semaphore, #tpu.memory_space<semaphore_mem>>)
        %dma_wait3A_151 = tpu.memref_slice %arg2[%add3A_148] : memref<337120xi32, #tpu.memory_space<hbm>> -> memref<112xi32, #tpu.memory_space<hbm>>
        %dma_wait3A_152 = tpu.memref_slice %arg2[%add3A_148] : memref<337120xi32, #tpu.memory_space<hbm>> -> memref<112xi32, #tpu.memory_space<hbm>>
        tpu.wait_dma2 semaphore(%run_scoped3A : memref<!tpu.dma_semaphore, #tpu.memory_space<semaphore_mem>>) src(%dma_wait3A_152 : memref<112xi32, #tpu.memory_space<hbm>>) dst(%arg8 : memref<112xi32, #tpu.memory_space<vmem>>)
        tpu.yield
      }) : () -> ()
      "tpu.region"() ({
        %run_scoped3A = tpu.sem_alloc : memref<!tpu.dma_semaphore, #tpu.memory_space<semaphore_mem>>
        %dma_start3A_149 = tpu.memref_slice %arg3[%add3A_148] : memref<337120xi32, #tpu.memory_space<hbm>> -> memref<112xi32, #tpu.memory_space<hbm>>
        %dma_start3A_150 = tpu.memref_slice %arg3[%add3A_148] : memref<337120xi32, #tpu.memory_space<hbm>> -> memref<112xi32, #tpu.memory_space<hbm>>
        tpu.enqueue_dma source(%dma_start3A_150 : memref<112xi32, #tpu.memory_space<hbm>>) target(%arg10 : memref<112xi32, #tpu.memory_space<vmem>>) target_semaphore(%run_scoped3A : memref<!tpu.dma_semaphore, #tpu.memory_space<semaphore_mem>>)
        %dma_wait3A_151 = tpu.memref_slice %arg3[%add3A_148] : memref<337120xi32, #tpu.memory_space<hbm>> -> memref<112xi32, #tpu.memory_space<hbm>>
        %dma_wait3A_152 = tpu.memref_slice %arg3[%add3A_148] : memref<337120xi32, #tpu.memory_space<hbm>> -> memref<112xi32, #tpu.memory_space<hbm>>
        tpu.wait_dma2 semaphore(%run_scoped3A : memref<!tpu.dma_semaphore, #tpu.memory_space<semaphore_mem>>) src(%dma_wait3A_152 : memref<112xi32, #tpu.memory_space<hbm>>) dst(%arg10 : memref<112xi32, #tpu.memory_space<vmem>>)
        tpu.yield
      }) : () -> ()
    }
    %scan3A_41 = arith.constant 47 : i32
    %dma_wait3A = arith.constant 0 : i32
    %dma_wait3A_42 = arith.constant 0 : i32
    %dma_wait3A_43 = tpu.memref_slice %arg4[%dma_wait3A, %dma_wait3A_42] : memref<10240x80xf32, #tpu.memory_space<hbm>> -> memref<10240x80xf32, #tpu.memory_space<hbm>>
    tpu.wait_indirect_dma semaphore(%arg16 : memref<!tpu.dma_semaphore, #tpu.memory_space<semaphore_mem>>) src(%dma_wait3A_43 : memref<10240x80xf32, #tpu.memory_space<hbm>>) dst(%arg11 : memref<112x80xf32, #tpu.memory_space<vmem>>)
    %dma_wait3A_44 = arith.constant 0 : i32
    %dma_wait3A_45 = arith.constant 0 : i32
    %dma_wait3A_46 = tpu.memref_slice %arg5[%dma_wait3A_44, %dma_wait3A_45] : memref<10240x16xf32, #tpu.memory_space<hbm>> -> memref<10240x16xf32, #tpu.memory_space<hbm>>
    tpu.wait_indirect_dma semaphore(%arg16 : memref<!tpu.dma_semaphore, #tpu.memory_space<semaphore_mem>>) src(%dma_wait3A_46 : memref<10240x16xf32, #tpu.memory_space<hbm>>) dst(%arg13 : memref<112x16xf32, #tpu.memory_space<vmem>>)
    %barrier3A_47 = arith.constant 0 : index
    tpu.barrier barrier_id(%barrier3A_47)
    %add3A_48 = arith.constant 0 : i32
    %add3A_49 = arith.addi %mul3A_2, %add3A_48 : i32
    "tpu.region"() ({
      %run_scoped3A = tpu.sem_alloc : memref<!tpu.dma_semaphore, #tpu.memory_space<semaphore_mem>>
      %dma_start3A_80 = arith.constant 0 : i32
      %dma_start3A_81 = arith.constant 0 : i32
      %dma_start3A_82 = tpu.memref_slice %arg11[%dma_start3A_80, %dma_start3A_81] : memref<112x80xf32, #tpu.memory_space<vmem>> -> memref<80x80xf32, #tpu.memory_space<vmem>>
      %dma_start3A_83 = arith.constant 0 : i32
      %dma_start3A_84 = tpu.memref_slice %arg15[%add3A_49, %dma_start3A_83] : memref<10240x80xf32, #tpu.memory_space<vmem_shared>> -> memref<80x80xf32, #tpu.memory_space<vmem_shared>>
      %dma_start3A_85 = arith.constant 0 : i32
      %dma_start3A_86 = arith.constant 0 : i32
      %dma_start3A_87 = tpu.memref_slice %arg11[%dma_start3A_85, %dma_start3A_86] : memref<112x80xf32, #tpu.memory_space<vmem>> -> memref<80x80xf32, #tpu.memory_space<vmem>>
      %dma_start3A_88 = arith.constant 0 : i32
      %dma_start3A_89 = tpu.memref_slice %arg15[%add3A_49, %dma_start3A_88] : memref<10240x80xf32, #tpu.memory_space<vmem_shared>> -> memref<80x80xf32, #tpu.memory_space<vmem_shared>>
      tpu.enqueue_dma source(%dma_start3A_89 : memref<80x80xf32, #tpu.memory_space<vmem_shared>>) target(%dma_start3A_87 : memref<80x80xf32, #tpu.memory_space<vmem>>) target_semaphore(%run_scoped3A : memref<!tpu.dma_semaphore, #tpu.memory_space<semaphore_mem>>)
      %dma_wait3A_90 = arith.constant 0 : i32
      %dma_wait3A_91 = arith.constant 0 : i32
      %dma_wait3A_92 = tpu.memref_slice %arg11[%dma_wait3A_90, %dma_wait3A_91] : memref<112x80xf32, #tpu.memory_space<vmem>> -> memref<80x80xf32, #tpu.memory_space<vmem>>
      %dma_wait3A_93 = arith.constant 0 : i32
      %dma_wait3A_94 = tpu.memref_slice %arg15[%add3A_49, %dma_wait3A_93] : memref<10240x80xf32, #tpu.memory_space<vmem_shared>> -> memref<80x80xf32, #tpu.memory_space<vmem_shared>>
      %dma_wait3A_95 = arith.constant 0 : i32
      %dma_wait3A_96 = arith.constant 0 : i32
      %dma_wait3A_97 = tpu.memref_slice %arg11[%dma_wait3A_95, %dma_wait3A_96] : memref<112x80xf32, #tpu.memory_space<vmem>> -> memref<80x80xf32, #tpu.memory_space<vmem>>
      %dma_wait3A_98 = arith.constant 0 : i32
      %dma_wait3A_99 = tpu.memref_slice %arg15[%add3A_49, %dma_wait3A_98] : memref<10240x80xf32, #tpu.memory_space<vmem_shared>> -> memref<80x80xf32, #tpu.memory_space<vmem_shared>>
      tpu.wait_dma2 semaphore(%run_scoped3A : memref<!tpu.dma_semaphore, #tpu.memory_space<semaphore_mem>>) src(%dma_wait3A_99 : memref<80x80xf32, #tpu.memory_space<vmem_shared>>) dst(%dma_wait3A_97 : memref<80x80xf32, #tpu.memory_space<vmem>>)
      tpu.yield
    }) : () -> ()
    %add3A_50 = arith.constant 0 : i32
    %add3A_51 = arith.addi %mul3A_2, %add3A_50 : i32
    "tpu.region"() ({
      %run_scoped3A = tpu.sem_alloc : memref<!tpu.dma_semaphore, #tpu.memory_space<semaphore_mem>>
      %dma_start3A_80 = arith.constant 0 : i32
      %dma_start3A_81 = arith.constant 0 : i32
      %dma_start3A_82 = tpu.memref_slice %arg11[%dma_start3A_80, %dma_start3A_81] : memref<112x80xf32, #tpu.memory_space<vmem>> -> memref<80x80xf32, #tpu.memory_space<vmem>>
      %dma_start3A_83 = arith.constant 0 : i32
      %dma_start3A_84 = tpu.memref_slice %arg6[%arg0, %add3A_51, %dma_start3A_83] : memref<2x10240x80xf32, #tpu.memory_space<hbm>> -> memref<1x80x80xf32, #tpu.memory_space<hbm>>
      %dma_start3A_85 = tpu.memref_squeeze %dma_start3A_84 : memref<1x80x80xf32, #tpu.memory_space<hbm>> -> memref<80x80xf32, #tpu.memory_space<hbm>>
      %dma_start3A_86 = arith.constant 0 : i32
      %dma_start3A_87 = tpu.memref_slice %arg6[%arg0, %add3A_51, %dma_start3A_86] : memref<2x10240x80xf32, #tpu.memory_space<hbm>> -> memref<1x80x80xf32, #tpu.memory_space<hbm>>
      %dma_start3A_88 = tpu.memref_squeeze %dma_start3A_87 : memref<1x80x80xf32, #tpu.memory_space<hbm>> -> memref<80x80xf32, #tpu.memory_space<hbm>>
      %dma_start3A_89 = arith.constant 0 : i32
      %dma_start3A_90 = arith.constant 0 : i32
      %dma_start3A_91 = tpu.memref_slice %arg11[%dma_start3A_89, %dma_start3A_90] : memref<112x80xf32, #tpu.memory_space<vmem>> -> memref<80x80xf32, #tpu.memory_space<vmem>>
      tpu.enqueue_dma source(%dma_start3A_91 : memref<80x80xf32, #tpu.memory_space<vmem>>) target(%dma_start3A_88 : memref<80x80xf32, #tpu.memory_space<hbm>>) target_semaphore(%run_scoped3A : memref<!tpu.dma_semaphore, #tpu.memory_space<semaphore_mem>>)
      %dma_wait3A_92 = arith.constant 0 : i32
      %dma_wait3A_93 = arith.constant 0 : i32
      %dma_wait3A_94 = tpu.memref_slice %arg11[%dma_wait3A_92, %dma_wait3A_93] : memref<112x80xf32, #tpu.memory_space<vmem>> -> memref<80x80xf32, #tpu.memory_space<vmem>>
      %dma_wait3A_95 = arith.constant 0 : i32
      %dma_wait3A_96 = tpu.memref_slice %arg6[%arg0, %add3A_51, %dma_wait3A_95] : memref<2x10240x80xf32, #tpu.memory_space<hbm>> -> memref<1x80x80xf32, #tpu.memory_space<hbm>>
      %dma_wait3A_97 = tpu.memref_squeeze %dma_wait3A_96 : memref<1x80x80xf32, #tpu.memory_space<hbm>> -> memref<80x80xf32, #tpu.memory_space<hbm>>
      %dma_wait3A_98 = arith.constant 0 : i32
      %dma_wait3A_99 = tpu.memref_slice %arg6[%arg0, %add3A_51, %dma_wait3A_98] : memref<2x10240x80xf32, #tpu.memory_space<hbm>> -> memref<1x80x80xf32, #tpu.memory_space<hbm>>
      %dma_wait3A_100 = tpu.memref_squeeze %dma_wait3A_99 : memref<1x80x80xf32, #tpu.memory_space<hbm>> -> memref<80x80xf32, #tpu.memory_space<hbm>>
      %dma_wait3A_101 = arith.constant 0 : i32
      %dma_wait3A_102 = arith.constant 0 : i32
      %dma_wait3A_103 = tpu.memref_slice %arg11[%dma_wait3A_101, %dma_wait3A_102] : memref<112x80xf32, #tpu.memory_space<vmem>> -> memref<80x80xf32, #tpu.memory_space<vmem>>
      tpu.wait_dma2 semaphore(%run_scoped3A : memref<!tpu.dma_semaphore, #tpu.memory_space<semaphore_mem>>) src(%dma_wait3A_103 : memref<80x80xf32, #tpu.memory_space<vmem>>) dst(%dma_wait3A_100 : memref<80x80xf32, #tpu.memory_space<hbm>>)
      tpu.yield
    }) : () -> ()
    %add3A_52 = arith.constant 80 : i32
    %add3A_53 = arith.addi %mul3A_2, %add3A_52 : i32
    "tpu.region"() ({
      %run_scoped3A = tpu.sem_alloc : memref<!tpu.dma_semaphore, #tpu.memory_space<semaphore_mem>>
      %dma_start3A_80 = arith.constant 0 : i32
      %dma_start3A_81 = arith.constant 0 : i32
      %dma_start3A_82 = tpu.memref_slice %arg11[%dma_start3A_80, %dma_start3A_81] : memref<112x80xf32, #tpu.memory_space<vmem>> -> memref<80x80xf32, #tpu.memory_space<vmem>>
      %dma_start3A_83 = arith.constant 0 : i32
      %dma_start3A_84 = tpu.memref_slice %arg15[%add3A_53, %dma_start3A_83] : memref<10240x80xf32, #tpu.memory_space<vmem_shared>> -> memref<80x80xf32, #tpu.memory_space<vmem_shared>>
      %dma_start3A_85 = arith.constant 0 : i32
      %dma_start3A_86 = arith.constant 0 : i32
      %dma_start3A_87 = tpu.memref_slice %arg11[%dma_start3A_85, %dma_start3A_86] : memref<112x80xf32, #tpu.memory_space<vmem>> -> memref<80x80xf32, #tpu.memory_space<vmem>>
      %dma_start3A_88 = arith.constant 0 : i32
      %dma_start3A_89 = tpu.memref_slice %arg15[%add3A_53, %dma_start3A_88] : memref<10240x80xf32, #tpu.memory_space<vmem_shared>> -> memref<80x80xf32, #tpu.memory_space<vmem_shared>>
      tpu.enqueue_dma source(%dma_start3A_89 : memref<80x80xf32, #tpu.memory_space<vmem_shared>>) target(%dma_start3A_87 : memref<80x80xf32, #tpu.memory_space<vmem>>) target_semaphore(%run_scoped3A : memref<!tpu.dma_semaphore, #tpu.memory_space<semaphore_mem>>)
      %dma_wait3A_90 = arith.constant 0 : i32
      %dma_wait3A_91 = arith.constant 0 : i32
      %dma_wait3A_92 = tpu.memref_slice %arg11[%dma_wait3A_90, %dma_wait3A_91] : memref<112x80xf32, #tpu.memory_space<vmem>> -> memref<80x80xf32, #tpu.memory_space<vmem>>
      %dma_wait3A_93 = arith.constant 0 : i32
      %dma_wait3A_94 = tpu.memref_slice %arg15[%add3A_53, %dma_wait3A_93] : memref<10240x80xf32, #tpu.memory_space<vmem_shared>> -> memref<80x80xf32, #tpu.memory_space<vmem_shared>>
      %dma_wait3A_95 = arith.constant 0 : i32
      %dma_wait3A_96 = arith.constant 0 : i32
      %dma_wait3A_97 = tpu.memref_slice %arg11[%dma_wait3A_95, %dma_wait3A_96] : memref<112x80xf32, #tpu.memory_space<vmem>> -> memref<80x80xf32, #tpu.memory_space<vmem>>
      %dma_wait3A_98 = arith.constant 0 : i32
      %dma_wait3A_99 = tpu.memref_slice %arg15[%add3A_53, %dma_wait3A_98] : memref<10240x80xf32, #tpu.memory_space<vmem_shared>> -> memref<80x80xf32, #tpu.memory_space<vmem_shared>>
      tpu.wait_dma2 semaphore(%run_scoped3A : memref<!tpu.dma_semaphore, #tpu.memory_space<semaphore_mem>>) src(%dma_wait3A_99 : memref<80x80xf32, #tpu.memory_space<vmem_shared>>) dst(%dma_wait3A_97 : memref<80x80xf32, #tpu.memory_space<vmem>>)
      tpu.yield
    }) : () -> ()
    %add3A_54 = arith.constant 80 : i32
    %add3A_55 = arith.addi %mul3A_2, %add3A_54 : i32
    "tpu.region"() ({
      %run_scoped3A = tpu.sem_alloc : memref<!tpu.dma_semaphore, #tpu.memory_space<semaphore_mem>>
      %dma_start3A_80 = arith.constant 0 : i32
      %dma_start3A_81 = arith.constant 0 : i32
      %dma_start3A_82 = tpu.memref_slice %arg11[%dma_start3A_80, %dma_start3A_81] : memref<112x80xf32, #tpu.memory_space<vmem>> -> memref<80x80xf32, #tpu.memory_space<vmem>>
      %dma_start3A_83 = arith.constant 0 : i32
      %dma_start3A_84 = tpu.memref_slice %arg6[%arg0, %add3A_55, %dma_start3A_83] : memref<2x10240x80xf32, #tpu.memory_space<hbm>> -> memref<1x80x80xf32, #tpu.memory_space<hbm>>
      %dma_start3A_85 = tpu.memref_squeeze %dma_start3A_84 : memref<1x80x80xf32, #tpu.memory_space<hbm>> -> memref<80x80xf32, #tpu.memory_space<hbm>>
      %dma_start3A_86 = arith.constant 0 : i32
      %dma_start3A_87 = tpu.memref_slice %arg6[%arg0, %add3A_55, %dma_start3A_86] : memref<2x10240x80xf32, #tpu.memory_space<hbm>> -> memref<1x80x80xf32, #tpu.memory_space<hbm>>
      %dma_start3A_88 = tpu.memref_squeeze %dma_start3A_87 : memref<1x80x80xf32, #tpu.memory_space<hbm>> -> memref<80x80xf32, #tpu.memory_space<hbm>>
      %dma_start3A_89 = arith.constant 0 : i32
      %dma_start3A_90 = arith.constant 0 : i32
      %dma_start3A_91 = tpu.memref_slice %arg11[%dma_start3A_89, %dma_start3A_90] : memref<112x80xf32, #tpu.memory_space<vmem>> -> memref<80x80xf32, #tpu.memory_space<vmem>>
      tpu.enqueue_dma source(%dma_start3A_91 : memref<80x80xf32, #tpu.memory_space<vmem>>) target(%dma_start3A_88 : memref<80x80xf32, #tpu.memory_space<hbm>>) target_semaphore(%run_scoped3A : memref<!tpu.dma_semaphore, #tpu.memory_space<semaphore_mem>>)
      %dma_wait3A_92 = arith.constant 0 : i32
      %dma_wait3A_93 = arith.constant 0 : i32
      %dma_wait3A_94 = tpu.memref_slice %arg11[%dma_wait3A_92, %dma_wait3A_93] : memref<112x80xf32, #tpu.memory_space<vmem>> -> memref<80x80xf32, #tpu.memory_space<vmem>>
      %dma_wait3A_95 = arith.constant 0 : i32
      %dma_wait3A_96 = tpu.memref_slice %arg6[%arg0, %add3A_55, %dma_wait3A_95] : memref<2x10240x80xf32, #tpu.memory_space<hbm>> -> memref<1x80x80xf32, #tpu.memory_space<hbm>>
      %dma_wait3A_97 = tpu.memref_squeeze %dma_wait3A_96 : memref<1x80x80xf32, #tpu.memory_space<hbm>> -> memref<80x80xf32, #tpu.memory_space<hbm>>
      %dma_wait3A_98 = arith.constant 0 : i32
      %dma_wait3A_99 = tpu.memref_slice %arg6[%arg0, %add3A_55, %dma_wait3A_98] : memref<2x10240x80xf32, #tpu.memory_space<hbm>> -> memref<1x80x80xf32, #tpu.memory_space<hbm>>
      %dma_wait3A_100 = tpu.memref_squeeze %dma_wait3A_99 : memref<1x80x80xf32, #tpu.memory_space<hbm>> -> memref<80x80xf32, #tpu.memory_space<hbm>>
      %dma_wait3A_101 = arith.constant 0 : i32
      %dma_wait3A_102 = arith.constant 0 : i32
      %dma_wait3A_103 = tpu.memref_slice %arg11[%dma_wait3A_101, %dma_wait3A_102] : memref<112x80xf32, #tpu.memory_space<vmem>> -> memref<80x80xf32, #tpu.memory_space<vmem>>
      tpu.wait_dma2 semaphore(%run_scoped3A : memref<!tpu.dma_semaphore, #tpu.memory_space<semaphore_mem>>) src(%dma_wait3A_103 : memref<80x80xf32, #tpu.memory_space<vmem>>) dst(%dma_wait3A_100 : memref<80x80xf32, #tpu.memory_space<hbm>>)
      tpu.yield
    }) : () -> ()
    %add3A_56 = arith.constant 160 : i32
    %add3A_57 = arith.addi %mul3A_2, %add3A_56 : i32
    "tpu.region"() ({
      %run_scoped3A = tpu.sem_alloc : memref<!tpu.dma_semaphore, #tpu.memory_space<semaphore_mem>>
      %dma_start3A_80 = arith.constant 0 : i32
      %dma_start3A_81 = arith.constant 0 : i32
      %dma_start3A_82 = tpu.memref_slice %arg11[%dma_start3A_80, %dma_start3A_81] : memref<112x80xf32, #tpu.memory_space<vmem>> -> memref<80x80xf32, #tpu.memory_space<vmem>>
      %dma_start3A_83 = arith.constant 0 : i32
      %dma_start3A_84 = tpu.memref_slice %arg15[%add3A_57, %dma_start3A_83] : memref<10240x80xf32, #tpu.memory_space<vmem_shared>> -> memref<80x80xf32, #tpu.memory_space<vmem_shared>>
      %dma_start3A_85 = arith.constant 0 : i32
      %dma_start3A_86 = arith.constant 0 : i32
      %dma_start3A_87 = tpu.memref_slice %arg11[%dma_start3A_85, %dma_start3A_86] : memref<112x80xf32, #tpu.memory_space<vmem>> -> memref<80x80xf32, #tpu.memory_space<vmem>>
      %dma_start3A_88 = arith.constant 0 : i32
      %dma_start3A_89 = tpu.memref_slice %arg15[%add3A_57, %dma_start3A_88] : memref<10240x80xf32, #tpu.memory_space<vmem_shared>> -> memref<80x80xf32, #tpu.memory_space<vmem_shared>>
      tpu.enqueue_dma source(%dma_start3A_89 : memref<80x80xf32, #tpu.memory_space<vmem_shared>>) target(%dma_start3A_87 : memref<80x80xf32, #tpu.memory_space<vmem>>) target_semaphore(%run_scoped3A : memref<!tpu.dma_semaphore, #tpu.memory_space<semaphore_mem>>)
      %dma_wait3A_90 = arith.constant 0 : i32
      %dma_wait3A_91 = arith.constant 0 : i32
      %dma_wait3A_92 = tpu.memref_slice %arg11[%dma_wait3A_90, %dma_wait3A_91] : memref<112x80xf32, #tpu.memory_space<vmem>> -> memref<80x80xf32, #tpu.memory_space<vmem>>
      %dma_wait3A_93 = arith.constant 0 : i32
      %dma_wait3A_94 = tpu.memref_slice %arg15[%add3A_57, %dma_wait3A_93] : memref<10240x80xf32, #tpu.memory_space<vmem_shared>> -> memref<80x80xf32, #tpu.memory_space<vmem_shared>>
      %dma_wait3A_95 = arith.constant 0 : i32
      %dma_wait3A_96 = arith.constant 0 : i32
      %dma_wait3A_97 = tpu.memref_slice %arg11[%dma_wait3A_95, %dma_wait3A_96] : memref<112x80xf32, #tpu.memory_space<vmem>> -> memref<80x80xf32, #tpu.memory_space<vmem>>
      %dma_wait3A_98 = arith.constant 0 : i32
      %dma_wait3A_99 = tpu.memref_slice %arg15[%add3A_57, %dma_wait3A_98] : memref<10240x80xf32, #tpu.memory_space<vmem_shared>> -> memref<80x80xf32, #tpu.memory_space<vmem_shared>>
      tpu.wait_dma2 semaphore(%run_scoped3A : memref<!tpu.dma_semaphore, #tpu.memory_space<semaphore_mem>>) src(%dma_wait3A_99 : memref<80x80xf32, #tpu.memory_space<vmem_shared>>) dst(%dma_wait3A_97 : memref<80x80xf32, #tpu.memory_space<vmem>>)
      tpu.yield
    }) : () -> ()
    %add3A_58 = arith.constant 160 : i32
    %add3A_59 = arith.addi %mul3A_2, %add3A_58 : i32
    "tpu.region"() ({
      %run_scoped3A = tpu.sem_alloc : memref<!tpu.dma_semaphore, #tpu.memory_space<semaphore_mem>>
      %dma_start3A_80 = arith.constant 0 : i32
      %dma_start3A_81 = arith.constant 0 : i32
      %dma_start3A_82 = tpu.memref_slice %arg11[%dma_start3A_80, %dma_start3A_81] : memref<112x80xf32, #tpu.memory_space<vmem>> -> memref<80x80xf32, #tpu.memory_space<vmem>>
      %dma_start3A_83 = arith.constant 0 : i32
      %dma_start3A_84 = tpu.memref_slice %arg6[%arg0, %add3A_59, %dma_start3A_83] : memref<2x10240x80xf32, #tpu.memory_space<hbm>> -> memref<1x80x80xf32, #tpu.memory_space<hbm>>
      %dma_start3A_85 = tpu.memref_squeeze %dma_start3A_84 : memref<1x80x80xf32, #tpu.memory_space<hbm>> -> memref<80x80xf32, #tpu.memory_space<hbm>>
      %dma_start3A_86 = arith.constant 0 : i32
      %dma_start3A_87 = tpu.memref_slice %arg6[%arg0, %add3A_59, %dma_start3A_86] : memref<2x10240x80xf32, #tpu.memory_space<hbm>> -> memref<1x80x80xf32, #tpu.memory_space<hbm>>
      %dma_start3A_88 = tpu.memref_squeeze %dma_start3A_87 : memref<1x80x80xf32, #tpu.memory_space<hbm>> -> memref<80x80xf32, #tpu.memory_space<hbm>>
      %dma_start3A_89 = arith.constant 0 : i32
      %dma_start3A_90 = arith.constant 0 : i32
      %dma_start3A_91 = tpu.memref_slice %arg11[%dma_start3A_89, %dma_start3A_90] : memref<112x80xf32, #tpu.memory_space<vmem>> -> memref<80x80xf32, #tpu.memory_space<vmem>>
      tpu.enqueue_dma source(%dma_start3A_91 : memref<80x80xf32, #tpu.memory_space<vmem>>) target(%dma_start3A_88 : memref<80x80xf32, #tpu.memory_space<hbm>>) target_semaphore(%run_scoped3A : memref<!tpu.dma_semaphore, #tpu.memory_space<semaphore_mem>>)
      %dma_wait3A_92 = arith.constant 0 : i32
      %dma_wait3A_93 = arith.constant 0 : i32
      %dma_wait3A_94 = tpu.memref_slice %arg11[%dma_wait3A_92, %dma_wait3A_93] : memref<112x80xf32, #tpu.memory_space<vmem>> -> memref<80x80xf32, #tpu.memory_space<vmem>>
      %dma_wait3A_95 = arith.constant 0 : i32
      %dma_wait3A_96 = tpu.memref_slice %arg6[%arg0, %add3A_59, %dma_wait3A_95] : memref<2x10240x80xf32, #tpu.memory_space<hbm>> -> memref<1x80x80xf32, #tpu.memory_space<hbm>>
      %dma_wait3A_97 = tpu.memref_squeeze %dma_wait3A_96 : memref<1x80x80xf32, #tpu.memory_space<hbm>> -> memref<80x80xf32, #tpu.memory_space<hbm>>
      %dma_wait3A_98 = arith.constant 0 : i32
      %dma_wait3A_99 = tpu.memref_slice %arg6[%arg0, %add3A_59, %dma_wait3A_98] : memref<2x10240x80xf32, #tpu.memory_space<hbm>> -> memref<1x80x80xf32, #tpu.memory_space<hbm>>
      %dma_wait3A_100 = tpu.memref_squeeze %dma_wait3A_99 : memref<1x80x80xf32, #tpu.memory_space<hbm>> -> memref<80x80xf32, #tpu.memory_space<hbm>>
      %dma_wait3A_101 = arith.constant 0 : i32
      %dma_wait3A_102 = arith.constant 0 : i32
      %dma_wait3A_103 = tpu.memref_slice %arg11[%dma_wait3A_101, %dma_wait3A_102] : memref<112x80xf32, #tpu.memory_space<vmem>> -> memref<80x80xf32, #tpu.memory_space<vmem>>
      tpu.wait_dma2 semaphore(%run_scoped3A : memref<!tpu.dma_semaphore, #tpu.memory_space<semaphore_mem>>) src(%dma_wait3A_103 : memref<80x80xf32, #tpu.memory_space<vmem>>) dst(%dma_wait3A_100 : memref<80x80xf32, #tpu.memory_space<hbm>>)
      tpu.yield
    }) : () -> ()
    %add3A_60 = arith.constant 240 : i32
    %add3A_61 = arith.addi %mul3A_2, %add3A_60 : i32
    "tpu.region"() ({
      %run_scoped3A = tpu.sem_alloc : memref<!tpu.dma_semaphore, #tpu.memory_space<semaphore_mem>>
      %dma_start3A_80 = arith.constant 0 : i32
      %dma_start3A_81 = arith.constant 0 : i32
      %dma_start3A_82 = tpu.memref_slice %arg11[%dma_start3A_80, %dma_start3A_81] : memref<112x80xf32, #tpu.memory_space<vmem>> -> memref<80x80xf32, #tpu.memory_space<vmem>>
      %dma_start3A_83 = arith.constant 0 : i32
      %dma_start3A_84 = tpu.memref_slice %arg15[%add3A_61, %dma_start3A_83] : memref<10240x80xf32, #tpu.memory_space<vmem_shared>> -> memref<80x80xf32, #tpu.memory_space<vmem_shared>>
      %dma_start3A_85 = arith.constant 0 : i32
      %dma_start3A_86 = arith.constant 0 : i32
      %dma_start3A_87 = tpu.memref_slice %arg11[%dma_start3A_85, %dma_start3A_86] : memref<112x80xf32, #tpu.memory_space<vmem>> -> memref<80x80xf32, #tpu.memory_space<vmem>>
      %dma_start3A_88 = arith.constant 0 : i32
      %dma_start3A_89 = tpu.memref_slice %arg15[%add3A_61, %dma_start3A_88] : memref<10240x80xf32, #tpu.memory_space<vmem_shared>> -> memref<80x80xf32, #tpu.memory_space<vmem_shared>>
      tpu.enqueue_dma source(%dma_start3A_89 : memref<80x80xf32, #tpu.memory_space<vmem_shared>>) target(%dma_start3A_87 : memref<80x80xf32, #tpu.memory_space<vmem>>) target_semaphore(%run_scoped3A : memref<!tpu.dma_semaphore, #tpu.memory_space<semaphore_mem>>)
      %dma_wait3A_90 = arith.constant 0 : i32
      %dma_wait3A_91 = arith.constant 0 : i32
      %dma_wait3A_92 = tpu.memref_slice %arg11[%dma_wait3A_90, %dma_wait3A_91] : memref<112x80xf32, #tpu.memory_space<vmem>> -> memref<80x80xf32, #tpu.memory_space<vmem>>
      %dma_wait3A_93 = arith.constant 0 : i32
      %dma_wait3A_94 = tpu.memref_slice %arg15[%add3A_61, %dma_wait3A_93] : memref<10240x80xf32, #tpu.memory_space<vmem_shared>> -> memref<80x80xf32, #tpu.memory_space<vmem_shared>>
      %dma_wait3A_95 = arith.constant 0 : i32
      %dma_wait3A_96 = arith.constant 0 : i32
      %dma_wait3A_97 = tpu.memref_slice %arg11[%dma_wait3A_95, %dma_wait3A_96] : memref<112x80xf32, #tpu.memory_space<vmem>> -> memref<80x80xf32, #tpu.memory_space<vmem>>
      %dma_wait3A_98 = arith.constant 0 : i32
      %dma_wait3A_99 = tpu.memref_slice %arg15[%add3A_61, %dma_wait3A_98] : memref<10240x80xf32, #tpu.memory_space<vmem_shared>> -> memref<80x80xf32, #tpu.memory_space<vmem_shared>>
      tpu.wait_dma2 semaphore(%run_scoped3A : memref<!tpu.dma_semaphore, #tpu.memory_space<semaphore_mem>>) src(%dma_wait3A_99 : memref<80x80xf32, #tpu.memory_space<vmem_shared>>) dst(%dma_wait3A_97 : memref<80x80xf32, #tpu.memory_space<vmem>>)
      tpu.yield
    }) : () -> ()
    %add3A_62 = arith.constant 240 : i32
    %add3A_63 = arith.addi %mul3A_2, %add3A_62 : i32
    "tpu.region"() ({
      %run_scoped3A = tpu.sem_alloc : memref<!tpu.dma_semaphore, #tpu.memory_space<semaphore_mem>>
      %dma_start3A_80 = arith.constant 0 : i32
      %dma_start3A_81 = arith.constant 0 : i32
      %dma_start3A_82 = tpu.memref_slice %arg11[%dma_start3A_80, %dma_start3A_81] : memref<112x80xf32, #tpu.memory_space<vmem>> -> memref<80x80xf32, #tpu.memory_space<vmem>>
      %dma_start3A_83 = arith.constant 0 : i32
      %dma_start3A_84 = tpu.memref_slice %arg6[%arg0, %add3A_63, %dma_start3A_83] : memref<2x10240x80xf32, #tpu.memory_space<hbm>> -> memref<1x80x80xf32, #tpu.memory_space<hbm>>
      %dma_start3A_85 = tpu.memref_squeeze %dma_start3A_84 : memref<1x80x80xf32, #tpu.memory_space<hbm>> -> memref<80x80xf32, #tpu.memory_space<hbm>>
      %dma_start3A_86 = arith.constant 0 : i32
      %dma_start3A_87 = tpu.memref_slice %arg6[%arg0, %add3A_63, %dma_start3A_86] : memref<2x10240x80xf32, #tpu.memory_space<hbm>> -> memref<1x80x80xf32, #tpu.memory_space<hbm>>
      %dma_start3A_88 = tpu.memref_squeeze %dma_start3A_87 : memref<1x80x80xf32, #tpu.memory_space<hbm>> -> memref<80x80xf32, #tpu.memory_space<hbm>>
      %dma_start3A_89 = arith.constant 0 : i32
      %dma_start3A_90 = arith.constant 0 : i32
      %dma_start3A_91 = tpu.memref_slice %arg11[%dma_start3A_89, %dma_start3A_90] : memref<112x80xf32, #tpu.memory_space<vmem>> -> memref<80x80xf32, #tpu.memory_space<vmem>>
      tpu.enqueue_dma source(%dma_start3A_91 : memref<80x80xf32, #tpu.memory_space<vmem>>) target(%dma_start3A_88 : memref<80x80xf32, #tpu.memory_space<hbm>>) target_semaphore(%run_scoped3A : memref<!tpu.dma_semaphore, #tpu.memory_space<semaphore_mem>>)
      %dma_wait3A_92 = arith.constant 0 : i32
      %dma_wait3A_93 = arith.constant 0 : i32
      %dma_wait3A_94 = tpu.memref_slice %arg11[%dma_wait3A_92, %dma_wait3A_93] : memref<112x80xf32, #tpu.memory_space<vmem>> -> memref<80x80xf32, #tpu.memory_space<vmem>>
      %dma_wait3A_95 = arith.constant 0 : i32
      %dma_wait3A_96 = tpu.memref_slice %arg6[%arg0, %add3A_63, %dma_wait3A_95] : memref<2x10240x80xf32, #tpu.memory_space<hbm>> -> memref<1x80x80xf32, #tpu.memory_space<hbm>>
      %dma_wait3A_97 = tpu.memref_squeeze %dma_wait3A_96 : memref<1x80x80xf32, #tpu.memory_space<hbm>> -> memref<80x80xf32, #tpu.memory_space<hbm>>
      %dma_wait3A_98 = arith.constant 0 : i32
      %dma_wait3A_99 = tpu.memref_slice %arg6[%arg0, %add3A_63, %dma_wait3A_98] : memref<2x10240x80xf32, #tpu.memory_space<hbm>> -> memref<1x80x80xf32, #tpu.memory_space<hbm>>
      %dma_wait3A_100 = tpu.memref_squeeze %dma_wait3A_99 : memref<1x80x80xf32, #tpu.memory_space<hbm>> -> memref<80x80xf32, #tpu.memory_space<hbm>>
      %dma_wait3A_101 = arith.constant 0 : i32
      %dma_wait3A_102 = arith.constant 0 : i32
      %dma_wait3A_103 = tpu.memref_slice %arg11[%dma_wait3A_101, %dma_wait3A_102] : memref<112x80xf32, #tpu.memory_space<vmem>> -> memref<80x80xf32, #tpu.memory_space<vmem>>
      tpu.wait_dma2 semaphore(%run_scoped3A : memref<!tpu.dma_semaphore, #tpu.memory_space<semaphore_mem>>) src(%dma_wait3A_103 : memref<80x80xf32, #tpu.memory_space<vmem>>) dst(%dma_wait3A_100 : memref<80x80xf32, #tpu.memory_space<hbm>>)
      tpu.yield
    }) : () -> ()
    %add3A_64 = arith.constant 320 : i32
    %add3A_65 = arith.addi %mul3A_2, %add3A_64 : i32
    "tpu.region"() ({
      %run_scoped3A = tpu.sem_alloc : memref<!tpu.dma_semaphore, #tpu.memory_space<semaphore_mem>>
      %dma_start3A_80 = arith.constant 0 : i32
      %dma_start3A_81 = arith.constant 0 : i32
      %dma_start3A_82 = tpu.memref_slice %arg11[%dma_start3A_80, %dma_start3A_81] : memref<112x80xf32, #tpu.memory_space<vmem>> -> memref<80x80xf32, #tpu.memory_space<vmem>>
      %dma_start3A_83 = arith.constant 0 : i32
      %dma_start3A_84 = tpu.memref_slice %arg15[%add3A_65, %dma_start3A_83] : memref<10240x80xf32, #tpu.memory_space<vmem_shared>> -> memref<80x80xf32, #tpu.memory_space<vmem_shared>>
      %dma_start3A_85 = arith.constant 0 : i32
      %dma_start3A_86 = arith.constant 0 : i32
      %dma_start3A_87 = tpu.memref_slice %arg11[%dma_start3A_85, %dma_start3A_86] : memref<112x80xf32, #tpu.memory_space<vmem>> -> memref<80x80xf32, #tpu.memory_space<vmem>>
      %dma_start3A_88 = arith.constant 0 : i32
      %dma_start3A_89 = tpu.memref_slice %arg15[%add3A_65, %dma_start3A_88] : memref<10240x80xf32, #tpu.memory_space<vmem_shared>> -> memref<80x80xf32, #tpu.memory_space<vmem_shared>>
      tpu.enqueue_dma source(%dma_start3A_89 : memref<80x80xf32, #tpu.memory_space<vmem_shared>>) target(%dma_start3A_87 : memref<80x80xf32, #tpu.memory_space<vmem>>) target_semaphore(%run_scoped3A : memref<!tpu.dma_semaphore, #tpu.memory_space<semaphore_mem>>)
      %dma_wait3A_90 = arith.constant 0 : i32
      %dma_wait3A_91 = arith.constant 0 : i32
      %dma_wait3A_92 = tpu.memref_slice %arg11[%dma_wait3A_90, %dma_wait3A_91] : memref<112x80xf32, #tpu.memory_space<vmem>> -> memref<80x80xf32, #tpu.memory_space<vmem>>
      %dma_wait3A_93 = arith.constant 0 : i32
      %dma_wait3A_94 = tpu.memref_slice %arg15[%add3A_65, %dma_wait3A_93] : memref<10240x80xf32, #tpu.memory_space<vmem_shared>> -> memref<80x80xf32, #tpu.memory_space<vmem_shared>>
      %dma_wait3A_95 = arith.constant 0 : i32
      %dma_wait3A_96 = arith.constant 0 : i32
      %dma_wait3A_97 = tpu.memref_slice %arg11[%dma_wait3A_95, %dma_wait3A_96] : memref<112x80xf32, #tpu.memory_space<vmem>> -> memref<80x80xf32, #tpu.memory_space<vmem>>
      %dma_wait3A_98 = arith.constant 0 : i32
      %dma_wait3A_99 = tpu.memref_slice %arg15[%add3A_65, %dma_wait3A_98] : memref<10240x80xf32, #tpu.memory_space<vmem_shared>> -> memref<80x80xf32, #tpu.memory_space<vmem_shared>>
      tpu.wait_dma2 semaphore(%run_scoped3A : memref<!tpu.dma_semaphore, #tpu.memory_space<semaphore_mem>>) src(%dma_wait3A_99 : memref<80x80xf32, #tpu.memory_space<vmem_shared>>) dst(%dma_wait3A_97 : memref<80x80xf32, #tpu.memory_space<vmem>>)
      tpu.yield
    }) : () -> ()
    %add3A_66 = arith.constant 320 : i32
    %add3A_67 = arith.addi %mul3A_2, %add3A_66 : i32
    "tpu.region"() ({
      %run_scoped3A = tpu.sem_alloc : memref<!tpu.dma_semaphore, #tpu.memory_space<semaphore_mem>>
      %dma_start3A_80 = arith.constant 0 : i32
      %dma_start3A_81 = arith.constant 0 : i32
      %dma_start3A_82 = tpu.memref_slice %arg11[%dma_start3A_80, %dma_start3A_81] : memref<112x80xf32, #tpu.memory_space<vmem>> -> memref<80x80xf32, #tpu.memory_space<vmem>>
      %dma_start3A_83 = arith.constant 0 : i32
      %dma_start3A_84 = tpu.memref_slice %arg6[%arg0, %add3A_67, %dma_start3A_83] : memref<2x10240x80xf32, #tpu.memory_space<hbm>> -> memref<1x80x80xf32, #tpu.memory_space<hbm>>
      %dma_start3A_85 = tpu.memref_squeeze %dma_start3A_84 : memref<1x80x80xf32, #tpu.memory_space<hbm>> -> memref<80x80xf32, #tpu.memory_space<hbm>>
      %dma_start3A_86 = arith.constant 0 : i32
      %dma_start3A_87 = tpu.memref_slice %arg6[%arg0, %add3A_67, %dma_start3A_86] : memref<2x10240x80xf32, #tpu.memory_space<hbm>> -> memref<1x80x80xf32, #tpu.memory_space<hbm>>
      %dma_start3A_88 = tpu.memref_squeeze %dma_start3A_87 : memref<1x80x80xf32, #tpu.memory_space<hbm>> -> memref<80x80xf32, #tpu.memory_space<hbm>>
      %dma_start3A_89 = arith.constant 0 : i32
      %dma_start3A_90 = arith.constant 0 : i32
      %dma_start3A_91 = tpu.memref_slice %arg11[%dma_start3A_89, %dma_start3A_90] : memref<112x80xf32, #tpu.memory_space<vmem>> -> memref<80x80xf32, #tpu.memory_space<vmem>>
      tpu.enqueue_dma source(%dma_start3A_91 : memref<80x80xf32, #tpu.memory_space<vmem>>) target(%dma_start3A_88 : memref<80x80xf32, #tpu.memory_space<hbm>>) target_semaphore(%run_scoped3A : memref<!tpu.dma_semaphore, #tpu.memory_space<semaphore_mem>>)
      %dma_wait3A_92 = arith.constant 0 : i32
      %dma_wait3A_93 = arith.constant 0 : i32
      %dma_wait3A_94 = tpu.memref_slice %arg11[%dma_wait3A_92, %dma_wait3A_93] : memref<112x80xf32, #tpu.memory_space<vmem>> -> memref<80x80xf32, #tpu.memory_space<vmem>>
      %dma_wait3A_95 = arith.constant 0 : i32
      %dma_wait3A_96 = tpu.memref_slice %arg6[%arg0, %add3A_67, %dma_wait3A_95] : memref<2x10240x80xf32, #tpu.memory_space<hbm>> -> memref<1x80x80xf32, #tpu.memory_space<hbm>>
      %dma_wait3A_97 = tpu.memref_squeeze %dma_wait3A_96 : memref<1x80x80xf32, #tpu.memory_space<hbm>> -> memref<80x80xf32, #tpu.memory_space<hbm>>
      %dma_wait3A_98 = arith.constant 0 : i32
      %dma_wait3A_99 = tpu.memref_slice %arg6[%arg0, %add3A_67, %dma_wait3A_98] : memref<2x10240x80xf32, #tpu.memory_space<hbm>> -> memref<1x80x80xf32, #tpu.memory_space<hbm>>
      %dma_wait3A_100 = tpu.memref_squeeze %dma_wait3A_99 : memref<1x80x80xf32, #tpu.memory_space<hbm>> -> memref<80x80xf32, #tpu.memory_space<hbm>>
      %dma_wait3A_101 = arith.constant 0 : i32
      %dma_wait3A_102 = arith.constant 0 : i32
      %dma_wait3A_103 = tpu.memref_slice %arg11[%dma_wait3A_101, %dma_wait3A_102] : memref<112x80xf32, #tpu.memory_space<vmem>> -> memref<80x80xf32, #tpu.memory_space<vmem>>
      tpu.wait_dma2 semaphore(%run_scoped3A : memref<!tpu.dma_semaphore, #tpu.memory_space<semaphore_mem>>) src(%dma_wait3A_103 : memref<80x80xf32, #tpu.memory_space<vmem>>) dst(%dma_wait3A_100 : memref<80x80xf32, #tpu.memory_space<hbm>>)
      tpu.yield
    }) : () -> ()
    %add3A_68 = arith.constant 400 : i32
    %add3A_69 = arith.addi %mul3A_2, %add3A_68 : i32
    "tpu.region"() ({
      %run_scoped3A = tpu.sem_alloc : memref<!tpu.dma_semaphore, #tpu.memory_space<semaphore_mem>>
      %dma_start3A_80 = arith.constant 0 : i32
      %dma_start3A_81 = arith.constant 0 : i32
      %dma_start3A_82 = tpu.memref_slice %arg11[%dma_start3A_80, %dma_start3A_81] : memref<112x80xf32, #tpu.memory_space<vmem>> -> memref<80x80xf32, #tpu.memory_space<vmem>>
      %dma_start3A_83 = arith.constant 0 : i32
      %dma_start3A_84 = tpu.memref_slice %arg15[%add3A_69, %dma_start3A_83] : memref<10240x80xf32, #tpu.memory_space<vmem_shared>> -> memref<80x80xf32, #tpu.memory_space<vmem_shared>>
      %dma_start3A_85 = arith.constant 0 : i32
      %dma_start3A_86 = arith.constant 0 : i32
      %dma_start3A_87 = tpu.memref_slice %arg11[%dma_start3A_85, %dma_start3A_86] : memref<112x80xf32, #tpu.memory_space<vmem>> -> memref<80x80xf32, #tpu.memory_space<vmem>>
      %dma_start3A_88 = arith.constant 0 : i32
      %dma_start3A_89 = tpu.memref_slice %arg15[%add3A_69, %dma_start3A_88] : memref<10240x80xf32, #tpu.memory_space<vmem_shared>> -> memref<80x80xf32, #tpu.memory_space<vmem_shared>>
      tpu.enqueue_dma source(%dma_start3A_89 : memref<80x80xf32, #tpu.memory_space<vmem_shared>>) target(%dma_start3A_87 : memref<80x80xf32, #tpu.memory_space<vmem>>) target_semaphore(%run_scoped3A : memref<!tpu.dma_semaphore, #tpu.memory_space<semaphore_mem>>)
      %dma_wait3A_90 = arith.constant 0 : i32
      %dma_wait3A_91 = arith.constant 0 : i32
      %dma_wait3A_92 = tpu.memref_slice %arg11[%dma_wait3A_90, %dma_wait3A_91] : memref<112x80xf32, #tpu.memory_space<vmem>> -> memref<80x80xf32, #tpu.memory_space<vmem>>
      %dma_wait3A_93 = arith.constant 0 : i32
      %dma_wait3A_94 = tpu.memref_slice %arg15[%add3A_69, %dma_wait3A_93] : memref<10240x80xf32, #tpu.memory_space<vmem_shared>> -> memref<80x80xf32, #tpu.memory_space<vmem_shared>>
      %dma_wait3A_95 = arith.constant 0 : i32
      %dma_wait3A_96 = arith.constant 0 : i32
      %dma_wait3A_97 = tpu.memref_slice %arg11[%dma_wait3A_95, %dma_wait3A_96] : memref<112x80xf32, #tpu.memory_space<vmem>> -> memref<80x80xf32, #tpu.memory_space<vmem>>
      %dma_wait3A_98 = arith.constant 0 : i32
      %dma_wait3A_99 = tpu.memref_slice %arg15[%add3A_69, %dma_wait3A_98] : memref<10240x80xf32, #tpu.memory_space<vmem_shared>> -> memref<80x80xf32, #tpu.memory_space<vmem_shared>>
      tpu.wait_dma2 semaphore(%run_scoped3A : memref<!tpu.dma_semaphore, #tpu.memory_space<semaphore_mem>>) src(%dma_wait3A_99 : memref<80x80xf32, #tpu.memory_space<vmem_shared>>) dst(%dma_wait3A_97 : memref<80x80xf32, #tpu.memory_space<vmem>>)
      tpu.yield
    }) : () -> ()
    %add3A_70 = arith.constant 400 : i32
    %add3A_71 = arith.addi %mul3A_2, %add3A_70 : i32
    "tpu.region"() ({
      %run_scoped3A = tpu.sem_alloc : memref<!tpu.dma_semaphore, #tpu.memory_space<semaphore_mem>>
      %dma_start3A_80 = arith.constant 0 : i32
      %dma_start3A_81 = arith.constant 0 : i32
      %dma_start3A_82 = tpu.memref_slice %arg11[%dma_start3A_80, %dma_start3A_81] : memref<112x80xf32, #tpu.memory_space<vmem>> -> memref<80x80xf32, #tpu.memory_space<vmem>>
      %dma_start3A_83 = arith.constant 0 : i32
      %dma_start3A_84 = tpu.memref_slice %arg6[%arg0, %add3A_71, %dma_start3A_83] : memref<2x10240x80xf32, #tpu.memory_space<hbm>> -> memref<1x80x80xf32, #tpu.memory_space<hbm>>
      %dma_start3A_85 = tpu.memref_squeeze %dma_start3A_84 : memref<1x80x80xf32, #tpu.memory_space<hbm>> -> memref<80x80xf32, #tpu.memory_space<hbm>>
      %dma_start3A_86 = arith.constant 0 : i32
      %dma_start3A_87 = tpu.memref_slice %arg6[%arg0, %add3A_71, %dma_start3A_86] : memref<2x10240x80xf32, #tpu.memory_space<hbm>> -> memref<1x80x80xf32, #tpu.memory_space<hbm>>
      %dma_start3A_88 = tpu.memref_squeeze %dma_start3A_87 : memref<1x80x80xf32, #tpu.memory_space<hbm>> -> memref<80x80xf32, #tpu.memory_space<hbm>>
      %dma_start3A_89 = arith.constant 0 : i32
      %dma_start3A_90 = arith.constant 0 : i32
      %dma_start3A_91 = tpu.memref_slice %arg11[%dma_start3A_89, %dma_start3A_90] : memref<112x80xf32, #tpu.memory_space<vmem>> -> memref<80x80xf32, #tpu.memory_space<vmem>>
      tpu.enqueue_dma source(%dma_start3A_91 : memref<80x80xf32, #tpu.memory_space<vmem>>) target(%dma_start3A_88 : memref<80x80xf32, #tpu.memory_space<hbm>>) target_semaphore(%run_scoped3A : memref<!tpu.dma_semaphore, #tpu.memory_space<semaphore_mem>>)
      %dma_wait3A_92 = arith.constant 0 : i32
      %dma_wait3A_93 = arith.constant 0 : i32
      %dma_wait3A_94 = tpu.memref_slice %arg11[%dma_wait3A_92, %dma_wait3A_93] : memref<112x80xf32, #tpu.memory_space<vmem>> -> memref<80x80xf32, #tpu.memory_space<vmem>>
      %dma_wait3A_95 = arith.constant 0 : i32
      %dma_wait3A_96 = tpu.memref_slice %arg6[%arg0, %add3A_71, %dma_wait3A_95] : memref<2x10240x80xf32, #tpu.memory_space<hbm>> -> memref<1x80x80xf32, #tpu.memory_space<hbm>>
      %dma_wait3A_97 = tpu.memref_squeeze %dma_wait3A_96 : memref<1x80x80xf32, #tpu.memory_space<hbm>> -> memref<80x80xf32, #tpu.memory_space<hbm>>
      %dma_wait3A_98 = arith.constant 0 : i32
      %dma_wait3A_99 = tpu.memref_slice %arg6[%arg0, %add3A_71, %dma_wait3A_98] : memref<2x10240x80xf32, #tpu.memory_space<hbm>> -> memref<1x80x80xf32, #tpu.memory_space<hbm>>
      %dma_wait3A_100 = tpu.memref_squeeze %dma_wait3A_99 : memref<1x80x80xf32, #tpu.memory_space<hbm>> -> memref<80x80xf32, #tpu.memory_space<hbm>>
      %dma_wait3A_101 = arith.constant 0 : i32
      %dma_wait3A_102 = arith.constant 0 : i32
      %dma_wait3A_103 = tpu.memref_slice %arg11[%dma_wait3A_101, %dma_wait3A_102] : memref<112x80xf32, #tpu.memory_space<vmem>> -> memref<80x80xf32, #tpu.memory_space<vmem>>
      tpu.wait_dma2 semaphore(%run_scoped3A : memref<!tpu.dma_semaphore, #tpu.memory_space<semaphore_mem>>) src(%dma_wait3A_103 : memref<80x80xf32, #tpu.memory_space<vmem>>) dst(%dma_wait3A_100 : memref<80x80xf32, #tpu.memory_space<hbm>>)
      tpu.yield
    }) : () -> ()
    %add3A_72 = arith.constant 480 : i32
    %add3A_73 = arith.addi %mul3A_2, %add3A_72 : i32
    "tpu.region"() ({
      %run_scoped3A = tpu.sem_alloc : memref<!tpu.dma_semaphore, #tpu.memory_space<semaphore_mem>>
      %dma_start3A_80 = arith.constant 0 : i32
      %dma_start3A_81 = arith.constant 0 : i32
      %dma_start3A_82 = tpu.memref_slice %arg11[%dma_start3A_80, %dma_start3A_81] : memref<112x80xf32, #tpu.memory_space<vmem>> -> memref<80x80xf32, #tpu.memory_space<vmem>>
      %dma_start3A_83 = arith.constant 0 : i32
      %dma_start3A_84 = tpu.memref_slice %arg15[%add3A_73, %dma_start3A_83] : memref<10240x80xf32, #tpu.memory_space<vmem_shared>> -> memref<80x80xf32, #tpu.memory_space<vmem_shared>>
      %dma_start3A_85 = arith.constant 0 : i32
      %dma_start3A_86 = arith.constant 0 : i32
      %dma_start3A_87 = tpu.memref_slice %arg11[%dma_start3A_85, %dma_start3A_86] : memref<112x80xf32, #tpu.memory_space<vmem>> -> memref<80x80xf32, #tpu.memory_space<vmem>>
      %dma_start3A_88 = arith.constant 0 : i32
      %dma_start3A_89 = tpu.memref_slice %arg15[%add3A_73, %dma_start3A_88] : memref<10240x80xf32, #tpu.memory_space<vmem_shared>> -> memref<80x80xf32, #tpu.memory_space<vmem_shared>>
      tpu.enqueue_dma source(%dma_start3A_89 : memref<80x80xf32, #tpu.memory_space<vmem_shared>>) target(%dma_start3A_87 : memref<80x80xf32, #tpu.memory_space<vmem>>) target_semaphore(%run_scoped3A : memref<!tpu.dma_semaphore, #tpu.memory_space<semaphore_mem>>)
      %dma_wait3A_90 = arith.constant 0 : i32
      %dma_wait3A_91 = arith.constant 0 : i32
      %dma_wait3A_92 = tpu.memref_slice %arg11[%dma_wait3A_90, %dma_wait3A_91] : memref<112x80xf32, #tpu.memory_space<vmem>> -> memref<80x80xf32, #tpu.memory_space<vmem>>
      %dma_wait3A_93 = arith.constant 0 : i32
      %dma_wait3A_94 = tpu.memref_slice %arg15[%add3A_73, %dma_wait3A_93] : memref<10240x80xf32, #tpu.memory_space<vmem_shared>> -> memref<80x80xf32, #tpu.memory_space<vmem_shared>>
      %dma_wait3A_95 = arith.constant 0 : i32
      %dma_wait3A_96 = arith.constant 0 : i32
      %dma_wait3A_97 = tpu.memref_slice %arg11[%dma_wait3A_95, %dma_wait3A_96] : memref<112x80xf32, #tpu.memory_space<vmem>> -> memref<80x80xf32, #tpu.memory_space<vmem>>
      %dma_wait3A_98 = arith.constant 0 : i32
      %dma_wait3A_99 = tpu.memref_slice %arg15[%add3A_73, %dma_wait3A_98] : memref<10240x80xf32, #tpu.memory_space<vmem_shared>> -> memref<80x80xf32, #tpu.memory_space<vmem_shared>>
      tpu.wait_dma2 semaphore(%run_scoped3A : memref<!tpu.dma_semaphore, #tpu.memory_space<semaphore_mem>>) src(%dma_wait3A_99 : memref<80x80xf32, #tpu.memory_space<vmem_shared>>) dst(%dma_wait3A_97 : memref<80x80xf32, #tpu.memory_space<vmem>>)
      tpu.yield
    }) : () -> ()
    %add3A_74 = arith.constant 480 : i32
    %add3A_75 = arith.addi %mul3A_2, %add3A_74 : i32
    "tpu.region"() ({
      %run_scoped3A = tpu.sem_alloc : memref<!tpu.dma_semaphore, #tpu.memory_space<semaphore_mem>>
      %dma_start3A_80 = arith.constant 0 : i32
      %dma_start3A_81 = arith.constant 0 : i32
      %dma_start3A_82 = tpu.memref_slice %arg11[%dma_start3A_80, %dma_start3A_81] : memref<112x80xf32, #tpu.memory_space<vmem>> -> memref<80x80xf32, #tpu.memory_space<vmem>>
      %dma_start3A_83 = arith.constant 0 : i32
      %dma_start3A_84 = tpu.memref_slice %arg6[%arg0, %add3A_75, %dma_start3A_83] : memref<2x10240x80xf32, #tpu.memory_space<hbm>> -> memref<1x80x80xf32, #tpu.memory_space<hbm>>
      %dma_start3A_85 = tpu.memref_squeeze %dma_start3A_84 : memref<1x80x80xf32, #tpu.memory_space<hbm>> -> memref<80x80xf32, #tpu.memory_space<hbm>>
      %dma_start3A_86 = arith.constant 0 : i32
      %dma_start3A_87 = tpu.memref_slice %arg6[%arg0, %add3A_75, %dma_start3A_86] : memref<2x10240x80xf32, #tpu.memory_space<hbm>> -> memref<1x80x80xf32, #tpu.memory_space<hbm>>
      %dma_start3A_88 = tpu.memref_squeeze %dma_start3A_87 : memref<1x80x80xf32, #tpu.memory_space<hbm>> -> memref<80x80xf32, #tpu.memory_space<hbm>>
      %dma_start3A_89 = arith.constant 0 : i32
      %dma_start3A_90 = arith.constant 0 : i32
      %dma_start3A_91 = tpu.memref_slice %arg11[%dma_start3A_89, %dma_start3A_90] : memref<112x80xf32, #tpu.memory_space<vmem>> -> memref<80x80xf32, #tpu.memory_space<vmem>>
      tpu.enqueue_dma source(%dma_start3A_91 : memref<80x80xf32, #tpu.memory_space<vmem>>) target(%dma_start3A_88 : memref<80x80xf32, #tpu.memory_space<hbm>>) target_semaphore(%run_scoped3A : memref<!tpu.dma_semaphore, #tpu.memory_space<semaphore_mem>>)
      %dma_wait3A_92 = arith.constant 0 : i32
      %dma_wait3A_93 = arith.constant 0 : i32
      %dma_wait3A_94 = tpu.memref_slice %arg11[%dma_wait3A_92, %dma_wait3A_93] : memref<112x80xf32, #tpu.memory_space<vmem>> -> memref<80x80xf32, #tpu.memory_space<vmem>>
      %dma_wait3A_95 = arith.constant 0 : i32
      %dma_wait3A_96 = tpu.memref_slice %arg6[%arg0, %add3A_75, %dma_wait3A_95] : memref<2x10240x80xf32, #tpu.memory_space<hbm>> -> memref<1x80x80xf32, #tpu.memory_space<hbm>>
      %dma_wait3A_97 = tpu.memref_squeeze %dma_wait3A_96 : memref<1x80x80xf32, #tpu.memory_space<hbm>> -> memref<80x80xf32, #tpu.memory_space<hbm>>
      %dma_wait3A_98 = arith.constant 0 : i32
      %dma_wait3A_99 = tpu.memref_slice %arg6[%arg0, %add3A_75, %dma_wait3A_98] : memref<2x10240x80xf32, #tpu.memory_space<hbm>> -> memref<1x80x80xf32, #tpu.memory_space<hbm>>
      %dma_wait3A_100 = tpu.memref_squeeze %dma_wait3A_99 : memref<1x80x80xf32, #tpu.memory_space<hbm>> -> memref<80x80xf32, #tpu.memory_space<hbm>>
      %dma_wait3A_101 = arith.constant 0 : i32
      %dma_wait3A_102 = arith.constant 0 : i32
      %dma_wait3A_103 = tpu.memref_slice %arg11[%dma_wait3A_101, %dma_wait3A_102] : memref<112x80xf32, #tpu.memory_space<vmem>> -> memref<80x80xf32, #tpu.memory_space<vmem>>
      tpu.wait_dma2 semaphore(%run_scoped3A : memref<!tpu.dma_semaphore, #tpu.memory_space<semaphore_mem>>) src(%dma_wait3A_103 : memref<80x80xf32, #tpu.memory_space<vmem>>) dst(%dma_wait3A_100 : memref<80x80xf32, #tpu.memory_space<hbm>>)
      tpu.yield
    }) : () -> ()
    %add3A_76 = arith.constant 560 : i32
    %add3A_77 = arith.addi %mul3A_2, %add3A_76 : i32
    "tpu.region"() ({
      %run_scoped3A = tpu.sem_alloc : memref<!tpu.dma_semaphore, #tpu.memory_space<semaphore_mem>>
      %dma_start3A_80 = arith.constant 0 : i32
      %dma_start3A_81 = arith.constant 0 : i32
      %dma_start3A_82 = tpu.memref_slice %arg11[%dma_start3A_80, %dma_start3A_81] : memref<112x80xf32, #tpu.memory_space<vmem>> -> memref<80x80xf32, #tpu.memory_space<vmem>>
      %dma_start3A_83 = arith.constant 0 : i32
      %dma_start3A_84 = tpu.memref_slice %arg15[%add3A_77, %dma_start3A_83] : memref<10240x80xf32, #tpu.memory_space<vmem_shared>> -> memref<80x80xf32, #tpu.memory_space<vmem_shared>>
      %dma_start3A_85 = arith.constant 0 : i32
      %dma_start3A_86 = arith.constant 0 : i32
      %dma_start3A_87 = tpu.memref_slice %arg11[%dma_start3A_85, %dma_start3A_86] : memref<112x80xf32, #tpu.memory_space<vmem>> -> memref<80x80xf32, #tpu.memory_space<vmem>>
      %dma_start3A_88 = arith.constant 0 : i32
      %dma_start3A_89 = tpu.memref_slice %arg15[%add3A_77, %dma_start3A_88] : memref<10240x80xf32, #tpu.memory_space<vmem_shared>> -> memref<80x80xf32, #tpu.memory_space<vmem_shared>>
      tpu.enqueue_dma source(%dma_start3A_89 : memref<80x80xf32, #tpu.memory_space<vmem_shared>>) target(%dma_start3A_87 : memref<80x80xf32, #tpu.memory_space<vmem>>) target_semaphore(%run_scoped3A : memref<!tpu.dma_semaphore, #tpu.memory_space<semaphore_mem>>)
      %dma_wait3A_90 = arith.constant 0 : i32
      %dma_wait3A_91 = arith.constant 0 : i32
      %dma_wait3A_92 = tpu.memref_slice %arg11[%dma_wait3A_90, %dma_wait3A_91] : memref<112x80xf32, #tpu.memory_space<vmem>> -> memref<80x80xf32, #tpu.memory_space<vmem>>
      %dma_wait3A_93 = arith.constant 0 : i32
      %dma_wait3A_94 = tpu.memref_slice %arg15[%add3A_77, %dma_wait3A_93] : memref<10240x80xf32, #tpu.memory_space<vmem_shared>> -> memref<80x80xf32, #tpu.memory_space<vmem_shared>>
      %dma_wait3A_95 = arith.constant 0 : i32
      %dma_wait3A_96 = arith.constant 0 : i32
      %dma_wait3A_97 = tpu.memref_slice %arg11[%dma_wait3A_95, %dma_wait3A_96] : memref<112x80xf32, #tpu.memory_space<vmem>> -> memref<80x80xf32, #tpu.memory_space<vmem>>
      %dma_wait3A_98 = arith.constant 0 : i32
      %dma_wait3A_99 = tpu.memref_slice %arg15[%add3A_77, %dma_wait3A_98] : memref<10240x80xf32, #tpu.memory_space<vmem_shared>> -> memref<80x80xf32, #tpu.memory_space<vmem_shared>>
      tpu.wait_dma2 semaphore(%run_scoped3A : memref<!tpu.dma_semaphore, #tpu.memory_space<semaphore_mem>>) src(%dma_wait3A_99 : memref<80x80xf32, #tpu.memory_space<vmem_shared>>) dst(%dma_wait3A_97 : memref<80x80xf32, #tpu.memory_space<vmem>>)
      tpu.yield
    }) : () -> ()
    %add3A_78 = arith.constant 560 : i32
    %add3A_79 = arith.addi %mul3A_2, %add3A_78 : i32
    "tpu.region"() ({
      %run_scoped3A = tpu.sem_alloc : memref<!tpu.dma_semaphore, #tpu.memory_space<semaphore_mem>>
      %dma_start3A_80 = arith.constant 0 : i32
      %dma_start3A_81 = arith.constant 0 : i32
      %dma_start3A_82 = tpu.memref_slice %arg11[%dma_start3A_80, %dma_start3A_81] : memref<112x80xf32, #tpu.memory_space<vmem>> -> memref<80x80xf32, #tpu.memory_space<vmem>>
      %dma_start3A_83 = arith.constant 0 : i32
      %dma_start3A_84 = tpu.memref_slice %arg6[%arg0, %add3A_79, %dma_start3A_83] : memref<2x10240x80xf32, #tpu.memory_space<hbm>> -> memref<1x80x80xf32, #tpu.memory_space<hbm>>
      %dma_start3A_85 = tpu.memref_squeeze %dma_start3A_84 : memref<1x80x80xf32, #tpu.memory_space<hbm>> -> memref<80x80xf32, #tpu.memory_space<hbm>>
      %dma_start3A_86 = arith.constant 0 : i32
      %dma_start3A_87 = tpu.memref_slice %arg6[%arg0, %add3A_79, %dma_start3A_86] : memref<2x10240x80xf32, #tpu.memory_space<hbm>> -> memref<1x80x80xf32, #tpu.memory_space<hbm>>
      %dma_start3A_88 = tpu.memref_squeeze %dma_start3A_87 : memref<1x80x80xf32, #tpu.memory_space<hbm>> -> memref<80x80xf32, #tpu.memory_space<hbm>>
      %dma_start3A_89 = arith.constant 0 : i32
      %dma_start3A_90 = arith.constant 0 : i32
      %dma_start3A_91 = tpu.memref_slice %arg11[%dma_start3A_89, %dma_start3A_90] : memref<112x80xf32, #tpu.memory_space<vmem>> -> memref<80x80xf32, #tpu.memory_space<vmem>>
      tpu.enqueue_dma source(%dma_start3A_91 : memref<80x80xf32, #tpu.memory_space<vmem>>) target(%dma_start3A_88 : memref<80x80xf32, #tpu.memory_space<hbm>>) target_semaphore(%run_scoped3A : memref<!tpu.dma_semaphore, #tpu.memory_space<semaphore_mem>>)
      %dma_wait3A_92 = arith.constant 0 : i32
      %dma_wait3A_93 = arith.constant 0 : i32
      %dma_wait3A_94 = tpu.memref_slice %arg11[%dma_wait3A_92, %dma_wait3A_93] : memref<112x80xf32, #tpu.memory_space<vmem>> -> memref<80x80xf32, #tpu.memory_space<vmem>>
      %dma_wait3A_95 = arith.constant 0 : i32
      %dma_wait3A_96 = tpu.memref_slice %arg6[%arg0, %add3A_79, %dma_wait3A_95] : memref<2x10240x80xf32, #tpu.memory_space<hbm>> -> memref<1x80x80xf32, #tpu.memory_space<hbm>>
      %dma_wait3A_97 = tpu.memref_squeeze %dma_wait3A_96 : memref<1x80x80xf32, #tpu.memory_space<hbm>> -> memref<80x80xf32, #tpu.memory_space<hbm>>
      %dma_wait3A_98 = arith.constant 0 : i32
      %dma_wait3A_99 = tpu.memref_slice %arg6[%arg0, %add3A_79, %dma_wait3A_98] : memref<2x10240x80xf32, #tpu.memory_space<hbm>> -> memref<1x80x80xf32, #tpu.memory_space<hbm>>
      %dma_wait3A_100 = tpu.memref_squeeze %dma_wait3A_99 : memref<1x80x80xf32, #tpu.memory_space<hbm>> -> memref<80x80xf32, #tpu.memory_space<hbm>>
      %dma_wait3A_101 = arith.constant 0 : i32
      %dma_wait3A_102 = arith.constant 0 : i32
      %dma_wait3A_103 = tpu.memref_slice %arg11[%dma_wait3A_101, %dma_wait3A_102] : memref<112x80xf32, #tpu.memory_space<vmem>> -> memref<80x80xf32, #tpu.memory_space<vmem>>
      tpu.wait_dma2 semaphore(%run_scoped3A : memref<!tpu.dma_semaphore, #tpu.memory_space<semaphore_mem>>) src(%dma_wait3A_103 : memref<80x80xf32, #tpu.memory_space<vmem>>) dst(%dma_wait3A_100 : memref<80x80xf32, #tpu.memory_space<hbm>>)
      tpu.yield
    }) : () -> ()
    return
  }
}

module attributes {stable_mosaic.version = 14 : i64} {
  func.func @_prep_a_body(%arg0: i32, %arg1: memref<1280x128xf32, #tpu.memory_space<vmem>>, %arg2: memref<128x128xf32, #tpu.memory_space<vmem>>, %arg3: memref<128x4xf32, #tpu.memory_space<vmem>>, %arg4: memref<128x4xf32, #tpu.memory_space<vmem>>, %arg5: memref<1280x128xf32, #tpu.memory_space<vmem>>, %arg6: memref<1280x4xf32, #tpu.memory_space<vmem>>, %arg7: memref<1280x4xf32, #tpu.memory_space<vmem>>, %arg8: memref<1x4xf32, #tpu.memory_space<vmem>>) attributes {dimension_semantics = [#tpu.dimension_semantics<arbitrary>], iteration_bounds = array<i64: 8>, scalar_prefetch = 0 : i64, scratch_operands = 0 : i64, tpu.core_type = #tpu.core_type<tc>, window_params = [{transform_indices = @transform_0, window_bounds = array<i64: 1280, 128>}, {pipeline_mode = #tpu.pipeline_mode<synchronous>, transform_indices = @transform_1, window_bounds = array<i64: 128, 128>}, {pipeline_mode = #tpu.pipeline_mode<synchronous>, transform_indices = @transform_2, window_bounds = array<i64: 128, 4>}, {pipeline_mode = #tpu.pipeline_mode<synchronous>, transform_indices = @transform_3, window_bounds = array<i64: 128, 4>}, {transform_indices = @transform_4, window_bounds = array<i64: 1280, 128>}, {transform_indices = @transform_5, window_bounds = array<i64: 1280, 4>}, {transform_indices = @transform_6, window_bounds = array<i64: 1280, 4>}, {pipeline_mode = #tpu.pipeline_mode<synchronous>, transform_indices = @transform_7, window_bounds = array<i64: 1, 4>}]} {
    %get3A = arith.constant 0 : index
    %get3A_0 = arith.constant 0 : index
    %get3A_1 = vector.load %arg1[%get3A, %get3A_0] : memref<1280x128xf32, #tpu.memory_space<vmem>>, vector<1280x128xf32>
    %get3A_2 = arith.constant 0 : index
    %get3A_3 = arith.constant 0 : index
    %get3A_4 = vector.load %arg2[%get3A_2, %get3A_3] : memref<128x128xf32, #tpu.memory_space<vmem>>, vector<128x128xf32>
    %dot_general3A = arith.constant dense<0.000000e+00> : vector<1280x128xf32>
    %dot_general3A_5 = tpu.matmul %get3A_1, %get3A_4, %dot_general3A {dimension_numbers = #tpu.dot_dimension_numbers<[1], [0], [0], [1], [0, 0, 1, 1], [], []>, transpose_lhs_hint = false} : vector<1280x128xf32>, vector<128x128xf32>, vector<1280x128xf32> -> vector<1280x128xf32>
    %get3A_6 = arith.constant 0 : index
    %get3A_7 = arith.constant 0 : index
    %get3A_8 = vector.load %arg3[%get3A_6, %get3A_7] : memref<128x4xf32, #tpu.memory_space<vmem>>, vector<128x4xf32>
    %dot_general3A_9 = arith.constant dense<0.000000e+00> : vector<1280x4xf32>
    %dot_general3A_10 = tpu.matmul %dot_general3A_5, %get3A_8, %dot_general3A_9 {dimension_numbers = #tpu.dot_dimension_numbers<[1], [0], [0], [1], [0, 0, 1, 1], [], []>, transpose_lhs_hint = false} : vector<1280x128xf32>, vector<128x4xf32>, vector<1280x4xf32> -> vector<1280x4xf32>
    %get3A_11 = arith.constant 0 : index
    %get3A_12 = arith.constant 0 : index
    %get3A_13 = vector.load %arg4[%get3A_11, %get3A_12] : memref<128x4xf32, #tpu.memory_space<vmem>>, vector<128x4xf32>
    %dot_general3A_14 = arith.constant dense<0.000000e+00> : vector<1280x4xf32>
    %dot_general3A_15 = tpu.matmul %dot_general3A_5, %get3A_13, %dot_general3A_14 {dimension_numbers = #tpu.dot_dimension_numbers<[1], [0], [0], [1], [0, 0, 1, 1], [], []>, transpose_lhs_hint = false} : vector<1280x128xf32>, vector<128x4xf32>, vector<1280x4xf32> -> vector<1280x4xf32>
    %swap3A = arith.constant 0 : index
    %swap3A_16 = arith.constant 0 : index
    %swap3A_17 = vector.load %arg5[%swap3A, %swap3A_16] : memref<1280x128xf32, #tpu.memory_space<vmem>>, vector<1280x128xf32>
    tpu.vector_store %arg5[%swap3A, %swap3A_16], %dot_general3A_5 {strides = array<i32>} : memref<1280x128xf32, #tpu.memory_space<vmem>>, vector<1280x128xf32>,
    %swap3A_18 = arith.constant 0 : index
    %swap3A_19 = arith.constant 0 : index
    %swap3A_20 = vector.load %arg6[%swap3A_18, %swap3A_19] : memref<1280x4xf32, #tpu.memory_space<vmem>>, vector<1280x4xf32>
    tpu.vector_store %arg6[%swap3A_18, %swap3A_19], %dot_general3A_10 {strides = array<i32>} : memref<1280x4xf32, #tpu.memory_space<vmem>>, vector<1280x4xf32>,
    %swap3A_21 = arith.constant 0 : index
    %swap3A_22 = arith.constant 0 : index
    %swap3A_23 = vector.load %arg7[%swap3A_21, %swap3A_22] : memref<1280x4xf32, #tpu.memory_space<vmem>>, vector<1280x4xf32>
    tpu.vector_store %arg7[%swap3A_21, %swap3A_22], %dot_general3A_15 {strides = array<i32>} : memref<1280x4xf32, #tpu.memory_space<vmem>>, vector<1280x4xf32>,
    %reduce_max3A = arith.constant dense<0xFF800000> : vector<4xf32>
    %reduce_max3A_24 = vector.multi_reduction <maximumf>, %dot_general3A_10, %reduce_max3A [0] : vector<1280x4xf32> to vector<4xf32>
    %broadcast_in_dim3A = vector.shape_cast %reduce_max3A_24 : vector<4xf32> to vector<1x4xf32>
    %eq3A = arith.constant 0 : i32
    %eq3A_25 = arith.cmpi eq, %arg0, %eq3A : i32
    %convert_element_type3A = arith.extui %eq3A_25 : i1 to i32
    %cond3A = arith.constant 0 : i32
    %cond3A_26 = arith.cmpi ne, %convert_element_type3A, %cond3A : i32
    scf.if %cond3A_26 {
      %swap3A_31 = arith.constant 0 : index
      %swap3A_32 = arith.constant 0 : index
      %swap3A_33 = vector.load %arg8[%swap3A_31, %swap3A_32] : memref<1x4xf32, #tpu.memory_space<vmem>>, vector<1x4xf32>
      tpu.vector_store %arg8[%swap3A_31, %swap3A_32], %broadcast_in_dim3A {strides = array<i32>} : memref<1x4xf32, #tpu.memory_space<vmem>>, vector<1x4xf32>,
    } else {
    }
    %gt3A = arith.constant 0 : i32
    %gt3A_27 = arith.cmpi sgt, %arg0, %gt3A : i32
    %convert_element_type3A_28 = arith.extui %gt3A_27 : i1 to i32
    %cond3A_29 = arith.constant 0 : i32
    %cond3A_30 = arith.cmpi ne, %convert_element_type3A_28, %cond3A_29 : i32
    scf.if %cond3A_30 {
      %get3A_31 = arith.constant 0 : index
      %get3A_32 = arith.constant 0 : index
      %get3A_33 = vector.load %arg8[%get3A_31, %get3A_32] : memref<1x4xf32, #tpu.memory_space<vmem>>, vector<1x4xf32>
      %max3A = arith.maximumf %get3A_33, %broadcast_in_dim3A : vector<1x4xf32>
      %swap3A_34 = arith.constant 0 : index
      %swap3A_35 = arith.constant 0 : index
      %swap3A_36 = vector.load %arg8[%swap3A_34, %swap3A_35] : memref<1x4xf32, #tpu.memory_space<vmem>>, vector<1x4xf32>
      tpu.vector_store %arg8[%swap3A_34, %swap3A_35], %max3A {strides = array<i32>} : memref<1x4xf32, #tpu.memory_space<vmem>>, vector<1x4xf32>,
    } else {
    }
    return
  }
  func.func @transform_0(%arg0: i32) -> (i32, i32) {
    %c0_i32 = arith.constant 0 : i32
    %c0_i32_0 = arith.constant 0 : i32
    return %arg0, %c0_i32 : i32, i32
  }
  func.func @transform_1(%arg0: i32) -> (i32, i32) {
    %c0_i32 = arith.constant 0 : i32
    %c0_i32_0 = arith.constant 0 : i32
    %c0_i32_1 = arith.constant 0 : i32
    return %c0_i32, %c0_i32_0 : i32, i32
  }
  func.func @transform_2(%arg0: i32) -> (i32, i32) {
    %c0_i32 = arith.constant 0 : i32
    %c0_i32_0 = arith.constant 0 : i32
    %c0_i32_1 = arith.constant 0 : i32
    return %c0_i32, %c0_i32_0 : i32, i32
  }
  func.func @transform_3(%arg0: i32) -> (i32, i32) {
    %c0_i32 = arith.constant 0 : i32
    %c0_i32_0 = arith.constant 0 : i32
    %c0_i32_1 = arith.constant 0 : i32
    return %c0_i32, %c0_i32_0 : i32, i32
  }
  func.func @transform_4(%arg0: i32) -> (i32, i32) {
    %c0_i32 = arith.constant 0 : i32
    %c0_i32_0 = arith.constant 0 : i32
    return %arg0, %c0_i32 : i32, i32
  }
  func.func @transform_5(%arg0: i32) -> (i32, i32) {
    %c0_i32 = arith.constant 0 : i32
    %c0_i32_0 = arith.constant 0 : i32
    return %arg0, %c0_i32 : i32, i32
  }
  func.func @transform_6(%arg0: i32) -> (i32, i32) {
    %c0_i32 = arith.constant 0 : i32
    %c0_i32_0 = arith.constant 0 : i32
    return %arg0, %c0_i32 : i32, i32
  }
  func.func @transform_7(%arg0: i32) -> (i32, i32) {
    %c0_i32 = arith.constant 0 : i32
    %c0_i32_0 = arith.constant 0 : i32
    %c0_i32_1 = arith.constant 0 : i32
    return %c0_i32, %c0_i32_0 : i32, i32
  }
}

module attributes {stable_mosaic.version = 14 : i64} {
  func.func @body(%arg0: i32, %arg1: memref<1280x128xf32, #tpu.memory_space<vmem>>, %arg2: memref<1280x4xf32, #tpu.memory_space<vmem>>, %arg3: memref<1280x4xf32, #tpu.memory_space<vmem>>, %arg4: memref<1x4xf32, #tpu.memory_space<vmem>>, %arg5: memref<1280x144xf32, #tpu.memory_space<vmem>>, %arg6: memref<1280x16xf32, #tpu.memory_space<vmem>>) attributes {dimension_semantics = [#tpu.dimension_semantics<arbitrary>], iteration_bounds = array<i64: 8>, scalar_prefetch = 0 : i64, scratch_operands = 0 : i64, tpu.core_type = #tpu.core_type<tc>, window_params = [{transform_indices = @transform_0, window_bounds = array<i64: 1280, 128>}, {transform_indices = @transform_1, window_bounds = array<i64: 1280, 4>}, {transform_indices = @transform_2, window_bounds = array<i64: 1280, 4>}, {pipeline_mode = #tpu.pipeline_mode<synchronous>, transform_indices = @transform_3, window_bounds = array<i64: 1, 4>}, {transform_indices = @transform_4, window_bounds = array<i64: 1280, 144>}, {transform_indices = @transform_5, window_bounds = array<i64: 1280, 16>}]} {
    %get3A = arith.constant 0 : index
    %get3A_0 = arith.constant 0 : index
    %get3A_1 = vector.load %arg3[%get3A, %get3A_0] : memref<1280x4xf32, #tpu.memory_space<vmem>>, vector<1280x4xf32>
    %get3A_2 = arith.constant 0 : index
    %get3A_3 = arith.constant 0 : index
    %get3A_4 = vector.load %arg4[%get3A_2, %get3A_3] : memref<1x4xf32, #tpu.memory_space<vmem>>, vector<1x4xf32>
    %add3A = vector.broadcast %get3A_4 : vector<1x4xf32> to vector<1280x4xf32>
    %add3A_5 = arith.addf %add3A, %get3A_1 : vector<1280x4xf32>
    %gt3A = arith.constant 0.000000e+00 : f32
    %gt3A_6 = vector.broadcast %gt3A : f32 to vector<1280x4xf32>
    %gt3A_7 = arith.cmpf ogt, %add3A_5, %gt3A_6 : vector<1280x4xf32>
    %mul3A = arith.constant 2.000000e-01 : f32
    %mul3A_8 = vector.broadcast %mul3A : f32 to vector<1280x4xf32>
    %mul3A_9 = arith.mulf %mul3A_8, %add3A_5 : vector<1280x4xf32>
    %select_n3A = arith.select %gt3A_7, %add3A_5, %mul3A_9 : vector<1280x4xi1>, vector<1280x4xf32>
    %broadcast_in_dim3A = arith.constant 0.000000e+00 : f32
    %broadcast_in_dim3A_10 = vector.broadcast %broadcast_in_dim3A : f32 to vector<1280x12xf32>
    %get3A_11 = arith.constant 0 : index
    %get3A_12 = arith.constant 0 : index
    %get3A_13 = vector.load %arg1[%get3A_11, %get3A_12] : memref<1280x128xf32, #tpu.memory_space<vmem>>, vector<1280x128xf32>
    %get3A_14 = arith.constant 0 : index
    %get3A_15 = arith.constant 0 : index
    %get3A_16 = vector.load %arg2[%get3A_14, %get3A_15] : memref<1280x4xf32, #tpu.memory_space<vmem>>, vector<1280x4xf32>
    %concatenate3A = tpu.concatenate %get3A_13, %get3A_16, %broadcast_in_dim3A_10 in 1 : vector<1280x128xf32>, vector<1280x4xf32>, vector<1280x12xf32> -> vector<1280x144xf32>
    %swap3A = arith.constant 0 : index
    %swap3A_17 = arith.constant 0 : index
    %swap3A_18 = vector.load %arg5[%swap3A, %swap3A_17] : memref<1280x144xf32, #tpu.memory_space<vmem>>, vector<1280x144xf32>
    tpu.vector_store %arg5[%swap3A, %swap3A_17], %concatenate3A {strides = array<i32>} : memref<1280x144xf32, #tpu.memory_space<vmem>>, vector<1280x144xf32>,
    %broadcast_in_dim3A_19 = arith.constant 0.000000e+00 : f32
    %broadcast_in_dim3A_20 = vector.broadcast %broadcast_in_dim3A_19 : f32 to vector<1280x8xf32>
    %concatenate3A_21 = tpu.concatenate %get3A_1, %select_n3A, %broadcast_in_dim3A_20 in 1 : vector<1280x4xf32>, vector<1280x4xf32>, vector<1280x8xf32> -> vector<1280x16xf32>
    %swap3A_22 = arith.constant 0 : index
    %swap3A_23 = arith.constant 0 : index
    %swap3A_24 = vector.load %arg6[%swap3A_22, %swap3A_23] : memref<1280x16xf32, #tpu.memory_space<vmem>>, vector<1280x16xf32>
    tpu.vector_store %arg6[%swap3A_22, %swap3A_23], %concatenate3A_21 {strides = array<i32>} : memref<1280x16xf32, #tpu.memory_space<vmem>>, vector<1280x16xf32>,
    return
  }
  func.func @transform_0(%arg0: i32) -> (i32, i32) {
    %c0_i32 = arith.constant 0 : i32
    %c0_i32_0 = arith.constant 0 : i32
    return %arg0, %c0_i32 : i32, i32
  }
  func.func @transform_1(%arg0: i32) -> (i32, i32) {
    %c0_i32 = arith.constant 0 : i32
    %c0_i32_0 = arith.constant 0 : i32
    return %arg0, %c0_i32 : i32, i32
  }
  func.func @transform_2(%arg0: i32) -> (i32, i32) {
    %c0_i32 = arith.constant 0 : i32
    %c0_i32_0 = arith.constant 0 : i32
    return %arg0, %c0_i32 : i32, i32
  }
  func.func @transform_3(%arg0: i32) -> (i32, i32) {
    %c0_i32 = arith.constant 0 : i32
    %c0_i32_0 = arith.constant 0 : i32
    %c0_i32_1 = arith.constant 0 : i32
    return %c0_i32, %c0_i32_0 : i32, i32
  }
  func.func @transform_4(%arg0: i32) -> (i32, i32) {
    %c0_i32 = arith.constant 0 : i32
    %c0_i32_0 = arith.constant 0 : i32
    return %arg0, %c0_i32 : i32, i32
  }
  func.func @transform_5(%arg0: i32) -> (i32, i32) {
    %c0_i32 = arith.constant 0 : i32
    %c0_i32_0 = arith.constant 0 : i32
    return %arg0, %c0_i32 : i32, i32
  }
}

module attributes {stable_mosaic.version = 14 : i64} {
  func.func @_mid_a_body(%arg0: i32, %arg1: memref<2x1280x144xf32, #tpu.memory_space<vmem>>, %arg2: memref<1x128xf32, #tpu.memory_space<vmem>>, %arg3: memref<4x128xf32, #tpu.memory_space<vmem>>, %arg4: memref<128x64xf32, #tpu.memory_space<vmem>>, %arg5: memref<64x1xf32, #tpu.memory_space<vmem>>, %arg6: memref<64x1xf32, #tpu.memory_space<vmem>>, %arg7: memref<1280x64xf32, #tpu.memory_space<vmem>>, %arg8: memref<1280x1xf32, #tpu.memory_space<vmem>>, %arg9: memref<1280x1xf32, #tpu.memory_space<vmem>>, %arg10: memref<1x1xf32, #tpu.memory_space<vmem>>) attributes {dimension_semantics = [#tpu.dimension_semantics<arbitrary>], iteration_bounds = array<i64: 8>, scalar_prefetch = 0 : i64, scratch_operands = 0 : i64, tpu.core_type = #tpu.core_type<tc>, window_params = [{transform_indices = @transform_0, window_bounds = array<i64: 2, 1280, 144>}, {pipeline_mode = #tpu.pipeline_mode<synchronous>, transform_indices = @transform_1, window_bounds = array<i64: 1, 128>}, {pipeline_mode = #tpu.pipeline_mode<synchronous>, transform_indices = @transform_2, window_bounds = array<i64: 4, 128>}, {pipeline_mode = #tpu.pipeline_mode<synchronous>, transform_indices = @transform_3, window_bounds = array<i64: 128, 64>}, {pipeline_mode = #tpu.pipeline_mode<synchronous>, transform_indices = @transform_4, window_bounds = array<i64: 64, 1>}, {pipeline_mode = #tpu.pipeline_mode<synchronous>, transform_indices = @transform_5, window_bounds = array<i64: 64, 1>}, {transform_indices = @transform_6, window_bounds = array<i64: 1280, 64>}, {transform_indices = @transform_7, window_bounds = array<i64: 1280, 1>}, {transform_indices = @transform_8, window_bounds = array<i64: 1280, 1>}, {pipeline_mode = #tpu.pipeline_mode<synchronous>, transform_indices = @transform_9, window_bounds = array<i64: 1, 1>}]} {
    %get3A = arith.constant 0 : index
    %get3A_0 = arith.constant 0 : index
    %get3A_1 = arith.constant 0 : index
    %get3A_2 = vector.load %arg1[%get3A, %get3A_0, %get3A_1] : memref<2x1280x144xf32, #tpu.memory_space<vmem>>, vector<1x1280x128xf32>
    %get3A_3 = vector.shape_cast %get3A_2 : vector<1x1280x128xf32> to vector<1280x128xf32>
    %get3A_4 = arith.constant 1 : index
    %get3A_5 = arith.constant 0 : index
    %get3A_6 = arith.constant 0 : index
    %get3A_7 = vector.load %arg1[%get3A_4, %get3A_5, %get3A_6] : memref<2x1280x144xf32, #tpu.memory_space<vmem>>, vector<1x1280x128xf32>
    %get3A_8 = vector.shape_cast %get3A_7 : vector<1x1280x128xf32> to vector<1280x128xf32>
    %add3A = arith.addf %get3A_3, %get3A_8 : vector<1280x128xf32>
    %get3A_9 = arith.constant 0 : index
    %get3A_10 = arith.constant 0 : index
    %get3A_11 = arith.constant 128 : index
    %get3A_12 = vector.load %arg1[%get3A_9, %get3A_10, %get3A_11] : memref<2x1280x144xf32, #tpu.memory_space<vmem>>, vector<1x1280x4xf32>
    %get3A_13 = vector.shape_cast %get3A_12 : vector<1x1280x4xf32> to vector<1280x4xf32>
    %get3A_14 = arith.constant 1 : index
    %get3A_15 = arith.constant 0 : index
    %get3A_16 = arith.constant 128 : index
    %get3A_17 = vector.load %arg1[%get3A_14, %get3A_15, %get3A_16] : memref<2x1280x144xf32, #tpu.memory_space<vmem>>, vector<1x1280x4xf32>
    %get3A_18 = vector.shape_cast %get3A_17 : vector<1x1280x4xf32> to vector<1280x4xf32>
    %add3A_19 = arith.addf %get3A_13, %get3A_18 : vector<1280x4xf32>
    %add3A_20 = arith.constant 1.000000e-16 : f32
    %add3A_21 = vector.broadcast %add3A_20 : f32 to vector<1280x4xf32>
    %add3A_22 = arith.addf %add3A_19, %add3A_21 : vector<1280x4xf32>
    %get3A_23 = arith.constant 0 : index
    %get3A_24 = arith.constant 0 : index
    %get3A_25 = vector.load %arg3[%get3A_23, %get3A_24] : memref<4x128xf32, #tpu.memory_space<vmem>>, vector<4x128xf32>
    %dot_general3A = arith.constant dense<0.000000e+00> : vector<1280x128xf32>
    %dot_general3A_26 = tpu.matmul %add3A_22, %get3A_25, %dot_general3A {dimension_numbers = #tpu.dot_dimension_numbers<[1], [0], [0], [1], [0, 0, 1, 1], [], []>, transpose_lhs_hint = false} : vector<1280x4xf32>, vector<4x128xf32>, vector<1280x128xf32> -> vector<1280x128xf32>
    %div3A = arith.divf %add3A, %dot_general3A_26 : vector<1280x128xf32>
    %get3A_27 = arith.constant 0 : index
    %get3A_28 = arith.constant 0 : index
    %get3A_29 = vector.load %arg2[%get3A_27, %get3A_28] : memref<1x128xf32, #tpu.memory_space<vmem>>, vector<1x128xf32>
    %add3A_30 = vector.broadcast %get3A_29 : vector<1x128xf32> to vector<1280x128xf32>
    %add3A_31 = arith.addf %div3A, %add3A_30 : vector<1280x128xf32>
    %gt3A = arith.constant 0.000000e+00 : f32
    %gt3A_32 = vector.broadcast %gt3A : f32 to vector<1280x128xf32>
    %gt3A_33 = arith.cmpf ogt, %add3A_31, %gt3A_32 : vector<1280x128xf32>
    %exp3A = math.exp %add3A_31 : vector<1280x128xf32>
    %sub3A = arith.constant 1.000000e+00 : f32
    %sub3A_34 = vector.broadcast %sub3A : f32 to vector<1280x128xf32>
    %sub3A_35 = arith.subf %exp3A, %sub3A_34 : vector<1280x128xf32>
    %select_n3A = arith.select %gt3A_33, %add3A_31, %sub3A_35 : vector<1280x128xi1>, vector<1280x128xf32>
    %get3A_36 = arith.constant 0 : index
    %get3A_37 = arith.constant 0 : index
    %get3A_38 = vector.load %arg4[%get3A_36, %get3A_37] : memref<128x64xf32, #tpu.memory_space<vmem>>, vector<128x64xf32>
    %dot_general3A_39 = arith.constant dense<0.000000e+00> : vector<1280x64xf32>
    %dot_general3A_40 = tpu.matmul %select_n3A, %get3A_38, %dot_general3A_39 {dimension_numbers = #tpu.dot_dimension_numbers<[1], [0], [0], [1], [0, 0, 1, 1], [], []>, transpose_lhs_hint = false} : vector<1280x128xf32>, vector<128x64xf32>, vector<1280x64xf32> -> vector<1280x64xf32>
    %get3A_41 = arith.constant 0 : index
    %get3A_42 = arith.constant 0 : index
    %get3A_43 = vector.load %arg5[%get3A_41, %get3A_42] : memref<64x1xf32, #tpu.memory_space<vmem>>, vector<64x1xf32>
    %dot_general3A_44 = arith.constant dense<0.000000e+00> : vector<1280x1xf32>
    %dot_general3A_45 = tpu.matmul %dot_general3A_40, %get3A_43, %dot_general3A_44 {dimension_numbers = #tpu.dot_dimension_numbers<[1], [0], [0], [1], [0, 0, 1, 1], [], []>, transpose_lhs_hint = false} : vector<1280x64xf32>, vector<64x1xf32>, vector<1280x1xf32> -> vector<1280x1xf32>
    %get3A_46 = arith.constant 0 : index
    %get3A_47 = arith.constant 0 : index
    %get3A_48 = vector.load %arg6[%get3A_46, %get3A_47] : memref<64x1xf32, #tpu.memory_space<vmem>>, vector<64x1xf32>
    %dot_general3A_49 = arith.constant dense<0.000000e+00> : vector<1280x1xf32>
    %dot_general3A_50 = tpu.matmul %dot_general3A_40, %get3A_48, %dot_general3A_49 {dimension_numbers = #tpu.dot_dimension_numbers<[1], [0], [0], [1], [0, 0, 1, 1], [], []>, transpose_lhs_hint = false} : vector<1280x64xf32>, vector<64x1xf32>, vector<1280x1xf32> -> vector<1280x1xf32>
    %swap3A = arith.constant 0 : index
    %swap3A_51 = arith.constant 0 : index
    %swap3A_52 = vector.load %arg7[%swap3A, %swap3A_51] : memref<1280x64xf32, #tpu.memory_space<vmem>>, vector<1280x64xf32>
    tpu.vector_store %arg7[%swap3A, %swap3A_51], %dot_general3A_40 {strides = array<i32>} : memref<1280x64xf32, #tpu.memory_space<vmem>>, vector<1280x64xf32>,
    %swap3A_53 = arith.constant 0 : index
    %swap3A_54 = arith.constant 0 : index
    %swap3A_55 = vector.load %arg8[%swap3A_53, %swap3A_54] : memref<1280x1xf32, #tpu.memory_space<vmem>>, vector<1280x1xf32>
    tpu.vector_store %arg8[%swap3A_53, %swap3A_54], %dot_general3A_45 {strides = array<i32>} : memref<1280x1xf32, #tpu.memory_space<vmem>>, vector<1280x1xf32>,
    %swap3A_56 = arith.constant 0 : index
    %swap3A_57 = arith.constant 0 : index
    %swap3A_58 = vector.load %arg9[%swap3A_56, %swap3A_57] : memref<1280x1xf32, #tpu.memory_space<vmem>>, vector<1280x1xf32>
    tpu.vector_store %arg9[%swap3A_56, %swap3A_57], %dot_general3A_50 {strides = array<i32>} : memref<1280x1xf32, #tpu.memory_space<vmem>>, vector<1280x1xf32>,
    %reduce_max3A = arith.constant dense<0xFF800000> : vector<1xf32>
    %reduce_max3A_59 = vector.multi_reduction <maximumf>, %dot_general3A_45, %reduce_max3A [0] : vector<1280x1xf32> to vector<1xf32>
    %broadcast_in_dim3A = vector.shape_cast %reduce_max3A_59 : vector<1xf32> to vector<1x1xf32>
    %eq3A = arith.constant 0 : i32
    %eq3A_60 = arith.cmpi eq, %arg0, %eq3A : i32
    %convert_element_type3A = arith.extui %eq3A_60 : i1 to i32
    %cond3A = arith.constant 0 : i32
    %cond3A_61 = arith.cmpi ne, %convert_element_type3A, %cond3A : i32
    scf.if %cond3A_61 {
      %swap3A_67 = arith.constant 0 : index
      %swap3A_68 = arith.constant 0 : index
      %swap3A_69 = vector.load %arg10[%swap3A_67, %swap3A_68] : memref<1x1xf32, #tpu.memory_space<vmem>>, vector<1x1xf32>
      tpu.vector_store %arg10[%swap3A_67, %swap3A_68], %broadcast_in_dim3A {strides = array<i32>} : memref<1x1xf32, #tpu.memory_space<vmem>>, vector<1x1xf32>,
    } else {
    }
    %gt3A_62 = arith.constant 0 : i32
    %gt3A_63 = arith.cmpi sgt, %arg0, %gt3A_62 : i32
    %convert_element_type3A_64 = arith.extui %gt3A_63 : i1 to i32
    %cond3A_65 = arith.constant 0 : i32
    %cond3A_66 = arith.cmpi ne, %convert_element_type3A_64, %cond3A_65 : i32
    scf.if %cond3A_66 {
      %get3A_67 = arith.constant 0 : index
      %get3A_68 = arith.constant 0 : index
      %get3A_69 = vector.load %arg10[%get3A_67, %get3A_68] : memref<1x1xf32, #tpu.memory_space<vmem>>, vector<1x1xf32>
      %max3A = arith.maximumf %get3A_69, %broadcast_in_dim3A : vector<1x1xf32>
      %swap3A_70 = arith.constant 0 : index
      %swap3A_71 = arith.constant 0 : index
      %swap3A_72 = vector.load %arg10[%swap3A_70, %swap3A_71] : memref<1x1xf32, #tpu.memory_space<vmem>>, vector<1x1xf32>
      tpu.vector_store %arg10[%swap3A_70, %swap3A_71], %max3A {strides = array<i32>} : memref<1x1xf32, #tpu.memory_space<vmem>>, vector<1x1xf32>,
    } else {
    }
    return
  }
  func.func @transform_0(%arg0: i32) -> (i32, i32, i32) {
    %c0_i32 = arith.constant 0 : i32
    %c0_i32_0 = arith.constant 0 : i32
    %c0_i32_1 = arith.constant 0 : i32
    return %c0_i32, %arg0, %c0_i32_0 : i32, i32, i32
  }
  func.func @transform_1(%arg0: i32) -> (i32, i32) {
    %c0_i32 = arith.constant 0 : i32
    %c0_i32_0 = arith.constant 0 : i32
    %c0_i32_1 = arith.constant 0 : i32
    return %c0_i32, %c0_i32_0 : i32, i32
  }
  func.func @transform_2(%arg0: i32) -> (i32, i32) {
    %c0_i32 = arith.constant 0 : i32
    %c0_i32_0 = arith.constant 0 : i32
    %c0_i32_1 = arith.constant 0 : i32
    return %c0_i32, %c0_i32_0 : i32, i32
  }
  func.func @transform_3(%arg0: i32) -> (i32, i32) {
    %c0_i32 = arith.constant 0 : i32
    %c0_i32_0 = arith.constant 0 : i32
    %c0_i32_1 = arith.constant 0 : i32
    return %c0_i32, %c0_i32_0 : i32, i32
  }
  func.func @transform_4(%arg0: i32) -> (i32, i32) {
    %c0_i32 = arith.constant 0 : i32
    %c0_i32_0 = arith.constant 0 : i32
    %c0_i32_1 = arith.constant 0 : i32
    return %c0_i32, %c0_i32_0 : i32, i32
  }
  func.func @transform_5(%arg0: i32) -> (i32, i32) {
    %c0_i32 = arith.constant 0 : i32
    %c0_i32_0 = arith.constant 0 : i32
    %c0_i32_1 = arith.constant 0 : i32
    return %c0_i32, %c0_i32_0 : i32, i32
  }
  func.func @transform_6(%arg0: i32) -> (i32, i32) {
    %c0_i32 = arith.constant 0 : i32
    %c0_i32_0 = arith.constant 0 : i32
    return %arg0, %c0_i32 : i32, i32
  }
  func.func @transform_7(%arg0: i32) -> (i32, i32) {
    %c0_i32 = arith.constant 0 : i32
    %c0_i32_0 = arith.constant 0 : i32
    return %arg0, %c0_i32 : i32, i32
  }
  func.func @transform_8(%arg0: i32) -> (i32, i32) {
    %c0_i32 = arith.constant 0 : i32
    %c0_i32_0 = arith.constant 0 : i32
    return %arg0, %c0_i32 : i32, i32
  }
  func.func @transform_9(%arg0: i32) -> (i32, i32) {
    %c0_i32 = arith.constant 0 : i32
    %c0_i32_0 = arith.constant 0 : i32
    %c0_i32_1 = arith.constant 0 : i32
    return %c0_i32, %c0_i32_0 : i32, i32
  }
}

module attributes {stable_mosaic.version = 14 : i64} {
  func.func @body(%arg0: i32, %arg1: memref<1280x64xf32, #tpu.memory_space<vmem>>, %arg2: memref<1280x1xf32, #tpu.memory_space<vmem>>, %arg3: memref<1280x1xf32, #tpu.memory_space<vmem>>, %arg4: memref<1x1xf32, #tpu.memory_space<vmem>>, %arg5: memref<1280x80xf32, #tpu.memory_space<vmem>>, %arg6: memref<1280x16xf32, #tpu.memory_space<vmem>>) attributes {dimension_semantics = [#tpu.dimension_semantics<arbitrary>], iteration_bounds = array<i64: 8>, scalar_prefetch = 0 : i64, scratch_operands = 0 : i64, tpu.core_type = #tpu.core_type<tc>, window_params = [{transform_indices = @transform_0, window_bounds = array<i64: 1280, 64>}, {transform_indices = @transform_1, window_bounds = array<i64: 1280, 1>}, {transform_indices = @transform_2, window_bounds = array<i64: 1280, 1>}, {pipeline_mode = #tpu.pipeline_mode<synchronous>, transform_indices = @transform_3, window_bounds = array<i64: 1, 1>}, {transform_indices = @transform_4, window_bounds = array<i64: 1280, 80>}, {transform_indices = @transform_5, window_bounds = array<i64: 1280, 16>}]} {
    %get3A = arith.constant 0 : index
    %get3A_0 = arith.constant 0 : index
    %get3A_1 = vector.load %arg3[%get3A, %get3A_0] : memref<1280x1xf32, #tpu.memory_space<vmem>>, vector<1280x1xf32>
    %get3A_2 = arith.constant 0 : index
    %get3A_3 = arith.constant 0 : index
    %get3A_4 = vector.load %arg4[%get3A_2, %get3A_3] : memref<1x1xf32, #tpu.memory_space<vmem>>, vector<1x1xf32>
    %add3A = vector.broadcast %get3A_4 : vector<1x1xf32> to vector<1280x1xf32>
    %add3A_5 = arith.addf %add3A, %get3A_1 : vector<1280x1xf32>
    %gt3A = arith.constant 0.000000e+00 : f32
    %gt3A_6 = vector.broadcast %gt3A : f32 to vector<1280x1xf32>
    %gt3A_7 = arith.cmpf ogt, %add3A_5, %gt3A_6 : vector<1280x1xf32>
    %mul3A = arith.constant 2.000000e-01 : f32
    %mul3A_8 = vector.broadcast %mul3A : f32 to vector<1280x1xf32>
    %mul3A_9 = arith.mulf %mul3A_8, %add3A_5 : vector<1280x1xf32>
    %select_n3A = arith.select %gt3A_7, %add3A_5, %mul3A_9 : vector<1280x1xi1>, vector<1280x1xf32>
    %broadcast_in_dim3A = arith.constant 0.000000e+00 : f32
    %broadcast_in_dim3A_10 = vector.broadcast %broadcast_in_dim3A : f32 to vector<1280x15xf32>
    %get3A_11 = arith.constant 0 : index
    %get3A_12 = arith.constant 0 : index
    %get3A_13 = vector.load %arg1[%get3A_11, %get3A_12] : memref<1280x64xf32, #tpu.memory_space<vmem>>, vector<1280x64xf32>
    %get3A_14 = arith.constant 0 : index
    %get3A_15 = arith.constant 0 : index
    %get3A_16 = vector.load %arg2[%get3A_14, %get3A_15] : memref<1280x1xf32, #tpu.memory_space<vmem>>, vector<1280x1xf32>
    %concatenate3A = tpu.concatenate %get3A_13, %get3A_16, %broadcast_in_dim3A_10 in 1 : vector<1280x64xf32>, vector<1280x1xf32>, vector<1280x15xf32> -> vector<1280x80xf32>
    %swap3A = arith.constant 0 : index
    %swap3A_17 = arith.constant 0 : index
    %swap3A_18 = vector.load %arg5[%swap3A, %swap3A_17] : memref<1280x80xf32, #tpu.memory_space<vmem>>, vector<1280x80xf32>
    tpu.vector_store %arg5[%swap3A, %swap3A_17], %concatenate3A {strides = array<i32>} : memref<1280x80xf32, #tpu.memory_space<vmem>>, vector<1280x80xf32>,
    %broadcast_in_dim3A_19 = arith.constant 0.000000e+00 : f32
    %broadcast_in_dim3A_20 = vector.broadcast %broadcast_in_dim3A_19 : f32 to vector<1280x13xf32>
    %broadcast_in_dim3A_21 = arith.constant 0.000000e+00 : f32
    %broadcast_in_dim3A_22 = vector.broadcast %broadcast_in_dim3A_21 : f32 to vector<1280x1xf32>
    %concatenate3A_23 = tpu.concatenate %get3A_1, %broadcast_in_dim3A_22, %select_n3A, %broadcast_in_dim3A_20 in 1 : vector<1280x1xf32>, vector<1280x1xf32>, vector<1280x1xf32>, vector<1280x13xf32> -> vector<1280x16xf32>
    %swap3A_24 = arith.constant 0 : index
    %swap3A_25 = arith.constant 0 : index
    %swap3A_26 = vector.load %arg6[%swap3A_24, %swap3A_25] : memref<1280x16xf32, #tpu.memory_space<vmem>>, vector<1280x16xf32>
    tpu.vector_store %arg6[%swap3A_24, %swap3A_25], %concatenate3A_23 {strides = array<i32>} : memref<1280x16xf32, #tpu.memory_space<vmem>>, vector<1280x16xf32>,
    return
  }
  func.func @transform_0(%arg0: i32) -> (i32, i32) {
    %c0_i32 = arith.constant 0 : i32
    %c0_i32_0 = arith.constant 0 : i32
    return %arg0, %c0_i32 : i32, i32
  }
  func.func @transform_1(%arg0: i32) -> (i32, i32) {
    %c0_i32 = arith.constant 0 : i32
    %c0_i32_0 = arith.constant 0 : i32
    return %arg0, %c0_i32 : i32, i32
  }
  func.func @transform_2(%arg0: i32) -> (i32, i32) {
    %c0_i32 = arith.constant 0 : i32
    %c0_i32_0 = arith.constant 0 : i32
    return %arg0, %c0_i32 : i32, i32
  }
  func.func @transform_3(%arg0: i32) -> (i32, i32) {
    %c0_i32 = arith.constant 0 : i32
    %c0_i32_0 = arith.constant 0 : i32
    %c0_i32_1 = arith.constant 0 : i32
    return %c0_i32, %c0_i32_0 : i32, i32
  }
  func.func @transform_4(%arg0: i32) -> (i32, i32) {
    %c0_i32 = arith.constant 0 : i32
    %c0_i32_0 = arith.constant 0 : i32
    return %arg0, %c0_i32 : i32, i32
  }
  func.func @transform_5(%arg0: i32) -> (i32, i32) {
    %c0_i32 = arith.constant 0 : i32
    %c0_i32_0 = arith.constant 0 : i32
    return %arg0, %c0_i32 : i32, i32
  }
}

module attributes {stable_mosaic.version = 14 : i64} {
  func.func @_final_body(%arg0: i32, %arg1: memref<2x2000x80xf32, #tpu.memory_space<vmem>>, %arg2: memref<1x64xf32, #tpu.memory_space<vmem>>, %arg3: memref<2000x64xf32, #tpu.memory_space<vmem>>) attributes {dimension_semantics = [#tpu.dimension_semantics<arbitrary>], iteration_bounds = array<i64: 5>, scalar_prefetch = 0 : i64, scratch_operands = 0 : i64, tpu.core_type = #tpu.core_type<tc>, window_params = [{transform_indices = @transform_0, window_bounds = array<i64: 2, 2000, 80>}, {pipeline_mode = #tpu.pipeline_mode<synchronous>, transform_indices = @transform_1, window_bounds = array<i64: 1, 64>}, {transform_indices = @transform_2, window_bounds = array<i64: 2000, 64>}]} {
    %get3A = arith.constant 0 : index
    %get3A_0 = arith.constant 0 : index
    %get3A_1 = arith.constant 0 : index
    %get3A_2 = vector.load %arg1[%get3A, %get3A_0, %get3A_1] : memref<2x2000x80xf32, #tpu.memory_space<vmem>>, vector<1x2000x64xf32>
    %get3A_3 = vector.shape_cast %get3A_2 : vector<1x2000x64xf32> to vector<2000x64xf32>
    %get3A_4 = arith.constant 1 : index
    %get3A_5 = arith.constant 0 : index
    %get3A_6 = arith.constant 0 : index
    %get3A_7 = vector.load %arg1[%get3A_4, %get3A_5, %get3A_6] : memref<2x2000x80xf32, #tpu.memory_space<vmem>>, vector<1x2000x64xf32>
    %get3A_8 = vector.shape_cast %get3A_7 : vector<1x2000x64xf32> to vector<2000x64xf32>
    %add3A = arith.addf %get3A_3, %get3A_8 : vector<2000x64xf32>
    %get3A_9 = arith.constant 0 : index
    %get3A_10 = arith.constant 0 : index
    %get3A_11 = arith.constant 64 : index
    %get3A_12 = vector.load %arg1[%get3A_9, %get3A_10, %get3A_11] : memref<2x2000x80xf32, #tpu.memory_space<vmem>>, vector<1x2000x1xf32>
    %get3A_13 = vector.shape_cast %get3A_12 : vector<1x2000x1xf32> to vector<2000x1xf32>
    %get3A_14 = arith.constant 1 : index
    %get3A_15 = arith.constant 0 : index
    %get3A_16 = arith.constant 64 : index
    %get3A_17 = vector.load %arg1[%get3A_14, %get3A_15, %get3A_16] : memref<2x2000x80xf32, #tpu.memory_space<vmem>>, vector<1x2000x1xf32>
    %get3A_18 = vector.shape_cast %get3A_17 : vector<1x2000x1xf32> to vector<2000x1xf32>
    %add3A_19 = arith.addf %get3A_13, %get3A_18 : vector<2000x1xf32>
    %add3A_20 = arith.constant 1.000000e-16 : f32
    %add3A_21 = vector.broadcast %add3A_20 : f32 to vector<2000x1xf32>
    %add3A_22 = arith.addf %add3A_19, %add3A_21 : vector<2000x1xf32>
    %div3A = vector.broadcast %add3A_22 : vector<2000x1xf32> to vector<2000x64xf32>
    %div3A_23 = arith.divf %add3A, %div3A : vector<2000x64xf32>
    %get3A_24 = arith.constant 0 : index
    %get3A_25 = arith.constant 0 : index
    %get3A_26 = vector.load %arg2[%get3A_24, %get3A_25] : memref<1x64xf32, #tpu.memory_space<vmem>>, vector<1x64xf32>
    %add3A_27 = vector.broadcast %get3A_26 : vector<1x64xf32> to vector<2000x64xf32>
    %add3A_28 = arith.addf %div3A_23, %add3A_27 : vector<2000x64xf32>
    %swap3A = arith.constant 0 : index
    %swap3A_29 = arith.constant 0 : index
    %swap3A_30 = vector.load %arg3[%swap3A, %swap3A_29] : memref<2000x64xf32, #tpu.memory_space<vmem>>, vector<2000x64xf32>
    tpu.vector_store %arg3[%swap3A, %swap3A_29], %add3A_28 {strides = array<i32>} : memref<2000x64xf32, #tpu.memory_space<vmem>>, vector<2000x64xf32>,
    return
  }
  func.func @transform_0(%arg0: i32) -> (i32, i32, i32) {
    %c0_i32 = arith.constant 0 : i32
    %c0_i32_0 = arith.constant 0 : i32
    %c0_i32_1 = arith.constant 0 : i32
    return %c0_i32, %arg0, %c0_i32_0 : i32, i32, i32
  }
  func.func @transform_1(%arg0: i32) -> (i32, i32) {
    %c0_i32 = arith.constant 0 : i32
    %c0_i32_0 = arith.constant 0 : i32
    %c0_i32_1 = arith.constant 0 : i32
    return %c0_i32, %c0_i32_0 : i32, i32
  }
  func.func @transform_2(%arg0: i32) -> (i32, i32) {
    %c0_i32 = arith.constant 0 : i32
    %c0_i32_0 = arith.constant 0 : i32
    return %arg0, %c0_i32 : i32, i32
  }
}

</mosaic_0001>

<sc_bundles>
// kernel: kernel.12.cloned.1.call-start
scs
__scs_entry_jumppad:
0x0: {  	(pc) =	sbr.rel $0x88, $3  }
0x1: {  	(tag) =	ssettag $0x0;
	lr =	simm.s32 $0x1  }
0x2: {  	[smem:$0x3F97] =	sst lr;
	_ =	strace $0xD0000000  }
0x3: {  	_ = 	snop  }
0x4: {  	_ = 	snop  }
0x5: {  	_ = 	snop  }
0x6: {  	_ = 	snop  }
0x7: {  	_ = 	snop  }
__scs_overlays_trampoline_lowered:
0x8: {  	[smem:$0x3FA6] =	sst s0  }
0x9: {  	[smem:$0x3FA7] =	sst s1  }
0xa: {  	[smem:$0x3FA8] =	sst s2  }
0xb: {  	[smem:$0x3FA9] =	sst s3  }
0xc: {  	[smem:$0x3FAA] =	sst s4  }
0xd: {  	[smem:$0x3FAB] =	sst s5  }
0xe: {  	[smem:$0x3FAC] =	sst s6  }
0xf: {  	[smem:$0x3FAD] =	sst s7  }
0x10: {  	[smem:$0x3FAE] =	sst s8  }
0x11: {  	[smem:$0x3FAF] =	sst s9;
	s0 =	simm.s32 @!p0 $0x0  }
0x12: {  	s1 =	sld [smem:$0x3F95];
	s0 =	simm.s32 @p0 $0x1  }
0x13: {  	[smem:$0x3FB0] =	sst s0;
	s0 =	simm.s32 @!p1 $0x0  }
0x14: {  	s2 =	sld [smem:$0x3F94];
	s0 =	simm.s32 @p1 $0x1  }
0x15: {  	[smem:$0x3FB1] =	sst s0;
	s0 =	simm.s32 @!p2 $0x0  }
0x16: {  	s3 =	sld [smem:$0x3FDB];
	s0 =	simm.s32 @p2 $0x1  }
0x17: {  	s4 =	simm.s32 $0x1BF5;
	[smem:$0x3FB3] =	sst s0  }
0x18: {  	s0 =	sld [smem:$0x3F96];
	_ =	swait.ge [sflag:s4], $0x0  }
0x19: {  	s7 =	sld [smem:$0x3F97]  }
0x1a: {  	s8 =	sadd.s32 $0xFFFFE003, lr  }
0x1b: {  	s9 =	sadd.s32 $0xFFFFFEF7, lr;
	s5 =	simm.s32 $0xFFFFFFFF;
	p2 =	slt.u32 s8, $0xFFFFF086  }
0x1c: {  	p1 =	slt.u32 s9, $0xF7A;
	s5 =	simm.s32 @!p2 $0x0  }
0x1d: {  	s5 =	simm.s32 @p1 $0x1;
	p0 =	seq.s32 s7, s2  }
0x1e: {  	s7 =	smul.u32 @!p0 $0xF7A, s2;
	p2 =	seq.s32 @!p0 s5, $0x0  }
0x1f: {  	s9 =	smul.u32 $0xF7A, s1;
	s8 =	simm.s32 @!p0 $0x1BF5;
	p2 =	por !p2, p0  }
0x20: {  	[sflag:s8] =	ssyncset.s32 @!p0 $0xFFFFF086;
	s6 =	sadd.s32 @!p0 s3, s7;
	s7 =	simm.s32 @!p0 $0x108  }
0x21: {  	s3 =	sadd.s32 s3, s9;
	s6 =	sadd.s32 @!p0 $0x88, s6;
	s7 =	simm.s32 @p2 $0x1082  }
0x22: {  	[simem:s7], [sflag:s8] =	dma.local @!p0 [hbm:s6], $0xF7A  }
0x23: {  	s9 =	sor.u32 $0xD0000000, s2;
	s6 =	simm.s32 $0x108;
	_ =	swait.ge @!p0 [sflag:s8], $0x0  }
0x24: {  	s3 =	sadd.s32 $0x88, s3;
	s6 =	simm.s32 @!p1 $0x1082;
	[sflag:s4] =	ssyncset.s32 $0xFFFFF086  }
0x25: {  	[simem:s6], [sflag:s4] =	dma.local [hbm:s3], $0xF7A  }
0x26: {  	[smem:$0x3F97] =	sst s1;
	(tag) =	ssettag s2;
	_ =	strace s9  }
0x27: {  	s1 =	sld [smem:$0x3FA7]  }
0x28: {  	s2 =	sld [smem:$0x3FA8]  }
0x29: {  	s4 =	sld [smem:$0x3FAA]  }
0x2a: {  	p0 =	seq.s32 s5, $0x0;
	s5 =	sld [smem:$0x3FAB]  }
0x2b: {  	s6 =	sld [smem:$0x3FAC]  }
0x2c: {  	s7 =	sld [smem:$0x3FAD]  }
0x2d: {  	s3 =	simm.s32 $0x108;
	s8 =	sld [smem:$0x3FAE]  }
0x2e: {  	s3 =	simm.s32 @!p0 $0x1082;
	s9 =	sld [smem:$0x3FAF]  }
0x2f: {  	lr =	sadd.s32 s0, s3;
	s0 =	sld [smem:$0x3FA6]  }
0x30: {  	s3 =	sld [smem:$0x3FA9]  }
0x31: {  	[smem:$0x3FB2] =	sst s10  }
0x32: {  	s10 =	sld [smem:$0x3FB0];
	_ =	sdelay $0x3  }
0x33: {  	p0 =	seq.s32 s10, $0x1;
	s10 =	sld [smem:$0x3FB2];
	_ =	sdelay $0x3  }
0x34: {  	[smem:$0x3FB2] =	sst s10  }
0x35: {  	s10 =	sld [smem:$0x3FB1];
	_ =	sdelay $0x3  }
0x36: {  	p1 =	seq.s32 s10, $0x1;
	s10 =	sld [smem:$0x3FB2];
	_ =	sdelay $0x3  }
0x37: {  	[smem:$0x3FB2] =	sst s10  }
0x38: {  	s10 =	sld [smem:$0x3FB3]  }
0x39: {  	_ = 	snop;
	(pc) =	sbr.ind lr, $3  }
0x3a: {  	_ = 	snop  }
0x3b: {  	_ = 	snop  }
0x3c: {  	p2 =	seq.s32 s10, $0x1;
	s10 =	sld [smem:$0x3FB2]  }
0x3d: {  	_ =	shalt  }
0x3e: {  	_ =	shalt  }
0x3f: {  	_ =	shalt  }
0x40: {  	_ =	shalt  }
0x41: {  	_ =	shalt  }
0x42: {  	_ =	shalt  }
0x43: {  	_ =	shalt  }
0x44: {  	_ =	shalt  }
0x45: {  	_ =	shalt  }
0x46: {  	_ =	shalt  }
0x47: {  	_ =	shalt  }
0x48: {  	_ =	shalt  }
0x49: {  	_ =	shalt  }
0x4a: {  	_ =	shalt  }
0x4b: {  	_ =	shalt  }
0x4c: {  	_ =	shalt  }
0x4d: {  	_ =	shalt  }
0x4e: {  	_ =	shalt  }
0x4f: {  	_ =	shalt  }
0x50: {  	_ =	shalt  }
0x51: {  	_ =	shalt  }
0x52: {  	_ =	shalt  }
0x53: {  	_ =	shalt  }
0x54: {  	_ =	shalt  }
0x55: {  	_ =	shalt  }
0x56: {  	_ =	shalt  }
0x57: {  	_ =	shalt  }
0x58: {  	_ =	shalt  }
0x59: {  	_ =	shalt  }
0x5a: {  	_ =	shalt  }
0x5b: {  	_ =	shalt  }
0x5c: {  	_ =	shalt  }
0x5d: {  	_ =	shalt  }
0x5e: {  	_ =	shalt  }
0x5f: {  	_ =	shalt  }
0x60: {  	_ =	shalt  }
0x61: {  	_ =	shalt  }
0x62: {  	_ =	shalt  }
0x63: {  	_ =	shalt  }
0x64: {  	_ =	shalt  }
0x65: {  	_ =	shalt  }
0x66: {  	_ =	shalt  }
0x67: {  	_ =	shalt  }
0x68: {  	_ =	shalt  }
0x69: {  	_ =	shalt  }
0x6a: {  	_ =	shalt  }
0x6b: {  	_ =	shalt  }
0x6c: {  	_ =	shalt  }
0x6d: {  	_ =	shalt  }
0x6e: {  	_ =	shalt  }
0x6f: {  	_ =	shalt  }
0x70: {  	_ =	shalt  }
0x71: {  	_ =	shalt  }
0x72: {  	_ =	shalt  }
0x73: {  	_ =	shalt  }
0x74: {  	_ =	shalt  }
0x75: {  	_ =	shalt  }
0x76: {  	_ =	shalt  }
0x77: {  	_ =	shalt  }
0x78: {  	_ =	shalt  }
0x79: {  	_ =	shalt  }
0x7a: {  	_ =	shalt  }
0x7b: {  	_ =	shalt  }
0x7c: {  	_ =	shalt  }
0x7d: {  	_ =	shalt  }
0x7e: {  	_ =	shalt  }
0x7f: {  	_ =	shalt  }
0x80: {  	_ =	shalt  }
0x81: {  	_ =	shalt  }
0x82: {  	_ =	shalt  }
0x83: {  	_ =	shalt  }
0x84: {  	_ =	shalt  }
0x85: {  	_ =	shalt  }
0x86: {  	_ =	shalt  }
0x87: {  	_ =	shalt  }
.Lfunc_end0:
.L_simem_size_0:
called_computation.1_lowered:
.L_overlay_start_0:
0x88: {  	s2 =	sld [smem:$0x3FD9]  }
0x89: {  	s3 =	sld [smem:$0x3FFE];
	_ =	sdelay $0x1  }
0x8a: {  	s1 =	srdreg.scid  }
0x8b: {  	s0 =	sand.u32 $0x1, s1  }
0x8c: {  	s17 =	sshll.u32 s0, $0xA;
	s2 =	sadd.s32 s3, s2  }
0x8d: {  	s2 =	sadd.s32 s2, s17  }
0x8e: {  	[smem:$0x3FBE] =	sst s2  }
0x8f: {  	_ = 	snop  }
0x90: {  	s2 =	sld [smem:$0x3FD0];
	(tm) =	ssettm $0x1  }
0x91: {  	s18 =	sld [smem:$0x3FFB];
	_ =	sdelay $0x3  }
0x92: {  	_ =	strace s18  }
0x93: {  	s3 =	sld [smem:$0x3FFC];
	_ =	sdelay $0x3  }
0x94: {  	_ =	strace s3  }
0x95: {  	s3 =	sld [smem:$0x3FFD];
	_ =	sdelay $0x3  }
0x96: {  	_ =	strace s3  }
0x97: {  	_ =	strace $0x8FFFFFFF  }
0x98: {  	s19 =	sld [smem:$0x3FDB];
	_ =	sdelay $0x1  }
0x99: {  	s4 =	simm.s32 $_scs_section_size  }
0x9a: {  	s5 =	simm.s32 $_size__tile_overlayer_lowered;
	s6 =	simm.s32 $_tile_overlayer_lowered  }
0x9b: {  	s22 =	simm.s32 $0x1BFF;
	s21 =	sshll.u32 s6, $0x1;
	s3 =	sadd.s32 s4, s19  }
0x9c: {  	s7 =	simm.s32 $0x0;
	s20 =	sshll.u32 s5, $0x1;
	s5 =	sadd.s32 s21, s3  }
0x9d: {  	[timem:s7], [sflag:s22] =	dma.local [hbm:s5], s20  }
0x9e: {  	_ =	swait.ge [sflag:s22], s20  }
0x9f: {  	s4 =	ssub.s32 $0x0, s20;
	[sflag:s22] =	ssyncset.done $0x0  }
0xa0: {  	[sflag:s22] =	ssyncadd.s32 s4;
	_ =	sdelay $0x1  }
0xa1: {  	s23 =	simm.s32 $0x1B8B  }
0xa2: {  	_ =	swait.ge [sflag:s23], $0x1  }
0xa3: {  	[sflag:s23] =	ssyncset.done $0x0  }
0xa4: {  	s25 =	simm.s32 $0x1B8E;
	s24 =	sld [smem:$0x3FFE];
	[sflag:s23] =	ssyncadd.s32 $0xFFFFFFFF  }
0xa5: {  	s26 =	simm.s32 $execute0_lowered;
	[smem:$0x3FD2] =	sst s25  }
0xa6: {  	s5 =	sshll.u32 s26, $0x1;
	_ =	strace $0x80000049;
	[dreg:$0x1] =	wrdreg $0xFFFFFFFF  }
0xa7: {  	s28 =	simm.s32 $_size_execute0_lowered;
	s3 =	sadd.s32 s3, s5;
	[dreg:$0x0] =	wrdreg $0x0  }
0xa8: {  	s5 =	sshll.u32 s28, $0x1;
	[dreg:$0x2] =	wrdreg s3  }
0xa9: {  	[dreg:$0x3] =	wrdreg s5  }
0xaa: {  	[dreg:$0x4] =	wrdreg $0xC0  }
0xab: {  	_ =	task [dreg:s7], $0x5FFFF  }
0xac: {  	[dreg:$0x1] =	wrdreg $0xFFFFFFFF  }
0xad: {  	[dreg:$0x0] =	wrdreg $0x60  }
0xae: {  	[dreg:$0x2] =	wrdreg s2  }
0xaf: {  	[dreg:$0x3] =	wrdreg s24  }
0xb0: {  	[dreg:$0x4] =	wrdreg $0x55C00  }
0xb1: {  	[dreg:$0x5] =	wrdreg $0x9  }
0xb2: {  	_ =	task.clear_ibuf [dreg:s7], $0x6FFFF;
	_ =	strace $0x90000049  }
0xb3: {  	s29 =	simm.s32 $0x9;
	_ =	strace $0x8000004B  }
0xb4: {  	_ =	swait.ge [sflag:s29], $0x1  }
0xb5: {  	[sflag:s29] =	ssyncadd.s32 $0xFFFFFFFF  }
0xb6: {  	_ =	strace $0x9000004B  }
0xb7: {  	_ =	sfence  }
0xb8: {  	s30 =	sld [smem:$0x0];
	_ =	sdelay $0x2  }
0xb9: {  	s31 =	sshll.u32 s1, $0xD;
	s1 =	sshrl.u32 s1, $0x2  }
0xba: {  	s3 =	sand.u32 $0x4000, s31;
	s1 =	sadd.s32 s1, s30  }
0xbb: {  	s0 =	sor.u32 s3, s0;
	s1 =	sshll.u32 s1, $0x11  }
0xbc: {  	s0 =	sor.u32 s1, s0  }
0xbd: {  	s0 =	sadd.s32 $0x8F2B, s0  }
0xbe: {  	[sflag:s0] =	ssyncadd.remote.s32 $0x1  }
0xbf: {  	_ =	sfence.sel $0xFFFF  }
0xc0: {  	[dreg:$0x0] =	wrdreg $0xFFFFFFFF;
	(pc) =	sbr.abs _section_cstart, $3  }
0xc1: {  	[dreg:$0x1] =	wrdreg $0xFFFFFFFF  }
0xc2: {  	_ =	task.clear_ibuf [dreg:s7], $0x2FFFF;
	_ =	strace $0x9FFFFFFF  }
0xc3: {  	(tm) =	ssettm $0x7FFFFFFF  }
tec
execute0_lowered:
.L_overlay_start_1:
0x0: {  	(tag) =	ssettag $0x1  }
0x1: {  	s1 =	rddreg [dreg:$0x0]  }
0x2: {  	s0 =	rddreg [dreg:$0x1]  }
0x3: {  	s2 =	rddreg [dreg:$0x2];
	s3 =	srdreg.scid  }
0x4: {  	s4 =	simm.s32 $0x0;
	s20 =	stileid.u32;
	s28 =	simm.s32 $0x2  }
0x5: {  	s29 =	simm.s32 $0x0;
	s3 =	sand.u32 $0x1, s3;
	[smem:$0x7FF] =	sst s4  }
0x6: {  	s8 =	smul.u32 $0xC800, s20;
	s5 =	sadd.s32 $0x1A00, s0;
	s6 =	ssub.s32 $0x2, s3  }
0x7: {  	s9 =	sadd.s32 $0x2A000, s0;
	_ =	strace $0x8000004A;
	s7 =	sshrl.u32 s6, $0x1  }
0x8: {  	s10 =	sadd.s32 $0x1900, s8;
	s11 =	sadd.s32 $0x3200, s8;
	s12 =	sadd.s32 $0x4B00, s8  }
0x9: {  	s13 =	sadd.s32 $0x6400, s8;
	s16 =	sadd.s32 $0x7D00, s8;
	s6 =	ssub.s32 s6, s7  }
0xa: {  	s7 =	sshll.u32 s3, $0x4;
	s3 =	smul.u32 $0xC8000, s3;
	s30 =	sadd.s32 s12, s2  }
0xb: {  	s17 =	sadd.s32 $0x9600, s8;
	s31 =	sadd.s32 s13, s2;
	[dreg:$0xd] =	wrdreg s30  }
0xc: {  	s19 =	sadd.s32 $0xAF00, s8;
	[dreg:$0xe] =	wrdreg s31;
	s14 =	sadd.s32 s8, s3  }
0xd: {  	s15 =	sadd.s32 s3, s10;
	s21 =	sadd.s32 s3, s12;
	s18 =	sadd.s32 s3, s13  }
0xe: {  	s24 =	sadd.s32 s3, s16;
	s25 =	sadd.s32 s3, s17;
	s12 =	sadd.s32 s17, s2  }
0xf: {  	s13 =	sadd.s32 s19, s2;
	s14 =	sshrl.u32 s14, $0x3;
	[dreg:$0x10] =	wrdreg s12  }
0x10: {  	s15 =	sshrl.u32 s15, $0x3;
	s18 =	sshrl.u32 s18, $0x3;
	[dreg:$0x11] =	wrdreg s13  }
0x11: {  	s12 =	simm.s32 $0x24C0;
	s13 =	simm.s32 $0x4EC0;
	s14 =	sadd.s32 s9, s14  }
0x12: {  	s26 =	sadd.s32 s9, s15;
	s15 =	sadd.s32 s3, s11;
	[dreg:$0x4] =	wrdreg s14  }
0x13: {  	s23 =	sadd.s32 s9, s18;
	s3 =	sadd.s32 s3, s19;
	[dreg:$0x5] =	wrdreg s26  }
0x14: {  	s14 =	sshrl.u32 s15, $0x3;
	s15 =	sshrl.u32 s21, $0x3;
	[dreg:$0x8] =	wrdreg s23  }
0x15: {  	s3 =	sshrl.u32 s3, $0x3;
	s21 =	sadd.s32 s10, s2;
	s14 =	sadd.s32 s9, s14  }
0x16: {  	s10 =	simm.s32 $0x47C0;
	s22 =	sadd.s32 s9, s15;
	[dreg:$0x6] =	wrdreg s14  }
0x17: {  	s15 =	sshrl.u32 s25, $0x3;
	s3 =	sadd.s32 s9, s3;
	[dreg:$0x7] =	wrdreg s22  }
0x18: {  	s14 =	sshrl.u32 s24, $0x3;
	s26 =	sadd.s32 s9, s15;
	[dreg:$0xb] =	wrdreg s3  }
0x19: {  	s15 =	sadd.s32 $0x25000, s0;
	s22 =	sadd.s32 s11, s2;
	s11 =	sadd.s32 s16, s2  }
0x1a: {  	s14 =	sadd.s32 s9, s14;
	[dreg:$0xa] =	wrdreg s26;
	s9 =	sor.u32 s20, s7  }
0x1b: {  	s20 =	sadd.s32 s8, s2;
	[dreg:$0xf] =	wrdreg s11;
	s26 =	smax.u32 s6, $0x1  }
0x1c: {  	vm0 =	vcmask $0xB08;
	vm1 =	vcmask $0x300;
	s6 =	simm.s32 $0x1C0;
	s7 =	simm.s32 $0x3;
	s18 =	smul.u32 $0x2920, s9  }
0x1d: {  	vm0 =	vmor vm1, vm0;
	vm1 =	vcmask $0x1310;
	s8 =	simm.s32 $0xE0;
	s11 =	simm.s32 $0x150;
	[dreg:$0xc] =	wrdreg s22  }
0x1e: {  	vm0 =	vmor vm0, vm1;
	vm1 =	vcmask $0x1B18;
	[dreg:$0x9] =	wrdreg s14;
	s14 =	sadd.s32 $0xC000, s0;
	s16 =	sshrl.u32 s18, $0x3  }
0x1f: {  	vm0 =	vmor vm0, vm1;
	vm1 =	vcmask $0x2320;
	[dreg:$0x16] =	wrdreg s26;
	s24 =	sadd.s32 $0x70, s18;
	s19 =	sadd.s32 s1, s16  }
0x20: {  	v0 =	vimm.f32 $0.0e+00;
	vm0 =	vmor vm0, vm1;
	vm1 =	vcmask $0x2B28;
	s17 =	sshrl.u32 s24, $0x3;
	s0 =	sadd.s32 s5, s16;
	[dreg:$0x12] =	wrdreg s19  }
0x21: {  	v1 =	vlaneseq.u32;
	vm0 =	vmor vm0, vm1;
	vm1 =	vcmask $0x3330;
	s9 =	simm.s32 $0x70;
	[dreg:$0x13] =	wrdreg s0;
	s23 =	sadd.s32 s1, s17  }
0x22: {  	v2 =	vand.u32 $0x1, v1;
	vm0 =	vmor vm0, vm1;
	vm1 =	vcmask $0x3B38;
	s26 =	simm.s32 $0x1;
	s25 =	sadd.s32 s5, s17;
	[dreg:$0x14] =	wrdreg s23  }
0x23: {  	v3 =	vor.u32 $0x40, v2;
	v4 =	vor.u32 $0x2, v2;
	vm0 =	vmor vm0, vm1;
	s3 =	sadd.s32 $0x150, s18;
	s0 =	sadd.s32 $0xE0, s18;
	[dreg:$0x15] =	wrdreg s25  }
.LBB2_1:
0x24: {  	s17 =	simm.s32 $0x140;
	s16 =	simm.s32 $0x0  }
.LBB2_2:
0x25: {  	p0 =	sne.s32 s17, $0x62C0;
	[tilespmem:s16+$0x200] =	vst v0;
	s19 =	smov.u32 s17;
	s17 =	sadd.s32 $0x140, s17  }
.Ltmp0:
0x26: {  	[tilespmem:s16+$0x1F0] =	vst v0;
	(pc) =	sbr.rel @p0 .LBB2_2-.Ltmp0, $4  }
0x27: {  	[tilespmem:s16+$0x1E0] =	vst v0  }
0x28: {  	[tilespmem:s16+$0x1C0] =	vst v0  }
0x29: {  	[tilespmem:s16+$0x1D0] =	vst v0  }
0x2a: {  	s16 =	sshra.s32 s19, $0x2  }
0x2b: {  	[tilespmem:s16+$0x200] =	vst v0  }
0x2c: {  	[tilespmem:s16+$0x1F0] =	vst v0  }
0x2d: {  	[tilespmem:s16+$0x1E0] =	vst v0  }
0x2e: {  	[tilespmem:s16+$0x1C0] =	vst v0  }
0x2f: {  	[tilespmem:s16+$0x1D0] =	vst v0  }
0x30: {  	[spmem:s20] =	stream.linear.scatter [tilespmem:s6], [sflag:$0x3], $0x1900, $0x38;
	[tilespmem:$0x11DC0] =	vst v63  }
0x31: {  	_ =	swait.ge [sflag:s7], $0x1900  }
0x32: {  	[sflag:s7] =	ssyncset.done $0x0  }
0x33: {  	[sflag:s7] =	ssyncadd.s32 $0xFFFFE700  }
0x34: {  	[spmem:s21] =	stream.linear.scatter [tilespmem:s6], [sflag:$0x3], $0x1900, $0x38;
	[tilespmem:$0x11DC0] =	vst v63  }
0x35: {  	_ =	swait.ge [sflag:s7], $0x1900  }
0x36: {  	[sflag:s7] =	ssyncset.done $0x0  }
0x37: {  	[sflag:s7] =	ssyncadd.s32 $0xFFFFE700  }
0x38: {  	[spmem:s22] =	stream.linear.scatter [tilespmem:s6], [sflag:$0x3], $0x1900, $0x38;
	[tilespmem:$0x11DC0] =	vst v63  }
0x39: {  	_ =	swait.ge [sflag:s7], $0x1900  }
0x3a: {  	[sflag:s7] =	ssyncset.done $0x0  }
0x3b: {  	[sflag:s7] =	ssyncadd.s32 $0xFFFFE700  }
0x3c: {  	[spmem:s30] =	stream.linear.scatter [tilespmem:s6], [sflag:$0x3], $0x1900, $0x38;
	[tilespmem:$0x11DC0] =	vst v63  }
0x3d: {  	_ =	swait.ge [sflag:s7], $0x1900  }
0x3e: {  	[sflag:s7] =	ssyncset.done $0x0  }
0x3f: {  	[sflag:s7] =	ssyncadd.s32 $0xFFFFE700  }
0x40: {  	[spmem:s31] =	stream.linear.scatter [tilespmem:s6], [sflag:$0x3], $0x1900, $0x38;
	[tilespmem:$0x11DC0] =	vst v63  }
0x41: {  	_ =	swait.ge [sflag:s7], $0x1900  }
0x42: {  	[sflag:s7] =	ssyncset.done $0x0  }
0x43: {  	s31 =	rddreg [dreg:$0xf];
	[sflag:s7] =	ssyncadd.s32 $0xFFFFE700  }
0x44: {  	[spmem:s31] =	stream.linear.scatter [tilespmem:s6], [sflag:$0x3], $0x1900, $0x38;
	[tilespmem:$0x11DC0] =	vst v63  }
0x45: {  	_ =	swait.ge [sflag:s7], $0x1900  }
0x46: {  	[sflag:s7] =	ssyncset.done $0x0  }
0x47: {  	s17 =	rddreg [dreg:$0x10];
	[sflag:s7] =	ssyncadd.s32 $0xFFFFE700  }
0x48: {  	[spmem:s17] =	stream.linear.scatter [tilespmem:s6], [sflag:$0x3], $0x1900, $0x38;
	[tilespmem:$0x11DC0] =	vst v63  }
0x49: {  	_ =	swait.ge [sflag:s7], $0x1900  }
0x4a: {  	[sflag:s7] =	ssyncset.done $0x0  }
0x4b: {  	s19 =	rddreg [dreg:$0x11];
	[sflag:s7] =	ssyncadd.s32 $0xFFFFE700  }
0x4c: {  	[spmem:s19] =	stream.linear.scatter [tilespmem:s6], [sflag:$0x3], $0x1900, $0x38;
	[tilespmem:$0x11DC0] =	vst v63  }
0x4d: {  	_ =	swait.ge [sflag:s7], $0x1900  }
0x4e: {  	[sflag:s7] =	ssyncset.done $0x0  }
0x4f: {  	[sflag:s7] =	ssyncadd.s32 $0xFFFFE700  }
0x50: {  	[bflag:$0x0] =	sbarrier.arrive $0xFFFF  }
0x51: {  	s23 =	smov.u32 s20;
	s30 =	simm.s32 $0x0;
	s20 =	rddreg [dreg:$0x12]  }
0x52: {  	[tilespmem:s30], [sflag:$0x3] =	stream.linear.gather [hbm4b:s20+s30], $0x70, $0x38;
	[tilespmem:$0x11DC0] =	vst v63  }
0x53: {  	_ =	swait.ge [sflag:s7], $0x70  }
0x54: {  	[sflag:s7] =	ssyncset.done $0x0  }
0x55: {  	s25 =	smov.u32 s21;
	s21 =	rddreg [dreg:$0x13];
	[sflag:s7] =	ssyncadd.s32 $0xFFFFFF90  }
0x56: {  	[tilespmem:s8], [sflag:$0x3] =	stream.linear.gather [hbm4b:s21+s30], $0x70, $0x38;
	[tilespmem:$0x11DC0] =	vst v63  }
0x57: {  	_ =	swait.ge [sflag:s7], $0x70  }
0x58: {  	[sflag:s7] =	ssyncset.done $0x0  }
0x59: {  	[sflag:s7] =	ssyncadd.s32 $0xFFFFFF90  }
0x5a: {  	[tilespmem:s6], [sflag:$0x1] =	stream.indirect.gather [hbm4b:s14+s9], $0x50, s30, s9, $0xb8;
	[tilespmem:$0x11DC0] =	vst v63  }
0x5b: {  	_ = 	snop  }
0x5c: {  	[tilespmem:s10], [sflag:$0x1] =	stream.indirect.gather [hbm4b:s15+s9], $0x10, s8, s9, $0xb8;
	[tilespmem:$0x11DC0] =	vst v63  }
0x5d: {  	s22 =	rddreg [dreg:$0x14]  }
0x5e: {  	[tilespmem:s9], [sflag:$0x3] =	stream.linear.gather [hbm4b:s22+s30], $0x70, $0x38;
	[tilespmem:$0x11DC0] =	vst v63  }
0x5f: {  	_ =	swait.ge [sflag:s7], $0x70  }
0x60: {  	[sflag:s7] =	ssyncset.done $0x0  }
0x61: {  	s31 =	rddreg [dreg:$0x15];
	[sflag:s7] =	ssyncadd.s32 $0xFFFFFF90  }
0x62: {  	[tilespmem:s11], [sflag:$0x3] =	stream.linear.gather [hbm4b:s31+s30], $0x70, $0x38;
	[tilespmem:$0x11DC0] =	vst v63  }
0x63: {  	_ =	swait.ge [sflag:s7], $0x70  }
0x64: {  	[sflag:s7] =	ssyncset.done $0x0  }
0x65: {  	[sflag:s7] =	ssyncadd.s32 $0xFFFFFF90  }
.LBB2_4:
0x66: {  	[tilespmem:s12], [sflag:$0x2] =	stream.indirect.gather [hbm4b:s14+s9], $0x50, s9, s9, $0xb8;
	[tilespmem:$0x11DC0] =	vst v63  }
0x67: {  	s16 =	simm.s32 $0x0  }
0x68: {  	v5 =	vor.u32 s16, v1  }
0x69: {  	[tilespmem:s13], [sflag:$0x2] =	stream.indirect.gather [hbm4b:s15+s9], $0x10, s11, s9, $0xb8;
	v6 =	vshrl.u32 v5, $0x1;
	[tilespmem:$0x11DC0] =	vst v63  }
0x6a: {  	_ =	swait.ge [sflag:s26], $0x2300;
	v5 =	vmul.u32 $0x50, v6;
	v7 =	vshll.u32 v6, $0x4  }
0x6b: {  	[sflag:s26] =	ssyncset.done $0x0;
	v8 =	vor.u32 v2, v7  }
0x6c: {  	[sflag:s26] =	ssyncadd.s32 $0xFFFFDD00;
	v9 =	vadd.s32 v3, v5  }
0x6d: {  	_ =	swait.ge [sflag:s26], $0x700  }
0x6e: {  	[sflag:s26] =	ssyncset.done $0x0  }
0x6f: {  	[sflag:s26] =	ssyncadd.s32 $0xFFFFF900  }
0x70: {  	v5 =	vld.idx.msk [tilespmem:v8+s10+$0x0], $0xffff  }
0x71: {  	v7 =	vor.u32 v4, v7;
	v8 =	vld.idx.msk [tilespmem:v9+s6+$0x0], $0xffff;
	_ =	sdelay $0x4  }
0x72: {  	v7 =	vld.idx.msk [tilespmem:v7+s10+$0x0], $0xffff;
	v5 =	vadd.f32 v5, v8;
	_ =	sdelay $0x1  }
0x73: {  	v8 =	vmul.f32 $2.000000030e-01, v5  }
0x74: {  	vm1 =	vgt.f32 v5, $0.0e+00  }
0x75: {  	v5 =	vsel vm1, v5, v8  }
0x76: {  	v5 =	vsub.f32 v5, v7;
	_ =	sdelay $0x1  }
0x77: {  	v5 =	vmul.f32 $1.442695020e+00, v5;
	_ =	sdelay $0x1  }
0x78: {  	(erf) = vpow2.f32 v5;
	_ =	sdelay $0x1  }
0x79: {  	s20 =	simm.s32 $0x10;
	s31 =	smul.u32 $0xE0, s30  }
0x7a: {  	v5 =	vor.u32 s20, v1  }
0x7b: {  	s21 =	sadd.s32 s18, s31;
	v7 =	vshrl.u32 v5, $0x1  }
0x7c: {  	v5 =	vmov s21;
	v8 =	vmul.u32 $0x50, v7  }
0x7d: {  	v10 =	vadd.s32 v5, v6  }
0x7e: {  	v11 =	vshll.u32 v7, $0x4;
	v6 =	vadd.s32 v3, v8  }
0x7f: {  	vm1 =	vlt.u32 v10, $0x50910;
	v8 =	vor.u32 v2, v11  }
0x80: {  	vm1 =	vmand vm1, vm0;
	v10 =	vpop (erf)  }
0x81: {  	v10 =	vnsel vm1, $0x0, v10  }
0x82: {  	[tilespmem:v9+s6+$0x0] =	vst.idx.msk $0xffff, v10  }
0x83: {  	v9 =	vld.idx.msk [tilespmem:v6+s6+$0x0], $0xffff  }
0x84: {  	v10 =	vor.u32 v4, v11;
	v8 =	vld.idx.msk [tilespmem:v8+s10+$0x0], $0xffff;
	_ =	sdelay $0x4  }
0x85: {  	v10 =	vld.idx.msk [tilespmem:v10+s10+$0x0], $0xffff;
	v8 =	vadd.f32 v8, v9;
	_ =	sdelay $0x1  }
0x86: {  	v9 =	vmul.f32 $2.000000030e-01, v8  }
0x87: {  	vm1 =	vgt.f32 v8, $0.0e+00  }
0x88: {  	v8 =	vsel vm1, v8, v9  }
0x89: {  	v8 =	vsub.f32 v8, v10;
	_ =	sdelay $0x1  }
0x8a: {  	v8 =	vmul.f32 $1.442695020e+00, v8;
	_ =	sdelay $0x1  }
0x8b: {  	(erf) = vpow2.f32 v8;
	_ =	sdelay $0x2  }
0x8c: {  	s22 =	simm.s32 $0x20  }
0x8d: {  	v8 =	vor.u32 s22, v1  }
0x8e: {  	v7 =	vadd.s32 v5, v7;
	v8 =	vshrl.u32 v8, $0x1  }
0x8f: {  	vm2 =	vlt.u32 v7, $0x50910;
	v7 =	vmul.u32 $0x50, v8;
	v10 =	vshll.u32 v8, $0x4  }
0x90: {  	v9 =	vor.u32 v2, v10  }
0x91: {  	v11 =	vadd.s32 v5, v8;
	v7 =	vadd.s32 v3, v7  }
0x92: {  	s19 =	simm.s32 $0x2;
	s17 =	simm.s32 $0x30;
	vm2 =	vmand vm2, vm0;
	v8 =	vor.u32 v4, v10;
	vm1 =	vlt.u32 v11, $0x50910;
	v10 =	vpop (erf)  }
.LBB2_5:
0x93: {  	s19 =	sadd.s32 $0x2, s19;
	v10 =	vnsel vm2, $0x0, v10;
	s16 =	simm.s32 $0x260  }
0x94: {  	p0 =	slt.u32 s19, $0xC;
	[tilespmem:v6+s6+$0x0] =	vst.idx.msk $0xffff, v10  }
0x95: {  	v6 =	vld.idx.msk [tilespmem:v9+s10+$0x0], $0xffff  }
0x96: {  	v9 =	vld.idx.msk [tilespmem:v7+s6+$0x0], $0xffff;
	_ =	sdelay $0x4  }
0x97: {  	v8 =	vld.idx.msk [tilespmem:v8+s10+$0x0], $0xffff  }
0x98: {  	v6 =	vadd.f32 v6, v9;
	_ =	sdelay $0x1  }
0x99: {  	v9 =	vmul.f32 $2.000000030e-01, v6  }
0x9a: {  	vm2 =	vgt.f32 v6, $0.0e+00  }
0x9b: {  	v6 =	vsel vm2, v6, v9  }
0x9c: {  	v6 =	vsub.f32 v6, v8;
	_ =	sdelay $0x1  }
0x9d: {  	v6 =	vmul.f32 $1.442695020e+00, v6;
	_ =	sdelay $0x1  }
0x9e: {  	(erf) = vpow2.f32 v6;
	_ =	sdelay $0x2  }
0x9f: {  	v6 =	vor.u32 s17, v1  }
0xa0: {  	v6 =	vshrl.u32 v6, $0x1  }
0xa1: {  	v8 =	vmul.u32 $0x50, v6;
	v9 =	vshll.u32 v6, $0x4;
	v6 =	vadd.s32 v5, v6  }
0xa2: {  	vm2 =	vlt.u32 v6, $0x50910  }
0xa3: {  	v6 =	vadd.s32 v3, v8;
	v8 =	vor.u32 v2, v9;
	_ =	sdelay $0x1  }
0xa4: {  	vm1 =	vmand vm1, vm0;
	v10 =	vpop (erf)  }
0xa5: {  	v10 =	vnsel vm1, $0x0, v10  }
0xa6: {  	[tilespmem:v7+s6+$0x0] =	vst.idx.msk $0xffff, v10  }
0xa7: {  	v9 =	vor.u32 v4, v9;
	v7 =	vld.idx.msk [tilespmem:v6+s6+$0x0], $0xffff  }
0xa8: {  	v8 =	vld.idx.msk [tilespmem:v8+s10+$0x0], $0xffff;
	_ =	sdelay $0x3  }
0xa9: {  	v9 =	vld.idx.msk [tilespmem:v9+s10+$0x0], $0xffff;
	_ =	sdelay $0x1  }
0xaa: {  	v7 =	vadd.f32 v8, v7;
	_ =	sdelay $0x1  }
0xab: {  	vm1 =	vgt.f32 v7, $0.0e+00;
	v8 =	vmul.f32 $2.000000030e-01, v7;
	_ =	sdelay $0x1  }
0xac: {  	v7 =	vsel vm1, v7, v8  }
0xad: {  	v7 =	vsub.f32 v7, v9;
	_ =	sdelay $0x1  }
0xae: {  	v7 =	vmul.f32 $1.442695020e+00, v7;
	_ =	sdelay $0x1  }
0xaf: {  	(erf) = vpow2.f32 v7;
	_ =	sdelay $0x1  }
0xb0: {  	s17 =	sadd.s32 $0x20, s17  }
0xb1: {  	s20 =	sadd.s32 $0xFFFFFFF0, s17  }
0xb2: {  	v7 =	vor.u32 s20, v1  }
.Ltmp1:
0xb3: {  	v7 =	vshrl.u32 v7, $0x1;
	(pc) =	sbr.rel @p0 .LBB2_5-.Ltmp1, $4  }
0xb4: {  	v11 =	vmul.u32 $0x50, v7;
	v8 =	vshll.u32 v7, $0x4;
	v7 =	vadd.s32 v5, v7  }
0xb5: {  	v9 =	vor.u32 v2, v8;
	v8 =	vor.u32 v4, v8;
	vm1 =	vlt.u32 v7, $0x50910  }
0xb6: {  	vm2 =	vmand vm2, vm0;
	v7 =	vadd.s32 v3, v11  }
0xb7: {  	v10 =	vpop (erf)  }
0xb8: {  	_ =	sdelay $0x2  }
0xb9: {  	v10 =	vnsel vm2, $0x0, v10  }
0xba: {  	[tilespmem:v6+s6+$0x0] =	vst.idx.msk $0xffff, v10  }
0xbb: {  	v6 =	vld.idx.msk [tilespmem:v9+s10+$0x0], $0xffff  }
0xbc: {  	v9 =	vld.idx.msk [tilespmem:v7+s6+$0x0], $0xffff;
	_ =	sdelay $0x4  }
0xbd: {  	v8 =	vld.idx.msk [tilespmem:v8+s10+$0x0], $0xffff;
	v6 =	vadd.f32 v6, v9;
	_ =	sdelay $0x1  }
0xbe: {  	v9 =	vmul.f32 $2.000000030e-01, v6  }
0xbf: {  	vm2 =	vgt.f32 v6, $0.0e+00  }
0xc0: {  	v6 =	vsel vm2, v6, v9  }
0xc1: {  	v6 =	vsub.f32 v6, v8;
	_ =	sdelay $0x1  }
0xc2: {  	v6 =	vmul.f32 $1.442695020e+00, v6;
	_ =	sdelay $0x1  }
0xc3: {  	(erf) = vpow2.f32 v6;
	_ =	sdelay $0x2  }
0xc4: {  	v6 =	vor.u32 s17, v1  }
0xc5: {  	v6 =	vshrl.u32 v6, $0x1  }
0xc6: {  	v8 =	vmul.u32 $0x50, v6;
	_ =	sdelay $0x1  }
0xc7: {  	v9 =	vshll.u32 v6, $0x4;
	v8 =	vadd.s32 v3, v8  }
0xc8: {  	v10 =	vor.u32 v2, v9  }
0xc9: {  	vm1 =	vmand vm1, vm0;
	v11 =	vpop (erf)  }
0xca: {  	v11 =	vnsel vm1, $0x0, v11  }
0xcb: {  	[tilespmem:v7+s6+$0x0] =	vst.idx.msk $0xffff, v11  }
0xcc: {  	v7 =	vld.idx.msk [tilespmem:v8+s6+$0x0], $0xffff  }
0xcd: {  	v9 =	vor.u32 v4, v9;
	v10 =	vld.idx.msk [tilespmem:v10+s10+$0x0], $0xffff;
	_ =	sdelay $0x4  }
0xce: {  	v9 =	vld.idx.msk [tilespmem:v9+s10+$0x0], $0xffff;
	v7 =	vadd.f32 v10, v7;
	_ =	sdelay $0x1  }
0xcf: {  	v10 =	vmul.f32 $2.000000030e-01, v7  }
0xd0: {  	vm1 =	vgt.f32 v7, $0.0e+00  }
0xd1: {  	v7 =	vsel vm1, v7, v10  }
0xd2: {  	v7 =	vsub.f32 v7, v9;
	_ =	sdelay $0x1  }
0xd3: {  	v7 =	vmul.f32 $1.442695020e+00, v7;
	_ =	sdelay $0x1  }
0xd4: {  	(erf) = vpow2.f32 v7;
	_ =	sdelay $0x2  }
0xd5: {  	s19 =	simm.s32 $0x0  }
0xd6: {  	v7 =	vmov s19  }
0xd7: {  	v7 =	vmul.u32 $0x50, v7  }
0xd8: {  	v5 =	vadd.s32 v5, v6  }
0xd9: {  	v6 =	vadd.s32 $0x40, v7  }
0xda: {  	vm1 =	vlt.u32 v5, $0x50910;
	v6 =	vbroadcast v6, $0x0  }
0xdb: {  	vm1 =	vmand vm1, vm0;
	v5 =	vpop (erf)  }
0xdc: {  	v5 =	vnsel vm1, $0x0, v5  }
0xdd: {  	s22 =	simm.s32 $0x1;
	s20 =	simm.s32 $0x2;
	[tilespmem:v8+s6+$0x0] =	vst.idx.msk $0xffff, v5  }
0xde: {  	v9 =	vmov s20;
	v7 =	vmov s22;
	v5 =	vld [tilespmem:s16+$0xFFFFFF90]  }
0xdf: {  	v10 =	vmul.u32 $0x50, v9;
	v7 =	vmul.u32 $0x50, v7;
	v8 =	vld [tilespmem:s16+$0xFFFFFF70]  }
0xe0: {  	v9 =	vld.idx.msk [tilespmem:v6+s6+$0x0], $0xffff  }
0xe1: {  	v6 =	vadd.s32 $0x40, v7;
	v7 =	vadd.s32 $0x40, v10;
	v10 =	vld [tilespmem:s16+$0xFFFFFF60]  }
0xe2: {  	s17 =	simm.s32 $0x260;
	s20 =	simm.s32 $0x4;
	v11 =	vld [tilespmem:s16+$0xFFFFFF80];
	v6 =	vbroadcast v6, $0x0;
	v7 =	vbroadcast v7, $0x0  }
.LBB2_7:
0xe3: {  	p0 =	slt.u32 s20, $0x6C  }
0xe4: {  	s16 =	sadd.s32 $0x140, s16;
	s21 =	smov.u32 s20;
	s20 =	sadd.s32 $0x4, s20  }
0xe5: {  	_ =	sdelay $0x1  }
0xe6: {  	v12 =	vmov s21;
	v8 =	vmul.f32 v8, v9;
	v10 =	vmul.f32 v10, v9  }
0xe7: {  	v12 =	vmul.u32 $0x50, v12;
	v5 =	vmul.f32 v5, v9;
	v11 =	vmul.f32 v11, v9  }
0xe8: {  	[tilespmem:s17+$0xFFFFFF70] =	vst v8  }
0xe9: {  	v8 =	vadd.s32 $0x40, v12;
	[tilespmem:s17+$0xFFFFFF90] =	vst v5  }
0xea: {  	v9 =	vbroadcast v8, $0x0;
	[tilespmem:s17+$0xFFFFFF60] =	vst v10;
	v10 =	vld [tilespmem:s17+$0xFFFFFFE0]  }
0xeb: {  	[tilespmem:s17+$0xFFFFFF80] =	vst v11;
	v11 =	vld [tilespmem:s17+$0xFFFFFFC0]  }
0xec: {  	v6 =	vld.idx.msk [tilespmem:v6+s6+$0x0], $0xffff  }
0xed: {  	v12 =	vld [tilespmem:s17+$0xFFFFFFB0]  }
0xee: {  	v13 =	vld [tilespmem:s17+$0xFFFFFFD0]  }
0xef: {  	v5 =	vld [tilespmem:s16+$0xFFFFFF90];
	_ =	sdelay $0x1  }
0xf0: {  	s22 =	sadd.s32 $0x1, s21;
	v8 =	vld [tilespmem:s16+$0xFFFFFF70]  }
0xf1: {  	v14 =	vmov s22;
	v10 =	vmul.f32 v10, v6;
	v12 =	vmul.f32 v12, v6  }
0xf2: {  	v14 =	vmul.u32 $0x50, v14;
	v11 =	vmul.f32 v11, v6;
	v13 =	vmul.f32 v13, v6  }
0xf3: {  	[tilespmem:s17+$0xFFFFFFE0] =	vst v10  }
0xf4: {  	v6 =	vadd.s32 $0x40, v14;
	[tilespmem:s17+$0xFFFFFFB0] =	vst v12  }
0xf5: {  	v6 =	vbroadcast v6, $0x0;
	[tilespmem:s17+$0xFFFFFFC0] =	vst v11;
	v10 =	vld [tilespmem:s17+$0x0]  }
0xf6: {  	[tilespmem:s17+$0xFFFFFFD0] =	vst v13;
	v11 =	vld [tilespmem:s17+$0x30]  }
0xf7: {  	v7 =	vld.idx.msk [tilespmem:v7+s6+$0x0], $0xffff  }
0xf8: {  	s22 =	sadd.s32 $0x3, s19;
	s19 =	smov.u32 s21;
	v12 =	vld [tilespmem:s17+$0x10]  }
0xf9: {  	v14 =	vmov s22;
	v13 =	vld [tilespmem:s17+$0x20]  }
0xfa: {  	v14 =	vmul.u32 $0x50, v14;
	_ =	sdelay $0x1  }
0xfb: {  	v14 =	vadd.s32 $0x40, v14  }
0xfc: {  	v14 =	vbroadcast v14, $0x0;
	v10 =	vmul.f32 v10, v7  }
0xfd: {  	s21 =	sadd.s32 $0x2, s19;
	v11 =	vmul.f32 v11, v7;
	v13 =	vmul.f32 v13, v7  }
0xfe: {  	v15 =	vmov s21;
	v7 =	vmul.f32 v12, v7;
	[tilespmem:s17+$0x0] =	vst v10  }
0xff: {  	v10 =	vmul.u32 $0x50, v15;
	[tilespmem:s17+$0x30] =	vst v11  }
0x100: {  	[tilespmem:s17+$0x10] =	vst v7;
	v11 =	vld [tilespmem:s17+$0x50]  }
0x101: {  	v7 =	vadd.s32 $0x40, v10;
	[tilespmem:s17+$0x20] =	vst v13;
	v10 =	vld [tilespmem:s17+$0x80]  }
0x102: {  	v12 =	vld.idx.msk [tilespmem:v14+s6+$0x0], $0xffff  }
0x103: {  	v7 =	vbroadcast v7, $0x0;
	v13 =	vld [tilespmem:s17+$0x60]  }
0x104: {  	v14 =	vld [tilespmem:s17+$0x70];
	_ =	sdelay $0x3  }
0x105: {  	v11 =	vmul.f32 v11, v12;
	v13 =	vmul.f32 v13, v12  }
0x106: {  	v10 =	vmul.f32 v10, v12;
	v14 =	vmul.f32 v14, v12  }
0x107: {  	[tilespmem:s17+$0x50] =	vst v11  }
0x108: {  	[tilespmem:s17+$0x60] =	vst v13  }
.Ltmp2:
0x109: {  	[tilespmem:s17+$0x80] =	vst v10;
	(pc) =	sbr.rel @p0 .LBB2_7-.Ltmp2, $4  }
0x10a: {  	[tilespmem:s17+$0x70] =	vst v14;
	s17 =	smov.u32 s16  }
0x10b: {  	v9 =	vld.idx.msk [tilespmem:v9+s6+$0x0], $0xffff  }
0x10c: {  	v10 =	vld [tilespmem:s16+$0xFFFFFF60]  }
0x10d: {  	v11 =	vld [tilespmem:s16+$0xFFFFFF80]  }
0x10e: {  	_ =	sdelay $0x1  }
0x10f: {  	v8 =	vmul.f32 v8, v9  }
0x110: {  	v5 =	vmul.f32 v5, v9  }
0x111: {  	v10 =	vmul.f32 v10, v9;
	[tilespmem:s17+$0xFFFFFF70] =	vst v8  }
0x112: {  	v8 =	vmul.f32 v11, v9;
	[tilespmem:s17+$0xFFFFFF90] =	vst v5  }
0x113: {  	[tilespmem:s17+$0xFFFFFF60] =	vst v10  }
0x114: {  	v5 =	vld [tilespmem:s17+$0xFFFFFFE0];
	[tilespmem:s17+$0xFFFFFF80] =	vst v8  }
0x115: {  	v6 =	vld.idx.msk [tilespmem:v6+s6+$0x0], $0xffff  }
0x116: {  	v8 =	vld [tilespmem:s17+$0xFFFFFFB0]  }
0x117: {  	v9 =	vld [tilespmem:s17+$0xFFFFFFC0]  }
0x118: {  	v10 =	vld [tilespmem:s17+$0xFFFFFFD0];
	_ =	sdelay $0x1  }
0x119: {  	v5 =	vmul.f32 v5, v6  }
0x11a: {  	v8 =	vmul.f32 v8, v6  }
0x11b: {  	v9 =	vmul.f32 v9, v6;
	[tilespmem:s17+$0xFFFFFFE0] =	vst v5  }
0x11c: {  	v5 =	vmul.f32 v10, v6;
	[tilespmem:s17+$0xFFFFFFB0] =	vst v8  }
0x11d: {  	[tilespmem:s17+$0xFFFFFFC0] =	vst v9  }
0x11e: {  	v6 =	vld [tilespmem:s17+$0x0];
	[tilespmem:s17+$0xFFFFFFD0] =	vst v5  }
0x11f: {  	s16 =	sadd.s32 $0x3, s19;
	v5 =	vld.idx.msk [tilespmem:v7+s6+$0x0], $0xffff  }
0x120: {  	v8 =	vmov s16;
	v7 =	vld [tilespmem:s17+$0x30]  }
0x121: {  	v9 =	vld [tilespmem:s17+$0x10];
	v8 =	vmul.u32 $0x50, v8  }
0x122: {  	v10 =	vld [tilespmem:s17+$0x20]  }
0x123: {  	v8 =	vadd.s32 $0x40, v8  }
0x124: {  	v8 =	vbroadcast v8, $0x0;
	v6 =	vmul.f32 v6, v5  }
0x125: {  	v7 =	vmul.f32 v7, v5  }
0x126: {  	[tilespmem:s17+$0x0] =	vst v6;
	v6 =	vmul.f32 v9, v5  }
0x127: {  	v5 =	vmul.f32 v10, v5;
	[tilespmem:s17+$0x30] =	vst v7  }
0x128: {  	[tilespmem:s17+$0x10] =	vst v6  }
0x129: {  	v6 =	vld [tilespmem:s17+$0x50];
	[tilespmem:s17+$0x20] =	vst v5  }
0x12a: {  	v5 =	vld.idx.msk [tilespmem:v8+s6+$0x0], $0xffff  }
0x12b: {  	v7 =	vld [tilespmem:s17+$0x60]  }
0x12c: {  	v8 =	vld [tilespmem:s17+$0x80]  }
0x12d: {  	v9 =	vld [tilespmem:s17+$0x70];
	_ =	sdelay $0x1  }
0x12e: {  	v6 =	vmul.f32 v6, v5  }
0x12f: {  	v7 =	vmul.f32 v7, v5  }
0x130: {  	v8 =	vmul.f32 v8, v5;
	[tilespmem:s17+$0x50] =	vst v6  }
0x131: {  	v5 =	vmul.f32 v9, v5;
	[tilespmem:s17+$0x60] =	vst v7  }
0x132: {  	[tilespmem:s17+$0x80] =	vst v8  }
0x133: {  	[tilespmem:s17+$0x70] =	vst v5  }
0x134: {  	[spmem:s2] =	stream.indirect.scatter.add.f32 [tilespmem:s6], [sflag:$0x3], $0x50, s8, s9, $0xb8;
	[tilespmem:$0x11DC0] =	vst v63  }
0x135: {  	s21 =	sadd.s32 s31, s0;
	_ =	swait.ge [sflag:s7], $0x2300  }
0x136: {  	s16 =	sshrl.u32 s21, $0x3;
	[sflag:s7] =	ssyncset.done $0x0  }
0x137: {  	s22 =	sadd.s32 s1, s16;
	[sflag:s7] =	ssyncadd.s32 $0xFFFFDD00  }
0x138: {  	[tilespmem:s4], [sflag:$0x3] =	stream.linear.gather [hbm4b:s22+s4], $0x70, $0x38;
	[tilespmem:$0x11DC0] =	vst v63  }
0x139: {  	_ =	swait.ge [sflag:s7], $0x70  }
0x13a: {  	[sflag:s7] =	ssyncset.done $0x0  }
0x13b: {  	s16 =	sadd.s32 s5, s16;
	[sflag:s7] =	ssyncadd.s32 $0xFFFFFF90  }
0x13c: {  	[tilespmem:s8], [sflag:$0x3] =	stream.linear.gather [hbm4b:s16+s4], $0x70, $0x38;
	[tilespmem:$0x11DC0] =	vst v63  }
0x13d: {  	_ =	swait.ge [sflag:s7], $0x70  }
0x13e: {  	[sflag:s7] =	ssyncset.done $0x0  }
0x13f: {  	s19 =	simm.s32 $0x0;
	[sflag:s7] =	ssyncadd.s32 $0xFFFFFF90  }
0x140: {  	[tilespmem:s6], [sflag:$0x1] =	stream.indirect.gather [hbm4b:s14+s9], $0x50, s4, s9, $0xb8;
	[tilespmem:$0x11DC0] =	vst v63  }
0x141: {  	v5 =	vor.u32 s19, v1  }
0x142: {  	v6 =	vshrl.u32 v5, $0x1;
	[tilespmem:s10], [sflag:$0x1] =	stream.indirect.gather [hbm4b:s15+s9], $0x10, s8, s9, $0xb8;
	[tilespmem:$0x11DC0] =	vst v63  }
0x143: {  	v5 =	vmul.u32 $0x50, v6;
	v7 =	vshll.u32 v6, $0x4;
	_ =	swait.ge [sflag:s28], $0x2300  }
0x144: {  	v8 =	vor.u32 v2, v7;
	[sflag:s28] =	ssyncset.done $0x0  }
0x145: {  	v9 =	vadd.s32 v3, v5;
	[sflag:s28] =	ssyncadd.s32 $0xFFFFDD00  }
0x146: {  	_ =	swait.ge [sflag:s28], $0x700  }
0x147: {  	[sflag:s28] =	ssyncset.done $0x0  }
0x148: {  	[sflag:s28] =	ssyncadd.s32 $0xFFFFF900  }
0x149: {  	v5 =	vld.idx.msk [tilespmem:v8+s13+$0x0], $0xffff  }
0x14a: {  	v7 =	vor.u32 v4, v7;
	v8 =	vld.idx.msk [tilespmem:v9+s12+$0x0], $0xffff;
	_ =	sdelay $0x4  }
0x14b: {  	v7 =	vld.idx.msk [tilespmem:v7+s13+$0x0], $0xffff;
	v5 =	vadd.f32 v5, v8;
	_ =	sdelay $0x1  }
0x14c: {  	v8 =	vmul.f32 $2.000000030e-01, v5  }
0x14d: {  	vm1 =	vgt.f32 v5, $0.0e+00  }
0x14e: {  	v5 =	vsel vm1, v5, v8  }
0x14f: {  	v5 =	vsub.f32 v5, v7;
	_ =	sdelay $0x1  }
0x150: {  	v5 =	vmul.f32 $1.442695020e+00, v5;
	_ =	sdelay $0x1  }
0x151: {  	(erf) = vpow2.f32 v5;
	_ =	sdelay $0x1  }
0x152: {  	s20 =	simm.s32 $0x10  }
0x153: {  	v5 =	vor.u32 s20, v1  }
0x154: {  	s21 =	sadd.s32 s31, s24;
	v7 =	vshrl.u32 v5, $0x1  }
0x155: {  	v5 =	vmov s21;
	v8 =	vmul.u32 $0x50, v7  }
0x156: {  	v10 =	vadd.s32 v5, v6  }
0x157: {  	v11 =	vshll.u32 v7, $0x4;
	v6 =	vadd.s32 v3, v8  }
0x158: {  	vm1 =	vlt.u32 v10, $0x50910;
	v8 =	vor.u32 v2, v11  }
0x159: {  	vm1 =	vmand vm1, vm0;
	v10 =	vpop (erf)  }
0x15a: {  	v10 =	vnsel vm1, $0x0, v10  }
0x15b: {  	[tilespmem:v9+s12+$0x0] =	vst.idx.msk $0xffff, v10  }
0x15c: {  	v9 =	vld.idx.msk [tilespmem:v6+s12+$0x0], $0xffff  }
0x15d: {  	v10 =	vor.u32 v4, v11;
	v8 =	vld.idx.msk [tilespmem:v8+s13+$0x0], $0xffff;
	_ =	sdelay $0x4  }
0x15e: {  	v10 =	vld.idx.msk [tilespmem:v10+s13+$0x0], $0xffff;
	v8 =	vadd.f32 v8, v9;
	_ =	sdelay $0x1  }
0x15f: {  	v9 =	vmul.f32 $2.000000030e-01, v8  }
0x160: {  	vm1 =	vgt.f32 v8, $0.0e+00  }
0x161: {  	v8 =	vsel vm1, v8, v9  }
0x162: {  	v8 =	vsub.f32 v8, v10;
	_ =	sdelay $0x1  }
0x163: {  	v8 =	vmul.f32 $1.442695020e+00, v8;
	_ =	sdelay $0x1  }
0x164: {  	(erf) = vpow2.f32 v8;
	_ =	sdelay $0x2  }
0x165: {  	s22 =	simm.s32 $0x20  }
0x166: {  	v8 =	vor.u32 s22, v1  }
0x167: {  	v7 =	vadd.s32 v5, v7;
	v8 =	vshrl.u32 v8, $0x1  }
0x168: {  	vm2 =	vlt.u32 v7, $0x50910;
	v7 =	vmul.u32 $0x50, v8;
	v10 =	vshll.u32 v8, $0x4  }
0x169: {  	v9 =	vor.u32 v2, v10  }
0x16a: {  	v11 =	vadd.s32 v5, v8;
	v7 =	vadd.s32 v3, v7  }
0x16b: {  	s19 =	simm.s32 $0x2;
	s17 =	simm.s32 $0x30;
	vm2 =	vmand vm2, vm0;
	v8 =	vor.u32 v4, v10;
	vm1 =	vlt.u32 v11, $0x50910;
	v10 =	vpop (erf)  }
.LBB2_9:
0x16c: {  	s19 =	sadd.s32 $0x2, s19;
	v10 =	vnsel vm2, $0x0, v10;
	s16 =	simm.s32 $0x2560  }
0x16d: {  	p0 =	slt.u32 s19, $0xC;
	[tilespmem:v6+s12+$0x0] =	vst.idx.msk $0xffff, v10  }
0x16e: {  	v6 =	vld.idx.msk [tilespmem:v9+s13+$0x0], $0xffff  }
0x16f: {  	v9 =	vld.idx.msk [tilespmem:v7+s12+$0x0], $0xffff;
	_ =	sdelay $0x4  }
0x170: {  	v8 =	vld.idx.msk [tilespmem:v8+s13+$0x0], $0xffff  }
0x171: {  	v6 =	vadd.f32 v6, v9;
	_ =	sdelay $0x1  }
0x172: {  	v9 =	vmul.f32 $2.000000030e-01, v6  }
0x173: {  	vm2 =	vgt.f32 v6, $0.0e+00  }
0x174: {  	v6 =	vsel vm2, v6, v9  }
0x175: {  	v6 =	vsub.f32 v6, v8;
	_ =	sdelay $0x1  }
0x176: {  	v6 =	vmul.f32 $1.442695020e+00, v6;
	_ =	sdelay $0x1  }
0x177: {  	(erf) = vpow2.f32 v6;
	_ =	sdelay $0x2  }
0x178: {  	v6 =	vor.u32 s17, v1  }
0x179: {  	v6 =	vshrl.u32 v6, $0x1  }
0x17a: {  	v8 =	vmul.u32 $0x50, v6;
	v9 =	vshll.u32 v6, $0x4;
	v6 =	vadd.s32 v5, v6  }
0x17b: {  	vm2 =	vlt.u32 v6, $0x50910  }
0x17c: {  	v6 =	vadd.s32 v3, v8;
	v8 =	vor.u32 v2, v9;
	_ =	sdelay $0x1  }
0x17d: {  	vm1 =	vmand vm1, vm0;
	v10 =	vpop (erf)  }
0x17e: {  	v10 =	vnsel vm1, $0x0, v10  }
0x17f: {  	[tilespmem:v7+s12+$0x0] =	vst.idx.msk $0xffff, v10  }
0x180: {  	v9 =	vor.u32 v4, v9;
	v7 =	vld.idx.msk [tilespmem:v6+s12+$0x0], $0xffff  }
0x181: {  	v8 =	vld.idx.msk [tilespmem:v8+s13+$0x0], $0xffff;
	_ =	sdelay $0x3  }
0x182: {  	v9 =	vld.idx.msk [tilespmem:v9+s13+$0x0], $0xffff;
	_ =	sdelay $0x1  }
0x183: {  	v7 =	vadd.f32 v8, v7;
	_ =	sdelay $0x1  }
0x184: {  	vm1 =	vgt.f32 v7, $0.0e+00;
	v8 =	vmul.f32 $2.000000030e-01, v7;
	_ =	sdelay $0x1  }
0x185: {  	v7 =	vsel vm1, v7, v8  }
0x186: {  	v7 =	vsub.f32 v7, v9;
	_ =	sdelay $0x1  }
0x187: {  	v7 =	vmul.f32 $1.442695020e+00, v7;
	_ =	sdelay $0x1  }
0x188: {  	(erf) = vpow2.f32 v7;
	_ =	sdelay $0x1  }
0x189: {  	s17 =	sadd.s32 $0x20, s17  }
0x18a: {  	s20 =	sadd.s32 $0xFFFFFFF0, s17  }
0x18b: {  	v7 =	vor.u32 s20, v1  }
.Ltmp3:
0x18c: {  	v7 =	vshrl.u32 v7, $0x1;
	(pc) =	sbr.rel @p0 .LBB2_9-.Ltmp3, $4  }
0x18d: {  	v11 =	vmul.u32 $0x50, v7;
	v8 =	vshll.u32 v7, $0x4;
	v7 =	vadd.s32 v5, v7  }
0x18e: {  	v9 =	vor.u32 v2, v8;
	v8 =	vor.u32 v4, v8;
	vm1 =	vlt.u32 v7, $0x50910  }
0x18f: {  	vm2 =	vmand vm2, vm0;
	v7 =	vadd.s32 v3, v11  }
0x190: {  	v10 =	vpop (erf)  }
0x191: {  	_ =	sdelay $0x2  }
0x192: {  	v10 =	vnsel vm2, $0x0, v10  }
0x193: {  	[tilespmem:v6+s12+$0x0] =	vst.idx.msk $0xffff, v10  }
0x194: {  	v6 =	vld.idx.msk [tilespmem:v9+s13+$0x0], $0xffff  }
0x195: {  	v9 =	vld.idx.msk [tilespmem:v7+s12+$0x0], $0xffff;
	_ =	sdelay $0x4  }
0x196: {  	v8 =	vld.idx.msk [tilespmem:v8+s13+$0x0], $0xffff;
	v6 =	vadd.f32 v6, v9;
	_ =	sdelay $0x1  }
0x197: {  	v9 =	vmul.f32 $2.000000030e-01, v6  }
0x198: {  	vm2 =	vgt.f32 v6, $0.0e+00  }
0x199: {  	v6 =	vsel vm2, v6, v9  }
0x19a: {  	v6 =	vsub.f32 v6, v8;
	_ =	sdelay $0x1  }
0x19b: {  	v6 =	vmul.f32 $1.442695020e+00, v6;
	_ =	sdelay $0x1  }
0x19c: {  	(erf) = vpow2.f32 v6;
	_ =	sdelay $0x2  }
0x19d: {  	v6 =	vor.u32 s17, v1  }
0x19e: {  	v6 =	vshrl.u32 v6, $0x1  }
0x19f: {  	v8 =	vmul.u32 $0x50, v6;
	_ =	sdelay $0x1  }
0x1a0: {  	v9 =	vshll.u32 v6, $0x4;
	v8 =	vadd.s32 v3, v8  }
0x1a1: {  	v10 =	vor.u32 v2, v9  }
0x1a2: {  	vm1 =	vmand vm1, vm0;
	v11 =	vpop (erf)  }
0x1a3: {  	v11 =	vnsel vm1, $0x0, v11  }
0x1a4: {  	[tilespmem:v7+s12+$0x0] =	vst.idx.msk $0xffff, v11  }
0x1a5: {  	v7 =	vld.idx.msk [tilespmem:v8+s12+$0x0], $0xffff  }
0x1a6: {  	v9 =	vor.u32 v4, v9;
	v10 =	vld.idx.msk [tilespmem:v10+s13+$0x0], $0xffff;
	_ =	sdelay $0x4  }
0x1a7: {  	v9 =	vld.idx.msk [tilespmem:v9+s13+$0x0], $0xffff;
	v7 =	vadd.f32 v10, v7;
	_ =	sdelay $0x1  }
0x1a8: {  	v10 =	vmul.f32 $2.000000030e-01, v7  }
0x1a9: {  	vm1 =	vgt.f32 v7, $0.0e+00  }
0x1aa: {  	v7 =	vsel vm1, v7, v10  }
0x1ab: {  	v7 =	vsub.f32 v7, v9;
	_ =	sdelay $0x1  }
0x1ac: {  	v7 =	vmul.f32 $1.442695020e+00, v7;
	_ =	sdelay $0x1  }
0x1ad: {  	(erf) = vpow2.f32 v7;
	_ =	sdelay $0x2  }
0x1ae: {  	s19 =	simm.s32 $0x0  }
0x1af: {  	v7 =	vmov s19  }
0x1b0: {  	v7 =	vmul.u32 $0x50, v7  }
0x1b1: {  	v5 =	vadd.s32 v5, v6  }
0x1b2: {  	v6 =	vadd.s32 $0x40, v7  }
0x1b3: {  	vm1 =	vlt.u32 v5, $0x50910;
	v6 =	vbroadcast v6, $0x0  }
0x1b4: {  	vm1 =	vmand vm1, vm0;
	v5 =	vpop (erf)  }
0x1b5: {  	v5 =	vnsel vm1, $0x0, v5  }
0x1b6: {  	s22 =	simm.s32 $0x1;
	s20 =	simm.s32 $0x2;
	[tilespmem:v8+s12+$0x0] =	vst.idx.msk $0xffff, v5  }
0x1b7: {  	v9 =	vmov s20;
	v7 =	vmov s22;
	v5 =	vld [tilespmem:s16+$0xFFFFFF90]  }
0x1b8: {  	v10 =	vmul.u32 $0x50, v9;
	v7 =	vmul.u32 $0x50, v7;
	v8 =	vld [tilespmem:s16+$0xFFFFFF70]  }
0x1b9: {  	v9 =	vld.idx.msk [tilespmem:v6+s12+$0x0], $0xffff  }
0x1ba: {  	v6 =	vadd.s32 $0x40, v7;
	v7 =	vadd.s32 $0x40, v10;
	v10 =	vld [tilespmem:s16+$0xFFFFFF60]  }
0x1bb: {  	s17 =	simm.s32 $0x2560;
	s20 =	simm.s32 $0x4;
	v11 =	vld [tilespmem:s16+$0xFFFFFF80];
	v6 =	vbroadcast v6, $0x0;
	v7 =	vbroadcast v7, $0x0  }
.LBB2_11:
0x1bc: {  	p0 =	slt.u32 s20, $0x6C  }
0x1bd: {  	s16 =	sadd.s32 $0x140, s16;
	s21 =	smov.u32 s20;
	s20 =	sadd.s32 $0x4, s20  }
0x1be: {  	_ =	sdelay $0x1  }
0x1bf: {  	v12 =	vmov s21;
	v8 =	vmul.f32 v8, v9;
	v10 =	vmul.f32 v10, v9  }
0x1c0: {  	v12 =	vmul.u32 $0x50, v12;
	v5 =	vmul.f32 v5, v9;
	v11 =	vmul.f32 v11, v9  }
0x1c1: {  	[tilespmem:s17+$0xFFFFFF70] =	vst v8  }
0x1c2: {  	v8 =	vadd.s32 $0x40, v12;
	[tilespmem:s17+$0xFFFFFF90] =	vst v5  }
0x1c3: {  	v9 =	vbroadcast v8, $0x0;
	[tilespmem:s17+$0xFFFFFF60] =	vst v10;
	v10 =	vld [tilespmem:s17+$0xFFFFFFE0]  }
0x1c4: {  	[tilespmem:s17+$0xFFFFFF80] =	vst v11;
	v11 =	vld [tilespmem:s17+$0xFFFFFFC0]  }
0x1c5: {  	v6 =	vld.idx.msk [tilespmem:v6+s12+$0x0], $0xffff  }
0x1c6: {  	v12 =	vld [tilespmem:s17+$0xFFFFFFB0]  }
0x1c7: {  	v13 =	vld [tilespmem:s17+$0xFFFFFFD0]  }
0x1c8: {  	v5 =	vld [tilespmem:s16+$0xFFFFFF90];
	_ =	sdelay $0x1  }
0x1c9: {  	s22 =	sadd.s32 $0x1, s21;
	v8 =	vld [tilespmem:s16+$0xFFFFFF70]  }
0x1ca: {  	v14 =	vmov s22;
	v10 =	vmul.f32 v10, v6;
	v12 =	vmul.f32 v12, v6  }
0x1cb: {  	v14 =	vmul.u32 $0x50, v14;
	v11 =	vmul.f32 v11, v6;
	v13 =	vmul.f32 v13, v6  }
0x1cc: {  	[tilespmem:s17+$0xFFFFFFE0] =	vst v10  }
0x1cd: {  	v6 =	vadd.s32 $0x40, v14;
	[tilespmem:s17+$0xFFFFFFB0] =	vst v12  }
0x1ce: {  	v6 =	vbroadcast v6, $0x0;
	[tilespmem:s17+$0xFFFFFFC0] =	vst v11;
	v10 =	vld [tilespmem:s17+$0x0]  }
0x1cf: {  	[tilespmem:s17+$0xFFFFFFD0] =	vst v13;
	v11 =	vld [tilespmem:s17+$0x30]  }
0x1d0: {  	v7 =	vld.idx.msk [tilespmem:v7+s12+$0x0], $0xffff  }
0x1d1: {  	s22 =	sadd.s32 $0x3, s19;
	s19 =	smov.u32 s21;
	v12 =	vld [tilespmem:s17+$0x10]  }
0x1d2: {  	v14 =	vmov s22;
	v13 =	vld [tilespmem:s17+$0x20]  }
0x1d3: {  	v14 =	vmul.u32 $0x50, v14;
	_ =	sdelay $0x1  }
0x1d4: {  	v14 =	vadd.s32 $0x40, v14  }
0x1d5: {  	v14 =	vbroadcast v14, $0x0;
	v10 =	vmul.f32 v10, v7  }
0x1d6: {  	s21 =	sadd.s32 $0x2, s19;
	v11 =	vmul.f32 v11, v7;
	v13 =	vmul.f32 v13, v7  }
0x1d7: {  	v15 =	vmov s21;
	v7 =	vmul.f32 v12, v7;
	[tilespmem:s17+$0x0] =	vst v10  }
0x1d8: {  	v10 =	vmul.u32 $0x50, v15;
	[tilespmem:s17+$0x30] =	vst v11  }
0x1d9: {  	[tilespmem:s17+$0x10] =	vst v7;
	v11 =	vld [tilespmem:s17+$0x50]  }
0x1da: {  	v7 =	vadd.s32 $0x40, v10;
	[tilespmem:s17+$0x20] =	vst v13;
	v10 =	vld [tilespmem:s17+$0x80]  }
0x1db: {  	v12 =	vld.idx.msk [tilespmem:v14+s12+$0x0], $0xffff  }
0x1dc: {  	v7 =	vbroadcast v7, $0x0;
	v13 =	vld [tilespmem:s17+$0x60]  }
0x1dd: {  	v14 =	vld [tilespmem:s17+$0x70];
	_ =	sdelay $0x3  }
0x1de: {  	v11 =	vmul.f32 v11, v12;
	v13 =	vmul.f32 v13, v12  }
0x1df: {  	v10 =	vmul.f32 v10, v12;
	v14 =	vmul.f32 v14, v12  }
0x1e0: {  	[tilespmem:s17+$0x50] =	vst v11  }
0x1e1: {  	[tilespmem:s17+$0x60] =	vst v13  }
.Ltmp4:
0x1e2: {  	[tilespmem:s17+$0x80] =	vst v10;
	(pc) =	sbr.rel @p0 .LBB2_11-.Ltmp4, $4  }
0x1e3: {  	[tilespmem:s17+$0x70] =	vst v14;
	s17 =	smov.u32 s16  }
0x1e4: {  	v9 =	vld.idx.msk [tilespmem:v9+s12+$0x0], $0xffff  }
0x1e5: {  	v10 =	vld [tilespmem:s16+$0xFFFFFF60]  }
0x1e6: {  	v11 =	vld [tilespmem:s16+$0xFFFFFF80]  }
0x1e7: {  	_ =	sdelay $0x1  }
0x1e8: {  	v8 =	vmul.f32 v8, v9  }
0x1e9: {  	v5 =	vmul.f32 v5, v9  }
0x1ea: {  	v10 =	vmul.f32 v10, v9;
	[tilespmem:s17+$0xFFFFFF70] =	vst v8  }
0x1eb: {  	v55 =	vmul.f32 v11, v9;
	[tilespmem:s17+$0xFFFFFF90] =	vst v5  }
0x1ec: {  	[tilespmem:s17+$0xFFFFFF60] =	vst v10  }
0x1ed: {  	v5 =	vld [tilespmem:s17+$0xFFFFFFE0];
	[tilespmem:s17+$0xFFFFFF80] =	vst v55  }
0x1ee: {  	v6 =	vld.idx.msk [tilespmem:v6+s12+$0x0], $0xffff  }
0x1ef: {  	v56 =	vld [tilespmem:s17+$0xFFFFFFB0]  }
0x1f0: {  	v57 =	vld [tilespmem:s17+$0xFFFFFFC0]  }
0x1f1: {  	v58 =	vld [tilespmem:s17+$0xFFFFFFD0];
	_ =	sdelay $0x1  }
0x1f2: {  	v5 =	vmul.f32 v5, v6  }
0x1f3: {  	v8 =	vmul.f32 v56, v6  }
0x1f4: {  	v9 =	vmul.f32 v57, v6;
	[tilespmem:s17+$0xFFFFFFE0] =	vst v5  }
0x1f5: {  	v5 =	vmul.f32 v58, v6;
	[tilespmem:s17+$0xFFFFFFB0] =	vst v8  }
0x1f6: {  	[tilespmem:s17+$0xFFFFFFC0] =	vst v9  }
0x1f7: {  	v6 =	vld [tilespmem:s17+$0x0];
	[tilespmem:s17+$0xFFFFFFD0] =	vst v5  }
0x1f8: {  	s16 =	sadd.s32 $0x3, s19;
	v5 =	vld.idx.msk [tilespmem:v7+s12+$0x0], $0xffff  }
0x1f9: {  	v59 =	vmov s16;
	v7 =	vld [tilespmem:s17+$0x30]  }
0x1fa: {  	v60 =	vld [tilespmem:s17+$0x10];
	v8 =	vmul.u32 $0x50, v59  }
0x1fb: {  	v61 =	vld [tilespmem:s17+$0x20]  }
0x1fc: {  	v8 =	vadd.s32 $0x40, v8  }
0x1fd: {  	v8 =	vbroadcast v8, $0x0;
	v6 =	vmul.f32 v6, v5  }
0x1fe: {  	v7 =	vmul.f32 v7, v5  }
0x1ff: {  	[tilespmem:s17+$0x0] =	vst v6;
	v6 =	vmul.f32 v60, v5  }
0x200: {  	v5 =	vmul.f32 v61, v5;
	[tilespmem:s17+$0x30] =	vst v7  }
0x201: {  	[tilespmem:s17+$0x10] =	vst v6  }
0x202: {  	v6 =	vld [tilespmem:s17+$0x50];
	[tilespmem:s17+$0x20] =	vst v5  }
0x203: {  	v5 =	vld.idx.msk [tilespmem:v8+s12+$0x0], $0xffff  }
0x204: {  	v7 =	vld [tilespmem:s17+$0x60]  }
0x205: {  	v62 =	vld [tilespmem:s17+$0x80]  }
0x206: {  	v63 =	vld [tilespmem:s17+$0x70];
	_ =	sdelay $0x1  }
0x207: {  	v6 =	vmul.f32 v6, v5  }
0x208: {  	v7 =	vmul.f32 v7, v5  }
0x209: {  	v8 =	vmul.f32 v62, v5;
	[tilespmem:s17+$0x50] =	vst v6  }
0x20a: {  	v5 =	vmul.f32 v63, v5;
	[tilespmem:s17+$0x60] =	vst v7  }
0x20b: {  	[tilespmem:s17+$0x80] =	vst v8  }
0x20c: {  	[tilespmem:s17+$0x70] =	vst v5  }
0x20d: {  	[spmem:s2] =	stream.indirect.scatter.add.f32 [tilespmem:s12], [sflag:$0x3], $0x50, s11, s9, $0xb8;
	[tilespmem:$0x11DC0] =	vst v63  }
0x20e: {  	s22 =	sadd.s32 s31, s3;
	_ =	swait.ge [sflag:s7], $0x2300  }
0x20f: {  	s16 =	sshrl.u32 s22, $0x3;
	[sflag:s7] =	ssyncset.done $0x0  }
0x210: {  	s31 =	sadd.s32 s1, s16;
	[sflag:s7] =	ssyncadd.s32 $0xFFFFDD00  }
0x211: {  	[tilespmem:s9], [sflag:$0x3] =	stream.linear.gather [hbm4b:s31+s4], $0x70, $0x38;
	[tilespmem:$0x11DC0] =	vst v63  }
0x212: {  	s30 =	sadd.s32 $0x1, s30;
	_ =	swait.ge [sflag:s7], $0x70  }
0x213: {  	p0 =	sne.s32 s30, $0x2F;
	[sflag:s7] =	ssyncset.done $0x0  }
.Ltmp5:
0x214: {  	s16 =	sadd.s32 s5, s16;
	[sflag:s7] =	ssyncadd.s32 $0xFFFFFF90;
	(pc) =	sbr.rel @p0 .LBB2_4-.Ltmp5, $4  }
0x215: {  	[tilespmem:s11], [sflag:$0x3] =	stream.linear.gather [hbm4b:s16+s4], $0x70, $0x38;
	[tilespmem:$0x11DC0] =	vst v63  }
0x216: {  	_ =	swait.ge [sflag:s7], $0x70  }
0x217: {  	[sflag:s7] =	ssyncset.done $0x0  }
0x218: {  	[sflag:s7] =	ssyncadd.s32 $0xFFFFFF90  }
0x219: {  	_ =	swait.ge [sflag:s26], $0x2300  }
0x21a: {  	[sflag:s26] =	ssyncset.done $0x0  }
0x21b: {  	[sflag:s26] =	ssyncadd.s32 $0xFFFFDD00  }
0x21c: {  	_ =	swait.ge [sflag:s26], $0x700  }
0x21d: {  	[sflag:s26] =	ssyncset.done $0x0  }
0x21e: {  	[sflag:s26] =	ssyncadd.s32 $0xFFFFF900  }
0x21f: {  	[bflag:$0x0] =	sbarrier.arrive $0xFFFF  }
0x220: {  	[tilespmem:s6], [sflag:$0x3] =	stream.linear.gather [spmem:s23], $0x1900, $0x38;
	[tilespmem:$0x11DC0] =	vst v63  }
0x221: {  	_ =	swait.ge [sflag:s7], $0x1900  }
0x222: {  	[sflag:s7] =	ssyncset.done $0x0  }
0x223: {  	s16 =	rddreg [dreg:$0x4];
	[sflag:s7] =	ssyncadd.s32 $0xFFFFE700  }
0x224: {  	[hbm4b:s16+s4] =	stream.linear.scatter [tilespmem:s6], [sflag:$0x3], $0x1900, $0x38;
	[tilespmem:$0x11DC0] =	vst v63  }
0x225: {  	_ =	swait.ge [sflag:s7], $0x1900  }
0x226: {  	[sflag:s7] =	ssyncset.done $0x0  }
0x227: {  	[sflag:s7] =	ssyncadd.s32 $0xFFFFE700  }
0x228: {  	[tilespmem:s6], [sflag:$0x3] =	stream.linear.gather [spmem:s25], $0x1900, $0x38;
	[tilespmem:$0x11DC0] =	vst v63  }
0x229: {  	_ =	swait.ge [sflag:s7], $0x1900  }
0x22a: {  	[sflag:s7] =	ssyncset.done $0x0  }
0x22b: {  	s22 =	rddreg [dreg:$0x5];
	[sflag:s7] =	ssyncadd.s32 $0xFFFFE700  }
0x22c: {  	[hbm4b:s22+s4] =	stream.linear.scatter [tilespmem:s6], [sflag:$0x3], $0x1900, $0x38;
	[tilespmem:$0x11DC0] =	vst v63  }
0x22d: {  	_ =	swait.ge [sflag:s7], $0x1900  }
0x22e: {  	[sflag:s7] =	ssyncset.done $0x0  }
0x22f: {  	s22 =	rddreg [dreg:$0xc];
	[sflag:s7] =	ssyncadd.s32 $0xFFFFE700  }
0x230: {  	[tilespmem:s6], [sflag:$0x3] =	stream.linear.gather [spmem:s22], $0x1900, $0x38;
	[tilespmem:$0x11DC0] =	vst v63  }
0x231: {  	_ =	swait.ge [sflag:s7], $0x1900  }
0x232: {  	[sflag:s7] =	ssyncset.done $0x0  }
0x233: {  	s20 =	smov.u32 s23;
	s23 =	rddreg [dreg:$0x6];
	[sflag:s7] =	ssyncadd.s32 $0xFFFFE700  }
0x234: {  	[hbm4b:s23+s4] =	stream.linear.scatter [tilespmem:s6], [sflag:$0x3], $0x1900, $0x38;
	[tilespmem:$0x11DC0] =	vst v63  }
0x235: {  	_ =	swait.ge [sflag:s7], $0x1900  }
0x236: {  	[sflag:s7] =	ssyncset.done $0x0  }
0x237: {  	s30 =	rddreg [dreg:$0xd];
	[sflag:s7] =	ssyncadd.s32 $0xFFFFE700  }
0x238: {  	[tilespmem:s6], [sflag:$0x3] =	stream.linear.gather [spmem:s30], $0x1900, $0x38;
	[tilespmem:$0x11DC0] =	vst v63  }
0x239: {  	_ =	swait.ge [sflag:s7], $0x1900  }
0x23a: {  	[sflag:s7] =	ssyncset.done $0x0  }
0x23b: {  	s21 =	smov.u32 s25;
	s25 =	rddreg [dreg:$0x7];
	[sflag:s7] =	ssyncadd.s32 $0xFFFFE700  }
0x23c: {  	[hbm4b:s25+s4] =	stream.linear.scatter [tilespmem:s6], [sflag:$0x3], $0x1900, $0x38;
	[tilespmem:$0x11DC0] =	vst v63  }
0x23d: {  	_ =	swait.ge [sflag:s7], $0x1900  }
0x23e: {  	[sflag:s7] =	ssyncset.done $0x0  }
0x23f: {  	s31 =	rddreg [dreg:$0xe];
	[sflag:s7] =	ssyncadd.s32 $0xFFFFE700  }
0x240: {  	[tilespmem:s6], [sflag:$0x3] =	stream.linear.gather [spmem:s31], $0x1900, $0x38;
	[tilespmem:$0x11DC0] =	vst v63  }
0x241: {  	_ =	swait.ge [sflag:s7], $0x1900  }
0x242: {  	[sflag:s7] =	ssyncset.done $0x0  }
0x243: {  	s17 =	rddreg [dreg:$0x8];
	[sflag:s7] =	ssyncadd.s32 $0xFFFFE700  }
0x244: {  	[hbm4b:s17+s4] =	stream.linear.scatter [tilespmem:s6], [sflag:$0x3], $0x1900, $0x38;
	[tilespmem:$0x11DC0] =	vst v63  }
0x245: {  	_ =	swait.ge [sflag:s7], $0x1900  }
0x246: {  	[sflag:s7] =	ssyncset.done $0x0  }
0x247: {  	s19 =	rddreg [dreg:$0xf];
	[sflag:s7] =	ssyncadd.s32 $0xFFFFE700  }
0x248: {  	[tilespmem:s6], [sflag:$0x3] =	stream.linear.gather [spmem:s19], $0x1900, $0x38;
	[tilespmem:$0x11DC0] =	vst v63  }
0x249: {  	_ =	swait.ge [sflag:s7], $0x1900  }
0x24a: {  	[sflag:s7] =	ssyncset.done $0x0  }
0x24b: {  	s23 =	rddreg [dreg:$0x9];
	[sflag:s7] =	ssyncadd.s32 $0xFFFFE700  }
0x24c: {  	[hbm4b:s23+s4] =	stream.linear.scatter [tilespmem:s6], [sflag:$0x3], $0x1900, $0x38;
	[tilespmem:$0x11DC0] =	vst v63  }
0x24d: {  	_ =	swait.ge [sflag:s7], $0x1900  }
0x24e: {  	[sflag:s7] =	ssyncset.done $0x0  }
0x24f: {  	s25 =	rddreg [dreg:$0x10];
	[sflag:s7] =	ssyncadd.s32 $0xFFFFE700  }
0x250: {  	[tilespmem:s6], [sflag:$0x3] =	stream.linear.gather [spmem:s25], $0x1900, $0x38;
	[tilespmem:$0x11DC0] =	vst v63  }
0x251: {  	_ =	swait.ge [sflag:s7], $0x1900  }
0x252: {  	[sflag:s7] =	ssyncset.done $0x0  }
0x253: {  	s17 =	rddreg [dreg:$0xa];
	[sflag:s7] =	ssyncadd.s32 $0xFFFFE700  }
0x254: {  	[hbm4b:s17+s4] =	stream.linear.scatter [tilespmem:s6], [sflag:$0x3], $0x1900, $0x38;
	[tilespmem:$0x11DC0] =	vst v63  }
0x255: {  	_ =	swait.ge [sflag:s7], $0x1900  }
0x256: {  	[sflag:s7] =	ssyncset.done $0x0  }
0x257: {  	s19 =	rddreg [dreg:$0x11];
	[sflag:s7] =	ssyncadd.s32 $0xFFFFE700  }
0x258: {  	[tilespmem:s6], [sflag:$0x3] =	stream.linear.gather [spmem:s19], $0x1900, $0x38;
	[tilespmem:$0x11DC0] =	vst v63  }
0x259: {  	_ =	swait.ge [sflag:s7], $0x1900  }
0x25a: {  	[sflag:s7] =	ssyncset.done $0x0  }
0x25b: {  	s23 =	rddreg [dreg:$0xb];
	[sflag:s7] =	ssyncadd.s32 $0xFFFFE700  }
0x25c: {  	[hbm4b:s23+s4] =	stream.linear.scatter [tilespmem:s6], [sflag:$0x3], $0x1900, $0x38;
	[tilespmem:$0x11DC0] =	vst v63  }
0x25d: {  	_ =	swait.ge [sflag:s7], $0x1900  }
0x25e: {  	s29 =	sadd.s32 $0x1, s29;
	s25 =	rddreg [dreg:$0x16]  }
0x25f: {  	p0 =	sne.s32 s29, s25  }
.Ltmp6:
0x260: {  	_ = 	snop;
	(pc) =	sbr.rel @p0 .LBB2_1-.Ltmp6, $3  }
0x261: {  	_ =	sdelay $0x1  }
0x262: {  	[sflag:s7] =	ssyncset.done $0x0  }
0x263: {  	[sflag:s7] =	ssyncadd.s32 $0xFFFFE700  }
0x264: {  	_ =	sfence.sel $0x180000  }
0x265: {  	[bflag:$0x0] =	sbarrier.arrive $0xFFFF  }
0x266: {  	_ =	strace $0x9000004A  }
0x267: {  	s0 =	stileid.u32;
	[bflag:$0x2] =	sbarrier.arrive $0xFFFF  }
0x268: {  	p0 =	sne.s32 s0, $0x0;
	s0 =	rddreg [dreg:$0x3]  }
0x269: {  	s0 =	sadd.s32 @!p0 $0x100000, s0  }
0x26a: {  	[sflag:s0] =	ssyncadd.tile.s32 @!p0 $0x1;
	_ =	shalt  }
.Lfunc_end2:
_tile_overlayer_lowered:
.L_overlay_start_2:
0x26b: {  	(tag) =	ssettag $0x2  }
0x26c: {  	s0 =	rddreg [dreg:$0x0];
	s2 =	stileid.u32  }
0x26d: {  	s1 =	rddreg [dreg:$0x1];
	p0 =	sne.s32 s2, $0x0  }
0x26e: {  	s3 =	rddreg [dreg:$0x2];
	[bflag:$0x3] =	sbarrier.arrive $0xFFFF;
	s2 =	simm.s32 @!p0 $0x1C03  }
0x26f: {  	[timem:s3], [sflag:s2] =	dma.local @!p0 [hbm:s0], s1  }
0x270: {  	s0 =	simm.s32 @!p0 $0x3  }
0x271: {  	_ =	swait.ge @!p0 [sflag:s0], s1  }
0x272: {  	s1 =	ssub.s32 @!p0 $0x0, s1;
	[sflag:s0] =	ssyncset.done @!p0 $0x0  }
0x273: {  	[sflag:s0] =	ssyncadd.s32 @!p0 s1  }
0x274: {  	[bflag:$0x3] =	sbarrier.arrive $0xFFFF  }
0x275: {  	_ =	shalt  }

// kernel: kernel.9.cloned.1.call-start
scs
__scs_entry_jumppad:
0x0: {  	(pc) =	sbr.rel $0x88, $3  }
0x1: {  	(tag) =	ssettag $0x0;
	lr =	simm.s32 $0x1  }
0x2: {  	[smem:$0x3F97] =	sst lr;
	_ =	strace $0xD0000000  }
0x3: {  	_ = 	snop  }
0x4: {  	_ = 	snop  }
0x5: {  	_ = 	snop  }
0x6: {  	_ = 	snop  }
0x7: {  	_ = 	snop  }
__scs_overlays_trampoline_lowered:
0x8: {  	[smem:$0x3FA6] =	sst s0  }
0x9: {  	[smem:$0x3FA7] =	sst s1  }
0xa: {  	[smem:$0x3FA8] =	sst s2  }
0xb: {  	[smem:$0x3FA9] =	sst s3  }
0xc: {  	[smem:$0x3FAA] =	sst s4  }
0xd: {  	[smem:$0x3FAB] =	sst s5  }
0xe: {  	[smem:$0x3FAC] =	sst s6  }
0xf: {  	[smem:$0x3FAD] =	sst s7  }
0x10: {  	[smem:$0x3FAE] =	sst s8  }
0x11: {  	[smem:$0x3FAF] =	sst s9;
	s0 =	simm.s32 @!p0 $0x0  }
0x12: {  	s1 =	sld [smem:$0x3F95];
	s0 =	simm.s32 @p0 $0x1  }
0x13: {  	[smem:$0x3FB0] =	sst s0;
	s0 =	simm.s32 @!p1 $0x0  }
0x14: {  	s2 =	sld [smem:$0x3F94];
	s0 =	simm.s32 @p1 $0x1  }
0x15: {  	[smem:$0x3FB1] =	sst s0;
	s0 =	simm.s32 @!p2 $0x0  }
0x16: {  	s3 =	sld [smem:$0x3FDB];
	s0 =	simm.s32 @p2 $0x1  }
0x17: {  	s4 =	simm.s32 $0x1BF5;
	[smem:$0x3FB3] =	sst s0  }
0x18: {  	s0 =	sld [smem:$0x3F96];
	_ =	swait.ge [sflag:s4], $0x0  }
0x19: {  	s7 =	sld [smem:$0x3F97]  }
0x1a: {  	s8 =	sadd.s32 $0xFFFFE003, lr  }
0x1b: {  	s9 =	sadd.s32 $0xFFFFFEF7, lr;
	s5 =	simm.s32 $0xFFFFFFFF;
	p2 =	slt.u32 s8, $0xFFFFF086  }
0x1c: {  	p1 =	slt.u32 s9, $0xF7A;
	s5 =	simm.s32 @!p2 $0x0  }
0x1d: {  	s5 =	simm.s32 @p1 $0x1;
	p0 =	seq.s32 s7, s2  }
0x1e: {  	s7 =	smul.u32 @!p0 $0xF7A, s2;
	p2 =	seq.s32 @!p0 s5, $0x0  }
0x1f: {  	s9 =	smul.u32 $0xF7A, s1;
	s8 =	simm.s32 @!p0 $0x1BF5;
	p2 =	por !p2, p0  }
0x20: {  	[sflag:s8] =	ssyncset.s32 @!p0 $0xFFFFF086;
	s6 =	sadd.s32 @!p0 s3, s7;
	s7 =	simm.s32 @!p0 $0x108  }
0x21: {  	s3 =	sadd.s32 s3, s9;
	s6 =	sadd.s32 @!p0 $0x88, s6;
	s7 =	simm.s32 @p2 $0x1082  }
0x22: {  	[simem:s7], [sflag:s8] =	dma.local @!p0 [hbm:s6], $0xF7A  }
0x23: {  	s9 =	sor.u32 $0xD0000000, s2;
	s6 =	simm.s32 $0x108;
	_ =	swait.ge @!p0 [sflag:s8], $0x0  }
0x24: {  	s3 =	sadd.s32 $0x88, s3;
	s6 =	simm.s32 @!p1 $0x1082;
	[sflag:s4] =	ssyncset.s32 $0xFFFFF086  }
0x25: {  	[simem:s6], [sflag:s4] =	dma.local [hbm:s3], $0xF7A  }
0x26: {  	[smem:$0x3F97] =	sst s1;
	(tag) =	ssettag s2;
	_ =	strace s9  }
0x27: {  	s1 =	sld [smem:$0x3FA7]  }
0x28: {  	s2 =	sld [smem:$0x3FA8]  }
0x29: {  	s4 =	sld [smem:$0x3FAA]  }
0x2a: {  	p0 =	seq.s32 s5, $0x0;
	s5 =	sld [smem:$0x3FAB]  }
0x2b: {  	s6 =	sld [smem:$0x3FAC]  }
0x2c: {  	s7 =	sld [smem:$0x3FAD]  }
0x2d: {  	s3 =	simm.s32 $0x108;
	s8 =	sld [smem:$0x3FAE]  }
0x2e: {  	s3 =	simm.s32 @!p0 $0x1082;
	s9 =	sld [smem:$0x3FAF]  }
0x2f: {  	lr =	sadd.s32 s0, s3;
	s0 =	sld [smem:$0x3FA6]  }
0x30: {  	s3 =	sld [smem:$0x3FA9]  }
0x31: {  	[smem:$0x3FB2] =	sst s10  }
0x32: {  	s10 =	sld [smem:$0x3FB0];
	_ =	sdelay $0x3  }
0x33: {  	p0 =	seq.s32 s10, $0x1;
	s10 =	sld [smem:$0x3FB2];
	_ =	sdelay $0x3  }
0x34: {  	[smem:$0x3FB2] =	sst s10  }
0x35: {  	s10 =	sld [smem:$0x3FB1];
	_ =	sdelay $0x3  }
0x36: {  	p1 =	seq.s32 s10, $0x1;
	s10 =	sld [smem:$0x3FB2];
	_ =	sdelay $0x3  }
0x37: {  	[smem:$0x3FB2] =	sst s10  }
0x38: {  	s10 =	sld [smem:$0x3FB3]  }
0x39: {  	_ = 	snop;
	(pc) =	sbr.ind lr, $3  }
0x3a: {  	_ = 	snop  }
0x3b: {  	_ = 	snop  }
0x3c: {  	p2 =	seq.s32 s10, $0x1;
	s10 =	sld [smem:$0x3FB2]  }
0x3d: {  	_ =	shalt  }
0x3e: {  	_ =	shalt  }
0x3f: {  	_ =	shalt  }
0x40: {  	_ =	shalt  }
0x41: {  	_ =	shalt  }
0x42: {  	_ =	shalt  }
0x43: {  	_ =	shalt  }
0x44: {  	_ =	shalt  }
0x45: {  	_ =	shalt  }
0x46: {  	_ =	shalt  }
0x47: {  	_ =	shalt  }
0x48: {  	_ =	shalt  }
0x49: {  	_ =	shalt  }
0x4a: {  	_ =	shalt  }
0x4b: {  	_ =	shalt  }
0x4c: {  	_ =	shalt  }
0x4d: {  	_ =	shalt  }
0x4e: {  	_ =	shalt  }
0x4f: {  	_ =	shalt  }
0x50: {  	_ =	shalt  }
0x51: {  	_ =	shalt  }
0x52: {  	_ =	shalt  }
0x53: {  	_ =	shalt  }
0x54: {  	_ =	shalt  }
0x55: {  	_ =	shalt  }
0x56: {  	_ =	shalt  }
0x57: {  	_ =	shalt  }
0x58: {  	_ =	shalt  }
0x59: {  	_ =	shalt  }
0x5a: {  	_ =	shalt  }
0x5b: {  	_ =	shalt  }
0x5c: {  	_ =	shalt  }
0x5d: {  	_ =	shalt  }
0x5e: {  	_ =	shalt  }
0x5f: {  	_ =	shalt  }
0x60: {  	_ =	shalt  }
0x61: {  	_ =	shalt  }
0x62: {  	_ =	shalt  }
0x63: {  	_ =	shalt  }
0x64: {  	_ =	shalt  }
0x65: {  	_ =	shalt  }
0x66: {  	_ =	shalt  }
0x67: {  	_ =	shalt  }
0x68: {  	_ =	shalt  }
0x69: {  	_ =	shalt  }
0x6a: {  	_ =	shalt  }
0x6b: {  	_ =	shalt  }
0x6c: {  	_ =	shalt  }
0x6d: {  	_ =	shalt  }
0x6e: {  	_ =	shalt  }
0x6f: {  	_ =	shalt  }
0x70: {  	_ =	shalt  }
0x71: {  	_ =	shalt  }
0x72: {  	_ =	shalt  }
0x73: {  	_ =	shalt  }
0x74: {  	_ =	shalt  }
0x75: {  	_ =	shalt  }
0x76: {  	_ =	shalt  }
0x77: {  	_ =	shalt  }
0x78: {  	_ =	shalt  }
0x79: {  	_ =	shalt  }
0x7a: {  	_ =	shalt  }
0x7b: {  	_ =	shalt  }
0x7c: {  	_ =	shalt  }
0x7d: {  	_ =	shalt  }
0x7e: {  	_ =	shalt  }
0x7f: {  	_ =	shalt  }
0x80: {  	_ =	shalt  }
0x81: {  	_ =	shalt  }
0x82: {  	_ =	shalt  }
0x83: {  	_ =	shalt  }
0x84: {  	_ =	shalt  }
0x85: {  	_ =	shalt  }
0x86: {  	_ =	shalt  }
0x87: {  	_ =	shalt  }
.Lfunc_end0:
.L_simem_size_0:
called_computation_lowered:
.L_overlay_start_0:
0x88: {  	s2 =	sld [smem:$0x3FD9]  }
0x89: {  	s3 =	sld [smem:$0x3FFE];
	_ =	sdelay $0x1  }
0x8a: {  	s1 =	srdreg.scid  }
0x8b: {  	s0 =	sand.u32 $0x1, s1  }
0x8c: {  	s17 =	sshll.u32 s0, $0xA;
	s2 =	sadd.s32 s3, s2  }
0x8d: {  	s2 =	sadd.s32 s2, s17  }
0x8e: {  	[smem:$0x3FBE] =	sst s2  }
0x8f: {  	_ = 	snop  }
0x90: {  	s2 =	sld [smem:$0x3FD0];
	(tm) =	ssettm $0x1  }
0x91: {  	s18 =	sld [smem:$0x3FFB];
	_ =	sdelay $0x3  }
0x92: {  	_ =	strace s18  }
0x93: {  	s3 =	sld [smem:$0x3FFC];
	_ =	sdelay $0x3  }
0x94: {  	_ =	strace s3  }
0x95: {  	s3 =	sld [smem:$0x3FFD];
	_ =	sdelay $0x3  }
0x96: {  	_ =	strace s3  }
0x97: {  	_ =	strace $0x8FFFFFFF  }
0x98: {  	s19 =	sld [smem:$0x3FDB];
	_ =	sdelay $0x1  }
0x99: {  	s4 =	simm.s32 $_scs_section_size  }
0x9a: {  	s5 =	simm.s32 $_size__tile_overlayer_lowered;
	s6 =	simm.s32 $_tile_overlayer_lowered  }
0x9b: {  	s22 =	simm.s32 $0x1BFF;
	s21 =	sshll.u32 s6, $0x1;
	s3 =	sadd.s32 s4, s19  }
0x9c: {  	s7 =	simm.s32 $0x0;
	s20 =	sshll.u32 s5, $0x1;
	s5 =	sadd.s32 s21, s3  }
0x9d: {  	[timem:s7], [sflag:s22] =	dma.local [hbm:s5], s20  }
0x9e: {  	_ =	swait.ge [sflag:s22], s20  }
0x9f: {  	s4 =	ssub.s32 $0x0, s20;
	[sflag:s22] =	ssyncset.done $0x0  }
0xa0: {  	[sflag:s22] =	ssyncadd.s32 s4;
	_ =	sdelay $0x1  }
0xa1: {  	s23 =	simm.s32 $0x1B8B  }
0xa2: {  	_ =	swait.ge [sflag:s23], $0x1  }
0xa3: {  	[sflag:s23] =	ssyncset.done $0x0  }
0xa4: {  	s25 =	simm.s32 $0x1B8E;
	s24 =	sld [smem:$0x3FFE];
	[sflag:s23] =	ssyncadd.s32 $0xFFFFFFFF  }
0xa5: {  	s26 =	simm.s32 $execute0_lowered;
	[smem:$0x3FD2] =	sst s25  }
0xa6: {  	s5 =	sshll.u32 s26, $0x1;
	_ =	strace $0x80000046;
	[dreg:$0x1] =	wrdreg $0xFFFFFFFF  }
0xa7: {  	s28 =	simm.s32 $_size_execute0_lowered;
	s3 =	sadd.s32 s3, s5;
	[dreg:$0x0] =	wrdreg $0x0  }
0xa8: {  	s5 =	sshll.u32 s28, $0x1;
	[dreg:$0x2] =	wrdreg s3  }
0xa9: {  	[dreg:$0x3] =	wrdreg s5  }
0xaa: {  	[dreg:$0x4] =	wrdreg $0xC0  }
0xab: {  	_ =	task [dreg:s7], $0x5FFFF  }
0xac: {  	[dreg:$0x1] =	wrdreg $0xFFFFFFFF  }
0xad: {  	[dreg:$0x0] =	wrdreg $0x60  }
0xae: {  	[dreg:$0x2] =	wrdreg s2  }
0xaf: {  	[dreg:$0x3] =	wrdreg s24  }
0xb0: {  	[dreg:$0x4] =	wrdreg $0x8DC00  }
0xb1: {  	[dreg:$0x5] =	wrdreg $0x9  }
0xb2: {  	_ =	task.clear_ibuf [dreg:s7], $0x6FFFF;
	_ =	strace $0x90000046  }
0xb3: {  	s29 =	simm.s32 $0x9;
	_ =	strace $0x80000048  }
0xb4: {  	_ =	swait.ge [sflag:s29], $0x1  }
0xb5: {  	[sflag:s29] =	ssyncadd.s32 $0xFFFFFFFF  }
0xb6: {  	_ =	strace $0x90000048  }
0xb7: {  	_ =	sfence  }
0xb8: {  	s30 =	sld [smem:$0x0];
	_ =	sdelay $0x2  }
0xb9: {  	s31 =	sshll.u32 s1, $0xD;
	s1 =	sshrl.u32 s1, $0x2  }
0xba: {  	s3 =	sand.u32 $0x4000, s31;
	s1 =	sadd.s32 s1, s30  }
0xbb: {  	s0 =	sor.u32 s3, s0;
	s1 =	sshll.u32 s1, $0x11  }
0xbc: {  	s0 =	sor.u32 s1, s0  }
0xbd: {  	s0 =	sadd.s32 $0x8F2B, s0  }
0xbe: {  	[sflag:s0] =	ssyncadd.remote.s32 $0x1  }
0xbf: {  	_ =	sfence.sel $0xFFFF  }
0xc0: {  	[dreg:$0x0] =	wrdreg $0xFFFFFFFF;
	(pc) =	sbr.abs _section_cstart, $3  }
0xc1: {  	[dreg:$0x1] =	wrdreg $0xFFFFFFFF  }
0xc2: {  	_ =	task.clear_ibuf [dreg:s7], $0x2FFFF;
	_ =	strace $0x9FFFFFFF  }
0xc3: {  	(tm) =	ssettm $0x7FFFFFFF  }
tec
execute0_lowered:
.L_overlay_start_1:
0x0: {  	(tag) =	ssettag $0x1  }
0x1: {  	s1 =	rddreg [dreg:$0x0]  }
0x2: {  	s0 =	rddreg [dreg:$0x1]  }
0x3: {  	s2 =	rddreg [dreg:$0x2];
	s3 =	srdreg.scid  }
0x4: {  	s4 =	simm.s32 $0x0;
	s20 =	stileid.u32;
	s28 =	simm.s32 $0x2  }
0x5: {  	s29 =	simm.s32 $0x0;
	s3 =	sand.u32 $0x1, s3;
	[smem:$0x7FF] =	sst s4  }
0x6: {  	s8 =	smul.u32 $0x16800, s20;
	s5 =	sadd.s32 $0x1A00, s0;
	s6 =	ssub.s32 $0x2, s3  }
0x7: {  	s9 =	sadd.s32 $0x89000, s0;
	_ =	strace $0x80000047;
	s7 =	sshrl.u32 s6, $0x1  }
0x8: {  	s10 =	sadd.s32 $0x2D00, s8;
	s11 =	sadd.s32 $0x5A00, s8;
	s12 =	sadd.s32 $0x8700, s8  }
0x9: {  	s13 =	sadd.s32 $0xB400, s8;
	s16 =	sadd.s32 $0xE100, s8;
	s6 =	ssub.s32 s6, s7  }
0xa: {  	s7 =	sshll.u32 s3, $0x4;
	s3 =	smul.u32 $0x168000, s3;
	s30 =	sadd.s32 s12, s2  }
0xb: {  	s17 =	sadd.s32 $0x10E00, s8;
	s31 =	sadd.s32 s13, s2;
	[dreg:$0xd] =	wrdreg s30  }
0xc: {  	s19 =	sadd.s32 $0x13B00, s8;
	[dreg:$0xe] =	wrdreg s31;
	s14 =	sadd.s32 s8, s3  }
0xd: {  	s15 =	sadd.s32 s3, s10;
	s21 =	sadd.s32 s3, s12;
	s18 =	sadd.s32 s3, s13  }
0xe: {  	s24 =	sadd.s32 s3, s16;
	s25 =	sadd.s32 s3, s17;
	s12 =	sadd.s32 s17, s2  }
0xf: {  	s14 =	sshrl.u32 s14, $0x3;
	s15 =	sshrl.u32 s15, $0x3;
	s18 =	sshrl.u32 s18, $0x3  }
0x10: {  	[dreg:$0x10] =	wrdreg s12;
	s12 =	simm.s32 $0x40C0;
	s14 =	sadd.s32 s9, s14  }
0x11: {  	s26 =	sadd.s32 s9, s15;
	s15 =	sadd.s32 s3, s11;
	s23 =	sadd.s32 s9, s18  }
0x12: {  	s3 =	sadd.s32 s3, s19;
	s19 =	sadd.s32 s19, s2;
	[dreg:$0x4] =	wrdreg s14  }
0x13: {  	[dreg:$0x5] =	wrdreg s26;
	s14 =	sshrl.u32 s15, $0x3;
	s15 =	sshrl.u32 s21, $0x3  }
0x14: {  	[dreg:$0x8] =	wrdreg s23;
	s3 =	sshrl.u32 s3, $0x3;
	s21 =	sadd.s32 s10, s2  }
0x15: {  	s10 =	simm.s32 $0x7FC0;
	[dreg:$0x11] =	wrdreg s19;
	s14 =	sadd.s32 s9, s14  }
0x16: {  	s22 =	sadd.s32 s9, s15;
	s15 =	sshrl.u32 s25, $0x3;
	[dreg:$0x6] =	wrdreg s14  }
0x17: {  	s3 =	sadd.s32 s9, s3;
	[dreg:$0x7] =	wrdreg s22;
	s14 =	sshrl.u32 s24, $0x3  }
0x18: {  	s26 =	sadd.s32 s9, s15;
	[dreg:$0xb] =	wrdreg s3;
	s15 =	sadd.s32 $0xC000, s0  }
0x19: {  	s22 =	sadd.s32 s11, s2;
	s11 =	sadd.s32 s16, s2;
	s14 =	sadd.s32 s9, s14  }
0x1a: {  	[dreg:$0xa] =	wrdreg s26;
	s9 =	sor.u32 s20, s7;
	s20 =	sadd.s32 s8, s2  }
0x1b: {  	[dreg:$0xf] =	wrdreg s11;
	s26 =	smax.u32 s6, $0x1;
	s6 =	simm.s32 $0x1C0  }
0x1c: {  	s7 =	simm.s32 $0x3;
	[dreg:$0xc] =	wrdreg s22;
	s18 =	smul.u32 $0x2920, s9  }
0x1d: {  	s8 =	simm.s32 $0xE0;
	s11 =	simm.s32 $0x150;
	[dreg:$0x9] =	wrdreg s14  }
0x1e: {  	s14 =	sadd.s32 $0x5C000, s0;
	[dreg:$0x16] =	wrdreg s26;
	s13 =	sshrl.u32 s18, $0x3  }
0x1f: {  	s9 =	simm.s32 $0x70;
	s24 =	sadd.s32 $0x70, s18;
	s17 =	sadd.s32 s1, s13  }
0x20: {  	s16 =	sshrl.u32 s24, $0x3;
	s0 =	sadd.s32 s5, s13;
	[dreg:$0x12] =	wrdreg s17  }
0x21: {  	v0 =	vlaneseq.u32;
	s26 =	simm.s32 $0x1;
	[dreg:$0x13] =	wrdreg s0;
	s23 =	sadd.s32 s1, s16  }
0x22: {  	v1 =	vand.u32 $0x3, v0;
	s3 =	sadd.s32 $0x150, s18;
	s25 =	sadd.s32 s5, s16;
	[dreg:$0x14] =	wrdreg s23  }
0x23: {  	v2 =	vimm.f32 $0.0e+00;
	v3 =	vor.u32 $0x80, v1;
	v4 =	vor.u32 $0x4, v1;
	s13 =	simm.s32 $0x86C0;
	s0 =	sadd.s32 $0xE0, s18;
	[dreg:$0x15] =	wrdreg s25  }
.LBB2_1:
0x24: {  	s16 =	simm.s32 $0x0;
	s17 =	simm.s32 $0x240  }
.LBB2_2:
0x25: {  	p0 =	sne.s32 s17, $0xB1C0;
	[tilespmem:s16+$0x240] =	vst v2  }
0x26: {  	[tilespmem:s16+$0x1C0] =	vst v2  }
0x27: {  	[tilespmem:s16+$0x1D0] =	vst v2  }
0x28: {  	[tilespmem:s16+$0x1E0] =	vst v2  }
.Ltmp0:
0x29: {  	[tilespmem:s16+$0x1F0] =	vst v2;
	(pc) =	sbr.rel @p0 .LBB2_2-.Ltmp0, $4  }
0x2a: {  	[tilespmem:s16+$0x200] =	vst v2  }
0x2b: {  	[tilespmem:s16+$0x210] =	vst v2  }
0x2c: {  	[tilespmem:s16+$0x220] =	vst v2  }
0x2d: {  	[tilespmem:s16+$0x230] =	vst v2;
	s16 =	sshra.s32 s17, $0x2;
	s17 =	sadd.s32 $0x240, s17  }
0x2e: {  	[tilespmem:s16+$0x240] =	vst v2  }
0x2f: {  	[tilespmem:s16+$0x1C0] =	vst v2  }
0x30: {  	[tilespmem:s16+$0x1D0] =	vst v2  }
0x31: {  	[tilespmem:s16+$0x1E0] =	vst v2  }
0x32: {  	[tilespmem:s16+$0x1F0] =	vst v2  }
0x33: {  	[tilespmem:s16+$0x200] =	vst v2  }
0x34: {  	[tilespmem:s16+$0x210] =	vst v2  }
0x35: {  	[tilespmem:s16+$0x220] =	vst v2  }
0x36: {  	[tilespmem:s16+$0x230] =	vst v2  }
0x37: {  	[spmem:s20] =	stream.linear.scatter [tilespmem:s6], [sflag:$0x3], $0x2D00, $0x38;
	[tilespmem:$0x1F5C0] =	vst v63  }
0x38: {  	_ =	swait.ge [sflag:s7], $0x2D00  }
0x39: {  	[sflag:s7] =	ssyncset.done $0x0  }
0x3a: {  	[sflag:s7] =	ssyncadd.s32 $0xFFFFD300  }
0x3b: {  	[spmem:s21] =	stream.linear.scatter [tilespmem:s6], [sflag:$0x3], $0x2D00, $0x38;
	[tilespmem:$0x1F5C0] =	vst v63  }
0x3c: {  	_ =	swait.ge [sflag:s7], $0x2D00  }
0x3d: {  	[sflag:s7] =	ssyncset.done $0x0  }
0x3e: {  	[sflag:s7] =	ssyncadd.s32 $0xFFFFD300  }
0x3f: {  	[spmem:s22] =	stream.linear.scatter [tilespmem:s6], [sflag:$0x3], $0x2D00, $0x38;
	[tilespmem:$0x1F5C0] =	vst v63  }
0x40: {  	_ =	swait.ge [sflag:s7], $0x2D00  }
0x41: {  	[sflag:s7] =	ssyncset.done $0x0  }
0x42: {  	[sflag:s7] =	ssyncadd.s32 $0xFFFFD300  }
0x43: {  	[spmem:s30] =	stream.linear.scatter [tilespmem:s6], [sflag:$0x3], $0x2D00, $0x38;
	[tilespmem:$0x1F5C0] =	vst v63  }
0x44: {  	_ =	swait.ge [sflag:s7], $0x2D00  }
0x45: {  	[sflag:s7] =	ssyncset.done $0x0  }
0x46: {  	[sflag:s7] =	ssyncadd.s32 $0xFFFFD300  }
0x47: {  	[spmem:s31] =	stream.linear.scatter [tilespmem:s6], [sflag:$0x3], $0x2D00, $0x38;
	[tilespmem:$0x1F5C0] =	vst v63  }
0x48: {  	_ =	swait.ge [sflag:s7], $0x2D00  }
0x49: {  	[sflag:s7] =	ssyncset.done $0x0  }
0x4a: {  	s31 =	rddreg [dreg:$0xf];
	[sflag:s7] =	ssyncadd.s32 $0xFFFFD300  }
0x4b: {  	[spmem:s31] =	stream.linear.scatter [tilespmem:s6], [sflag:$0x3], $0x2D00, $0x38;
	[tilespmem:$0x1F5C0] =	vst v63  }
0x4c: {  	_ =	swait.ge [sflag:s7], $0x2D00  }
0x4d: {  	[sflag:s7] =	ssyncset.done $0x0  }
0x4e: {  	s17 =	rddreg [dreg:$0x10];
	[sflag:s7] =	ssyncadd.s32 $0xFFFFD300  }
0x4f: {  	[spmem:s17] =	stream.linear.scatter [tilespmem:s6], [sflag:$0x3], $0x2D00, $0x38;
	[tilespmem:$0x1F5C0] =	vst v63  }
0x50: {  	_ =	swait.ge [sflag:s7], $0x2D00  }
0x51: {  	[sflag:s7] =	ssyncset.done $0x0  }
0x52: {  	[sflag:s7] =	ssyncadd.s32 $0xFFFFD300  }
0x53: {  	[spmem:s19] =	stream.linear.scatter [tilespmem:s6], [sflag:$0x3], $0x2D00, $0x38;
	[tilespmem:$0x1F5C0] =	vst v63  }
0x54: {  	_ =	swait.ge [sflag:s7], $0x2D00  }
0x55: {  	[sflag:s7] =	ssyncset.done $0x0  }
0x56: {  	[sflag:s7] =	ssyncadd.s32 $0xFFFFD300  }
0x57: {  	[bflag:$0x0] =	sbarrier.arrive $0xFFFF  }
0x58: {  	s23 =	smov.u32 s20;
	s30 =	simm.s32 $0x0;
	s20 =	rddreg [dreg:$0x12]  }
0x59: {  	[tilespmem:s30], [sflag:$0x3] =	stream.linear.gather [hbm4b:s20+s30], $0x70, $0x38;
	[tilespmem:$0x1F5C0] =	vst v63  }
0x5a: {  	_ =	swait.ge [sflag:s7], $0x70  }
0x5b: {  	[sflag:s7] =	ssyncset.done $0x0  }
0x5c: {  	s25 =	smov.u32 s21;
	s21 =	rddreg [dreg:$0x13];
	[sflag:s7] =	ssyncadd.s32 $0xFFFFFF90  }
0x5d: {  	[tilespmem:s8], [sflag:$0x3] =	stream.linear.gather [hbm4b:s21+s30], $0x70, $0x38;
	[tilespmem:$0x1F5C0] =	vst v63  }
0x5e: {  	_ =	swait.ge [sflag:s7], $0x70  }
0x5f: {  	[sflag:s7] =	ssyncset.done $0x0  }
0x60: {  	[sflag:s7] =	ssyncadd.s32 $0xFFFFFF90  }
0x61: {  	[tilespmem:s6], [sflag:$0x1] =	stream.indirect.gather [hbm4b:s14+s9], $0x90, s30, s9, $0xb8;
	[tilespmem:$0x1F5C0] =	vst v63  }
0x62: {  	_ = 	snop  }
0x63: {  	[tilespmem:s10], [sflag:$0x1] =	stream.indirect.gather [hbm4b:s15+s9], $0x10, s8, s9, $0xb8;
	[tilespmem:$0x1F5C0] =	vst v63  }
0x64: {  	s22 =	rddreg [dreg:$0x14]  }
0x65: {  	[tilespmem:s9], [sflag:$0x3] =	stream.linear.gather [hbm4b:s22+s30], $0x70, $0x38;
	[tilespmem:$0x1F5C0] =	vst v63  }
0x66: {  	_ =	swait.ge [sflag:s7], $0x70  }
0x67: {  	[sflag:s7] =	ssyncset.done $0x0  }
0x68: {  	s31 =	rddreg [dreg:$0x15];
	[sflag:s7] =	ssyncadd.s32 $0xFFFFFF90  }
0x69: {  	[tilespmem:s11], [sflag:$0x3] =	stream.linear.gather [hbm4b:s31+s30], $0x70, $0x38;
	[tilespmem:$0x1F5C0] =	vst v63  }
0x6a: {  	_ =	swait.ge [sflag:s7], $0x70  }
0x6b: {  	[sflag:s7] =	ssyncset.done $0x0  }
0x6c: {  	[sflag:s7] =	ssyncadd.s32 $0xFFFFFF90  }
.LBB2_4:
0x6d: {  	[tilespmem:s12], [sflag:$0x2] =	stream.indirect.gather [hbm4b:s14+s9], $0x90, s9, s9, $0xb8;
	[tilespmem:$0x1F5C0] =	vst v63  }
0x6e: {  	s16 =	simm.s32 $0x0  }
0x6f: {  	v5 =	vor.u32 s16, v0  }
0x70: {  	[tilespmem:s13], [sflag:$0x2] =	stream.indirect.gather [hbm4b:s15+s9], $0x10, s11, s9, $0xb8;
	v7 =	vshrl.u32 v5, $0x2;
	[tilespmem:$0x1F5C0] =	vst v63  }
0x71: {  	_ =	swait.ge [sflag:s26], $0x3F00;
	v5 =	vmul.u32 $0x90, v7;
	v6 =	vshll.u32 v7, $0x4  }
0x72: {  	[sflag:s26] =	ssyncset.done $0x0;
	v8 =	vor.u32 v1, v6  }
0x73: {  	[sflag:s26] =	ssyncadd.s32 $0xFFFFC100;
	v9 =	vadd.s32 v3, v5  }
0x74: {  	_ =	swait.ge [sflag:s26], $0x700  }
0x75: {  	[sflag:s26] =	ssyncset.done $0x0  }
0x76: {  	[sflag:s26] =	ssyncadd.s32 $0xFFFFF900  }
0x77: {  	v5 =	vld.idx.msk [tilespmem:v8+s10+$0x0], $0xffff  }
0x78: {  	v6 =	vor.u32 v4, v6;
	v8 =	vld.idx.msk [tilespmem:v9+s6+$0x0], $0xffff;
	_ =	sdelay $0x4  }
0x79: {  	v6 =	vld.idx.msk [tilespmem:v6+s10+$0x0], $0xffff;
	v5 =	vadd.f32 v5, v8;
	_ =	sdelay $0x1  }
0x7a: {  	v8 =	vmul.f32 $2.000000030e-01, v5  }
0x7b: {  	vm0 =	vgt.f32 v5, $0.0e+00  }
0x7c: {  	v5 =	vsel vm0, v5, v8  }
0x7d: {  	v5 =	vsub.f32 v5, v6;
	_ =	sdelay $0x1  }
0x7e: {  	v5 =	vmul.f32 $1.442695020e+00, v5;
	_ =	sdelay $0x1  }
0x7f: {  	(erf) = vpow2.f32 v5;
	_ =	sdelay $0x1  }
0x80: {  	s20 =	simm.s32 $0x10;
	s31 =	smul.u32 $0xE0, s30  }
0x81: {  	v5 =	vor.u32 s20, v0  }
0x82: {  	s21 =	sadd.s32 s18, s31;
	v8 =	vshrl.u32 v5, $0x2  }
0x83: {  	v5 =	vmov s21;
	v6 =	vmul.u32 $0x90, v8  }
0x84: {  	v7 =	vadd.s32 v5, v7  }
0x85: {  	v10 =	vshll.u32 v8, $0x4;
	v6 =	vadd.s32 v3, v6  }
0x86: {  	v11 =	vor.u32 v1, v10  }
0x87: {  	vm0 =	vlt.u32 v7, $0x50910;
	v7 =	vpop (erf)  }
0x88: {  	v7 =	vnsel vm0, $0x0, v7  }
0x89: {  	[tilespmem:v9+s6+$0x0] =	vst.idx.msk $0xffff, v7  }
0x8a: {  	v7 =	vld.idx.msk [tilespmem:v6+s6+$0x0], $0xffff  }
0x8b: {  	v9 =	vor.u32 v4, v10;
	v10 =	vld.idx.msk [tilespmem:v11+s10+$0x0], $0xffff;
	_ =	sdelay $0x4  }
0x8c: {  	v9 =	vld.idx.msk [tilespmem:v9+s10+$0x0], $0xffff;
	v7 =	vadd.f32 v10, v7;
	_ =	sdelay $0x1  }
0x8d: {  	v10 =	vmul.f32 $2.000000030e-01, v7  }
0x8e: {  	vm0 =	vgt.f32 v7, $0.0e+00  }
0x8f: {  	v7 =	vsel vm0, v7, v10  }
0x90: {  	v7 =	vsub.f32 v7, v9;
	_ =	sdelay $0x1  }
0x91: {  	v7 =	vmul.f32 $1.442695020e+00, v7;
	_ =	sdelay $0x1  }
0x92: {  	(erf) = vpow2.f32 v7;
	_ =	sdelay $0x1  }
0x93: {  	s22 =	simm.s32 $0x20  }
0x94: {  	v7 =	vor.u32 s22, v0  }
0x95: {  	v7 =	vshrl.u32 v7, $0x2  }
0x96: {  	v11 =	vmul.u32 $0x90, v7  }
0x97: {  	v9 =	vshll.u32 v7, $0x4  }
0x98: {  	v10 =	vor.u32 v1, v9  }
0x99: {  	v12 =	vadd.s32 v5, v8;
	v8 =	vadd.s32 v3, v11  }
0x9a: {  	s19 =	simm.s32 $0x2;
	s17 =	simm.s32 $0x30;
	vm0 =	vlt.u32 v12, $0x50910;
	v7 =	vadd.s32 v5, v7;
	v9 =	vor.u32 v4, v9;
	v11 =	vpop (erf)  }
.LBB2_5:
0x9b: {  	s19 =	sadd.s32 $0x2, s19;
	v11 =	vnsel vm0, $0x0, v11;
	s16 =	simm.s32 $0x2E0  }
0x9c: {  	p0 =	slt.u32 s19, $0x1A;
	[tilespmem:v6+s6+$0x0] =	vst.idx.msk $0xffff, v11  }
0x9d: {  	v6 =	vld.idx.msk [tilespmem:v10+s10+$0x0], $0xffff  }
0x9e: {  	v10 =	vld.idx.msk [tilespmem:v8+s6+$0x0], $0xffff;
	_ =	sdelay $0x4  }
0x9f: {  	v9 =	vld.idx.msk [tilespmem:v9+s10+$0x0], $0xffff  }
0xa0: {  	v6 =	vadd.f32 v6, v10;
	_ =	sdelay $0x1  }
0xa1: {  	v10 =	vmul.f32 $2.000000030e-01, v6  }
0xa2: {  	vm0 =	vgt.f32 v6, $0.0e+00  }
0xa3: {  	v6 =	vsel vm0, v6, v10  }
0xa4: {  	v6 =	vsub.f32 v6, v9;
	_ =	sdelay $0x1  }
0xa5: {  	v6 =	vmul.f32 $1.442695020e+00, v6;
	_ =	sdelay $0x1  }
0xa6: {  	(erf) = vpow2.f32 v6;
	_ =	sdelay $0x2  }
0xa7: {  	v6 =	vor.u32 s17, v0  }
0xa8: {  	v6 =	vshrl.u32 v6, $0x2  }
0xa9: {  	v9 =	vmul.u32 $0x90, v6;
	v10 =	vshll.u32 v6, $0x4;
	v11 =	vadd.s32 v5, v6;
	_ =	sdelay $0x1  }
0xaa: {  	v6 =	vadd.s32 v3, v9;
	v9 =	vor.u32 v1, v10;
	_ =	sdelay $0x1  }
0xab: {  	vm0 =	vlt.u32 v7, $0x50910;
	v7 =	vpop (erf)  }
0xac: {  	v7 =	vnsel vm0, $0x0, v7  }
0xad: {  	[tilespmem:v8+s6+$0x0] =	vst.idx.msk $0xffff, v7  }
0xae: {  	v8 =	vor.u32 v4, v10;
	v7 =	vld.idx.msk [tilespmem:v6+s6+$0x0], $0xffff  }
0xaf: {  	v9 =	vld.idx.msk [tilespmem:v9+s10+$0x0], $0xffff;
	_ =	sdelay $0x3  }
0xb0: {  	v8 =	vld.idx.msk [tilespmem:v8+s10+$0x0], $0xffff;
	_ =	sdelay $0x1  }
0xb1: {  	v7 =	vadd.f32 v9, v7;
	_ =	sdelay $0x1  }
0xb2: {  	vm0 =	vgt.f32 v7, $0.0e+00;
	v9 =	vmul.f32 $2.000000030e-01, v7;
	_ =	sdelay $0x1  }
0xb3: {  	v7 =	vsel vm0, v7, v9  }
0xb4: {  	v7 =	vsub.f32 v7, v8;
	_ =	sdelay $0x1  }
0xb5: {  	v7 =	vmul.f32 $1.442695020e+00, v7;
	_ =	sdelay $0x1  }
0xb6: {  	(erf) = vpow2.f32 v7;
	_ =	sdelay $0x1  }
0xb7: {  	s17 =	sadd.s32 $0x20, s17  }
0xb8: {  	s20 =	sadd.s32 $0xFFFFFFF0, s17  }
0xb9: {  	v7 =	vor.u32 s20, v0  }
.Ltmp1:
0xba: {  	v7 =	vshrl.u32 v7, $0x2;
	(pc) =	sbr.rel @p0 .LBB2_5-.Ltmp1, $4  }
0xbb: {  	v8 =	vmul.u32 $0x90, v7;
	v9 =	vshll.u32 v7, $0x4;
	v7 =	vadd.s32 v5, v7  }
0xbc: {  	v10 =	vor.u32 v1, v9;
	v9 =	vor.u32 v4, v9  }
0xbd: {  	vm0 =	vlt.u32 v11, $0x50910;
	v8 =	vadd.s32 v3, v8  }
0xbe: {  	v11 =	vpop (erf)  }
0xbf: {  	_ =	sdelay $0x2  }
0xc0: {  	v11 =	vnsel vm0, $0x0, v11  }
0xc1: {  	[tilespmem:v6+s6+$0x0] =	vst.idx.msk $0xffff, v11  }
0xc2: {  	v6 =	vld.idx.msk [tilespmem:v10+s10+$0x0], $0xffff  }
0xc3: {  	v10 =	vld.idx.msk [tilespmem:v8+s6+$0x0], $0xffff;
	_ =	sdelay $0x4  }
0xc4: {  	v9 =	vld.idx.msk [tilespmem:v9+s10+$0x0], $0xffff;
	v6 =	vadd.f32 v6, v10;
	_ =	sdelay $0x1  }
0xc5: {  	v10 =	vmul.f32 $2.000000030e-01, v6  }
0xc6: {  	vm12 =	vgt.f32 v6, $0.0e+00  }
0xc7: {  	v6 =	vsel vm12, v6, v10  }
0xc8: {  	v6 =	vsub.f32 v6, v9;
	_ =	sdelay $0x1  }
0xc9: {  	v6 =	vmul.f32 $1.442695020e+00, v6;
	_ =	sdelay $0x1  }
0xca: {  	(erf) = vpow2.f32 v6;
	_ =	sdelay $0x2  }
0xcb: {  	v6 =	vor.u32 s17, v0  }
0xcc: {  	v6 =	vshrl.u32 v6, $0x2  }
0xcd: {  	v9 =	vmul.u32 $0x90, v6;
	_ =	sdelay $0x1  }
0xce: {  	v10 =	vshll.u32 v6, $0x4;
	v9 =	vadd.s32 v3, v9  }
0xcf: {  	v11 =	vor.u32 v1, v10  }
0xd0: {  	vm13 =	vlt.u32 v7, $0x50910;
	v7 =	vpop (erf)  }
0xd1: {  	v7 =	vnsel vm13, $0x0, v7  }
0xd2: {  	[tilespmem:v8+s6+$0x0] =	vst.idx.msk $0xffff, v7  }
0xd3: {  	v7 =	vld.idx.msk [tilespmem:v9+s6+$0x0], $0xffff  }
0xd4: {  	v8 =	vor.u32 v4, v10;
	v10 =	vld.idx.msk [tilespmem:v11+s10+$0x0], $0xffff;
	_ =	sdelay $0x4  }
0xd5: {  	v8 =	vld.idx.msk [tilespmem:v8+s10+$0x0], $0xffff;
	v7 =	vadd.f32 v10, v7;
	_ =	sdelay $0x1  }
0xd6: {  	v10 =	vmul.f32 $2.000000030e-01, v7  }
0xd7: {  	vm14 =	vgt.f32 v7, $0.0e+00  }
0xd8: {  	v7 =	vsel vm14, v7, v10  }
0xd9: {  	v7 =	vsub.f32 v7, v8;
	_ =	sdelay $0x1  }
0xda: {  	v7 =	vmul.f32 $1.442695020e+00, v7;
	_ =	sdelay $0x1  }
0xdb: {  	(erf) = vpow2.f32 v7;
	_ =	sdelay $0x4  }
0xdc: {  	s17 =	simm.s32 $0x0  }
0xdd: {  	v5 =	vadd.s32 v5, v6;
	v7 =	vmov s17  }
0xde: {  	v7 =	vmul.u32 $0x90, v7;
	_ =	sdelay $0x1  }
0xdf: {  	vm15 =	vlt.u32 v5, $0x50910;
	v6 =	vadd.s32 $0x80, v7;
	v5 =	vpop (erf)  }
0xe0: {  	v6 =	vbroadcast v6, $0x0;
	v5 =	vnsel vm15, $0x0, v5  }
0xe1: {  	[tilespmem:v9+s6+$0x0] =	vst.idx.msk $0xffff, v5  }
0xe2: {  	v8 =	vor.u32 $0x1, v6;
	v7 =	vld [tilespmem:s16+$0xFFFFFF30]  }
0xe3: {  	v5 =	vor.u32 $0x3, v6;
	v9 =	vld [tilespmem:s16+$0xFFFFFF10]  }
0xe4: {  	v10 =	vor.u32 $0x2, v6;
	v11 =	vld [tilespmem:s16+$0xFFFFFF00]  }
0xe5: {  	v12 =	vld [tilespmem:s16+$0xFFFFFF40]  }
0xe6: {  	v13 =	vld [tilespmem:s16+$0xFFFFFF50]  }
0xe7: {  	v8 =	vld.idx.msk [tilespmem:v8+s6+$0x0], $0xffff  }
0xe8: {  	v5 =	vld.idx.msk [tilespmem:v5+s6+$0x0], $0xffff  }
0xe9: {  	v10 =	vld.idx.msk [tilespmem:v10+s6+$0x0], $0xffff  }
0xea: {  	v14 =	vld [tilespmem:s16+$0xFFFFFEF0]  }
0xeb: {  	s19 =	simm.s32 $0x1;
	v6 =	vld.idx.msk [tilespmem:v6+s6+$0x0], $0xffff  }
0xec: {  	v15 =	vmov s19;
	v16 =	vld [tilespmem:s16+$0xFFFFFF20];
	v11 =	vmul.f32 v11, v8  }
0xed: {  	v12 =	vmul.f32 v12, v5;
	v5 =	vmul.f32 v13, v5;
	v13 =	vmul.u32 $0x90, v15  }
0xee: {  	v7 =	vmul.f32 v7, v10;
	[tilespmem:s16+$0xFFFFFF00] =	vst v11;
	v15 =	vld [tilespmem:s16+$0xFFFFFEE0]  }
0xef: {  	v8 =	vmul.f32 v9, v8;
	[tilespmem:s16+$0xFFFFFF50] =	vst v5;
	v5 =	vadd.s32 $0x80, v13  }
0xf0: {  	v9 =	vmul.f32 v14, v6;
	[tilespmem:s16+$0xFFFFFF30] =	vst v7;
	v5 =	vbroadcast v5, $0x0  }
0xf1: {  	v7 =	vmul.f32 v16, v10;
	[tilespmem:s16+$0xFFFFFF10] =	vst v8  }
0xf2: {  	v14 =	vld [tilespmem:s16+$0xFFFFFFA0];
	[tilespmem:s16+$0xFFFFFEF0] =	vst v9;
	v8 =	vor.u32 $0x1, v5  }
0xf3: {  	v11 =	vld [tilespmem:s16+$0xFFFFFFC0];
	[tilespmem:s16+$0xFFFFFF20] =	vst v7;
	v6 =	vmul.f32 v15, v6;
	v9 =	vor.u32 $0x2, v5  }
0xf4: {  	v7 =	vld [tilespmem:s16+$0xFFFFFF80];
	[tilespmem:s16+$0xFFFFFF40] =	vst v12  }
0xf5: {  	v12 =	vld [tilespmem:s16+$0xFFFFFF90];
	[tilespmem:s16+$0xFFFFFEE0] =	vst v6  }
0xf6: {  	v6 =	vld.idx.msk [tilespmem:v5+s6+$0x0], $0xffff;
	v5 =	vor.u32 $0x3, v5  }
0xf7: {  	v8 =	vld.idx.msk [tilespmem:v8+s6+$0x0], $0xffff  }
0xf8: {  	v9 =	vld.idx.msk [tilespmem:v9+s6+$0x0], $0xffff  }
0xf9: {  	v13 =	vld [tilespmem:s16+$0xFFFFFF70]  }
0xfa: {  	s22 =	simm.s32 $0x2;
	v15 =	vld [tilespmem:s16+$0xFFFFFFB0]  }
0xfb: {  	v7 =	vmul.f32 v7, v6;
	v16 =	vld.idx.msk [tilespmem:v5+s6+$0x0], $0xffff;
	v5 =	vmov s22  }
0xfc: {  	v10 =	vld [tilespmem:s16+$0xFFFFFFE0];
	v12 =	vmul.f32 v12, v8;
	v18 =	vmul.u32 $0x90, v5  }
0xfd: {  	v17 =	vld [tilespmem:s16+$0xFFFFFFD0];
	[tilespmem:s16+$0xFFFFFF80] =	vst v7;
	v7 =	vmul.f32 v11, v9  }
0xfe: {  	v11 =	vmul.f32 v13, v6;
	[tilespmem:s16+$0xFFFFFF90] =	vst v12;
	v12 =	vmul.f32 v14, v8;
	v8 =	vadd.s32 $0x80, v18  }
0xff: {  	v5 =	vld [tilespmem:s16+$0x50];
	[tilespmem:s16+$0xFFFFFFC0] =	vst v7;
	v7 =	vmul.f32 v15, v9;
	v15 =	vbroadcast v8, $0x0  }
0x100: {  	v6 =	vld [tilespmem:s16+$0x40];
	[tilespmem:s16+$0xFFFFFF70] =	vst v11  }
0x101: {  	v13 =	vld [tilespmem:s16+$0x0];
	v9 =	vmul.f32 v10, v16;
	[tilespmem:s16+$0xFFFFFFA0] =	vst v12  }
0x102: {  	v8 =	vld [tilespmem:s16+$0x30];
	v10 =	vmul.f32 v17, v16;
	v12 =	vor.u32 $0x1, v15;
	[tilespmem:s16+$0xFFFFFFB0] =	vst v7  }
0x103: {  	v11 =	vld [tilespmem:s16+$0x10];
	v16 =	vor.u32 $0x2, v15;
	[tilespmem:s16+$0xFFFFFFE0] =	vst v9  }
0x104: {  	v7 =	vld [tilespmem:s16+$0x70];
	[tilespmem:s16+$0xFFFFFFD0] =	vst v10  }
0x105: {  	v14 =	vld.idx.msk [tilespmem:v15+s6+$0x0], $0xffff;
	v15 =	vor.u32 $0x3, v15  }
0x106: {  	v9 =	vld [tilespmem:s16+$0x20]  }
0x107: {  	v12 =	vld.idx.msk [tilespmem:v12+s6+$0x0], $0xffff  }
0x108: {  	s20 =	simm.s32 $0x4;
	s19 =	simm.s32 $0x2E0;
	v10 =	vld.idx.msk [tilespmem:v16+s6+$0x0], $0xffff  }
.LBB2_7:
0x109: {  	p0 =	slt.u32 s20, $0x6C  }
0x10a: {  	v15 =	vld.idx.msk [tilespmem:v15+s6+$0x0], $0xffff;
	s16 =	sadd.s32 $0x240, s16;
	s21 =	smov.u32 s20;
	s20 =	sadd.s32 $0x4, s20  }
0x10b: {  	v16 =	vld [tilespmem:s19+$0x60]  }
0x10c: {  	s22 =	sadd.s32 $0x3, s17;
	s17 =	smov.u32 s21  }
0x10d: {  	v13 =	vmul.f32 v13, v14;
	v11 =	vmul.f32 v11, v14;
	v14 =	vmov s22  }
0x10e: {  	v9 =	vmul.f32 v9, v12;
	v8 =	vmul.f32 v8, v12;
	v12 =	vmul.u32 $0x90, v14  }
0x10f: {  	v6 =	vmul.f32 v6, v10;
	v5 =	vmul.f32 v5, v10;
	[tilespmem:s19+$0x10] =	vst v11  }
0x110: {  	v7 =	vmul.f32 v7, v15;
	v10 =	vadd.s32 $0x80, v12;
	[tilespmem:s19+$0x30] =	vst v8;
	v8 =	vmul.f32 v16, v15;
	v11 =	vld [tilespmem:s19+$0x90]  }
0x111: {  	[tilespmem:s19+$0x40] =	vst v6;
	v6 =	vbroadcast v10, $0x0;
	v10 =	vld [tilespmem:s19+$0xE0]  }
0x112: {  	[tilespmem:s19+$0x0] =	vst v13;
	v12 =	vld [tilespmem:s19+$0xB0]  }
0x113: {  	[tilespmem:s19+$0x20] =	vst v9;
	v9 =	vor.u32 $0x1, v6;
	v13 =	vld [tilespmem:s19+$0xA0]  }
0x114: {  	[tilespmem:s19+$0x70] =	vst v7;
	v7 =	vor.u32 $0x2, v6;
	v14 =	vld [tilespmem:s19+$0xC0]  }
0x115: {  	v15 =	vor.u32 $0x3, v6;
	[tilespmem:s19+$0x50] =	vst v5;
	v16 =	vld [tilespmem:s19+$0xD0]  }
0x116: {  	v5 =	vld [tilespmem:s16+$0x50];
	[tilespmem:s19+$0x60] =	vst v8  }
0x117: {  	v8 =	vld.idx.msk [tilespmem:v6+s6+$0x0], $0xffff  }
0x118: {  	v9 =	vld.idx.msk [tilespmem:v9+s6+$0x0], $0xffff  }
0x119: {  	v7 =	vld.idx.msk [tilespmem:v7+s6+$0x0], $0xffff  }
0x11a: {  	v15 =	vld.idx.msk [tilespmem:v15+s6+$0x0], $0xffff  }
0x11b: {  	v17 =	vld [tilespmem:s19+$0xF0]  }
0x11c: {  	v6 =	vmov s17;
	v18 =	vld [tilespmem:s19+$0x100]  }
0x11d: {  	v19 =	vmul.u32 $0x90, v6;
	v11 =	vmul.f32 v11, v8;
	v8 =	vmul.f32 v13, v8;
	v6 =	vld [tilespmem:s16+$0x40]  }
0x11e: {  	v12 =	vmul.f32 v12, v9;
	v9 =	vmul.f32 v14, v9  }
0x11f: {  	v13 =	vadd.s32 $0x80, v19;
	[tilespmem:s19+$0x90] =	vst v11;
	v11 =	vmul.f32 v16, v7;
	v7 =	vmul.f32 v10, v7  }
0x120: {  	v10 =	vbroadcast v13, $0x0;
	[tilespmem:s19+$0xA0] =	vst v8;
	v8 =	vmul.f32 v17, v15  }
0x121: {  	[tilespmem:s19+$0xB0] =	vst v12;
	v12 =	vmul.f32 v18, v15  }
0x122: {  	v13 =	vor.u32 $0x1, v10;
	v14 =	vor.u32 $0x2, v10;
	v15 =	vor.u32 $0x3, v10;
	v16 =	vld [tilespmem:s16+$0xFFFFFF30];
	[tilespmem:s19+$0xE0] =	vst v7  }
0x123: {  	v7 =	vld [tilespmem:s16+$0xFFFFFF10];
	[tilespmem:s19+$0xC0] =	vst v9  }
0x124: {  	v9 =	vld [tilespmem:s16+$0xFFFFFF00];
	[tilespmem:s19+$0x100] =	vst v12  }
0x125: {  	v12 =	vld [tilespmem:s16+$0xFFFFFF50];
	[tilespmem:s19+$0xD0] =	vst v11  }
0x126: {  	v11 =	vld [tilespmem:s16+$0xFFFFFF40];
	[tilespmem:s19+$0xF0] =	vst v8;
	s19 =	smov.u32 s16  }
0x127: {  	v8 =	vld.idx.msk [tilespmem:v15+s6+$0x0], $0xffff  }
0x128: {  	v13 =	vld.idx.msk [tilespmem:v13+s6+$0x0], $0xffff  }
0x129: {  	v14 =	vld.idx.msk [tilespmem:v14+s6+$0x0], $0xffff  }
0x12a: {  	v15 =	vld [tilespmem:s16+$0xFFFFFF20]  }
0x12b: {  	v17 =	vld [tilespmem:s16+$0xFFFFFEF0]  }
0x12c: {  	s21 =	sadd.s32 $0x1, s17;
	v10 =	vld.idx.msk [tilespmem:v10+s6+$0x0], $0xffff  }
0x12d: {  	v11 =	vmul.f32 v11, v8;
	v8 =	vmul.f32 v12, v8;
	v12 =	vmov s21;
	v18 =	vld [tilespmem:s16+$0xFFFFFEE0]  }
0x12e: {  	v9 =	vmul.f32 v9, v13;
	v7 =	vmul.f32 v7, v13;
	v12 =	vmul.u32 $0x90, v12  }
0x12f: {  	v13 =	vmul.f32 v15, v14;
	v14 =	vmul.f32 v16, v14;
	[tilespmem:s16+$0xFFFFFF40] =	vst v11  }
0x130: {  	[tilespmem:s16+$0xFFFFFF50] =	vst v8;
	v8 =	vadd.s32 $0x80, v12;
	v11 =	vld [tilespmem:s16+$0xFFFFFFE0]  }
0x131: {  	[tilespmem:s16+$0xFFFFFF00] =	vst v9;
	v8 =	vbroadcast v8, $0x0;
	v9 =	vld [tilespmem:s16+$0xFFFFFFC0]  }
0x132: {  	v12 =	vmul.f32 v18, v10;
	v10 =	vmul.f32 v17, v10;
	[tilespmem:s16+$0xFFFFFF30] =	vst v14;
	v14 =	vld [tilespmem:s16+$0xFFFFFFB0]  }
0x133: {  	[tilespmem:s16+$0xFFFFFF10] =	vst v7;
	v7 =	vor.u32 $0x1, v8;
	v15 =	vld [tilespmem:s16+$0xFFFFFFA0]  }
0x134: {  	[tilespmem:s16+$0xFFFFFEF0] =	vst v10;
	v10 =	vor.u32 $0x2, v8;
	v16 =	vld [tilespmem:s16+$0xFFFFFF90]  }
0x135: {  	[tilespmem:s16+$0xFFFFFF20] =	vst v13;
	v13 =	vor.u32 $0x3, v8;
	v17 =	vld [tilespmem:s16+$0xFFFFFF80]  }
0x136: {  	[tilespmem:s16+$0xFFFFFEE0] =	vst v12;
	v12 =	vld [tilespmem:s16+$0xFFFFFF70]  }
0x137: {  	v8 =	vld.idx.msk [tilespmem:v8+s6+$0x0], $0xffff  }
0x138: {  	v7 =	vld.idx.msk [tilespmem:v7+s6+$0x0], $0xffff  }
0x139: {  	v10 =	vld.idx.msk [tilespmem:v10+s6+$0x0], $0xffff  }
0x13a: {  	v13 =	vld.idx.msk [tilespmem:v13+s6+$0x0], $0xffff  }
0x13b: {  	v18 =	vld [tilespmem:s16+$0xFFFFFFD0]  }
0x13c: {  	s21 =	sadd.s32 $0x2, s17  }
0x13d: {  	v12 =	vmul.f32 v12, v8;
	v8 =	vmul.f32 v17, v8;
	v17 =	vmov s21  }
0x13e: {  	v16 =	vmul.f32 v16, v7;
	v7 =	vmul.f32 v15, v7;
	v15 =	vmul.u32 $0x90, v17  }
0x13f: {  	v14 =	vmul.f32 v14, v10;
	[tilespmem:s16+$0xFFFFFF80] =	vst v8;
	v8 =	vmul.f32 v9, v10  }
0x140: {  	v9 =	vmul.f32 v11, v13;
	v11 =	vadd.s32 $0x80, v15;
	[tilespmem:s16+$0xFFFFFF90] =	vst v16;
	v10 =	vmul.f32 v18, v13  }
0x141: {  	v16 =	vbroadcast v11, $0x0;
	[tilespmem:s16+$0xFFFFFFC0] =	vst v8  }
0x142: {  	[tilespmem:s16+$0xFFFFFF70] =	vst v12;
	v8 =	vld [tilespmem:s16+$0x30]  }
0x143: {  	v12 =	vor.u32 $0x1, v16;
	[tilespmem:s16+$0xFFFFFFA0] =	vst v7;
	v7 =	vld [tilespmem:s16+$0x70]  }
0x144: {  	v17 =	vor.u32 $0x2, v16;
	[tilespmem:s16+$0xFFFFFFB0] =	vst v14;
	v11 =	vld [tilespmem:s16+$0x10]  }
.Ltmp2:
0x145: {  	v15 =	vor.u32 $0x3, v16;
	[tilespmem:s16+$0xFFFFFFE0] =	vst v9;
	v9 =	vld [tilespmem:s16+$0x20];
	(pc) =	sbr.rel @p0 .LBB2_7-.Ltmp2, $4  }
0x146: {  	[tilespmem:s16+$0xFFFFFFD0] =	vst v10;
	v13 =	vld [tilespmem:s16+$0x0]  }
0x147: {  	v14 =	vld.idx.msk [tilespmem:v16+s6+$0x0], $0xffff  }
0x148: {  	v12 =	vld.idx.msk [tilespmem:v12+s6+$0x0], $0xffff  }
0x149: {  	v10 =	vld.idx.msk [tilespmem:v17+s6+$0x0], $0xffff  }
0x14a: {  	_ =	sdelay $0x1  }
0x14b: {  	s16 =	sadd.s32 $0x3, s17  }
0x14c: {  	v16 =	vmov s16;
	v11 =	vmul.f32 v11, v14  }
0x14d: {  	v15 =	vld.idx.msk [tilespmem:v15+s6+$0x0], $0xffff;
	v16 =	vmul.u32 $0x90, v16;
	v8 =	vmul.f32 v8, v12  }
0x14e: {  	[tilespmem:s19+$0x10] =	vst v11;
	v11 =	vld [tilespmem:s19+$0x60];
	v6 =	vmul.f32 v6, v10  }
0x14f: {  	v13 =	vmul.f32 v13, v14;
	[tilespmem:s19+$0x30] =	vst v8;
	v8 =	vadd.s32 $0x80, v16  }
0x150: {  	v9 =	vmul.f32 v9, v12;
	[tilespmem:s19+$0x40] =	vst v6;
	v6 =	vbroadcast v8, $0x0  }
0x151: {  	[tilespmem:s19+$0x0] =	vst v13;
	v5 =	vmul.f32 v5, v10  }
0x152: {  	v61 =	vld [tilespmem:s19+$0x100];
	v7 =	vmul.f32 v7, v15;
	[tilespmem:s19+$0x20] =	vst v9  }
0x153: {  	v9 =	vld [tilespmem:s19+$0xA0];
	[tilespmem:s19+$0x50] =	vst v5;
	v59 =	vor.u32 $0x2, v6;
	v10 =	vmul.f32 v11, v15  }
0x154: {  	v8 =	vld [tilespmem:s19+$0x90];
	[tilespmem:s19+$0x70] =	vst v7;
	v11 =	vor.u32 $0x1, v6  }
0x155: {  	v5 =	vld [tilespmem:s19+$0xB0];
	[tilespmem:s19+$0x60] =	vst v10  }
0x156: {  	v60 =	vor.u32 $0x3, v6;
	v6 =	vld.idx.msk [tilespmem:v6+s6+$0x0], $0xffff  }
0x157: {  	v7 =	vld [tilespmem:s19+$0xE0]  }
0x158: {  	v12 =	vld.idx.msk [tilespmem:v59+s6+$0x0], $0xffff  }
0x159: {  	v11 =	vld.idx.msk [tilespmem:v11+s6+$0x0], $0xffff  }
0x15a: {  	v10 =	vld [tilespmem:s19+$0xC0]  }
0x15b: {  	v62 =	vld [tilespmem:s19+$0xD0];
	v8 =	vmul.f32 v8, v6  }
0x15c: {  	v13 =	vld.idx.msk [tilespmem:v60+s6+$0x0], $0xffff;
	v6 =	vmul.f32 v9, v6  }
0x15d: {  	v9 =	vld [tilespmem:s19+$0xF0];
	v7 =	vmul.f32 v7, v12;
	[tilespmem:s19+$0x90] =	vst v8  }
0x15e: {  	v5 =	vmul.f32 v5, v11;
	[tilespmem:s19+$0xA0] =	vst v6  }
0x15f: {  	v6 =	vmul.f32 v10, v11;
	[tilespmem:s19+$0xE0] =	vst v7  }
0x160: {  	v7 =	vmul.f32 v62, v12;
	[tilespmem:s19+$0xB0] =	vst v5  }
0x161: {  	v5 =	vmul.f32 v61, v13;
	[tilespmem:s19+$0xC0] =	vst v6  }
0x162: {  	v6 =	vmul.f32 v9, v13;
	[tilespmem:s19+$0xD0] =	vst v7  }
0x163: {  	[tilespmem:s19+$0x100] =	vst v5  }
0x164: {  	[tilespmem:s19+$0xF0] =	vst v6  }
0x165: {  	[spmem:s2] =	stream.indirect.scatter.add.f32 [tilespmem:s6], [sflag:$0x3], $0x90, s8, s9, $0xb8;
	[tilespmem:$0x1F5C0] =	vst v63  }
0x166: {  	s21 =	sadd.s32 s31, s0;
	_ =	swait.ge [sflag:s7], $0x3F00  }
0x167: {  	s16 =	sshrl.u32 s21, $0x3;
	[sflag:s7] =	ssyncset.done $0x0  }
0x168: {  	s22 =	sadd.s32 s1, s16;
	[sflag:s7] =	ssyncadd.s32 $0xFFFFC100  }
0x169: {  	[tilespmem:s4], [sflag:$0x3] =	stream.linear.gather [hbm4b:s22+s4], $0x70, $0x38;
	[tilespmem:$0x1F5C0] =	vst v63  }
0x16a: {  	_ =	swait.ge [sflag:s7], $0x70  }
0x16b: {  	[sflag:s7] =	ssyncset.done $0x0  }
0x16c: {  	s16 =	sadd.s32 s5, s16;
	[sflag:s7] =	ssyncadd.s32 $0xFFFFFF90  }
0x16d: {  	[tilespmem:s8], [sflag:$0x3] =	stream.linear.gather [hbm4b:s16+s4], $0x70, $0x38;
	[tilespmem:$0x1F5C0] =	vst v63  }
0x16e: {  	_ =	swait.ge [sflag:s7], $0x70  }
0x16f: {  	[sflag:s7] =	ssyncset.done $0x0  }
0x170: {  	s19 =	simm.s32 $0x0;
	[sflag:s7] =	ssyncadd.s32 $0xFFFFFF90  }
0x171: {  	[tilespmem:s6], [sflag:$0x1] =	stream.indirect.gather [hbm4b:s14+s9], $0x90, s4, s9, $0xb8;
	[tilespmem:$0x1F5C0] =	vst v63  }
0x172: {  	v5 =	vor.u32 s19, v0  }
0x173: {  	v7 =	vshrl.u32 v5, $0x2;
	[tilespmem:s10], [sflag:$0x1] =	stream.indirect.gather [hbm4b:s15+s9], $0x10, s8, s9, $0xb8;
	[tilespmem:$0x1F5C0] =	vst v63  }
0x174: {  	v5 =	vmul.u32 $0x90, v7;
	v6 =	vshll.u32 v7, $0x4;
	_ =	swait.ge [sflag:s28], $0x3F00  }
0x175: {  	v8 =	vor.u32 v1, v6;
	[sflag:s28] =	ssyncset.done $0x0  }
0x176: {  	v9 =	vadd.s32 v3, v5;
	[sflag:s28] =	ssyncadd.s32 $0xFFFFC100  }
0x177: {  	_ =	swait.ge [sflag:s28], $0x700  }
0x178: {  	[sflag:s28] =	ssyncset.done $0x0  }
0x179: {  	[sflag:s28] =	ssyncadd.s32 $0xFFFFF900  }
0x17a: {  	v5 =	vld.idx.msk [tilespmem:v8+s13+$0x0], $0xffff  }
0x17b: {  	v6 =	vor.u32 v4, v6;
	v8 =	vld.idx.msk [tilespmem:v9+s12+$0x0], $0xffff;
	_ =	sdelay $0x4  }
0x17c: {  	v6 =	vld.idx.msk [tilespmem:v6+s13+$0x0], $0xffff;
	v5 =	vadd.f32 v5, v8;
	_ =	sdelay $0x1  }
0x17d: {  	v8 =	vmul.f32 $2.000000030e-01, v5  }
0x17e: {  	vm0 =	vgt.f32 v5, $0.0e+00  }
0x17f: {  	v5 =	vsel vm0, v5, v8  }
0x180: {  	v5 =	vsub.f32 v5, v6;
	_ =	sdelay $0x1  }
0x181: {  	v5 =	vmul.f32 $1.442695020e+00, v5;
	_ =	sdelay $0x1  }
0x182: {  	(erf) = vpow2.f32 v5;
	_ =	sdelay $0x1  }
0x183: {  	s20 =	simm.s32 $0x10  }
0x184: {  	v5 =	vor.u32 s20, v0  }
0x185: {  	s21 =	sadd.s32 s31, s24;
	v8 =	vshrl.u32 v5, $0x2  }
0x186: {  	v5 =	vmov s21;
	v6 =	vmul.u32 $0x90, v8  }
0x187: {  	v7 =	vadd.s32 v5, v7  }
0x188: {  	v10 =	vshll.u32 v8, $0x4;
	v6 =	vadd.s32 v3, v6  }
0x189: {  	v11 =	vor.u32 v1, v10  }
0x18a: {  	vm0 =	vlt.u32 v7, $0x50910;
	v7 =	vpop (erf)  }
0x18b: {  	v7 =	vnsel vm0, $0x0, v7  }
0x18c: {  	[tilespmem:v9+s12+$0x0] =	vst.idx.msk $0xffff, v7  }
0x18d: {  	v7 =	vld.idx.msk [tilespmem:v6+s12+$0x0], $0xffff  }
0x18e: {  	v9 =	vor.u32 v4, v10;
	v10 =	vld.idx.msk [tilespmem:v11+s13+$0x0], $0xffff;
	_ =	sdelay $0x4  }
0x18f: {  	v9 =	vld.idx.msk [tilespmem:v9+s13+$0x0], $0xffff;
	v7 =	vadd.f32 v10, v7;
	_ =	sdelay $0x1  }
0x190: {  	v10 =	vmul.f32 $2.000000030e-01, v7  }
0x191: {  	vm0 =	vgt.f32 v7, $0.0e+00  }
0x192: {  	v7 =	vsel vm0, v7, v10  }
0x193: {  	v7 =	vsub.f32 v7, v9;
	_ =	sdelay $0x1  }
0x194: {  	v7 =	vmul.f32 $1.442695020e+00, v7;
	_ =	sdelay $0x1  }
0x195: {  	(erf) = vpow2.f32 v7;
	_ =	sdelay $0x1  }
0x196: {  	s22 =	simm.s32 $0x20  }
0x197: {  	v7 =	vor.u32 s22, v0  }
0x198: {  	v7 =	vshrl.u32 v7, $0x2  }
0x199: {  	v11 =	vmul.u32 $0x90, v7  }
0x19a: {  	v9 =	vshll.u32 v7, $0x4  }
0x19b: {  	v10 =	vor.u32 v1, v9  }
0x19c: {  	v63 =	vadd.s32 v5, v8;
	v8 =	vadd.s32 v3, v11  }
0x19d: {  	s17 =	simm.s32 $0x30;
	s19 =	simm.s32 $0x2;
	vm0 =	vlt.u32 v63, $0x50910;
	v7 =	vadd.s32 v5, v7;
	v9 =	vor.u32 v4, v9;
	v11 =	vpop (erf)  }
.LBB2_9:
0x19e: {  	s19 =	sadd.s32 $0x2, s19;
	v11 =	vnsel vm0, $0x0, v11;
	s16 =	simm.s32 $0x41E0  }
0x19f: {  	p0 =	slt.u32 s19, $0x1A;
	[tilespmem:v6+s12+$0x0] =	vst.idx.msk $0xffff, v11  }
0x1a0: {  	v6 =	vld.idx.msk [tilespmem:v10+s13+$0x0], $0xffff  }
0x1a1: {  	v10 =	vld.idx.msk [tilespmem:v8+s12+$0x0], $0xffff;
	_ =	sdelay $0x4  }
0x1a2: {  	v9 =	vld.idx.msk [tilespmem:v9+s13+$0x0], $0xffff  }
0x1a3: {  	v6 =	vadd.f32 v6, v10;
	_ =	sdelay $0x1  }
0x1a4: {  	v10 =	vmul.f32 $2.000000030e-01, v6  }
0x1a5: {  	vm0 =	vgt.f32 v6, $0.0e+00  }
0x1a6: {  	v6 =	vsel vm0, v6, v10  }
0x1a7: {  	v6 =	vsub.f32 v6, v9;
	_ =	sdelay $0x1  }
0x1a8: {  	v6 =	vmul.f32 $1.442695020e+00, v6;
	_ =	sdelay $0x1  }
0x1a9: {  	(erf) = vpow2.f32 v6;
	_ =	sdelay $0x2  }
0x1aa: {  	v6 =	vor.u32 s17, v0  }
0x1ab: {  	v6 =	vshrl.u32 v6, $0x2  }
0x1ac: {  	v9 =	vmul.u32 $0x90, v6;
	v10 =	vshll.u32 v6, $0x4;
	v11 =	vadd.s32 v5, v6;
	_ =	sdelay $0x1  }
0x1ad: {  	v6 =	vadd.s32 v3, v9;
	v9 =	vor.u32 v1, v10;
	_ =	sdelay $0x1  }
0x1ae: {  	vm0 =	vlt.u32 v7, $0x50910;
	v7 =	vpop (erf)  }
0x1af: {  	v7 =	vnsel vm0, $0x0, v7  }
0x1b0: {  	[tilespmem:v8+s12+$0x0] =	vst.idx.msk $0xffff, v7  }
0x1b1: {  	v8 =	vor.u32 v4, v10;
	v7 =	vld.idx.msk [tilespmem:v6+s12+$0x0], $0xffff  }
0x1b2: {  	v9 =	vld.idx.msk [tilespmem:v9+s13+$0x0], $0xffff;
	_ =	sdelay $0x3  }
0x1b3: {  	v8 =	vld.idx.msk [tilespmem:v8+s13+$0x0], $0xffff;
	_ =	sdelay $0x1  }
0x1b4: {  	v7 =	vadd.f32 v9, v7;
	_ =	sdelay $0x1  }
0x1b5: {  	vm0 =	vgt.f32 v7, $0.0e+00;
	v9 =	vmul.f32 $2.000000030e-01, v7;
	_ =	sdelay $0x1  }
0x1b6: {  	v7 =	vsel vm0, v7, v9  }
0x1b7: {  	v7 =	vsub.f32 v7, v8;
	_ =	sdelay $0x1  }
0x1b8: {  	v7 =	vmul.f32 $1.442695020e+00, v7;
	_ =	sdelay $0x1  }
0x1b9: {  	(erf) = vpow2.f32 v7;
	_ =	sdelay $0x1  }
0x1ba: {  	s17 =	sadd.s32 $0x20, s17  }
0x1bb: {  	s20 =	sadd.s32 $0xFFFFFFF0, s17  }
0x1bc: {  	v7 =	vor.u32 s20, v0  }
.Ltmp3:
0x1bd: {  	v7 =	vshrl.u32 v7, $0x2;
	(pc) =	sbr.rel @p0 .LBB2_9-.Ltmp3, $4  }
0x1be: {  	v8 =	vmul.u32 $0x90, v7;
	v9 =	vshll.u32 v7, $0x4;
	v7 =	vadd.s32 v5, v7  }
0x1bf: {  	v10 =	vor.u32 v1, v9;
	v9 =	vor.u32 v4, v9  }
0x1c0: {  	vm0 =	vlt.u32 v11, $0x50910;
	v8 =	vadd.s32 v3, v8  }
0x1c1: {  	v11 =	vpop (erf)  }
0x1c2: {  	_ =	sdelay $0x2  }
0x1c3: {  	v11 =	vnsel vm0, $0x0, v11  }
0x1c4: {  	[tilespmem:v6+s12+$0x0] =	vst.idx.msk $0xffff, v11  }
0x1c5: {  	v6 =	vld.idx.msk [tilespmem:v10+s13+$0x0], $0xffff  }
0x1c6: {  	v10 =	vld.idx.msk [tilespmem:v8+s12+$0x0], $0xffff;
	_ =	sdelay $0x4  }
0x1c7: {  	v9 =	vld.idx.msk [tilespmem:v9+s13+$0x0], $0xffff;
	v6 =	vadd.f32 v6, v10;
	_ =	sdelay $0x1  }
0x1c8: {  	v10 =	vmul.f32 $2.000000030e-01, v6  }
0x1c9: {  	vm12 =	vgt.f32 v6, $0.0e+00  }
0x1ca: {  	v6 =	vsel vm12, v6, v10  }
0x1cb: {  	v6 =	vsub.f32 v6, v9;
	_ =	sdelay $0x1  }
0x1cc: {  	v6 =	vmul.f32 $1.442695020e+00, v6;
	_ =	sdelay $0x1  }
0x1cd: {  	(erf) = vpow2.f32 v6;
	_ =	sdelay $0x2  }
0x1ce: {  	v6 =	vor.u32 s17, v0  }
0x1cf: {  	v6 =	vshrl.u32 v6, $0x2  }
0x1d0: {  	v9 =	vmul.u32 $0x90, v6;
	_ =	sdelay $0x1  }
0x1d1: {  	v10 =	vshll.u32 v6, $0x4;
	v9 =	vadd.s32 v3, v9  }
0x1d2: {  	v11 =	vor.u32 v1, v10  }
0x1d3: {  	vm13 =	vlt.u32 v7, $0x50910;
	v7 =	vpop (erf)  }
0x1d4: {  	v7 =	vnsel vm13, $0x0, v7  }
0x1d5: {  	[tilespmem:v8+s12+$0x0] =	vst.idx.msk $0xffff, v7  }
0x1d6: {  	v7 =	vld.idx.msk [tilespmem:v9+s12+$0x0], $0xffff  }
0x1d7: {  	v8 =	vor.u32 v4, v10;
	v10 =	vld.idx.msk [tilespmem:v11+s13+$0x0], $0xffff;
	_ =	sdelay $0x4  }
0x1d8: {  	v8 =	vld.idx.msk [tilespmem:v8+s13+$0x0], $0xffff;
	v7 =	vadd.f32 v10, v7;
	_ =	sdelay $0x1  }
0x1d9: {  	v10 =	vmul.f32 $2.000000030e-01, v7  }
0x1da: {  	vm14 =	vgt.f32 v7, $0.0e+00  }
0x1db: {  	v7 =	vsel vm14, v7, v10  }
0x1dc: {  	v7 =	vsub.f32 v7, v8;
	_ =	sdelay $0x1  }
0x1dd: {  	v7 =	vmul.f32 $1.442695020e+00, v7;
	_ =	sdelay $0x1  }
0x1de: {  	(erf) = vpow2.f32 v7;
	_ =	sdelay $0x4  }
0x1df: {  	s17 =	simm.s32 $0x0  }
0x1e0: {  	v5 =	vadd.s32 v5, v6;
	v7 =	vmov s17  }
0x1e1: {  	v7 =	vmul.u32 $0x90, v7;
	_ =	sdelay $0x1  }
0x1e2: {  	vm15 =	vlt.u32 v5, $0x50910;
	v6 =	vadd.s32 $0x80, v7;
	v5 =	vpop (erf)  }
0x1e3: {  	v6 =	vbroadcast v6, $0x0;
	v5 =	vnsel vm15, $0x0, v5  }
0x1e4: {  	[tilespmem:v9+s12+$0x0] =	vst.idx.msk $0xffff, v5  }
0x1e5: {  	v8 =	vor.u32 $0x1, v6;
	v7 =	vld [tilespmem:s16+$0xFFFFFF30]  }
0x1e6: {  	v5 =	vor.u32 $0x3, v6;
	v9 =	vld [tilespmem:s16+$0xFFFFFF10]  }
0x1e7: {  	v10 =	vor.u32 $0x2, v6;
	v11 =	vld [tilespmem:s16+$0xFFFFFF00]  }
0x1e8: {  	v12 =	vld [tilespmem:s16+$0xFFFFFF40]  }
0x1e9: {  	v13 =	vld [tilespmem:s16+$0xFFFFFF50]  }
0x1ea: {  	v8 =	vld.idx.msk [tilespmem:v8+s12+$0x0], $0xffff  }
0x1eb: {  	v5 =	vld.idx.msk [tilespmem:v5+s12+$0x0], $0xffff  }
0x1ec: {  	v10 =	vld.idx.msk [tilespmem:v10+s12+$0x0], $0xffff  }
0x1ed: {  	v14 =	vld [tilespmem:s16+$0xFFFFFEF0]  }
0x1ee: {  	s19 =	simm.s32 $0x1;
	v6 =	vld.idx.msk [tilespmem:v6+s12+$0x0], $0xffff  }
0x1ef: {  	v15 =	vmov s19;
	v16 =	vld [tilespmem:s16+$0xFFFFFF20];
	v11 =	vmul.f32 v11, v8  }
0x1f0: {  	v12 =	vmul.f32 v12, v5;
	v5 =	vmul.f32 v13, v5;
	v13 =	vmul.u32 $0x90, v15  }
0x1f1: {  	v7 =	vmul.f32 v7, v10;
	[tilespmem:s16+$0xFFFFFF00] =	vst v11;
	v15 =	vld [tilespmem:s16+$0xFFFFFEE0]  }
0x1f2: {  	v8 =	vmul.f32 v9, v8;
	[tilespmem:s16+$0xFFFFFF50] =	vst v5;
	v5 =	vadd.s32 $0x80, v13  }
0x1f3: {  	v9 =	vmul.f32 v14, v6;
	[tilespmem:s16+$0xFFFFFF30] =	vst v7;
	v5 =	vbroadcast v5, $0x0  }
0x1f4: {  	v7 =	vmul.f32 v16, v10;
	[tilespmem:s16+$0xFFFFFF10] =	vst v8  }
0x1f5: {  	v14 =	vld [tilespmem:s16+$0xFFFFFFA0];
	[tilespmem:s16+$0xFFFFFEF0] =	vst v9;
	v8 =	vor.u32 $0x1, v5  }
0x1f6: {  	v11 =	vld [tilespmem:s16+$0xFFFFFFC0];
	[tilespmem:s16+$0xFFFFFF20] =	vst v7;
	v6 =	vmul.f32 v15, v6;
	v9 =	vor.u32 $0x2, v5  }
0x1f7: {  	v7 =	vld [tilespmem:s16+$0xFFFFFF80];
	[tilespmem:s16+$0xFFFFFF40] =	vst v12  }
0x1f8: {  	v12 =	vld [tilespmem:s16+$0xFFFFFF90];
	[tilespmem:s16+$0xFFFFFEE0] =	vst v6  }
0x1f9: {  	v6 =	vld.idx.msk [tilespmem:v5+s12+$0x0], $0xffff;
	v5 =	vor.u32 $0x3, v5  }
0x1fa: {  	v8 =	vld.idx.msk [tilespmem:v8+s12+$0x0], $0xffff  }
0x1fb: {  	v9 =	vld.idx.msk [tilespmem:v9+s12+$0x0], $0xffff  }
0x1fc: {  	v13 =	vld [tilespmem:s16+$0xFFFFFF70]  }
0x1fd: {  	s22 =	simm.s32 $0x2;
	v15 =	vld [tilespmem:s16+$0xFFFFFFB0]  }
0x1fe: {  	v7 =	vmul.f32 v7, v6;
	v16 =	vld.idx.msk [tilespmem:v5+s12+$0x0], $0xffff;
	v5 =	vmov s22  }
0x1ff: {  	v10 =	vld [tilespmem:s16+$0xFFFFFFE0];
	v12 =	vmul.f32 v12, v8;
	v18 =	vmul.u32 $0x90, v5  }
0x200: {  	v17 =	vld [tilespmem:s16+$0xFFFFFFD0];
	[tilespmem:s16+$0xFFFFFF80] =	vst v7;
	v7 =	vmul.f32 v11, v9  }
0x201: {  	v11 =	vmul.f32 v13, v6;
	[tilespmem:s16+$0xFFFFFF90] =	vst v12;
	v12 =	vmul.f32 v14, v8;
	v8 =	vadd.s32 $0x80, v18  }
0x202: {  	v5 =	vld [tilespmem:s16+$0x50];
	[tilespmem:s16+$0xFFFFFFC0] =	vst v7;
	v7 =	vmul.f32 v15, v9;
	v15 =	vbroadcast v8, $0x0  }
0x203: {  	v6 =	vld [tilespmem:s16+$0x40];
	[tilespmem:s16+$0xFFFFFF70] =	vst v11  }
0x204: {  	v13 =	vld [tilespmem:s16+$0x0];
	v9 =	vmul.f32 v10, v16;
	[tilespmem:s16+$0xFFFFFFA0] =	vst v12  }
0x205: {  	v8 =	vld [tilespmem:s16+$0x30];
	v10 =	vmul.f32 v17, v16;
	v12 =	vor.u32 $0x1, v15;
	[tilespmem:s16+$0xFFFFFFB0] =	vst v7  }
0x206: {  	v11 =	vld [tilespmem:s16+$0x10];
	v16 =	vor.u32 $0x2, v15;
	[tilespmem:s16+$0xFFFFFFE0] =	vst v9  }
0x207: {  	v7 =	vld [tilespmem:s16+$0x70];
	[tilespmem:s16+$0xFFFFFFD0] =	vst v10  }
0x208: {  	v14 =	vld.idx.msk [tilespmem:v15+s12+$0x0], $0xffff;
	v15 =	vor.u32 $0x3, v15  }
0x209: {  	v9 =	vld [tilespmem:s16+$0x20]  }
0x20a: {  	v12 =	vld.idx.msk [tilespmem:v12+s12+$0x0], $0xffff  }
0x20b: {  	s20 =	simm.s32 $0x4;
	s19 =	simm.s32 $0x41E0;
	v10 =	vld.idx.msk [tilespmem:v16+s12+$0x0], $0xffff  }
.LBB2_11:
0x20c: {  	p0 =	slt.u32 s20, $0x6C  }
0x20d: {  	v15 =	vld.idx.msk [tilespmem:v15+s12+$0x0], $0xffff;
	s16 =	sadd.s32 $0x240, s16;
	s21 =	smov.u32 s20;
	s20 =	sadd.s32 $0x4, s20  }
0x20e: {  	v16 =	vld [tilespmem:s19+$0x60]  }
0x20f: {  	s22 =	sadd.s32 $0x3, s17;
	s17 =	smov.u32 s21  }
0x210: {  	v13 =	vmul.f32 v13, v14;
	v11 =	vmul.f32 v11, v14;
	v14 =	vmov s22  }
0x211: {  	v9 =	vmul.f32 v9, v12;
	v8 =	vmul.f32 v8, v12;
	v12 =	vmul.u32 $0x90, v14  }
0x212: {  	v6 =	vmul.f32 v6, v10;
	v5 =	vmul.f32 v5, v10;
	[tilespmem:s19+$0x10] =	vst v11  }
0x213: {  	v7 =	vmul.f32 v7, v15;
	v10 =	vadd.s32 $0x80, v12;
	[tilespmem:s19+$0x30] =	vst v8;
	v8 =	vmul.f32 v16, v15;
	v11 =	vld [tilespmem:s19+$0x90]  }
0x214: {  	[tilespmem:s19+$0x40] =	vst v6;
	v6 =	vbroadcast v10, $0x0;
	v10 =	vld [tilespmem:s19+$0xE0]  }
0x215: {  	[tilespmem:s19+$0x0] =	vst v13;
	v12 =	vld [tilespmem:s19+$0xB0]  }
0x216: {  	[tilespmem:s19+$0x20] =	vst v9;
	v9 =	vor.u32 $0x1, v6;
	v13 =	vld [tilespmem:s19+$0xA0]  }
0x217: {  	[tilespmem:s19+$0x70] =	vst v7;
	v7 =	vor.u32 $0x2, v6;
	v14 =	vld [tilespmem:s19+$0xC0]  }
0x218: {  	v15 =	vor.u32 $0x3, v6;
	[tilespmem:s19+$0x50] =	vst v5;
	v16 =	vld [tilespmem:s19+$0xD0]  }
0x219: {  	v5 =	vld [tilespmem:s16+$0x50];
	[tilespmem:s19+$0x60] =	vst v8  }
0x21a: {  	v8 =	vld.idx.msk [tilespmem:v6+s12+$0x0], $0xffff  }
0x21b: {  	v9 =	vld.idx.msk [tilespmem:v9+s12+$0x0], $0xffff  }
0x21c: {  	v7 =	vld.idx.msk [tilespmem:v7+s12+$0x0], $0xffff  }
0x21d: {  	v15 =	vld.idx.msk [tilespmem:v15+s12+$0x0], $0xffff  }
0x21e: {  	v17 =	vld [tilespmem:s19+$0xF0]  }
0x21f: {  	v6 =	vmov s17;
	v18 =	vld [tilespmem:s19+$0x100]  }
0x220: {  	v19 =	vmul.u32 $0x90, v6;
	v11 =	vmul.f32 v11, v8;
	v8 =	vmul.f32 v13, v8;
	v6 =	vld [tilespmem:s16+$0x40]  }
0x221: {  	v12 =	vmul.f32 v12, v9;
	v9 =	vmul.f32 v14, v9  }
0x222: {  	v13 =	vadd.s32 $0x80, v19;
	[tilespmem:s19+$0x90] =	vst v11;
	v11 =	vmul.f32 v16, v7;
	v7 =	vmul.f32 v10, v7  }
0x223: {  	v10 =	vbroadcast v13, $0x0;
	[tilespmem:s19+$0xA0] =	vst v8;
	v8 =	vmul.f32 v17, v15  }
0x224: {  	[tilespmem:s19+$0xB0] =	vst v12;
	v12 =	vmul.f32 v18, v15  }
0x225: {  	v13 =	vor.u32 $0x1, v10;
	v14 =	vor.u32 $0x2, v10;
	v15 =	vor.u32 $0x3, v10;
	v16 =	vld [tilespmem:s16+$0xFFFFFF30];
	[tilespmem:s19+$0xE0] =	vst v7  }
0x226: {  	v7 =	vld [tilespmem:s16+$0xFFFFFF10];
	[tilespmem:s19+$0xC0] =	vst v9  }
0x227: {  	v9 =	vld [tilespmem:s16+$0xFFFFFF00];
	[tilespmem:s19+$0x100] =	vst v12  }
0x228: {  	v12 =	vld [tilespmem:s16+$0xFFFFFF50];
	[tilespmem:s19+$0xD0] =	vst v11  }
0x229: {  	v11 =	vld [tilespmem:s16+$0xFFFFFF40];
	[tilespmem:s19+$0xF0] =	vst v8;
	s19 =	smov.u32 s16  }
0x22a: {  	v8 =	vld.idx.msk [tilespmem:v15+s12+$0x0], $0xffff  }
0x22b: {  	v13 =	vld.idx.msk [tilespmem:v13+s12+$0x0], $0xffff  }
0x22c: {  	v14 =	vld.idx.msk [tilespmem:v14+s12+$0x0], $0xffff  }
0x22d: {  	v15 =	vld [tilespmem:s16+$0xFFFFFF20]  }
0x22e: {  	v17 =	vld [tilespmem:s16+$0xFFFFFEF0]  }
0x22f: {  	s21 =	sadd.s32 $0x1, s17;
	v10 =	vld.idx.msk [tilespmem:v10+s12+$0x0], $0xffff  }
0x230: {  	v11 =	vmul.f32 v11, v8;
	v8 =	vmul.f32 v12, v8;
	v12 =	vmov s21;
	v18 =	vld [tilespmem:s16+$0xFFFFFEE0]  }
0x231: {  	v9 =	vmul.f32 v9, v13;
	v7 =	vmul.f32 v7, v13;
	v12 =	vmul.u32 $0x90, v12  }
0x232: {  	v13 =	vmul.f32 v15, v14;
	v14 =	vmul.f32 v16, v14;
	[tilespmem:s16+$0xFFFFFF40] =	vst v11  }
0x233: {  	[tilespmem:s16+$0xFFFFFF50] =	vst v8;
	v8 =	vadd.s32 $0x80, v12;
	v11 =	vld [tilespmem:s16+$0xFFFFFFE0]  }
0x234: {  	[tilespmem:s16+$0xFFFFFF00] =	vst v9;
	v8 =	vbroadcast v8, $0x0;
	v9 =	vld [tilespmem:s16+$0xFFFFFFC0]  }
0x235: {  	v12 =	vmul.f32 v18, v10;
	v10 =	vmul.f32 v17, v10;
	[tilespmem:s16+$0xFFFFFF30] =	vst v14;
	v14 =	vld [tilespmem:s16+$0xFFFFFFB0]  }
0x236: {  	[tilespmem:s16+$0xFFFFFF10] =	vst v7;
	v7 =	vor.u32 $0x1, v8;
	v15 =	vld [tilespmem:s16+$0xFFFFFFA0]  }
0x237: {  	[tilespmem:s16+$0xFFFFFEF0] =	vst v10;
	v10 =	vor.u32 $0x2, v8;
	v16 =	vld [tilespmem:s16+$0xFFFFFF90]  }
0x238: {  	[tilespmem:s16+$0xFFFFFF20] =	vst v13;
	v13 =	vor.u32 $0x3, v8;
	v17 =	vld [tilespmem:s16+$0xFFFFFF80]  }
0x239: {  	[tilespmem:s16+$0xFFFFFEE0] =	vst v12;
	v12 =	vld [tilespmem:s16+$0xFFFFFF70]  }
0x23a: {  	v8 =	vld.idx.msk [tilespmem:v8+s12+$0x0], $0xffff  }
0x23b: {  	v7 =	vld.idx.msk [tilespmem:v7+s12+$0x0], $0xffff  }
0x23c: {  	v10 =	vld.idx.msk [tilespmem:v10+s12+$0x0], $0xffff  }
0x23d: {  	v13 =	vld.idx.msk [tilespmem:v13+s12+$0x0], $0xffff  }
0x23e: {  	v18 =	vld [tilespmem:s16+$0xFFFFFFD0]  }
0x23f: {  	s21 =	sadd.s32 $0x2, s17  }
0x240: {  	v12 =	vmul.f32 v12, v8;
	v8 =	vmul.f32 v17, v8;
	v17 =	vmov s21  }
0x241: {  	v16 =	vmul.f32 v16, v7;
	v7 =	vmul.f32 v15, v7;
	v15 =	vmul.u32 $0x90, v17  }
0x242: {  	v14 =	vmul.f32 v14, v10;
	[tilespmem:s16+$0xFFFFFF80] =	vst v8;
	v8 =	vmul.f32 v9, v10  }
0x243: {  	v9 =	vmul.f32 v11, v13;
	v11 =	vadd.s32 $0x80, v15;
	[tilespmem:s16+$0xFFFFFF90] =	vst v16;
	v10 =	vmul.f32 v18, v13  }
0x244: {  	v16 =	vbroadcast v11, $0x0;
	[tilespmem:s16+$0xFFFFFFC0] =	vst v8  }
0x245: {  	[tilespmem:s16+$0xFFFFFF70] =	vst v12;
	v8 =	vld [tilespmem:s16+$0x30]  }
0x246: {  	v12 =	vor.u32 $0x1, v16;
	[tilespmem:s16+$0xFFFFFFA0] =	vst v7;
	v7 =	vld [tilespmem:s16+$0x70]  }
0x247: {  	v17 =	vor.u32 $0x2, v16;
	[tilespmem:s16+$0xFFFFFFB0] =	vst v14;
	v11 =	vld [tilespmem:s16+$0x10]  }
.Ltmp4:
0x248: {  	v15 =	vor.u32 $0x3, v16;
	[tilespmem:s16+$0xFFFFFFE0] =	vst v9;
	v9 =	vld [tilespmem:s16+$0x20];
	(pc) =	sbr.rel @p0 .LBB2_11-.Ltmp4, $4  }
0x249: {  	[tilespmem:s16+$0xFFFFFFD0] =	vst v10;
	v13 =	vld [tilespmem:s16+$0x0]  }
0x24a: {  	v14 =	vld.idx.msk [tilespmem:v16+s12+$0x0], $0xffff  }
0x24b: {  	v12 =	vld.idx.msk [tilespmem:v12+s12+$0x0], $0xffff  }
0x24c: {  	v10 =	vld.idx.msk [tilespmem:v17+s12+$0x0], $0xffff  }
0x24d: {  	_ =	sdelay $0x1  }
0x24e: {  	s16 =	sadd.s32 $0x3, s17  }
0x24f: {  	v16 =	vmov s16;
	v11 =	vmul.f32 v11, v14  }
0x250: {  	v15 =	vld.idx.msk [tilespmem:v15+s12+$0x0], $0xffff;
	v16 =	vmul.u32 $0x90, v16;
	v13 =	vmul.f32 v13, v14  }
0x251: {  	v52 =	vld [tilespmem:s19+$0x60];
	[tilespmem:s19+$0x10] =	vst v11;
	v6 =	vmul.f32 v6, v10  }
0x252: {  	v8 =	vmul.f32 v8, v12;
	v53 =	vadd.s32 $0x80, v16;
	[tilespmem:s19+$0x0] =	vst v13  }
0x253: {  	v9 =	vmul.f32 v9, v12;
	[tilespmem:s19+$0x40] =	vst v6;
	v6 =	vbroadcast v53, $0x0  }
0x254: {  	v5 =	vmul.f32 v5, v10;
	[tilespmem:s19+$0x30] =	vst v8  }
0x255: {  	v54 =	vld [tilespmem:s19+$0x90];
	v7 =	vmul.f32 v7, v15;
	[tilespmem:s19+$0x20] =	vst v9  }
0x256: {  	v55 =	vld [tilespmem:s19+$0xA0];
	v56 =	vmul.f32 v52, v15;
	[tilespmem:s19+$0x50] =	vst v5;
	v57 =	vor.u32 $0x1, v6  }
0x257: {  	v60 =	vld [tilespmem:s19+$0xC0];
	[tilespmem:s19+$0x70] =	vst v7;
	v58 =	vor.u32 $0x2, v6  }
0x258: {  	v5 =	vld [tilespmem:s19+$0xB0];
	[tilespmem:s19+$0x60] =	vst v56  }
0x259: {  	v59 =	vor.u32 $0x3, v6;
	v6 =	vld.idx.msk [tilespmem:v6+s12+$0x0], $0xffff  }
0x25a: {  	v7 =	vld [tilespmem:s19+$0xE0]  }
0x25b: {  	v11 =	vld.idx.msk [tilespmem:v57+s12+$0x0], $0xffff  }
0x25c: {  	v12 =	vld.idx.msk [tilespmem:v58+s12+$0x0], $0xffff  }
0x25d: {  	v61 =	vld [tilespmem:s19+$0x100]  }
0x25e: {  	v13 =	vld.idx.msk [tilespmem:v59+s12+$0x0], $0xffff;
	v8 =	vmul.f32 v54, v6  }
0x25f: {  	v62 =	vld [tilespmem:s19+$0xD0];
	v6 =	vmul.f32 v55, v6  }
0x260: {  	v63 =	vld [tilespmem:s19+$0xF0];
	v5 =	vmul.f32 v5, v11;
	[tilespmem:s19+$0x90] =	vst v8  }
0x261: {  	v7 =	vmul.f32 v7, v12;
	[tilespmem:s19+$0xA0] =	vst v6  }
0x262: {  	v6 =	vmul.f32 v60, v11;
	[tilespmem:s19+$0xB0] =	vst v5  }
0x263: {  	v5 =	vmul.f32 v61, v13;
	[tilespmem:s19+$0xE0] =	vst v7  }
0x264: {  	v7 =	vmul.f32 v62, v12;
	[tilespmem:s19+$0xC0] =	vst v6  }
0x265: {  	v6 =	vmul.f32 v63, v13;
	[tilespmem:s19+$0x100] =	vst v5  }
0x266: {  	[tilespmem:s19+$0xD0] =	vst v7  }
0x267: {  	[tilespmem:s19+$0xF0] =	vst v6  }
0x268: {  	[spmem:s2] =	stream.indirect.scatter.add.f32 [tilespmem:s12], [sflag:$0x3], $0x90, s11, s9, $0xb8;
	[tilespmem:$0x1F5C0] =	vst v63  }
0x269: {  	s22 =	sadd.s32 s31, s3;
	_ =	swait.ge [sflag:s7], $0x3F00  }
0x26a: {  	s16 =	sshrl.u32 s22, $0x3;
	[sflag:s7] =	ssyncset.done $0x0  }
0x26b: {  	s31 =	sadd.s32 s1, s16;
	[sflag:s7] =	ssyncadd.s32 $0xFFFFC100  }
0x26c: {  	[tilespmem:s9], [sflag:$0x3] =	stream.linear.gather [hbm4b:s31+s4], $0x70, $0x38;
	[tilespmem:$0x1F5C0] =	vst v63  }
0x26d: {  	s30 =	sadd.s32 $0x1, s30;
	_ =	swait.ge [sflag:s7], $0x70  }
0x26e: {  	p0 =	sne.s32 s30, $0x2F;
	[sflag:s7] =	ssyncset.done $0x0  }
.Ltmp5:
0x26f: {  	s16 =	sadd.s32 s5, s16;
	[sflag:s7] =	ssyncadd.s32 $0xFFFFFF90;
	(pc) =	sbr.rel @p0 .LBB2_4-.Ltmp5, $4  }
0x270: {  	[tilespmem:s11], [sflag:$0x3] =	stream.linear.gather [hbm4b:s16+s4], $0x70, $0x38;
	[tilespmem:$0x1F5C0] =	vst v63  }
0x271: {  	_ =	swait.ge [sflag:s7], $0x70  }
0x272: {  	[sflag:s7] =	ssyncset.done $0x0  }
0x273: {  	[sflag:s7] =	ssyncadd.s32 $0xFFFFFF90  }
0x274: {  	_ =	swait.ge [sflag:s26], $0x3F00  }
0x275: {  	[sflag:s26] =	ssyncset.done $0x0  }
0x276: {  	[sflag:s26] =	ssyncadd.s32 $0xFFFFC100  }
0x277: {  	_ =	swait.ge [sflag:s26], $0x700  }
0x278: {  	[sflag:s26] =	ssyncset.done $0x0  }
0x279: {  	[sflag:s26] =	ssyncadd.s32 $0xFFFFF900  }
0x27a: {  	[bflag:$0x0] =	sbarrier.arrive $0xFFFF  }
0x27b: {  	[tilespmem:s6], [sflag:$0x3] =	stream.linear.gather [spmem:s23], $0x2D00, $0x38;
	[tilespmem:$0x1F5C0] =	vst v63  }
0x27c: {  	_ =	swait.ge [sflag:s7], $0x2D00  }
0x27d: {  	[sflag:s7] =	ssyncset.done $0x0  }
0x27e: {  	s16 =	rddreg [dreg:$0x4];
	[sflag:s7] =	ssyncadd.s32 $0xFFFFD300  }
0x27f: {  	[hbm4b:s16+s4] =	stream.linear.scatter [tilespmem:s6], [sflag:$0x3], $0x2D00, $0x38;
	[tilespmem:$0x1F5C0] =	vst v63  }
0x280: {  	_ =	swait.ge [sflag:s7], $0x2D00  }
0x281: {  	[sflag:s7] =	ssyncset.done $0x0  }
0x282: {  	[sflag:s7] =	ssyncadd.s32 $0xFFFFD300  }
0x283: {  	[tilespmem:s6], [sflag:$0x3] =	stream.linear.gather [spmem:s25], $0x2D00, $0x38;
	[tilespmem:$0x1F5C0] =	vst v63  }
0x284: {  	_ =	swait.ge [sflag:s7], $0x2D00  }
0x285: {  	[sflag:s7] =	ssyncset.done $0x0  }
0x286: {  	s20 =	smov.u32 s23;
	s23 =	rddreg [dreg:$0x5];
	[sflag:s7] =	ssyncadd.s32 $0xFFFFD300  }
0x287: {  	[hbm4b:s23+s4] =	stream.linear.scatter [tilespmem:s6], [sflag:$0x3], $0x2D00, $0x38;
	[tilespmem:$0x1F5C0] =	vst v63  }
0x288: {  	_ =	swait.ge [sflag:s7], $0x2D00  }
0x289: {  	[sflag:s7] =	ssyncset.done $0x0  }
0x28a: {  	s22 =	rddreg [dreg:$0xc];
	[sflag:s7] =	ssyncadd.s32 $0xFFFFD300  }
0x28b: {  	[tilespmem:s6], [sflag:$0x3] =	stream.linear.gather [spmem:s22], $0x2D00, $0x38;
	[tilespmem:$0x1F5C0] =	vst v63  }
0x28c: {  	_ =	swait.ge [sflag:s7], $0x2D00  }
0x28d: {  	[sflag:s7] =	ssyncset.done $0x0  }
0x28e: {  	s21 =	smov.u32 s25;
	s25 =	rddreg [dreg:$0x6];
	[sflag:s7] =	ssyncadd.s32 $0xFFFFD300  }
0x28f: {  	[hbm4b:s25+s4] =	stream.linear.scatter [tilespmem:s6], [sflag:$0x3], $0x2D00, $0x38;
	[tilespmem:$0x1F5C0] =	vst v63  }
0x290: {  	_ =	swait.ge [sflag:s7], $0x2D00  }
0x291: {  	[sflag:s7] =	ssyncset.done $0x0  }
0x292: {  	s30 =	rddreg [dreg:$0xd];
	[sflag:s7] =	ssyncadd.s32 $0xFFFFD300  }
0x293: {  	[tilespmem:s6], [sflag:$0x3] =	stream.linear.gather [spmem:s30], $0x2D00, $0x38;
	[tilespmem:$0x1F5C0] =	vst v63  }
0x294: {  	_ =	swait.ge [sflag:s7], $0x2D00  }
0x295: {  	[sflag:s7] =	ssyncset.done $0x0  }
0x296: {  	s17 =	rddreg [dreg:$0x7];
	[sflag:s7] =	ssyncadd.s32 $0xFFFFD300  }
0x297: {  	[hbm4b:s17+s4] =	stream.linear.scatter [tilespmem:s6], [sflag:$0x3], $0x2D00, $0x38;
	[tilespmem:$0x1F5C0] =	vst v63  }
0x298: {  	_ =	swait.ge [sflag:s7], $0x2D00  }
0x299: {  	[sflag:s7] =	ssyncset.done $0x0  }
0x29a: {  	s31 =	rddreg [dreg:$0xe];
	[sflag:s7] =	ssyncadd.s32 $0xFFFFD300  }
0x29b: {  	[tilespmem:s6], [sflag:$0x3] =	stream.linear.gather [spmem:s31], $0x2D00, $0x38;
	[tilespmem:$0x1F5C0] =	vst v63  }
0x29c: {  	_ =	swait.ge [sflag:s7], $0x2D00  }
0x29d: {  	[sflag:s7] =	ssyncset.done $0x0  }
0x29e: {  	s19 =	rddreg [dreg:$0x8];
	[sflag:s7] =	ssyncadd.s32 $0xFFFFD300  }
0x29f: {  	[hbm4b:s19+s4] =	stream.linear.scatter [tilespmem:s6], [sflag:$0x3], $0x2D00, $0x38;
	[tilespmem:$0x1F5C0] =	vst v63  }
0x2a0: {  	_ =	swait.ge [sflag:s7], $0x2D00  }
0x2a1: {  	[sflag:s7] =	ssyncset.done $0x0  }
0x2a2: {  	s23 =	rddreg [dreg:$0xf];
	[sflag:s7] =	ssyncadd.s32 $0xFFFFD300  }
0x2a3: {  	[tilespmem:s6], [sflag:$0x3] =	stream.linear.gather [spmem:s23], $0x2D00, $0x38;
	[tilespmem:$0x1F5C0] =	vst v63  }
0x2a4: {  	_ =	swait.ge [sflag:s7], $0x2D00  }
0x2a5: {  	[sflag:s7] =	ssyncset.done $0x0  }
0x2a6: {  	s25 =	rddreg [dreg:$0x9];
	[sflag:s7] =	ssyncadd.s32 $0xFFFFD300  }
0x2a7: {  	[hbm4b:s25+s4] =	stream.linear.scatter [tilespmem:s6], [sflag:$0x3], $0x2D00, $0x38;
	[tilespmem:$0x1F5C0] =	vst v63  }
0x2a8: {  	_ =	swait.ge [sflag:s7], $0x2D00  }
0x2a9: {  	[sflag:s7] =	ssyncset.done $0x0  }
0x2aa: {  	s17 =	rddreg [dreg:$0x10];
	[sflag:s7] =	ssyncadd.s32 $0xFFFFD300  }
0x2ab: {  	[tilespmem:s6], [sflag:$0x3] =	stream.linear.gather [spmem:s17], $0x2D00, $0x38;
	[tilespmem:$0x1F5C0] =	vst v63  }
0x2ac: {  	_ =	swait.ge [sflag:s7], $0x2D00  }
0x2ad: {  	[sflag:s7] =	ssyncset.done $0x0  }
0x2ae: {  	s19 =	rddreg [dreg:$0xa];
	[sflag:s7] =	ssyncadd.s32 $0xFFFFD300  }
0x2af: {  	[hbm4b:s19+s4] =	stream.linear.scatter [tilespmem:s6], [sflag:$0x3], $0x2D00, $0x38;
	[tilespmem:$0x1F5C0] =	vst v63  }
0x2b0: {  	_ =	swait.ge [sflag:s7], $0x2D00  }
0x2b1: {  	[sflag:s7] =	ssyncset.done $0x0  }
0x2b2: {  	s19 =	rddreg [dreg:$0x11];
	[sflag:s7] =	ssyncadd.s32 $0xFFFFD300  }
0x2b3: {  	[tilespmem:s6], [sflag:$0x3] =	stream.linear.gather [spmem:s19], $0x2D00, $0x38;
	[tilespmem:$0x1F5C0] =	vst v63  }
0x2b4: {  	_ =	swait.ge [sflag:s7], $0x2D00  }
0x2b5: {  	[sflag:s7] =	ssyncset.done $0x0  }
0x2b6: {  	s23 =	rddreg [dreg:$0xb];
	[sflag:s7] =	ssyncadd.s32 $0xFFFFD300  }
0x2b7: {  	[hbm4b:s23+s4] =	stream.linear.scatter [tilespmem:s6], [sflag:$0x3], $0x2D00, $0x38;
	[tilespmem:$0x1F5C0] =	vst v63  }
0x2b8: {  	_ =	swait.ge [sflag:s7], $0x2D00  }
0x2b9: {  	s29 =	sadd.s32 $0x1, s29;
	s25 =	rddreg [dreg:$0x16]  }
0x2ba: {  	p0 =	sne.s32 s29, s25  }
.Ltmp6:
0x2bb: {  	_ = 	snop;
	(pc) =	sbr.rel @p0 .LBB2_1-.Ltmp6, $3  }
0x2bc: {  	_ =	sdelay $0x1  }
0x2bd: {  	[sflag:s7] =	ssyncset.done $0x0  }
0x2be: {  	[sflag:s7] =	ssyncadd.s32 $0xFFFFD300  }
0x2bf: {  	_ =	sfence.sel $0x180000  }
0x2c0: {  	[bflag:$0x0] =	sbarrier.arrive $0xFFFF  }
0x2c1: {  	_ =	strace $0x90000047  }
0x2c2: {  	s0 =	stileid.u32;
	[bflag:$0x2] =	sbarrier.arrive $0xFFFF  }
0x2c3: {  	p0 =	sne.s32 s0, $0x0;
	s0 =	rddreg [dreg:$0x3]  }
0x2c4: {  	s0 =	sadd.s32 @!p0 $0x100000, s0  }
0x2c5: {  	[sflag:s0] =	ssyncadd.tile.s32 @!p0 $0x1;
	_ =	shalt  }
.Lfunc_end2:
_tile_overlayer_lowered:
.L_overlay_start_2:
0x2c6: {  	(tag) =	ssettag $0x2  }
0x2c7: {  	s0 =	rddreg [dreg:$0x0];
	s2 =	stileid.u32  }
0x2c8: {  	s1 =	rddreg [dreg:$0x1];
	p0 =	sne.s32 s2, $0x0  }
0x2c9: {  	s3 =	rddreg [dreg:$0x2];
	[bflag:$0x3] =	sbarrier.arrive $0xFFFF;
	s2 =	simm.s32 @!p0 $0x1C03  }
0x2ca: {  	[timem:s3], [sflag:s2] =	dma.local @!p0 [hbm:s0], s1  }
0x2cb: {  	s0 =	simm.s32 @!p0 $0x3  }
0x2cc: {  	_ =	swait.ge @!p0 [sflag:s0], s1  }
0x2cd: {  	s1 =	ssub.s32 @!p0 $0x0, s1;
	[sflag:s0] =	ssyncset.done @!p0 $0x0  }
0x2ce: {  	[sflag:s0] =	ssyncadd.s32 @!p0 s1  }
0x2cf: {  	[bflag:$0x3] =	sbarrier.arrive $0xFFFF  }
0x2d0: {  	_ =	shalt  }

</sc_bundles>
